<compile_context>
chip_gen: v7x
topology: tpu7x:2x2x1
jax: 0.10.2.dev20260603
libtpu: 0.0.44.dev20260713+nightly
codegen_flags: <defaults>
</compile_context>

<pallas_src>
import functools

import jax
import jax.numpy as jnp
from jax import lax
from jax.experimental import pallas as pl
from jax.experimental.pallas import tpu as pltpu
from jax.experimental.pallas import tpu_sc as plsc

HID = 128
NCORE = 2
NSUB = 16
NW = NCORE * NSUB
BE = 128
CH = 8


def _silu(x):
    return x / (1.0 + jnp.exp(-x))


def _pre_node_body(hs_ref, hd_ref, w1a_ref, w1b_ref, b1_ref, ps_ref, pd_ref):
    ps_ref[...] = jnp.dot(hs_ref[...], w1a_ref[...],
                          preferred_element_type=jnp.float32)
    pd_ref[...] = jnp.dot(hd_ref[...], w1b_ref[...],
                          preferred_element_type=jnp.float32) + b1_ref[...]


def _pre_edge_body(ea_ref, w1c_ref, e_ref):
    e_ref[...] = jnp.dot(ea_ref[...], w1c_ref[...],
                         preferred_element_type=jnp.float32)


def _zero_fill(a_v, ref, s, stripe):
    nrep = stripe // BE
    rem = stripe % BE
    for t in range(nrep):
        pltpu.sync_copy(a_v, ref.at[pl.ds(s * stripe + t * BE, BE)])
    if rem:
        pltpu.sync_copy(a_v.at[pl.ds(0, rem)],
                        ref.at[pl.ds(s * stripe + nrep * BE, rem)])


def _sc_edge_body(n_pad, nchunk, epw_real, ps_hbm, pd_hbm, e_hbm, src_hbm, dst_hbm,
                  outs_hbm,
                  si_v, di_v, a_v, b_v,
                  acc_s, sem_a, sem_b, sem_c):
    c = lax.axis_index("c")
    s = lax.axis_index("s")
    wid = c * NSUB + s
    stripe = n_pad // NSUB

    zeros = jnp.zeros((16,), jnp.float32)

    def _zrow(r, carry):
        for cc in range(8):
            a_v[r, pl.ds(cc * 16, 16)] = zeros
        return carry

    lax.fori_loop(0, BE, _zrow, 0)
    _zero_fill(a_v, acc_s, s, stripe)
    plsc.subcore_barrier()

    def _chunk(t, carry):
        pltpu.sync_copy(src_hbm.at[wid, t], si_v)
        pltpu.sync_copy(dst_hbm.at[wid, t], di_v)

        def _addpass(base):
            def f(i, inner2):
                r = base + i * 4
                for rr in range(4):
                    for cc in range(8):
                        sl = pl.ds(cc * 16, 16)
                        a_v[r + rr, sl] = a_v[r + rr, sl] + b_v[r + rr, sl]
                return inner2
            lax.fori_loop(0, BE // 8, f, 0)

        def _silupass(base):
            def f(i, inner2):
                r = base + i * 4
                for rr in range(4):
                    for cc in range(8):
                        sl = pl.ds(cc * 16, 16)
                        tt = a_v[r + rr, sl] + b_v[r + rr, sl]
                        b_v[r + rr, sl] = tt / (1.0 + jnp.exp(-tt))
                return inner2
            lax.fori_loop(0, BE // 8, f, 0)

        H = BE // 2

        pltpu.async_copy(ps_hbm.at[si_v.at[0, pl.ds(0, H)]],
                         a_v.at[pl.ds(0, H)], sem_a)
        pltpu.async_copy(ps_hbm.at[si_v.at[0, pl.ds(H, H)]],
                         a_v.at[pl.ds(H, H)], sem_a)

        def _block(j, inner):
            rowb = wid * epw_real + (t * CH + j) * BE
            cpe0 = pltpu.async_copy(e_hbm.at[pl.ds(rowb, H)],
                                    b_v.at[pl.ds(0, H)], sem_b)
            cpe1 = pltpu.async_copy(e_hbm.at[pl.ds(rowb + H, H)],
                                    b_v.at[pl.ds(H, H)], sem_b)
            pltpu.make_async_copy(ps_hbm.at[si_v.at[j, pl.ds(0, H)]],
                                  a_v.at[pl.ds(0, H)], sem_a).wait()
            cpe0.wait()
            _addpass(0)
            cpd0 = pltpu.async_copy(pd_hbm.at[di_v.at[j, pl.ds(0, H)]],
                                    b_v.at[pl.ds(0, H)], sem_c)
            pltpu.make_async_copy(ps_hbm.at[si_v.at[j, pl.ds(H, H)]],
                                  a_v.at[pl.ds(H, H)], sem_a).wait()
            cpe1.wait()
            _addpass(H)
            cpd1 = pltpu.async_copy(pd_hbm.at[di_v.at[j, pl.ds(H, H)]],
                                    b_v.at[pl.ds(H, H)], sem_c)
            cpd0.wait()
            _silupass(0)
            cpd1.wait()
            _silupass(H)

            @pl.when(j < CH - 1)
            def _prefetch():
                pltpu.async_copy(ps_hbm.at[si_v.at[j + 1, pl.ds(0, H)]],
                                 a_v.at[pl.ds(0, H)], sem_a)
                pltpu.async_copy(ps_hbm.at[si_v.at[j + 1, pl.ds(H, H)]],
                                 a_v.at[pl.ds(H, H)], sem_a)

            pltpu.sync_copy(b_v, acc_s.at[di_v.at[j]], add=True)
            return inner

        lax.fori_loop(0, CH, _block, 0)
        return carry

    lax.fori_loop(0, nchunk, _chunk, 0)
    plsc.subcore_barrier()

    base = s * stripe
    pltpu.sync_copy(acc_s.at[pl.ds(base, stripe)],
                    outs_hbm.at[c, pl.ds(base, stripe)])


def _sc_count_body(n_pad, nchunk, dst_hbm, outc_hbm,
                   idx_v, one_v, acc_c):
    c = lax.axis_index("c")
    s = lax.axis_index("s")
    wid = c * NSUB + s
    stripe = n_pad // NSUB

    zeros = jnp.zeros((16,), jnp.float32)

    def _zrow(r, carry):
        for cc in range(8):
            one_v[r, pl.ds(cc * 16, 16)] = zeros
        return carry

    lax.fori_loop(0, BE, _zrow, 0)
    _zero_fill(one_v, acc_c, s, stripe)

    ones = jnp.ones((16,), jnp.float32)

    def _orow(r, carry):
        one_v[r, pl.ds(0, 16)] = ones
        return carry

    lax.fori_loop(0, BE, _orow, 0)
    plsc.subcore_barrier()

    def _chunk(t, carry):
        pltpu.sync_copy(dst_hbm.at[wid, t], idx_v)

        def _block(j, inner):
            pltpu.sync_copy(one_v, acc_c.at[idx_v.at[j]], add=True)
            return inner

        lax.fori_loop(0, CH, _block, 0)
        return carry

    lax.fori_loop(0, nchunk, _chunk, 0)
    plsc.subcore_barrier()

    base = s * stripe
    pltpu.sync_copy(acc_c.at[pl.ds(base, stripe)],
                    outc_hbm.at[c, pl.ds(base, stripe)])


def _post_body(accs_ref, accc_ref, hd_ref, w2t_ref, b2_ref,
               wu1a_ref, wu1b_ref, bu1_ref, wu2t_ref, bu2_ref,
               g_ref, bt_ref, out_ref):
    seg = accs_ref[0] + accs_ref[1]
    cnt = (accc_ref[0] + accc_ref[1])[:, :1]
    agg_sum = jnp.dot(seg, w2t_ref[...],
                      preferred_element_type=jnp.float32) + cnt * b2_ref[...]
    agg = agg_sum / jnp.maximum(cnt, 1.0)
    hd = hd_ref[...]
    pre = (jnp.dot(hd, wu1a_ref[...], preferred_element_type=jnp.float32)
           + jnp.dot(agg, wu1b_ref[...], preferred_element_type=jnp.float32)
           + bu1_ref[...])
    dmid = _silu(pre)
    delta = jnp.dot(dmid, wu2t_ref[...],
                    preferred_element_type=jnp.float32) + bu2_ref[...]
    y = hd + delta
    mean = jnp.mean(y, axis=1, keepdims=True)
    d = y - mean
    var = jnp.mean(d * d, axis=1, keepdims=True)
    out_ref[...] = d * lax.rsqrt(var + 1e-5) * g_ref[...] + bt_ref[...]


def kernel(h_src, h_dst, edge_index, edge_attr, n_dst,
           W_msg1, b_msg1, W_msg2, b_msg2,
           W_upd1, b_upd1, W_upd2, b_upd2, gamma, beta):
    n_nodes = h_dst.shape[0]
    n_edges = edge_attr.shape[0]
    ef = edge_attr.shape[1]
    epw = n_edges // NW
    assert epw * NW == n_edges

    cbe = CH * BE
    epw_pad = -(-epw // cbe) * cbe
    nchunk = epw_pad // cbe
    stripe = -(-(-(-n_nodes // NSUB)) // 8) * 8
    n_pad = stripe * NSUB

    w1t = W_msg1.T
    w1a = w1t[:HID]
    w1b = w1t[HID:2 * HID]
    w1c = w1t[2 * HID:]

    f32 = jnp.float32
    hs_p = jnp.pad(h_src, ((0, n_pad - n_nodes), (0, 0)))
    hd_p = jnp.pad(h_dst, ((0, n_pad - n_nodes), (0, 0)))

    row_n = n_pad // 8
    p_src, p_dst = pl.pallas_call(
        _pre_node_body,
        grid=(8,),
        in_specs=[
            pl.BlockSpec((row_n, HID), lambda i: (i, 0)),
            pl.BlockSpec((row_n, HID), lambda i: (i, 0)),
            pl.BlockSpec((HID, HID), lambda i: (0, 0)),
            pl.BlockSpec((HID, HID), lambda i: (0, 0)),
            pl.BlockSpec((1, HID), lambda i: (0, 0)),
        ],
        out_specs=[
            pl.BlockSpec((row_n, HID), lambda i: (i, 0)),
            pl.BlockSpec((row_n, HID), lambda i: (i, 0)),
        ],
        out_shape=[
            jax.ShapeDtypeStruct((n_pad, HID), f32),
            jax.ShapeDtypeStruct((n_pad, HID), f32),
        ],
    )(hs_p, hd_p, w1a, w1b, b_msg1.reshape(1, HID))

    ne_pad = NW * epw_pad
    ea_p = jnp.pad(edge_attr, ((0, ne_pad - n_edges), (0, 0)))
    idx_pad = jnp.int32(n_pad - 1)
    src_r = jnp.pad(edge_index[0].astype(jnp.int32).reshape(NW, epw),
                    ((0, 0), (0, epw_pad - epw)),
                    constant_values=idx_pad).reshape(NW, nchunk, CH, BE)
    dst_r = jnp.pad(edge_index[1].astype(jnp.int32).reshape(NW, epw),
                    ((0, 0), (0, epw_pad - epw)),
                    constant_values=idx_pad).reshape(NW, nchunk, CH, BE)

    row_e = 4096
    grid_e = ne_pad // row_e
    assert grid_e * row_e == ne_pad
    e_proj = pl.pallas_call(
        _pre_edge_body,
        grid=(grid_e,),
        in_specs=[
            pl.BlockSpec((row_e, ef), lambda i: (i, 0)),
            pl.BlockSpec((ef, HID), lambda i: (0, 0)),
        ],
        out_specs=pl.BlockSpec((row_e, HID), lambda i: (i, 0)),
        out_shape=jax.ShapeDtypeStruct((ne_pad, HID), f32),
    )(ea_p, w1c)

    sc_edge = functools.partial(
        pl.kernel,
        out_type=jax.ShapeDtypeStruct((NCORE, n_pad, HID), f32),
        mesh=plsc.VectorSubcoreMesh(core_axis_name="c", subcore_axis_name="s"),
        scratch_types=[
            pltpu.MemorySpace.VMEM((CH, BE), jnp.int32),
            pltpu.MemorySpace.VMEM((CH, BE), jnp.int32),
            pltpu.MemorySpace.VMEM((BE, HID), f32),
            pltpu.MemorySpace.VMEM((BE, HID), f32),
            pltpu.MemorySpace.VMEM_SHARED((n_pad, HID), f32),
            pltpu.SemaphoreType.DMA,
            pltpu.SemaphoreType.DMA,
            pltpu.SemaphoreType.DMA,
        ],
    )(functools.partial(_sc_edge_body, n_pad, nchunk, epw))

    sc_count = functools.partial(
        pl.kernel,
        out_type=jax.ShapeDtypeStruct((NCORE, n_pad, HID), f32),
        mesh=plsc.VectorSubcoreMesh(core_axis_name="c", subcore_axis_name="s"),
        scratch_types=[
            pltpu.MemorySpace.VMEM((CH, BE), jnp.int32),
            pltpu.MemorySpace.VMEM((BE, HID), f32),
            pltpu.MemorySpace.VMEM_SHARED((n_pad, HID), f32),
        ],
    )(functools.partial(_sc_count_body, n_pad, nchunk))

    acc_c = sc_count(dst_r)

    acc_s = sc_edge(p_src, p_dst, e_proj, src_r, dst_r)

    wu1t = W_upd1.T
    row_p = n_nodes // 10
    out = pl.pallas_call(
        _post_body,
        grid=(10,),
        in_specs=[
            pl.BlockSpec((NCORE, row_p, HID), lambda i: (0, i, 0)),
            pl.BlockSpec((NCORE, row_p, HID), lambda i: (0, i, 0)),
            pl.BlockSpec((row_p, HID), lambda i: (i, 0)),
            pl.BlockSpec((HID, HID), lambda i: (0, 0)),
            pl.BlockSpec((1, HID), lambda i: (0, 0)),
            pl.BlockSpec((HID, HID), lambda i: (0, 0)),
            pl.BlockSpec((HID, HID), lambda i: (0, 0)),
            pl.BlockSpec((1, HID), lambda i: (0, 0)),
            pl.BlockSpec((HID, HID), lambda i: (0, 0)),
            pl.BlockSpec((1, HID), lambda i: (0, 0)),
            pl.BlockSpec((1, HID), lambda i: (0, 0)),
            pl.BlockSpec((1, HID), lambda i: (0, 0)),
        ],
        out_specs=pl.BlockSpec((row_p, HID), lambda i: (i, 0)),
        out_shape=jax.ShapeDtypeStruct((n_nodes, HID), f32),
    )(acc_s, acc_c, h_dst, W_msg2.T, b_msg2.reshape(1, HID),
      wu1t[:HID], wu1t[HID:], b_upd1.reshape(1, HID),
      W_upd2.T, b_upd2.reshape(1, HID),
      gamma.reshape(1, HID), beta.reshape(1, HID))
    return out

# --- scband reference (transcript-rebuilt; emitter-appended) ---
"""Pipeline reference for scband-message-layer-1357209666251 (READ-ONLY COPY).

The authoritative reference and input builder live on the scoring server;
editing this copy changes nothing except your own understanding.
"""

import jax, jax.numpy as jnp
import numpy as np

HID = 128
EDGE_FEAT = 16
N_NODES = 10000
N_EDGES = 320000


def _init_linear(key, out_dim, in_dim):
    k1, k2 = jax.random.split(key)
    bound = 1.0 / np.sqrt(in_dim)
    W = jax.random.uniform(k1, (out_dim, in_dim), minval=-bound, maxval=bound, dtype=jnp.float32)
    b = jax.random.uniform(k2, (out_dim,), minval=-bound, maxval=bound, dtype=jnp.float32)
    return W, b


def setup_inputs(seed: int = 0) -> dict:
    key = jax.random.key(seed)
    ks = jax.random.split(key, 10)
    h_src = jax.random.normal(ks[0], (N_NODES, HID), dtype=jnp.float32)
    h_dst = jax.random.normal(ks[1], (N_NODES, HID), dtype=jnp.float32)
    edge_index = jax.random.randint(ks[2], (2, N_EDGES), 0, N_NODES, dtype=jnp.int64 if jax.config.jax_enable_x64 else jnp.int32)
    edge_attr = jax.random.normal(ks[3], (N_EDGES, EDGE_FEAT), dtype=jnp.float32)
    W_msg1, b_msg1 = _init_linear(ks[4], HID, HID * 2 + EDGE_FEAT)
    W_msg2, b_msg2 = _init_linear(ks[5], HID, HID)
    W_upd1, b_upd1 = _init_linear(ks[6], HID, HID * 2)
    W_upd2, b_upd2 = _init_linear(ks[7], HID, HID)
    gamma = jnp.ones((HID,), dtype=jnp.float32)
    beta = jnp.zeros((HID,), dtype=jnp.float32)
    return {
        'h_src': h_src, 'h_dst': h_dst, 'edge_index': edge_index, 'edge_attr': edge_attr,
        'n_dst': N_NODES,
        'W_msg1': W_msg1, 'b_msg1': b_msg1, 'W_msg2': W_msg2, 'b_msg2': b_msg2,
        'W_upd1': W_upd1, 'b_upd1': b_upd1, 'W_upd2': W_upd2, 'b_upd2': b_upd2,
        'gamma': gamma, 'beta': beta,
    }


def reference(h_src, h_dst, edge_index, edge_attr, n_dst,
              W_msg1, b_msg1, W_msg2, b_msg2,
              W_upd1, b_upd1, W_upd2, b_upd2, gamma, beta):
    src_idx = edge_index[0]
    dst_idx = edge_index[1]
    num_dst = h_dst.shape[0]
    # Message: MLP(cat(h_src[src], h_dst[dst], edge_attr))
    x = jnp.concatenate([h_src[src_idx], h_dst[dst_idx], edge_attr], axis=-1)
    hmid = jax.nn.silu(x @ W_msg1.T + b_msg1)
    msgs = hmid @ W_msg2.T + b_msg2
    # Aggregate: scatter-mean over dst
    agg_sum = jax.ops.segment_sum(msgs, dst_idx, num_segments=num_dst)
    counts = jax.ops.segment_sum(jnp.ones((msgs.shape[0], 1), dtype=msgs.dtype), dst_idx, num_segments=num_dst)
    agg = agg_sum / jnp.maximum(counts, 1.0)
    # Update
    combined = jnp.concatenate([h_dst, agg], axis=-1)
    dmid = jax.nn.silu(combined @ W_upd1.T + b_upd1)
    delta = dmid @ W_upd2.T + b_upd2
    y = h_dst + delta
    # LayerNorm
    mean = jnp.mean(y, axis=-1, keepdims=True)
    var = jnp.var(y, axis=-1, keepdims=True)
    out = (y - mean) / jnp.sqrt(var + 1e-5) * gamma + beta
    valid = (jnp.arange(num_dst) < n_dst)[:, None]
    out = jnp.where(valid, out, out)
    return out

if __name__ == "__main__":
    import jax
    _d = setup_inputs()
    print(jax.jit(kernel)(*tuple(_d.values())))

</pallas_src>

<mosaic_0001>
#map = affine_map<(d0, d1) -> (0, 0)>
#map1 = affine_map<(d0, d1) -> (0, 0, 0, 0)>
#map2 = affine_map<(d0, d1) -> (0, 0, 0)>
module attributes {stable_mosaic.version = 14 : i64} {
  func.func @_sc_edge_body(%arg0: i32, %arg1: i32, %arg2: memref<10112x128xf32, #tpu.memory_space<hbm>>, %arg3: memref<10112x128xf32, #tpu.memory_space<hbm>>, %arg4: memref<327680x128xf32, #tpu.memory_space<hbm>>, %arg5: memref<32x10x8x128xi32, #tpu.memory_space<hbm>>, %arg6: memref<32x10x8x128xi32, #tpu.memory_space<hbm>>, %arg7: memref<2x10112x128xf32, #tpu.memory_space<hbm>>, %arg8: memref<8x128xi32, #tpu.memory_space<vmem>>, %arg9: memref<8x128xi32, #tpu.memory_space<vmem>>, %arg10: memref<128x128xf32, #tpu.memory_space<vmem>>, %arg11: memref<128x128xf32, #tpu.memory_space<vmem>>, %arg12: memref<10112x128xf32, #tpu.memory_space<vmem_shared>>, %arg13: memref<!tpu.dma_semaphore, #tpu.memory_space<semaphore_mem>>, %arg14: memref<!tpu.dma_semaphore, #tpu.memory_space<semaphore_mem>>, %arg15: memref<!tpu.dma_semaphore, #tpu.memory_space<semaphore_mem>>) attributes {dimension_semantics = [#tpu.dimension_semantics<core_parallel>, #tpu.dimension_semantics<subcore_parallel>], iteration_bounds = array<i64: 2, 16>, scalar_prefetch = 0 : i64, scratch_operands = 8 : i64, tpu.core_type = #tpu.core_type<sc_vector_subcore>, window_params = [{transform_indices = #map}, {transform_indices = #map}, {transform_indices = #map}, {transform_indices = #map1}, {transform_indices = #map1}, {transform_indices = #map2}]} {
    %mul3A = arith.constant 16 : i32
    %mul3A_0 = arith.muli %arg0, %mul3A : i32
    %add3A = arith.addi %mul3A_0, %arg1 : i32
    %broadcast_in_dim3A = arith.constant 0.000000e+00 : f32
    %broadcast_in_dim3A_1 = vector.broadcast %broadcast_in_dim3A : f32 to vector<16xf32>
    %scan3A = arith.constant 0 : i32
    %scan3A_2 = arith.constant 0 : i32
    %scan3A_3 = arith.constant 128 : i32
    %scan3A_4 = arith.addi %scan3A_2, %scan3A_3 : i32
    %scan3A_5 = arith.constant 1 : i32
    scf.for %scan3A_36 = %scan3A_2 to %scan3A_4 step %scan3A_5  : i32 {
      %swap3A = arith.index_cast %scan3A_36 : i32 to index
      %swap3A_37 = arith.constant 0 : index
      %swap3A_38 = tpu.vector_load %arg10[%swap3A, %swap3A_37] {strides = array<i32>} : memref<128x128xf32, #tpu.memory_space<vmem>>, vector<1x16xf32>,
      %swap3A_39 = vector.shape_cast %swap3A_38 : vector<1x16xf32> to vector<16xf32>
      %swap3A_40 = vector.shape_cast %broadcast_in_dim3A_1 : vector<16xf32> to vector<1x16xf32>
      tpu.vector_store %arg10[%swap3A, %swap3A_37], %swap3A_40 {strides = array<i32>} : memref<128x128xf32, #tpu.memory_space<vmem>>, vector<1x16xf32>,
      %swap3A_41 = arith.index_cast %scan3A_36 : i32 to index
      %swap3A_42 = arith.constant 16 : index
      %swap3A_43 = tpu.vector_load %arg10[%swap3A_41, %swap3A_42] {strides = array<i32>} : memref<128x128xf32, #tpu.memory_space<vmem>>, vector<1x16xf32>,
      %swap3A_44 = vector.shape_cast %swap3A_43 : vector<1x16xf32> to vector<16xf32>
      %swap3A_45 = vector.shape_cast %broadcast_in_dim3A_1 : vector<16xf32> to vector<1x16xf32>
      tpu.vector_store %arg10[%swap3A_41, %swap3A_42], %swap3A_45 {strides = array<i32>} : memref<128x128xf32, #tpu.memory_space<vmem>>, vector<1x16xf32>,
      %swap3A_46 = arith.index_cast %scan3A_36 : i32 to index
      %swap3A_47 = arith.constant 32 : index
      %swap3A_48 = tpu.vector_load %arg10[%swap3A_46, %swap3A_47] {strides = array<i32>} : memref<128x128xf32, #tpu.memory_space<vmem>>, vector<1x16xf32>,
      %swap3A_49 = vector.shape_cast %swap3A_48 : vector<1x16xf32> to vector<16xf32>
      %swap3A_50 = vector.shape_cast %broadcast_in_dim3A_1 : vector<16xf32> to vector<1x16xf32>
      tpu.vector_store %arg10[%swap3A_46, %swap3A_47], %swap3A_50 {strides = array<i32>} : memref<128x128xf32, #tpu.memory_space<vmem>>, vector<1x16xf32>,
      %swap3A_51 = arith.index_cast %scan3A_36 : i32 to index
      %swap3A_52 = arith.constant 48 : index
      %swap3A_53 = tpu.vector_load %arg10[%swap3A_51, %swap3A_52] {strides = array<i32>} : memref<128x128xf32, #tpu.memory_space<vmem>>, vector<1x16xf32>,
      %swap3A_54 = vector.shape_cast %swap3A_53 : vector<1x16xf32> to vector<16xf32>
      %swap3A_55 = vector.shape_cast %broadcast_in_dim3A_1 : vector<16xf32> to vector<1x16xf32>
      tpu.vector_store %arg10[%swap3A_51, %swap3A_52], %swap3A_55 {strides = array<i32>} : memref<128x128xf32, #tpu.memory_space<vmem>>, vector<1x16xf32>,
      %swap3A_56 = arith.index_cast %scan3A_36 : i32 to index
      %swap3A_57 = arith.constant 64 : index
      %swap3A_58 = tpu.vector_load %arg10[%swap3A_56, %swap3A_57] {strides = array<i32>} : memref<128x128xf32, #tpu.memory_space<vmem>>, vector<1x16xf32>,
      %swap3A_59 = vector.shape_cast %swap3A_58 : vector<1x16xf32> to vector<16xf32>
      %swap3A_60 = vector.shape_cast %broadcast_in_dim3A_1 : vector<16xf32> to vector<1x16xf32>
      tpu.vector_store %arg10[%swap3A_56, %swap3A_57], %swap3A_60 {strides = array<i32>} : memref<128x128xf32, #tpu.memory_space<vmem>>, vector<1x16xf32>,
      %swap3A_61 = arith.index_cast %scan3A_36 : i32 to index
      %swap3A_62 = arith.constant 80 : index
      %swap3A_63 = tpu.vector_load %arg10[%swap3A_61, %swap3A_62] {strides = array<i32>} : memref<128x128xf32, #tpu.memory_space<vmem>>, vector<1x16xf32>,
      %swap3A_64 = vector.shape_cast %swap3A_63 : vector<1x16xf32> to vector<16xf32>
      %swap3A_65 = vector.shape_cast %broadcast_in_dim3A_1 : vector<16xf32> to vector<1x16xf32>
      tpu.vector_store %arg10[%swap3A_61, %swap3A_62], %swap3A_65 {strides = array<i32>} : memref<128x128xf32, #tpu.memory_space<vmem>>, vector<1x16xf32>,
      %swap3A_66 = arith.index_cast %scan3A_36 : i32 to index
      %swap3A_67 = arith.constant 96 : index
      %swap3A_68 = tpu.vector_load %arg10[%swap3A_66, %swap3A_67] {strides = array<i32>} : memref<128x128xf32, #tpu.memory_space<vmem>>, vector<1x16xf32>,
      %swap3A_69 = vector.shape_cast %swap3A_68 : vector<1x16xf32> to vector<16xf32>
      %swap3A_70 = vector.shape_cast %broadcast_in_dim3A_1 : vector<16xf32> to vector<1x16xf32>
      tpu.vector_store %arg10[%swap3A_66, %swap3A_67], %swap3A_70 {strides = array<i32>} : memref<128x128xf32, #tpu.memory_space<vmem>>, vector<1x16xf32>,
      %swap3A_71 = arith.index_cast %scan3A_36 : i32 to index
      %swap3A_72 = arith.constant 112 : index
      %swap3A_73 = tpu.vector_load %arg10[%swap3A_71, %swap3A_72] {strides = array<i32>} : memref<128x128xf32, #tpu.memory_space<vmem>>, vector<1x16xf32>,
      %swap3A_74 = vector.shape_cast %swap3A_73 : vector<1x16xf32> to vector<16xf32>
      %swap3A_75 = vector.shape_cast %broadcast_in_dim3A_1 : vector<16xf32> to vector<1x16xf32>
      tpu.vector_store %arg10[%swap3A_71, %swap3A_72], %swap3A_75 {strides = array<i32>} : memref<128x128xf32, #tpu.memory_space<vmem>>, vector<1x16xf32>,
    }
    %scan3A_6 = arith.constant 128 : i32
    %mul3A_7 = arith.constant 632 : i32
    %mul3A_8 = arith.muli %arg1, %mul3A_7 : i32
    %add3A_9 = arith.constant 0 : i32
    %add3A_10 = arith.addi %mul3A_8, %add3A_9 : i32
    "tpu.region"() ({
      %run_scoped3A = tpu.sem_alloc : memref<!tpu.dma_semaphore, #tpu.memory_space<semaphore_mem>>
      %dma_start3A = arith.constant 0 : i32
      %dma_start3A_36 = tpu.memref_slice %arg12[%add3A_10, %dma_start3A] : memref<10112x128xf32, #tpu.memory_space<vmem_shared>> -> memref<128x128xf32, #tpu.memory_space<vmem_shared>>
      %dma_start3A_37 = arith.constant 0 : i32
      %dma_start3A_38 = tpu.memref_slice %arg12[%add3A_10, %dma_start3A_37] : memref<10112x128xf32, #tpu.memory_space<vmem_shared>> -> memref<128x128xf32, #tpu.memory_space<vmem_shared>>
      tpu.enqueue_dma source(%arg10 : memref<128x128xf32, #tpu.memory_space<vmem>>) target(%dma_start3A_38 : memref<128x128xf32, #tpu.memory_space<vmem_shared>>) target_semaphore(%run_scoped3A : memref<!tpu.dma_semaphore, #tpu.memory_space<semaphore_mem>>)
      %dma_wait3A = arith.constant 0 : i32
      %dma_wait3A_39 = tpu.memref_slice %arg12[%add3A_10, %dma_wait3A] : memref<10112x128xf32, #tpu.memory_space<vmem_shared>> -> memref<128x128xf32, #tpu.memory_space<vmem_shared>>
      %dma_wait3A_40 = arith.constant 0 : i32
      %dma_wait3A_41 = tpu.memref_slice %arg12[%add3A_10, %dma_wait3A_40] : memref<10112x128xf32, #tpu.memory_space<vmem_shared>> -> memref<128x128xf32, #tpu.memory_space<vmem_shared>>
      tpu.wait_dma2 semaphore(%run_scoped3A : memref<!tpu.dma_semaphore, #tpu.memory_space<semaphore_mem>>) src(%arg10 : memref<128x128xf32, #tpu.memory_space<vmem>>) dst(%dma_wait3A_41 : memref<128x128xf32, #tpu.memory_space<vmem_shared>>)
      tpu.yield
    }) : () -> ()
    %mul3A_11 = arith.constant 632 : i32
    %mul3A_12 = arith.muli %arg1, %mul3A_11 : i32
    %add3A_13 = arith.constant 128 : i32
    %add3A_14 = arith.addi %mul3A_12, %add3A_13 : i32
    "tpu.region"() ({
      %run_scoped3A = tpu.sem_alloc : memref<!tpu.dma_semaphore, #tpu.memory_space<semaphore_mem>>
      %dma_start3A = arith.constant 0 : i32
      %dma_start3A_36 = tpu.memref_slice %arg12[%add3A_14, %dma_start3A] : memref<10112x128xf32, #tpu.memory_space<vmem_shared>> -> memref<128x128xf32, #tpu.memory_space<vmem_shared>>
      %dma_start3A_37 = arith.constant 0 : i32
      %dma_start3A_38 = tpu.memref_slice %arg12[%add3A_14, %dma_start3A_37] : memref<10112x128xf32, #tpu.memory_space<vmem_shared>> -> memref<128x128xf32, #tpu.memory_space<vmem_shared>>
      tpu.enqueue_dma source(%arg10 : memref<128x128xf32, #tpu.memory_space<vmem>>) target(%dma_start3A_38 : memref<128x128xf32, #tpu.memory_space<vmem_shared>>) target_semaphore(%run_scoped3A : memref<!tpu.dma_semaphore, #tpu.memory_space<semaphore_mem>>)
      %dma_wait3A = arith.constant 0 : i32
      %dma_wait3A_39 = tpu.memref_slice %arg12[%add3A_14, %dma_wait3A] : memref<10112x128xf32, #tpu.memory_space<vmem_shared>> -> memref<128x128xf32, #tpu.memory_space<vmem_shared>>
      %dma_wait3A_40 = arith.constant 0 : i32
      %dma_wait3A_41 = tpu.memref_slice %arg12[%add3A_14, %dma_wait3A_40] : memref<10112x128xf32, #tpu.memory_space<vmem_shared>> -> memref<128x128xf32, #tpu.memory_space<vmem_shared>>
      tpu.wait_dma2 semaphore(%run_scoped3A : memref<!tpu.dma_semaphore, #tpu.memory_space<semaphore_mem>>) src(%arg10 : memref<128x128xf32, #tpu.memory_space<vmem>>) dst(%dma_wait3A_41 : memref<128x128xf32, #tpu.memory_space<vmem_shared>>)
      tpu.yield
    }) : () -> ()
    %mul3A_15 = arith.constant 632 : i32
    %mul3A_16 = arith.muli %arg1, %mul3A_15 : i32
    %add3A_17 = arith.constant 256 : i32
    %add3A_18 = arith.addi %mul3A_16, %add3A_17 : i32
    "tpu.region"() ({
      %run_scoped3A = tpu.sem_alloc : memref<!tpu.dma_semaphore, #tpu.memory_space<semaphore_mem>>
      %dma_start3A = arith.constant 0 : i32
      %dma_start3A_36 = tpu.memref_slice %arg12[%add3A_18, %dma_start3A] : memref<10112x128xf32, #tpu.memory_space<vmem_shared>> -> memref<128x128xf32, #tpu.memory_space<vmem_shared>>
      %dma_start3A_37 = arith.constant 0 : i32
      %dma_start3A_38 = tpu.memref_slice %arg12[%add3A_18, %dma_start3A_37] : memref<10112x128xf32, #tpu.memory_space<vmem_shared>> -> memref<128x128xf32, #tpu.memory_space<vmem_shared>>
      tpu.enqueue_dma source(%arg10 : memref<128x128xf32, #tpu.memory_space<vmem>>) target(%dma_start3A_38 : memref<128x128xf32, #tpu.memory_space<vmem_shared>>) target_semaphore(%run_scoped3A : memref<!tpu.dma_semaphore, #tpu.memory_space<semaphore_mem>>)
      %dma_wait3A = arith.constant 0 : i32
      %dma_wait3A_39 = tpu.memref_slice %arg12[%add3A_18, %dma_wait3A] : memref<10112x128xf32, #tpu.memory_space<vmem_shared>> -> memref<128x128xf32, #tpu.memory_space<vmem_shared>>
      %dma_wait3A_40 = arith.constant 0 : i32
      %dma_wait3A_41 = tpu.memref_slice %arg12[%add3A_18, %dma_wait3A_40] : memref<10112x128xf32, #tpu.memory_space<vmem_shared>> -> memref<128x128xf32, #tpu.memory_space<vmem_shared>>
      tpu.wait_dma2 semaphore(%run_scoped3A : memref<!tpu.dma_semaphore, #tpu.memory_space<semaphore_mem>>) src(%arg10 : memref<128x128xf32, #tpu.memory_space<vmem>>) dst(%dma_wait3A_41 : memref<128x128xf32, #tpu.memory_space<vmem_shared>>)
      tpu.yield
    }) : () -> ()
    %mul3A_19 = arith.constant 632 : i32
    %mul3A_20 = arith.muli %arg1, %mul3A_19 : i32
    %add3A_21 = arith.constant 384 : i32
    %add3A_22 = arith.addi %mul3A_20, %add3A_21 : i32
    "tpu.region"() ({
      %run_scoped3A = tpu.sem_alloc : memref<!tpu.dma_semaphore, #tpu.memory_space<semaphore_mem>>
      %dma_start3A = arith.constant 0 : i32
      %dma_start3A_36 = tpu.memref_slice %arg12[%add3A_22, %dma_start3A] : memref<10112x128xf32, #tpu.memory_space<vmem_shared>> -> memref<128x128xf32, #tpu.memory_space<vmem_shared>>
      %dma_start3A_37 = arith.constant 0 : i32
      %dma_start3A_38 = tpu.memref_slice %arg12[%add3A_22, %dma_start3A_37] : memref<10112x128xf32, #tpu.memory_space<vmem_shared>> -> memref<128x128xf32, #tpu.memory_space<vmem_shared>>
      tpu.enqueue_dma source(%arg10 : memref<128x128xf32, #tpu.memory_space<vmem>>) target(%dma_start3A_38 : memref<128x128xf32, #tpu.memory_space<vmem_shared>>) target_semaphore(%run_scoped3A : memref<!tpu.dma_semaphore, #tpu.memory_space<semaphore_mem>>)
      %dma_wait3A = arith.constant 0 : i32
      %dma_wait3A_39 = tpu.memref_slice %arg12[%add3A_22, %dma_wait3A] : memref<10112x128xf32, #tpu.memory_space<vmem_shared>> -> memref<128x128xf32, #tpu.memory_space<vmem_shared>>
      %dma_wait3A_40 = arith.constant 0 : i32
      %dma_wait3A_41 = tpu.memref_slice %arg12[%add3A_22, %dma_wait3A_40] : memref<10112x128xf32, #tpu.memory_space<vmem_shared>> -> memref<128x128xf32, #tpu.memory_space<vmem_shared>>
      tpu.wait_dma2 semaphore(%run_scoped3A : memref<!tpu.dma_semaphore, #tpu.memory_space<semaphore_mem>>) src(%arg10 : memref<128x128xf32, #tpu.memory_space<vmem>>) dst(%dma_wait3A_41 : memref<128x128xf32, #tpu.memory_space<vmem_shared>>)
      tpu.yield
    }) : () -> ()
    %mul3A_23 = arith.constant 632 : i32
    %mul3A_24 = arith.muli %arg1, %mul3A_23 : i32
    %add3A_25 = arith.constant 512 : i32
    %add3A_26 = arith.addi %mul3A_24, %add3A_25 : i32
    "tpu.region"() ({
      %run_scoped3A = tpu.sem_alloc : memref<!tpu.dma_semaphore, #tpu.memory_space<semaphore_mem>>
      %dma_start3A = arith.constant 0 : i32
      %dma_start3A_36 = arith.constant 0 : i32
      %dma_start3A_37 = tpu.memref_slice %arg10[%dma_start3A, %dma_start3A_36] : memref<128x128xf32, #tpu.memory_space<vmem>> -> memref<120x128xf32, #tpu.memory_space<vmem>>
      %dma_start3A_38 = arith.constant 0 : i32
      %dma_start3A_39 = tpu.memref_slice %arg12[%add3A_26, %dma_start3A_38] : memref<10112x128xf32, #tpu.memory_space<vmem_shared>> -> memref<120x128xf32, #tpu.memory_space<vmem_shared>>
      %dma_start3A_40 = arith.constant 0 : i32
      %dma_start3A_41 = tpu.memref_slice %arg12[%add3A_26, %dma_start3A_40] : memref<10112x128xf32, #tpu.memory_space<vmem_shared>> -> memref<120x128xf32, #tpu.memory_space<vmem_shared>>
      %dma_start3A_42 = arith.constant 0 : i32
      %dma_start3A_43 = arith.constant 0 : i32
      %dma_start3A_44 = tpu.memref_slice %arg10[%dma_start3A_42, %dma_start3A_43] : memref<128x128xf32, #tpu.memory_space<vmem>> -> memref<120x128xf32, #tpu.memory_space<vmem>>
      tpu.enqueue_dma source(%dma_start3A_44 : memref<120x128xf32, #tpu.memory_space<vmem>>) target(%dma_start3A_41 : memref<120x128xf32, #tpu.memory_space<vmem_shared>>) target_semaphore(%run_scoped3A : memref<!tpu.dma_semaphore, #tpu.memory_space<semaphore_mem>>)
      %dma_wait3A = arith.constant 0 : i32
      %dma_wait3A_45 = arith.constant 0 : i32
      %dma_wait3A_46 = tpu.memref_slice %arg10[%dma_wait3A, %dma_wait3A_45] : memref<128x128xf32, #tpu.memory_space<vmem>> -> memref<120x128xf32, #tpu.memory_space<vmem>>
      %dma_wait3A_47 = arith.constant 0 : i32
      %dma_wait3A_48 = tpu.memref_slice %arg12[%add3A_26, %dma_wait3A_47] : memref<10112x128xf32, #tpu.memory_space<vmem_shared>> -> memref<120x128xf32, #tpu.memory_space<vmem_shared>>
      %dma_wait3A_49 = arith.constant 0 : i32
      %dma_wait3A_50 = tpu.memref_slice %arg12[%add3A_26, %dma_wait3A_49] : memref<10112x128xf32, #tpu.memory_space<vmem_shared>> -> memref<120x128xf32, #tpu.memory_space<vmem_shared>>
      %dma_wait3A_51 = arith.constant 0 : i32
      %dma_wait3A_52 = arith.constant 0 : i32
      %dma_wait3A_53 = tpu.memref_slice %arg10[%dma_wait3A_51, %dma_wait3A_52] : memref<128x128xf32, #tpu.memory_space<vmem>> -> memref<120x128xf32, #tpu.memory_space<vmem>>
      tpu.wait_dma2 semaphore(%run_scoped3A : memref<!tpu.dma_semaphore, #tpu.memory_space<semaphore_mem>>) src(%dma_wait3A_53 : memref<120x128xf32, #tpu.memory_space<vmem>>) dst(%dma_wait3A_50 : memref<120x128xf32, #tpu.memory_space<vmem_shared>>)
      tpu.yield
    }) : () -> ()
    %barrier3A = arith.constant 0 : index
    tpu.barrier barrier_id(%barrier3A)
    %scan3A_27 = arith.constant 0 : i32
    %scan3A_28 = arith.constant 0 : i32
    %scan3A_29 = arith.constant 10 : i32
    %scan3A_30 = arith.addi %scan3A_28, %scan3A_29 : i32
    %scan3A_31 = arith.constant 1 : i32
    scf.for %scan3A_36 = %scan3A_28 to %scan3A_30 step %scan3A_31  : i32 {
      "tpu.region"() ({
        %run_scoped3A = tpu.sem_alloc : memref<!tpu.dma_semaphore, #tpu.memory_space<semaphore_mem>>
        %dma_start3A_62 = arith.constant 0 : i32
        %dma_start3A_63 = arith.constant 0 : i32
        %dma_start3A_64 = tpu.memref_slice %arg5[%add3A, %scan3A_36, %dma_start3A_62, %dma_start3A_63] : memref<32x10x8x128xi32, #tpu.memory_space<hbm>> -> memref<1x1x8x128xi32, #tpu.memory_space<hbm>>
        %dma_start3A_65 = tpu.memref_squeeze %dma_start3A_64 : memref<1x1x8x128xi32, #tpu.memory_space<hbm>> -> memref<8x128xi32, #tpu.memory_space<hbm>>
        %dma_start3A_66 = arith.constant 0 : i32
        %dma_start3A_67 = arith.constant 0 : i32
        %dma_start3A_68 = tpu.memref_slice %arg5[%add3A, %scan3A_36, %dma_start3A_66, %dma_start3A_67] : memref<32x10x8x128xi32, #tpu.memory_space<hbm>> -> memref<1x1x8x128xi32, #tpu.memory_space<hbm>>
        %dma_start3A_69 = tpu.memref_squeeze %dma_start3A_68 : memref<1x1x8x128xi32, #tpu.memory_space<hbm>> -> memref<8x128xi32, #tpu.memory_space<hbm>>
        tpu.enqueue_dma source(%dma_start3A_69 : memref<8x128xi32, #tpu.memory_space<hbm>>) target(%arg8 : memref<8x128xi32, #tpu.memory_space<vmem>>) target_semaphore(%run_scoped3A : memref<!tpu.dma_semaphore, #tpu.memory_space<semaphore_mem>>)
        %dma_wait3A = arith.constant 0 : i32
        %dma_wait3A_70 = arith.constant 0 : i32
        %dma_wait3A_71 = tpu.memref_slice %arg5[%add3A, %scan3A_36, %dma_wait3A, %dma_wait3A_70] : memref<32x10x8x128xi32, #tpu.memory_space<hbm>> -> memref<1x1x8x128xi32, #tpu.memory_space<hbm>>
        %dma_wait3A_72 = tpu.memref_squeeze %dma_wait3A_71 : memref<1x1x8x128xi32, #tpu.memory_space<hbm>> -> memref<8x128xi32, #tpu.memory_space<hbm>>
        %dma_wait3A_73 = arith.constant 0 : i32
        %dma_wait3A_74 = arith.constant 0 : i32
        %dma_wait3A_75 = tpu.memref_slice %arg5[%add3A, %scan3A_36, %dma_wait3A_73, %dma_wait3A_74] : memref<32x10x8x128xi32, #tpu.memory_space<hbm>> -> memref<1x1x8x128xi32, #tpu.memory_space<hbm>>
        %dma_wait3A_76 = tpu.memref_squeeze %dma_wait3A_75 : memref<1x1x8x128xi32, #tpu.memory_space<hbm>> -> memref<8x128xi32, #tpu.memory_space<hbm>>
        tpu.wait_dma2 semaphore(%run_scoped3A : memref<!tpu.dma_semaphore, #tpu.memory_space<semaphore_mem>>) src(%dma_wait3A_76 : memref<8x128xi32, #tpu.memory_space<hbm>>) dst(%arg8 : memref<8x128xi32, #tpu.memory_space<vmem>>)
        tpu.yield
      }) : () -> ()
      "tpu.region"() ({
        %run_scoped3A = tpu.sem_alloc : memref<!tpu.dma_semaphore, #tpu.memory_space<semaphore_mem>>
        %dma_start3A_62 = arith.constant 0 : i32
        %dma_start3A_63 = arith.constant 0 : i32
        %dma_start3A_64 = tpu.memref_slice %arg6[%add3A, %scan3A_36, %dma_start3A_62, %dma_start3A_63] : memref<32x10x8x128xi32, #tpu.memory_space<hbm>> -> memref<1x1x8x128xi32, #tpu.memory_space<hbm>>
        %dma_start3A_65 = tpu.memref_squeeze %dma_start3A_64 : memref<1x1x8x128xi32, #tpu.memory_space<hbm>> -> memref<8x128xi32, #tpu.memory_space<hbm>>
        %dma_start3A_66 = arith.constant 0 : i32
        %dma_start3A_67 = arith.constant 0 : i32
        %dma_start3A_68 = tpu.memref_slice %arg6[%add3A, %scan3A_36, %dma_start3A_66, %dma_start3A_67] : memref<32x10x8x128xi32, #tpu.memory_space<hbm>> -> memref<1x1x8x128xi32, #tpu.memory_space<hbm>>
        %dma_start3A_69 = tpu.memref_squeeze %dma_start3A_68 : memref<1x1x8x128xi32, #tpu.memory_space<hbm>> -> memref<8x128xi32, #tpu.memory_space<hbm>>
        tpu.enqueue_dma source(%dma_start3A_69 : memref<8x128xi32, #tpu.memory_space<hbm>>) target(%arg9 : memref<8x128xi32, #tpu.memory_space<vmem>>) target_semaphore(%run_scoped3A : memref<!tpu.dma_semaphore, #tpu.memory_space<semaphore_mem>>)
        %dma_wait3A = arith.constant 0 : i32
        %dma_wait3A_70 = arith.constant 0 : i32
        %dma_wait3A_71 = tpu.memref_slice %arg6[%add3A, %scan3A_36, %dma_wait3A, %dma_wait3A_70] : memref<32x10x8x128xi32, #tpu.memory_space<hbm>> -> memref<1x1x8x128xi32, #tpu.memory_space<hbm>>
        %dma_wait3A_72 = tpu.memref_squeeze %dma_wait3A_71 : memref<1x1x8x128xi32, #tpu.memory_space<hbm>> -> memref<8x128xi32, #tpu.memory_space<hbm>>
        %dma_wait3A_73 = arith.constant 0 : i32
        %dma_wait3A_74 = arith.constant 0 : i32
        %dma_wait3A_75 = tpu.memref_slice %arg6[%add3A, %scan3A_36, %dma_wait3A_73, %dma_wait3A_74] : memref<32x10x8x128xi32, #tpu.memory_space<hbm>> -> memref<1x1x8x128xi32, #tpu.memory_space<hbm>>
        %dma_wait3A_76 = tpu.memref_squeeze %dma_wait3A_75 : memref<1x1x8x128xi32, #tpu.memory_space<hbm>> -> memref<8x128xi32, #tpu.memory_space<hbm>>
        tpu.wait_dma2 semaphore(%run_scoped3A : memref<!tpu.dma_semaphore, #tpu.memory_space<semaphore_mem>>) src(%dma_wait3A_76 : memref<8x128xi32, #tpu.memory_space<hbm>>) dst(%arg9 : memref<8x128xi32, #tpu.memory_space<vmem>>)
        tpu.yield
      }) : () -> ()
      %dma_start3A = arith.constant 0 : i32
      %dma_start3A_37 = arith.constant 0 : i32
      %dma_start3A_38 = arith.constant 0 : i32
      %dma_start3A_39 = tpu.memref_slice %arg10[%dma_start3A_37, %dma_start3A_38] : memref<128x128xf32, #tpu.memory_space<vmem>> -> memref<64x128xf32, #tpu.memory_space<vmem>>
      %dma_start3A_40 = arith.constant 0 : i32
      %dma_start3A_41 = tpu.memref_slice %arg8[%dma_start3A, %dma_start3A_40] : memref<8x128xi32, #tpu.memory_space<vmem>> -> memref<1x64xi32, #tpu.memory_space<vmem>>
      %dma_start3A_42 = tpu.memref_squeeze %dma_start3A_41 : memref<1x64xi32, #tpu.memory_space<vmem>> -> memref<64xi32, #tpu.memory_space<vmem>>
      %dma_start3A_43 = arith.constant 0 : i32
      %dma_start3A_44 = arith.constant 0 : i32
      %dma_start3A_45 = tpu.memref_slice %arg2[%dma_start3A_43, %dma_start3A_44] : memref<10112x128xf32, #tpu.memory_space<hbm>> -> memref<10112x128xf32, #tpu.memory_space<hbm>>
      tpu.enqueue_indirect_dma source(%dma_start3A_45 : memref<10112x128xf32, #tpu.memory_space<hbm>>) target(%dma_start3A_39 : memref<64x128xf32, #tpu.memory_space<vmem>>) offsets(%dma_start3A_42 : memref<64xi32, #tpu.memory_space<vmem>>) semaphore(%arg13 : memref<!tpu.dma_semaphore, #tpu.memory_space<semaphore_mem>>)
      %dma_start3A_46 = arith.constant 0 : i32
      %dma_start3A_47 = arith.constant 64 : i32
      %dma_start3A_48 = arith.constant 0 : i32
      %dma_start3A_49 = tpu.memref_slice %arg10[%dma_start3A_47, %dma_start3A_48] : memref<128x128xf32, #tpu.memory_space<vmem>> -> memref<64x128xf32, #tpu.memory_space<vmem>>
      %dma_start3A_50 = arith.constant 64 : i32
      %dma_start3A_51 = tpu.memref_slice %arg8[%dma_start3A_46, %dma_start3A_50] : memref<8x128xi32, #tpu.memory_space<vmem>> -> memref<1x64xi32, #tpu.memory_space<vmem>>
      %dma_start3A_52 = tpu.memref_squeeze %dma_start3A_51 : memref<1x64xi32, #tpu.memory_space<vmem>> -> memref<64xi32, #tpu.memory_space<vmem>>
      %dma_start3A_53 = arith.constant 0 : i32
      %dma_start3A_54 = arith.constant 0 : i32
      %dma_start3A_55 = tpu.memref_slice %arg2[%dma_start3A_53, %dma_start3A_54] : memref<10112x128xf32, #tpu.memory_space<hbm>> -> memref<10112x128xf32, #tpu.memory_space<hbm>>
      tpu.enqueue_indirect_dma source(%dma_start3A_55 : memref<10112x128xf32, #tpu.memory_space<hbm>>) target(%dma_start3A_49 : memref<64x128xf32, #tpu.memory_space<vmem>>) offsets(%dma_start3A_52 : memref<64xi32, #tpu.memory_space<vmem>>) semaphore(%arg13 : memref<!tpu.dma_semaphore, #tpu.memory_space<semaphore_mem>>)
      %scan3A_56 = arith.constant 0 : i32
      %scan3A_57 = arith.constant 0 : i32
      %scan3A_58 = arith.constant 8 : i32
      %scan3A_59 = arith.addi %scan3A_57, %scan3A_58 : i32
      %scan3A_60 = arith.constant 1 : i32
      scf.for %scan3A_62 = %scan3A_57 to %scan3A_59 step %scan3A_60  : i32 {
        %mul3A_63 = arith.constant 10000 : i32
        %mul3A_64 = arith.muli %add3A, %mul3A_63 : i32
        %mul3A_65 = arith.constant 8 : i32
        %mul3A_66 = arith.muli %scan3A_36, %mul3A_65 : i32
        %add3A_67 = arith.addi %mul3A_66, %scan3A_62 : i32
        %mul3A_68 = arith.constant 128 : i32
        %mul3A_69 = arith.muli %add3A_67, %mul3A_68 : i32
        %add3A_70 = arith.addi %mul3A_64, %mul3A_69 : i32
        %dma_start3A_71 = arith.constant 0 : i32
        %dma_start3A_72 = arith.constant 0 : i32
        %dma_start3A_73 = tpu.memref_slice %arg11[%dma_start3A_71, %dma_start3A_72] : memref<128x128xf32, #tpu.memory_space<vmem>> -> memref<64x128xf32, #tpu.memory_space<vmem>>
        %dma_start3A_74 = arith.constant 0 : i32
        %dma_start3A_75 = tpu.memref_slice %arg4[%add3A_70, %dma_start3A_74] : memref<327680x128xf32, #tpu.memory_space<hbm>> -> memref<64x128xf32, #tpu.memory_space<hbm>>
        %dma_start3A_76 = arith.constant 0 : i32
        %dma_start3A_77 = arith.constant 0 : i32
        %dma_start3A_78 = tpu.memref_slice %arg11[%dma_start3A_76, %dma_start3A_77] : memref<128x128xf32, #tpu.memory_space<vmem>> -> memref<64x128xf32, #tpu.memory_space<vmem>>
        %dma_start3A_79 = arith.constant 0 : i32
        %dma_start3A_80 = tpu.memref_slice %arg4[%add3A_70, %dma_start3A_79] : memref<327680x128xf32, #tpu.memory_space<hbm>> -> memref<64x128xf32, #tpu.memory_space<hbm>>
        tpu.enqueue_dma source(%dma_start3A_80 : memref<64x128xf32, #tpu.memory_space<hbm>>) target(%dma_start3A_78 : memref<64x128xf32, #tpu.memory_space<vmem>>) target_semaphore(%arg14 : memref<!tpu.dma_semaphore, #tpu.memory_space<semaphore_mem>>)
        %add3A_81 = arith.constant 64 : i32
        %add3A_82 = arith.addi %add3A_70, %add3A_81 : i32
        %dma_start3A_83 = arith.constant 64 : i32
        %dma_start3A_84 = arith.constant 0 : i32
        %dma_start3A_85 = tpu.memref_slice %arg11[%dma_start3A_83, %dma_start3A_84] : memref<128x128xf32, #tpu.memory_space<vmem>> -> memref<64x128xf32, #tpu.memory_space<vmem>>
        %dma_start3A_86 = arith.constant 0 : i32
        %dma_start3A_87 = tpu.memref_slice %arg4[%add3A_82, %dma_start3A_86] : memref<327680x128xf32, #tpu.memory_space<hbm>> -> memref<64x128xf32, #tpu.memory_space<hbm>>
        %dma_start3A_88 = arith.constant 64 : i32
        %dma_start3A_89 = arith.constant 0 : i32
        %dma_start3A_90 = tpu.memref_slice %arg11[%dma_start3A_88, %dma_start3A_89] : memref<128x128xf32, #tpu.memory_space<vmem>> -> memref<64x128xf32, #tpu.memory_space<vmem>>
        %dma_start3A_91 = arith.constant 0 : i32
        %dma_start3A_92 = tpu.memref_slice %arg4[%add3A_82, %dma_start3A_91] : memref<327680x128xf32, #tpu.memory_space<hbm>> -> memref<64x128xf32, #tpu.memory_space<hbm>>
        tpu.enqueue_dma source(%dma_start3A_92 : memref<64x128xf32, #tpu.memory_space<hbm>>) target(%dma_start3A_90 : memref<64x128xf32, #tpu.memory_space<vmem>>) target_semaphore(%arg14 : memref<!tpu.dma_semaphore, #tpu.memory_space<semaphore_mem>>)
        %dma_wait3A = arith.constant 0 : i32
        %dma_wait3A_93 = arith.constant 0 : i32
        %dma_wait3A_94 = tpu.memref_slice %arg10[%dma_wait3A, %dma_wait3A_93] : memref<128x128xf32, #tpu.memory_space<vmem>> -> memref<64x128xf32, #tpu.memory_space<vmem>>
        %dma_wait3A_95 = arith.constant 0 : i32
        %dma_wait3A_96 = tpu.memref_slice %arg8[%scan3A_62, %dma_wait3A_95] : memref<8x128xi32, #tpu.memory_space<vmem>> -> memref<1x64xi32, #tpu.memory_space<vmem>>
        %dma_wait3A_97 = tpu.memref_squeeze %dma_wait3A_96 : memref<1x64xi32, #tpu.memory_space<vmem>> -> memref<64xi32, #tpu.memory_space<vmem>>
        %dma_wait3A_98 = arith.constant 0 : i32
        %dma_wait3A_99 = arith.constant 0 : i32
        %dma_wait3A_100 = tpu.memref_slice %arg2[%dma_wait3A_98, %dma_wait3A_99] : memref<10112x128xf32, #tpu.memory_space<hbm>> -> memref<10112x128xf32, #tpu.memory_space<hbm>>
        tpu.wait_indirect_dma semaphore(%arg13 : memref<!tpu.dma_semaphore, #tpu.memory_space<semaphore_mem>>) src(%dma_wait3A_100 : memref<10112x128xf32, #tpu.memory_space<hbm>>) dst(%dma_wait3A_94 : memref<64x128xf32, #tpu.memory_space<vmem>>)
        %dma_wait3A_101 = arith.constant 0 : i32
        %dma_wait3A_102 = arith.constant 0 : i32
        %dma_wait3A_103 = tpu.memref_slice %arg11[%dma_wait3A_101, %dma_wait3A_102] : memref<128x128xf32, #tpu.memory_space<vmem>> -> memref<64x128xf32, #tpu.memory_space<vmem>>
        %dma_wait3A_104 = arith.constant 0 : i32
        %dma_wait3A_105 = tpu.memref_slice %arg4[%add3A_70, %dma_wait3A_104] : memref<327680x128xf32, #tpu.memory_space<hbm>> -> memref<64x128xf32, #tpu.memory_space<hbm>>
        %dma_wait3A_106 = arith.constant 0 : i32
        %dma_wait3A_107 = arith.constant 0 : i32
        %dma_wait3A_108 = tpu.memref_slice %arg11[%dma_wait3A_106, %dma_wait3A_107] : memref<128x128xf32, #tpu.memory_space<vmem>> -> memref<64x128xf32, #tpu.memory_space<vmem>>
        %dma_wait3A_109 = arith.constant 0 : i32
        %dma_wait3A_110 = tpu.memref_slice %arg4[%add3A_70, %dma_wait3A_109] : memref<327680x128xf32, #tpu.memory_space<hbm>> -> memref<64x128xf32, #tpu.memory_space<hbm>>
        tpu.wait_dma2 semaphore(%arg14 : memref<!tpu.dma_semaphore, #tpu.memory_space<semaphore_mem>>) src(%dma_wait3A_110 : memref<64x128xf32, #tpu.memory_space<hbm>>) dst(%dma_wait3A_108 : memref<64x128xf32, #tpu.memory_space<vmem>>)
        %scan3A_111 = arith.constant 0 : i32
        %scan3A_112 = arith.constant 0 : i32
        %scan3A_113 = arith.constant 16 : i32
        %scan3A_114 = arith.addi %scan3A_112, %scan3A_113 : i32
        %scan3A_115 = arith.constant 1 : i32
        scf.for %scan3A_192 = %scan3A_112 to %scan3A_114 step %scan3A_115  : i32 {
          %mul3A_193 = arith.constant 4 : i32
          %mul3A_194 = arith.muli %scan3A_192, %mul3A_193 : i32
          %add3A_195 = arith.constant 0 : i32
          %add3A_196 = arith.addi %add3A_195, %mul3A_194 : i32
          %add3A_197 = arith.constant 0 : i32
          %add3A_198 = arith.addi %add3A_196, %add3A_197 : i32
          %get3A = arith.index_cast %add3A_198 : i32 to index
          %get3A_199 = arith.constant 0 : index
          %get3A_200 = tpu.vector_load %arg10[%get3A, %get3A_199] {strides = array<i32>} : memref<128x128xf32, #tpu.memory_space<vmem>>, vector<1x16xf32>,
          %get3A_201 = vector.shape_cast %get3A_200 : vector<1x16xf32> to vector<16xf32>
          %add3A_202 = arith.constant 0 : i32
          %add3A_203 = arith.addi %add3A_196, %add3A_202 : i32
          %get3A_204 = arith.index_cast %add3A_203 : i32 to index
          %get3A_205 = arith.constant 0 : index
          %get3A_206 = tpu.vector_load %arg11[%get3A_204, %get3A_205] {strides = array<i32>} : memref<128x128xf32, #tpu.memory_space<vmem>>, vector<1x16xf32>,
          %get3A_207 = vector.shape_cast %get3A_206 : vector<1x16xf32> to vector<16xf32>
          %add3A_208 = arith.addf %get3A_201, %get3A_207 : vector<16xf32>
          %add3A_209 = arith.constant 0 : i32
          %add3A_210 = arith.addi %add3A_196, %add3A_209 : i32
          %swap3A = arith.index_cast %add3A_210 : i32 to index
          %swap3A_211 = arith.constant 0 : index
          %swap3A_212 = tpu.vector_load %arg10[%swap3A, %swap3A_211] {strides = array<i32>} : memref<128x128xf32, #tpu.memory_space<vmem>>, vector<1x16xf32>,
          %swap3A_213 = vector.shape_cast %swap3A_212 : vector<1x16xf32> to vector<16xf32>
          %swap3A_214 = vector.shape_cast %add3A_208 : vector<16xf32> to vector<1x16xf32>
          tpu.vector_store %arg10[%swap3A, %swap3A_211], %swap3A_214 {strides = array<i32>} : memref<128x128xf32, #tpu.memory_space<vmem>>, vector<1x16xf32>,
          %add3A_215 = arith.constant 0 : i32
          %add3A_216 = arith.addi %add3A_196, %add3A_215 : i32
          %get3A_217 = arith.index_cast %add3A_216 : i32 to index
          %get3A_218 = arith.constant 16 : index
          %get3A_219 = tpu.vector_load %arg10[%get3A_217, %get3A_218] {strides = array<i32>} : memref<128x128xf32, #tpu.memory_space<vmem>>, vector<1x16xf32>,
          %get3A_220 = vector.shape_cast %get3A_219 : vector<1x16xf32> to vector<16xf32>
          %add3A_221 = arith.constant 0 : i32
          %add3A_222 = arith.addi %add3A_196, %add3A_221 : i32
          %get3A_223 = arith.index_cast %add3A_222 : i32 to index
          %get3A_224 = arith.constant 16 : index
          %get3A_225 = tpu.vector_load %arg11[%get3A_223, %get3A_224] {strides = array<i32>} : memref<128x128xf32, #tpu.memory_space<vmem>>, vector<1x16xf32>,
          %get3A_226 = vector.shape_cast %get3A_225 : vector<1x16xf32> to vector<16xf32>
          %add3A_227 = arith.addf %get3A_220, %get3A_226 : vector<16xf32>
          %add3A_228 = arith.constant 0 : i32
          %add3A_229 = arith.addi %add3A_196, %add3A_228 : i32
          %swap3A_230 = arith.index_cast %add3A_229 : i32 to index
          %swap3A_231 = arith.constant 16 : index
          %swap3A_232 = tpu.vector_load %arg10[%swap3A_230, %swap3A_231] {strides = array<i32>} : memref<128x128xf32, #tpu.memory_space<vmem>>, vector<1x16xf32>,
          %swap3A_233 = vector.shape_cast %swap3A_232 : vector<1x16xf32> to vector<16xf32>
          %swap3A_234 = vector.shape_cast %add3A_227 : vector<16xf32> to vector<1x16xf32>
          tpu.vector_store %arg10[%swap3A_230, %swap3A_231], %swap3A_234 {strides = array<i32>} : memref<128x128xf32, #tpu.memory_space<vmem>>, vector<1x16xf32>,
          %add3A_235 = arith.constant 0 : i32
          %add3A_236 = arith.addi %add3A_196, %add3A_235 : i32
          %get3A_237 = arith.index_cast %add3A_236 : i32 to index
          %get3A_238 = arith.constant 32 : index
          %get3A_239 = tpu.vector_load %arg10[%get3A_237, %get3A_238] {strides = array<i32>} : memref<128x128xf32, #tpu.memory_space<vmem>>, vector<1x16xf32>,
          %get3A_240 = vector.shape_cast %get3A_239 : vector<1x16xf32> to vector<16xf32>
          %add3A_241 = arith.constant 0 : i32
          %add3A_242 = arith.addi %add3A_196, %add3A_241 : i32
          %get3A_243 = arith.index_cast %add3A_242 : i32 to index
          %get3A_244 = arith.constant 32 : index
          %get3A_245 = tpu.vector_load %arg11[%get3A_243, %get3A_244] {strides = array<i32>} : memref<128x128xf32, #tpu.memory_space<vmem>>, vector<1x16xf32>,
          %get3A_246 = vector.shape_cast %get3A_245 : vector<1x16xf32> to vector<16xf32>
          %add3A_247 = arith.addf %get3A_240, %get3A_246 : vector<16xf32>
          %add3A_248 = arith.constant 0 : i32
          %add3A_249 = arith.addi %add3A_196, %add3A_248 : i32
          %swap3A_250 = arith.index_cast %add3A_249 : i32 to index
          %swap3A_251 = arith.constant 32 : index
          %swap3A_252 = tpu.vector_load %arg10[%swap3A_250, %swap3A_251] {strides = array<i32>} : memref<128x128xf32, #tpu.memory_space<vmem>>, vector<1x16xf32>,
          %swap3A_253 = vector.shape_cast %swap3A_252 : vector<1x16xf32> to vector<16xf32>
          %swap3A_254 = vector.shape_cast %add3A_247 : vector<16xf32> to vector<1x16xf32>
          tpu.vector_store %arg10[%swap3A_250, %swap3A_251], %swap3A_254 {strides = array<i32>} : memref<128x128xf32, #tpu.memory_space<vmem>>, vector<1x16xf32>,
          %add3A_255 = arith.constant 0 : i32
          %add3A_256 = arith.addi %add3A_196, %add3A_255 : i32
          %get3A_257 = arith.index_cast %add3A_256 : i32 to index
          %get3A_258 = arith.constant 48 : index
          %get3A_259 = tpu.vector_load %arg10[%get3A_257, %get3A_258] {strides = array<i32>} : memref<128x128xf32, #tpu.memory_space<vmem>>, vector<1x16xf32>,
          %get3A_260 = vector.shape_cast %get3A_259 : vector<1x16xf32> to vector<16xf32>
          %add3A_261 = arith.constant 0 : i32
          %add3A_262 = arith.addi %add3A_196, %add3A_261 : i32
          %get3A_263 = arith.index_cast %add3A_262 : i32 to index
          %get3A_264 = arith.constant 48 : index
          %get3A_265 = tpu.vector_load %arg11[%get3A_263, %get3A_264] {strides = array<i32>} : memref<128x128xf32, #tpu.memory_space<vmem>>, vector<1x16xf32>,
          %get3A_266 = vector.shape_cast %get3A_265 : vector<1x16xf32> to vector<16xf32>
          %add3A_267 = arith.addf %get3A_260, %get3A_266 : vector<16xf32>
          %add3A_268 = arith.constant 0 : i32
          %add3A_269 = arith.addi %add3A_196, %add3A_268 : i32
          %swap3A_270 = arith.index_cast %add3A_269 : i32 to index
          %swap3A_271 = arith.constant 48 : index
          %swap3A_272 = tpu.vector_load %arg10[%swap3A_270, %swap3A_271] {strides = array<i32>} : memref<128x128xf32, #tpu.memory_space<vmem>>, vector<1x16xf32>,
          %swap3A_273 = vector.shape_cast %swap3A_272 : vector<1x16xf32> to vector<16xf32>
          %swap3A_274 = vector.shape_cast %add3A_267 : vector<16xf32> to vector<1x16xf32>
          tpu.vector_store %arg10[%swap3A_270, %swap3A_271], %swap3A_274 {strides = array<i32>} : memref<128x128xf32, #tpu.memory_space<vmem>>, vector<1x16xf32>,
          %add3A_275 = arith.constant 0 : i32
          %add3A_276 = arith.addi %add3A_196, %add3A_275 : i32
          %get3A_277 = arith.index_cast %add3A_276 : i32 to index
          %get3A_278 = arith.constant 64 : index
          %get3A_279 = tpu.vector_load %arg10[%get3A_277, %get3A_278] {strides = array<i32>} : memref<128x128xf32, #tpu.memory_space<vmem>>, vector<1x16xf32>,
          %get3A_280 = vector.shape_cast %get3A_279 : vector<1x16xf32> to vector<16xf32>
          %add3A_281 = arith.constant 0 : i32
          %add3A_282 = arith.addi %add3A_196, %add3A_281 : i32
          %get3A_283 = arith.index_cast %add3A_282 : i32 to index
          %get3A_284 = arith.constant 64 : index
          %get3A_285 = tpu.vector_load %arg11[%get3A_283, %get3A_284] {strides = array<i32>} : memref<128x128xf32, #tpu.memory_space<vmem>>, vector<1x16xf32>,
          %get3A_286 = vector.shape_cast %get3A_285 : vector<1x16xf32> to vector<16xf32>
          %add3A_287 = arith.addf %get3A_280, %get3A_286 : vector<16xf32>
          %add3A_288 = arith.constant 0 : i32
          %add3A_289 = arith.addi %add3A_196, %add3A_288 : i32
          %swap3A_290 = arith.index_cast %add3A_289 : i32 to index
          %swap3A_291 = arith.constant 64 : index
          %swap3A_292 = tpu.vector_load %arg10[%swap3A_290, %swap3A_291] {strides = array<i32>} : memref<128x128xf32, #tpu.memory_space<vmem>>, vector<1x16xf32>,
          %swap3A_293 = vector.shape_cast %swap3A_292 : vector<1x16xf32> to vector<16xf32>
          %swap3A_294 = vector.shape_cast %add3A_287 : vector<16xf32> to vector<1x16xf32>
          tpu.vector_store %arg10[%swap3A_290, %swap3A_291], %swap3A_294 {strides = array<i32>} : memref<128x128xf32, #tpu.memory_space<vmem>>, vector<1x16xf32>,
          %add3A_295 = arith.constant 0 : i32
          %add3A_296 = arith.addi %add3A_196, %add3A_295 : i32
          %get3A_297 = arith.index_cast %add3A_296 : i32 to index
          %get3A_298 = arith.constant 80 : index
          %get3A_299 = tpu.vector_load %arg10[%get3A_297, %get3A_298] {strides = array<i32>} : memref<128x128xf32, #tpu.memory_space<vmem>>, vector<1x16xf32>,
          %get3A_300 = vector.shape_cast %get3A_299 : vector<1x16xf32> to vector<16xf32>
          %add3A_301 = arith.constant 0 : i32
          %add3A_302 = arith.addi %add3A_196, %add3A_301 : i32
          %get3A_303 = arith.index_cast %add3A_302 : i32 to index
          %get3A_304 = arith.constant 80 : index
          %get3A_305 = tpu.vector_load %arg11[%get3A_303, %get3A_304] {strides = array<i32>} : memref<128x128xf32, #tpu.memory_space<vmem>>, vector<1x16xf32>,
          %get3A_306 = vector.shape_cast %get3A_305 : vector<1x16xf32> to vector<16xf32>
          %add3A_307 = arith.addf %get3A_300, %get3A_306 : vector<16xf32>
          %add3A_308 = arith.constant 0 : i32
          %add3A_309 = arith.addi %add3A_196, %add3A_308 : i32
          %swap3A_310 = arith.index_cast %add3A_309 : i32 to index
          %swap3A_311 = arith.constant 80 : index
          %swap3A_312 = tpu.vector_load %arg10[%swap3A_310, %swap3A_311] {strides = array<i32>} : memref<128x128xf32, #tpu.memory_space<vmem>>, vector<1x16xf32>,
          %swap3A_313 = vector.shape_cast %swap3A_312 : vector<1x16xf32> to vector<16xf32>
          %swap3A_314 = vector.shape_cast %add3A_307 : vector<16xf32> to vector<1x16xf32>
          tpu.vector_store %arg10[%swap3A_310, %swap3A_311], %swap3A_314 {strides = array<i32>} : memref<128x128xf32, #tpu.memory_space<vmem>>, vector<1x16xf32>,
          %add3A_315 = arith.constant 0 : i32
          %add3A_316 = arith.addi %add3A_196, %add3A_315 : i32
          %get3A_317 = arith.index_cast %add3A_316 : i32 to index
          %get3A_318 = arith.constant 96 : index
          %get3A_319 = tpu.vector_load %arg10[%get3A_317, %get3A_318] {strides = array<i32>} : memref<128x128xf32, #tpu.memory_space<vmem>>, vector<1x16xf32>,
          %get3A_320 = vector.shape_cast %get3A_319 : vector<1x16xf32> to vector<16xf32>
          %add3A_321 = arith.constant 0 : i32
          %add3A_322 = arith.addi %add3A_196, %add3A_321 : i32
          %get3A_323 = arith.index_cast %add3A_322 : i32 to index
          %get3A_324 = arith.constant 96 : index
          %get3A_325 = tpu.vector_load %arg11[%get3A_323, %get3A_324] {strides = array<i32>} : memref<128x128xf32, #tpu.memory_space<vmem>>, vector<1x16xf32>,
          %get3A_326 = vector.shape_cast %get3A_325 : vector<1x16xf32> to vector<16xf32>
          %add3A_327 = arith.addf %get3A_320, %get3A_326 : vector<16xf32>
          %add3A_328 = arith.constant 0 : i32
          %add3A_329 = arith.addi %add3A_196, %add3A_328 : i32
          %swap3A_330 = arith.index_cast %add3A_329 : i32 to index
          %swap3A_331 = arith.constant 96 : index
          %swap3A_332 = tpu.vector_load %arg10[%swap3A_330, %swap3A_331] {strides = array<i32>} : memref<128x128xf32, #tpu.memory_space<vmem>>, vector<1x16xf32>,
          %swap3A_333 = vector.shape_cast %swap3A_332 : vector<1x16xf32> to vector<16xf32>
          %swap3A_334 = vector.shape_cast %add3A_327 : vector<16xf32> to vector<1x16xf32>
          tpu.vector_store %arg10[%swap3A_330, %swap3A_331], %swap3A_334 {strides = array<i32>} : memref<128x128xf32, #tpu.memory_space<vmem>>, vector<1x16xf32>,
          %add3A_335 = arith.constant 0 : i32
          %add3A_336 = arith.addi %add3A_196, %add3A_335 : i32
          %get3A_337 = arith.index_cast %add3A_336 : i32 to index
          %get3A_338 = arith.constant 112 : index
          %get3A_339 = tpu.vector_load %arg10[%get3A_337, %get3A_338] {strides = array<i32>} : memref<128x128xf32, #tpu.memory_space<vmem>>, vector<1x16xf32>,
          %get3A_340 = vector.shape_cast %get3A_339 : vector<1x16xf32> to vector<16xf32>
          %add3A_341 = arith.constant 0 : i32
          %add3A_342 = arith.addi %add3A_196, %add3A_341 : i32
          %get3A_343 = arith.index_cast %add3A_342 : i32 to index
          %get3A_344 = arith.constant 112 : index
          %get3A_345 = tpu.vector_load %arg11[%get3A_343, %get3A_344] {strides = array<i32>} : memref<128x128xf32, #tpu.memory_space<vmem>>, vector<1x16xf32>,
          %get3A_346 = vector.shape_cast %get3A_345 : vector<1x16xf32> to vector<16xf32>
          %add3A_347 = arith.addf %get3A_340, %get3A_346 : vector<16xf32>
          %add3A_348 = arith.constant 0 : i32
          %add3A_349 = arith.addi %add3A_196, %add3A_348 : i32
          %swap3A_350 = arith.index_cast %add3A_349 : i32 to index
          %swap3A_351 = arith.constant 112 : index
          %swap3A_352 = tpu.vector_load %arg10[%swap3A_350, %swap3A_351] {strides = array<i32>} : memref<128x128xf32, #tpu.memory_space<vmem>>, vector<1x16xf32>,
          %swap3A_353 = vector.shape_cast %swap3A_352 : vector<1x16xf32> to vector<16xf32>
          %swap3A_354 = vector.shape_cast %add3A_347 : vector<16xf32> to vector<1x16xf32>
          tpu.vector_store %arg10[%swap3A_350, %swap3A_351], %swap3A_354 {strides = array<i32>} : memref<128x128xf32, #tpu.memory_space<vmem>>, vector<1x16xf32>,
          %add3A_355 = arith.constant 1 : i32
          %add3A_356 = arith.addi %add3A_196, %add3A_355 : i32
          %get3A_357 = arith.index_cast %add3A_356 : i32 to index
          %get3A_358 = arith.constant 0 : index
          %get3A_359 = tpu.vector_load %arg10[%get3A_357, %get3A_358] {strides = array<i32>} : memref<128x128xf32, #tpu.memory_space<vmem>>, vector<1x16xf32>,
          %get3A_360 = vector.shape_cast %get3A_359 : vector<1x16xf32> to vector<16xf32>
          %add3A_361 = arith.constant 1 : i32
          %add3A_362 = arith.addi %add3A_196, %add3A_361 : i32
          %get3A_363 = arith.index_cast %add3A_362 : i32 to index
          %get3A_364 = arith.constant 0 : index
          %get3A_365 = tpu.vector_load %arg11[%get3A_363, %get3A_364] {strides = array<i32>} : memref<128x128xf32, #tpu.memory_space<vmem>>, vector<1x16xf32>,
          %get3A_366 = vector.shape_cast %get3A_365 : vector<1x16xf32> to vector<16xf32>
          %add3A_367 = arith.addf %get3A_360, %get3A_366 : vector<16xf32>
          %add3A_368 = arith.constant 1 : i32
          %add3A_369 = arith.addi %add3A_196, %add3A_368 : i32
          %swap3A_370 = arith.index_cast %add3A_369 : i32 to index
          %swap3A_371 = arith.constant 0 : index
          %swap3A_372 = tpu.vector_load %arg10[%swap3A_370, %swap3A_371] {strides = array<i32>} : memref<128x128xf32, #tpu.memory_space<vmem>>, vector<1x16xf32>,
          %swap3A_373 = vector.shape_cast %swap3A_372 : vector<1x16xf32> to vector<16xf32>
          %swap3A_374 = vector.shape_cast %add3A_367 : vector<16xf32> to vector<1x16xf32>
          tpu.vector_store %arg10[%swap3A_370, %swap3A_371], %swap3A_374 {strides = array<i32>} : memref<128x128xf32, #tpu.memory_space<vmem>>, vector<1x16xf32>,
          %add3A_375 = arith.constant 1 : i32
          %add3A_376 = arith.addi %add3A_196, %add3A_375 : i32
          %get3A_377 = arith.index_cast %add3A_376 : i32 to index
          %get3A_378 = arith.constant 16 : index
          %get3A_379 = tpu.vector_load %arg10[%get3A_377, %get3A_378] {strides = array<i32>} : memref<128x128xf32, #tpu.memory_space<vmem>>, vector<1x16xf32>,
          %get3A_380 = vector.shape_cast %get3A_379 : vector<1x16xf32> to vector<16xf32>
          %add3A_381 = arith.constant 1 : i32
          %add3A_382 = arith.addi %add3A_196, %add3A_381 : i32
          %get3A_383 = arith.index_cast %add3A_382 : i32 to index
          %get3A_384 = arith.constant 16 : index
          %get3A_385 = tpu.vector_load %arg11[%get3A_383, %get3A_384] {strides = array<i32>} : memref<128x128xf32, #tpu.memory_space<vmem>>, vector<1x16xf32>,
          %get3A_386 = vector.shape_cast %get3A_385 : vector<1x16xf32> to vector<16xf32>
          %add3A_387 = arith.addf %get3A_380, %get3A_386 : vector<16xf32>
          %add3A_388 = arith.constant 1 : i32
          %add3A_389 = arith.addi %add3A_196, %add3A_388 : i32
          %swap3A_390 = arith.index_cast %add3A_389 : i32 to index
          %swap3A_391 = arith.constant 16 : index
          %swap3A_392 = tpu.vector_load %arg10[%swap3A_390, %swap3A_391] {strides = array<i32>} : memref<128x128xf32, #tpu.memory_space<vmem>>, vector<1x16xf32>,
          %swap3A_393 = vector.shape_cast %swap3A_392 : vector<1x16xf32> to vector<16xf32>
          %swap3A_394 = vector.shape_cast %add3A_387 : vector<16xf32> to vector<1x16xf32>
          tpu.vector_store %arg10[%swap3A_390, %swap3A_391], %swap3A_394 {strides = array<i32>} : memref<128x128xf32, #tpu.memory_space<vmem>>, vector<1x16xf32>,
          %add3A_395 = arith.constant 1 : i32
          %add3A_396 = arith.addi %add3A_196, %add3A_395 : i32
          %get3A_397 = arith.index_cast %add3A_396 : i32 to index
          %get3A_398 = arith.constant 32 : index
          %get3A_399 = tpu.vector_load %arg10[%get3A_397, %get3A_398] {strides = array<i32>} : memref<128x128xf32, #tpu.memory_space<vmem>>, vector<1x16xf32>,
          %get3A_400 = vector.shape_cast %get3A_399 : vector<1x16xf32> to vector<16xf32>
          %add3A_401 = arith.constant 1 : i32
          %add3A_402 = arith.addi %add3A_196, %add3A_401 : i32
          %get3A_403 = arith.index_cast %add3A_402 : i32 to index
          %get3A_404 = arith.constant 32 : index
          %get3A_405 = tpu.vector_load %arg11[%get3A_403, %get3A_404] {strides = array<i32>} : memref<128x128xf32, #tpu.memory_space<vmem>>, vector<1x16xf32>,
          %get3A_406 = vector.shape_cast %get3A_405 : vector<1x16xf32> to vector<16xf32>
          %add3A_407 = arith.addf %get3A_400, %get3A_406 : vector<16xf32>
          %add3A_408 = arith.constant 1 : i32
          %add3A_409 = arith.addi %add3A_196, %add3A_408 : i32
          %swap3A_410 = arith.index_cast %add3A_409 : i32 to index
          %swap3A_411 = arith.constant 32 : index
          %swap3A_412 = tpu.vector_load %arg10[%swap3A_410, %swap3A_411] {strides = array<i32>} : memref<128x128xf32, #tpu.memory_space<vmem>>, vector<1x16xf32>,
          %swap3A_413 = vector.shape_cast %swap3A_412 : vector<1x16xf32> to vector<16xf32>
          %swap3A_414 = vector.shape_cast %add3A_407 : vector<16xf32> to vector<1x16xf32>
          tpu.vector_store %arg10[%swap3A_410, %swap3A_411], %swap3A_414 {strides = array<i32>} : memref<128x128xf32, #tpu.memory_space<vmem>>, vector<1x16xf32>,
          %add3A_415 = arith.constant 1 : i32
          %add3A_416 = arith.addi %add3A_196, %add3A_415 : i32
          %get3A_417 = arith.index_cast %add3A_416 : i32 to index
          %get3A_418 = arith.constant 48 : index
          %get3A_419 = tpu.vector_load %arg10[%get3A_417, %get3A_418] {strides = array<i32>} : memref<128x128xf32, #tpu.memory_space<vmem>>, vector<1x16xf32>,
          %get3A_420 = vector.shape_cast %get3A_419 : vector<1x16xf32> to vector<16xf32>
          %add3A_421 = arith.constant 1 : i32
          %add3A_422 = arith.addi %add3A_196, %add3A_421 : i32
          %get3A_423 = arith.index_cast %add3A_422 : i32 to index
          %get3A_424 = arith.constant 48 : index
          %get3A_425 = tpu.vector_load %arg11[%get3A_423, %get3A_424] {strides = array<i32>} : memref<128x128xf32, #tpu.memory_space<vmem>>, vector<1x16xf32>,
          %get3A_426 = vector.shape_cast %get3A_425 : vector<1x16xf32> to vector<16xf32>
          %add3A_427 = arith.addf %get3A_420, %get3A_426 : vector<16xf32>
          %add3A_428 = arith.constant 1 : i32
          %add3A_429 = arith.addi %add3A_196, %add3A_428 : i32
          %swap3A_430 = arith.index_cast %add3A_429 : i32 to index
          %swap3A_431 = arith.constant 48 : index
          %swap3A_432 = tpu.vector_load %arg10[%swap3A_430, %swap3A_431] {strides = array<i32>} : memref<128x128xf32, #tpu.memory_space<vmem>>, vector<1x16xf32>,
          %swap3A_433 = vector.shape_cast %swap3A_432 : vector<1x16xf32> to vector<16xf32>
          %swap3A_434 = vector.shape_cast %add3A_427 : vector<16xf32> to vector<1x16xf32>
          tpu.vector_store %arg10[%swap3A_430, %swap3A_431], %swap3A_434 {strides = array<i32>} : memref<128x128xf32, #tpu.memory_space<vmem>>, vector<1x16xf32>,
          %add3A_435 = arith.constant 1 : i32
          %add3A_436 = arith.addi %add3A_196, %add3A_435 : i32
          %get3A_437 = arith.index_cast %add3A_436 : i32 to index
          %get3A_438 = arith.constant 64 : index
          %get3A_439 = tpu.vector_load %arg10[%get3A_437, %get3A_438] {strides = array<i32>} : memref<128x128xf32, #tpu.memory_space<vmem>>, vector<1x16xf32>,
          %get3A_440 = vector.shape_cast %get3A_439 : vector<1x16xf32> to vector<16xf32>
          %add3A_441 = arith.constant 1 : i32
          %add3A_442 = arith.addi %add3A_196, %add3A_441 : i32
          %get3A_443 = arith.index_cast %add3A_442 : i32 to index
          %get3A_444 = arith.constant 64 : index
          %get3A_445 = tpu.vector_load %arg11[%get3A_443, %get3A_444] {strides = array<i32>} : memref<128x128xf32, #tpu.memory_space<vmem>>, vector<1x16xf32>,
          %get3A_446 = vector.shape_cast %get3A_445 : vector<1x16xf32> to vector<16xf32>
          %add3A_447 = arith.addf %get3A_440, %get3A_446 : vector<16xf32>
          %add3A_448 = arith.constant 1 : i32
          %add3A_449 = arith.addi %add3A_196, %add3A_448 : i32
          %swap3A_450 = arith.index_cast %add3A_449 : i32 to index
          %swap3A_451 = arith.constant 64 : index
          %swap3A_452 = tpu.vector_load %arg10[%swap3A_450, %swap3A_451] {strides = array<i32>} : memref<128x128xf32, #tpu.memory_space<vmem>>, vector<1x16xf32>,
          %swap3A_453 = vector.shape_cast %swap3A_452 : vector<1x16xf32> to vector<16xf32>
          %swap3A_454 = vector.shape_cast %add3A_447 : vector<16xf32> to vector<1x16xf32>
          tpu.vector_store %arg10[%swap3A_450, %swap3A_451], %swap3A_454 {strides = array<i32>} : memref<128x128xf32, #tpu.memory_space<vmem>>, vector<1x16xf32>,
          %add3A_455 = arith.constant 1 : i32
          %add3A_456 = arith.addi %add3A_196, %add3A_455 : i32
          %get3A_457 = arith.index_cast %add3A_456 : i32 to index
          %get3A_458 = arith.constant 80 : index
          %get3A_459 = tpu.vector_load %arg10[%get3A_457, %get3A_458] {strides = array<i32>} : memref<128x128xf32, #tpu.memory_space<vmem>>, vector<1x16xf32>,
          %get3A_460 = vector.shape_cast %get3A_459 : vector<1x16xf32> to vector<16xf32>
          %add3A_461 = arith.constant 1 : i32
          %add3A_462 = arith.addi %add3A_196, %add3A_461 : i32
          %get3A_463 = arith.index_cast %add3A_462 : i32 to index
          %get3A_464 = arith.constant 80 : index
          %get3A_465 = tpu.vector_load %arg11[%get3A_463, %get3A_464] {strides = array<i32>} : memref<128x128xf32, #tpu.memory_space<vmem>>, vector<1x16xf32>,
          %get3A_466 = vector.shape_cast %get3A_465 : vector<1x16xf32> to vector<16xf32>
          %add3A_467 = arith.addf %get3A_460, %get3A_466 : vector<16xf32>
          %add3A_468 = arith.constant 1 : i32
          %add3A_469 = arith.addi %add3A_196, %add3A_468 : i32
          %swap3A_470 = arith.index_cast %add3A_469 : i32 to index
          %swap3A_471 = arith.constant 80 : index
          %swap3A_472 = tpu.vector_load %arg10[%swap3A_470, %swap3A_471] {strides = array<i32>} : memref<128x128xf32, #tpu.memory_space<vmem>>, vector<1x16xf32>,
          %swap3A_473 = vector.shape_cast %swap3A_472 : vector<1x16xf32> to vector<16xf32>
          %swap3A_474 = vector.shape_cast %add3A_467 : vector<16xf32> to vector<1x16xf32>
          tpu.vector_store %arg10[%swap3A_470, %swap3A_471], %swap3A_474 {strides = array<i32>} : memref<128x128xf32, #tpu.memory_space<vmem>>, vector<1x16xf32>,
          %add3A_475 = arith.constant 1 : i32
          %add3A_476 = arith.addi %add3A_196, %add3A_475 : i32
          %get3A_477 = arith.index_cast %add3A_476 : i32 to index
          %get3A_478 = arith.constant 96 : index
          %get3A_479 = tpu.vector_load %arg10[%get3A_477, %get3A_478] {strides = array<i32>} : memref<128x128xf32, #tpu.memory_space<vmem>>, vector<1x16xf32>,
          %get3A_480 = vector.shape_cast %get3A_479 : vector<1x16xf32> to vector<16xf32>
          %add3A_481 = arith.constant 1 : i32
          %add3A_482 = arith.addi %add3A_196, %add3A_481 : i32
          %get3A_483 = arith.index_cast %add3A_482 : i32 to index
          %get3A_484 = arith.constant 96 : index
          %get3A_485 = tpu.vector_load %arg11[%get3A_483, %get3A_484] {strides = array<i32>} : memref<128x128xf32, #tpu.memory_space<vmem>>, vector<1x16xf32>,
          %get3A_486 = vector.shape_cast %get3A_485 : vector<1x16xf32> to vector<16xf32>
          %add3A_487 = arith.addf %get3A_480, %get3A_486 : vector<16xf32>
          %add3A_488 = arith.constant 1 : i32
          %add3A_489 = arith.addi %add3A_196, %add3A_488 : i32
          %swap3A_490 = arith.index_cast %add3A_489 : i32 to index
          %swap3A_491 = arith.constant 96 : index
          %swap3A_492 = tpu.vector_load %arg10[%swap3A_490, %swap3A_491] {strides = array<i32>} : memref<128x128xf32, #tpu.memory_space<vmem>>, vector<1x16xf32>,
          %swap3A_493 = vector.shape_cast %swap3A_492 : vector<1x16xf32> to vector<16xf32>
          %swap3A_494 = vector.shape_cast %add3A_487 : vector<16xf32> to vector<1x16xf32>
          tpu.vector_store %arg10[%swap3A_490, %swap3A_491], %swap3A_494 {strides = array<i32>} : memref<128x128xf32, #tpu.memory_space<vmem>>, vector<1x16xf32>,
          %add3A_495 = arith.constant 1 : i32
          %add3A_496 = arith.addi %add3A_196, %add3A_495 : i32
          %get3A_497 = arith.index_cast %add3A_496 : i32 to index
          %get3A_498 = arith.constant 112 : index
          %get3A_499 = tpu.vector_load %arg10[%get3A_497, %get3A_498] {strides = array<i32>} : memref<128x128xf32, #tpu.memory_space<vmem>>, vector<1x16xf32>,
          %get3A_500 = vector.shape_cast %get3A_499 : vector<1x16xf32> to vector<16xf32>
          %add3A_501 = arith.constant 1 : i32
          %add3A_502 = arith.addi %add3A_196, %add3A_501 : i32
          %get3A_503 = arith.index_cast %add3A_502 : i32 to index
          %get3A_504 = arith.constant 112 : index
          %get3A_505 = tpu.vector_load %arg11[%get3A_503, %get3A_504] {strides = array<i32>} : memref<128x128xf32, #tpu.memory_space<vmem>>, vector<1x16xf32>,
          %get3A_506 = vector.shape_cast %get3A_505 : vector<1x16xf32> to vector<16xf32>
          %add3A_507 = arith.addf %get3A_500, %get3A_506 : vector<16xf32>
          %add3A_508 = arith.constant 1 : i32
          %add3A_509 = arith.addi %add3A_196, %add3A_508 : i32
          %swap3A_510 = arith.index_cast %add3A_509 : i32 to index
          %swap3A_511 = arith.constant 112 : index
          %swap3A_512 = tpu.vector_load %arg10[%swap3A_510, %swap3A_511] {strides = array<i32>} : memref<128x128xf32, #tpu.memory_space<vmem>>, vector<1x16xf32>,
          %swap3A_513 = vector.shape_cast %swap3A_512 : vector<1x16xf32> to vector<16xf32>
          %swap3A_514 = vector.shape_cast %add3A_507 : vector<16xf32> to vector<1x16xf32>
          tpu.vector_store %arg10[%swap3A_510, %swap3A_511], %swap3A_514 {strides = array<i32>} : memref<128x128xf32, #tpu.memory_space<vmem>>, vector<1x16xf32>,
          %add3A_515 = arith.constant 2 : i32
          %add3A_516 = arith.addi %add3A_196, %add3A_515 : i32
          %get3A_517 = arith.index_cast %add3A_516 : i32 to index
          %get3A_518 = arith.constant 0 : index
          %get3A_519 = tpu.vector_load %arg10[%get3A_517, %get3A_518] {strides = array<i32>} : memref<128x128xf32, #tpu.memory_space<vmem>>, vector<1x16xf32>,
          %get3A_520 = vector.shape_cast %get3A_519 : vector<1x16xf32> to vector<16xf32>
          %add3A_521 = arith.constant 2 : i32
          %add3A_522 = arith.addi %add3A_196, %add3A_521 : i32
          %get3A_523 = arith.index_cast %add3A_522 : i32 to index
          %get3A_524 = arith.constant 0 : index
          %get3A_525 = tpu.vector_load %arg11[%get3A_523, %get3A_524] {strides = array<i32>} : memref<128x128xf32, #tpu.memory_space<vmem>>, vector<1x16xf32>,
          %get3A_526 = vector.shape_cast %get3A_525 : vector<1x16xf32> to vector<16xf32>
          %add3A_527 = arith.addf %get3A_520, %get3A_526 : vector<16xf32>
          %add3A_528 = arith.constant 2 : i32
          %add3A_529 = arith.addi %add3A_196, %add3A_528 : i32
          %swap3A_530 = arith.index_cast %add3A_529 : i32 to index
          %swap3A_531 = arith.constant 0 : index
          %swap3A_532 = tpu.vector_load %arg10[%swap3A_530, %swap3A_531] {strides = array<i32>} : memref<128x128xf32, #tpu.memory_space<vmem>>, vector<1x16xf32>,
          %swap3A_533 = vector.shape_cast %swap3A_532 : vector<1x16xf32> to vector<16xf32>
          %swap3A_534 = vector.shape_cast %add3A_527 : vector<16xf32> to vector<1x16xf32>
          tpu.vector_store %arg10[%swap3A_530, %swap3A_531], %swap3A_534 {strides = array<i32>} : memref<128x128xf32, #tpu.memory_space<vmem>>, vector<1x16xf32>,
          %add3A_535 = arith.constant 2 : i32
          %add3A_536 = arith.addi %add3A_196, %add3A_535 : i32
          %get3A_537 = arith.index_cast %add3A_536 : i32 to index
          %get3A_538 = arith.constant 16 : index
          %get3A_539 = tpu.vector_load %arg10[%get3A_537, %get3A_538] {strides = array<i32>} : memref<128x128xf32, #tpu.memory_space<vmem>>, vector<1x16xf32>,
          %get3A_540 = vector.shape_cast %get3A_539 : vector<1x16xf32> to vector<16xf32>
          %add3A_541 = arith.constant 2 : i32
          %add3A_542 = arith.addi %add3A_196, %add3A_541 : i32
          %get3A_543 = arith.index_cast %add3A_542 : i32 to index
          %get3A_544 = arith.constant 16 : index
          %get3A_545 = tpu.vector_load %arg11[%get3A_543, %get3A_544] {strides = array<i32>} : memref<128x128xf32, #tpu.memory_space<vmem>>, vector<1x16xf32>,
          %get3A_546 = vector.shape_cast %get3A_545 : vector<1x16xf32> to vector<16xf32>
          %add3A_547 = arith.addf %get3A_540, %get3A_546 : vector<16xf32>
          %add3A_548 = arith.constant 2 : i32
          %add3A_549 = arith.addi %add3A_196, %add3A_548 : i32
          %swap3A_550 = arith.index_cast %add3A_549 : i32 to index
          %swap3A_551 = arith.constant 16 : index
          %swap3A_552 = tpu.vector_load %arg10[%swap3A_550, %swap3A_551] {strides = array<i32>} : memref<128x128xf32, #tpu.memory_space<vmem>>, vector<1x16xf32>,
          %swap3A_553 = vector.shape_cast %swap3A_552 : vector<1x16xf32> to vector<16xf32>
          %swap3A_554 = vector.shape_cast %add3A_547 : vector<16xf32> to vector<1x16xf32>
          tpu.vector_store %arg10[%swap3A_550, %swap3A_551], %swap3A_554 {strides = array<i32>} : memref<128x128xf32, #tpu.memory_space<vmem>>, vector<1x16xf32>,
          %add3A_555 = arith.constant 2 : i32
          %add3A_556 = arith.addi %add3A_196, %add3A_555 : i32
          %get3A_557 = arith.index_cast %add3A_556 : i32 to index
          %get3A_558 = arith.constant 32 : index
          %get3A_559 = tpu.vector_load %arg10[%get3A_557, %get3A_558] {strides = array<i32>} : memref<128x128xf32, #tpu.memory_space<vmem>>, vector<1x16xf32>,
          %get3A_560 = vector.shape_cast %get3A_559 : vector<1x16xf32> to vector<16xf32>
          %add3A_561 = arith.constant 2 : i32
          %add3A_562 = arith.addi %add3A_196, %add3A_561 : i32
          %get3A_563 = arith.index_cast %add3A_562 : i32 to index
          %get3A_564 = arith.constant 32 : index
          %get3A_565 = tpu.vector_load %arg11[%get3A_563, %get3A_564] {strides = array<i32>} : memref<128x128xf32, #tpu.memory_space<vmem>>, vector<1x16xf32>,
          %get3A_566 = vector.shape_cast %get3A_565 : vector<1x16xf32> to vector<16xf32>
          %add3A_567 = arith.addf %get3A_560, %get3A_566 : vector<16xf32>
          %add3A_568 = arith.constant 2 : i32
          %add3A_569 = arith.addi %add3A_196, %add3A_568 : i32
          %swap3A_570 = arith.index_cast %add3A_569 : i32 to index
          %swap3A_571 = arith.constant 32 : index
          %swap3A_572 = tpu.vector_load %arg10[%swap3A_570, %swap3A_571] {strides = array<i32>} : memref<128x128xf32, #tpu.memory_space<vmem>>, vector<1x16xf32>,
          %swap3A_573 = vector.shape_cast %swap3A_572 : vector<1x16xf32> to vector<16xf32>
          %swap3A_574 = vector.shape_cast %add3A_567 : vector<16xf32> to vector<1x16xf32>
          tpu.vector_store %arg10[%swap3A_570, %swap3A_571], %swap3A_574 {strides = array<i32>} : memref<128x128xf32, #tpu.memory_space<vmem>>, vector<1x16xf32>,
          %add3A_575 = arith.constant 2 : i32
          %add3A_576 = arith.addi %add3A_196, %add3A_575 : i32
          %get3A_577 = arith.index_cast %add3A_576 : i32 to index
          %get3A_578 = arith.constant 48 : index
          %get3A_579 = tpu.vector_load %arg10[%get3A_577, %get3A_578] {strides = array<i32>} : memref<128x128xf32, #tpu.memory_space<vmem>>, vector<1x16xf32>,
          %get3A_580 = vector.shape_cast %get3A_579 : vector<1x16xf32> to vector<16xf32>
          %add3A_581 = arith.constant 2 : i32
          %add3A_582 = arith.addi %add3A_196, %add3A_581 : i32
          %get3A_583 = arith.index_cast %add3A_582 : i32 to index
          %get3A_584 = arith.constant 48 : index
          %get3A_585 = tpu.vector_load %arg11[%get3A_583, %get3A_584] {strides = array<i32>} : memref<128x128xf32, #tpu.memory_space<vmem>>, vector<1x16xf32>,
          %get3A_586 = vector.shape_cast %get3A_585 : vector<1x16xf32> to vector<16xf32>
          %add3A_587 = arith.addf %get3A_580, %get3A_586 : vector<16xf32>
          %add3A_588 = arith.constant 2 : i32
          %add3A_589 = arith.addi %add3A_196, %add3A_588 : i32
          %swap3A_590 = arith.index_cast %add3A_589 : i32 to index
          %swap3A_591 = arith.constant 48 : index
          %swap3A_592 = tpu.vector_load %arg10[%swap3A_590, %swap3A_591] {strides = array<i32>} : memref<128x128xf32, #tpu.memory_space<vmem>>, vector<1x16xf32>,
          %swap3A_593 = vector.shape_cast %swap3A_592 : vector<1x16xf32> to vector<16xf32>
          %swap3A_594 = vector.shape_cast %add3A_587 : vector<16xf32> to vector<1x16xf32>
          tpu.vector_store %arg10[%swap3A_590, %swap3A_591], %swap3A_594 {strides = array<i32>} : memref<128x128xf32, #tpu.memory_space<vmem>>, vector<1x16xf32>,
          %add3A_595 = arith.constant 2 : i32
          %add3A_596 = arith.addi %add3A_196, %add3A_595 : i32
          %get3A_597 = arith.index_cast %add3A_596 : i32 to index
          %get3A_598 = arith.constant 64 : index
          %get3A_599 = tpu.vector_load %arg10[%get3A_597, %get3A_598] {strides = array<i32>} : memref<128x128xf32, #tpu.memory_space<vmem>>, vector<1x16xf32>,
          %get3A_600 = vector.shape_cast %get3A_599 : vector<1x16xf32> to vector<16xf32>
          %add3A_601 = arith.constant 2 : i32
          %add3A_602 = arith.addi %add3A_196, %add3A_601 : i32
          %get3A_603 = arith.index_cast %add3A_602 : i32 to index
          %get3A_604 = arith.constant 64 : index
          %get3A_605 = tpu.vector_load %arg11[%get3A_603, %get3A_604] {strides = array<i32>} : memref<128x128xf32, #tpu.memory_space<vmem>>, vector<1x16xf32>,
          %get3A_606 = vector.shape_cast %get3A_605 : vector<1x16xf32> to vector<16xf32>
          %add3A_607 = arith.addf %get3A_600, %get3A_606 : vector<16xf32>
          %add3A_608 = arith.constant 2 : i32
          %add3A_609 = arith.addi %add3A_196, %add3A_608 : i32
          %swap3A_610 = arith.index_cast %add3A_609 : i32 to index
          %swap3A_611 = arith.constant 64 : index
          %swap3A_612 = tpu.vector_load %arg10[%swap3A_610, %swap3A_611] {strides = array<i32>} : memref<128x128xf32, #tpu.memory_space<vmem>>, vector<1x16xf32>,
          %swap3A_613 = vector.shape_cast %swap3A_612 : vector<1x16xf32> to vector<16xf32>
          %swap3A_614 = vector.shape_cast %add3A_607 : vector<16xf32> to vector<1x16xf32>
          tpu.vector_store %arg10[%swap3A_610, %swap3A_611], %swap3A_614 {strides = array<i32>} : memref<128x128xf32, #tpu.memory_space<vmem>>, vector<1x16xf32>,
          %add3A_615 = arith.constant 2 : i32
          %add3A_616 = arith.addi %add3A_196, %add3A_615 : i32
          %get3A_617 = arith.index_cast %add3A_616 : i32 to index
          %get3A_618 = arith.constant 80 : index
          %get3A_619 = tpu.vector_load %arg10[%get3A_617, %get3A_618] {strides = array<i32>} : memref<128x128xf32, #tpu.memory_space<vmem>>, vector<1x16xf32>,
          %get3A_620 = vector.shape_cast %get3A_619 : vector<1x16xf32> to vector<16xf32>
          %add3A_621 = arith.constant 2 : i32
          %add3A_622 = arith.addi %add3A_196, %add3A_621 : i32
          %get3A_623 = arith.index_cast %add3A_622 : i32 to index
          %get3A_624 = arith.constant 80 : index
          %get3A_625 = tpu.vector_load %arg11[%get3A_623, %get3A_624] {strides = array<i32>} : memref<128x128xf32, #tpu.memory_space<vmem>>, vector<1x16xf32>,
          %get3A_626 = vector.shape_cast %get3A_625 : vector<1x16xf32> to vector<16xf32>
          %add3A_627 = arith.addf %get3A_620, %get3A_626 : vector<16xf32>
          %add3A_628 = arith.constant 2 : i32
          %add3A_629 = arith.addi %add3A_196, %add3A_628 : i32
          %swap3A_630 = arith.index_cast %add3A_629 : i32 to index
          %swap3A_631 = arith.constant 80 : index
          %swap3A_632 = tpu.vector_load %arg10[%swap3A_630, %swap3A_631] {strides = array<i32>} : memref<128x128xf32, #tpu.memory_space<vmem>>, vector<1x16xf32>,
          %swap3A_633 = vector.shape_cast %swap3A_632 : vector<1x16xf32> to vector<16xf32>
          %swap3A_634 = vector.shape_cast %add3A_627 : vector<16xf32> to vector<1x16xf32>
          tpu.vector_store %arg10[%swap3A_630, %swap3A_631], %swap3A_634 {strides = array<i32>} : memref<128x128xf32, #tpu.memory_space<vmem>>, vector<1x16xf32>,
          %add3A_635 = arith.constant 2 : i32
          %add3A_636 = arith.addi %add3A_196, %add3A_635 : i32
          %get3A_637 = arith.index_cast %add3A_636 : i32 to index
          %get3A_638 = arith.constant 96 : index
          %get3A_639 = tpu.vector_load %arg10[%get3A_637, %get3A_638] {strides = array<i32>} : memref<128x128xf32, #tpu.memory_space<vmem>>, vector<1x16xf32>,
          %get3A_640 = vector.shape_cast %get3A_639 : vector<1x16xf32> to vector<16xf32>
          %add3A_641 = arith.constant 2 : i32
          %add3A_642 = arith.addi %add3A_196, %add3A_641 : i32
          %get3A_643 = arith.index_cast %add3A_642 : i32 to index
          %get3A_644 = arith.constant 96 : index
          %get3A_645 = tpu.vector_load %arg11[%get3A_643, %get3A_644] {strides = array<i32>} : memref<128x128xf32, #tpu.memory_space<vmem>>, vector<1x16xf32>,
          %get3A_646 = vector.shape_cast %get3A_645 : vector<1x16xf32> to vector<16xf32>
          %add3A_647 = arith.addf %get3A_640, %get3A_646 : vector<16xf32>
          %add3A_648 = arith.constant 2 : i32
          %add3A_649 = arith.addi %add3A_196, %add3A_648 : i32
          %swap3A_650 = arith.index_cast %add3A_649 : i32 to index
          %swap3A_651 = arith.constant 96 : index
          %swap3A_652 = tpu.vector_load %arg10[%swap3A_650, %swap3A_651] {strides = array<i32>} : memref<128x128xf32, #tpu.memory_space<vmem>>, vector<1x16xf32>,
          %swap3A_653 = vector.shape_cast %swap3A_652 : vector<1x16xf32> to vector<16xf32>
          %swap3A_654 = vector.shape_cast %add3A_647 : vector<16xf32> to vector<1x16xf32>
          tpu.vector_store %arg10[%swap3A_650, %swap3A_651], %swap3A_654 {strides = array<i32>} : memref<128x128xf32, #tpu.memory_space<vmem>>, vector<1x16xf32>,
          %add3A_655 = arith.constant 2 : i32
          %add3A_656 = arith.addi %add3A_196, %add3A_655 : i32
          %get3A_657 = arith.index_cast %add3A_656 : i32 to index
          %get3A_658 = arith.constant 112 : index
          %get3A_659 = tpu.vector_load %arg10[%get3A_657, %get3A_658] {strides = array<i32>} : memref<128x128xf32, #tpu.memory_space<vmem>>, vector<1x16xf32>,
          %get3A_660 = vector.shape_cast %get3A_659 : vector<1x16xf32> to vector<16xf32>
          %add3A_661 = arith.constant 2 : i32
          %add3A_662 = arith.addi %add3A_196, %add3A_661 : i32
          %get3A_663 = arith.index_cast %add3A_662 : i32 to index
          %get3A_664 = arith.constant 112 : index
          %get3A_665 = tpu.vector_load %arg11[%get3A_663, %get3A_664] {strides = array<i32>} : memref<128x128xf32, #tpu.memory_space<vmem>>, vector<1x16xf32>,
          %get3A_666 = vector.shape_cast %get3A_665 : vector<1x16xf32> to vector<16xf32>
          %add3A_667 = arith.addf %get3A_660, %get3A_666 : vector<16xf32>
          %add3A_668 = arith.constant 2 : i32
          %add3A_669 = arith.addi %add3A_196, %add3A_668 : i32
          %swap3A_670 = arith.index_cast %add3A_669 : i32 to index
          %swap3A_671 = arith.constant 112 : index
          %swap3A_672 = tpu.vector_load %arg10[%swap3A_670, %swap3A_671] {strides = array<i32>} : memref<128x128xf32, #tpu.memory_space<vmem>>, vector<1x16xf32>,
          %swap3A_673 = vector.shape_cast %swap3A_672 : vector<1x16xf32> to vector<16xf32>
          %swap3A_674 = vector.shape_cast %add3A_667 : vector<16xf32> to vector<1x16xf32>
          tpu.vector_store %arg10[%swap3A_670, %swap3A_671], %swap3A_674 {strides = array<i32>} : memref<128x128xf32, #tpu.memory_space<vmem>>, vector<1x16xf32>,
          %add3A_675 = arith.constant 3 : i32
          %add3A_676 = arith.addi %add3A_196, %add3A_675 : i32
          %get3A_677 = arith.index_cast %add3A_676 : i32 to index
          %get3A_678 = arith.constant 0 : index
          %get3A_679 = tpu.vector_load %arg10[%get3A_677, %get3A_678] {strides = array<i32>} : memref<128x128xf32, #tpu.memory_space<vmem>>, vector<1x16xf32>,
          %get3A_680 = vector.shape_cast %get3A_679 : vector<1x16xf32> to vector<16xf32>
          %add3A_681 = arith.constant 3 : i32
          %add3A_682 = arith.addi %add3A_196, %add3A_681 : i32
          %get3A_683 = arith.index_cast %add3A_682 : i32 to index
          %get3A_684 = arith.constant 0 : index
          %get3A_685 = tpu.vector_load %arg11[%get3A_683, %get3A_684] {strides = array<i32>} : memref<128x128xf32, #tpu.memory_space<vmem>>, vector<1x16xf32>,
          %get3A_686 = vector.shape_cast %get3A_685 : vector<1x16xf32> to vector<16xf32>
          %add3A_687 = arith.addf %get3A_680, %get3A_686 : vector<16xf32>
          %add3A_688 = arith.constant 3 : i32
          %add3A_689 = arith.addi %add3A_196, %add3A_688 : i32
          %swap3A_690 = arith.index_cast %add3A_689 : i32 to index
          %swap3A_691 = arith.constant 0 : index
          %swap3A_692 = tpu.vector_load %arg10[%swap3A_690, %swap3A_691] {strides = array<i32>} : memref<128x128xf32, #tpu.memory_space<vmem>>, vector<1x16xf32>,
          %swap3A_693 = vector.shape_cast %swap3A_692 : vector<1x16xf32> to vector<16xf32>
          %swap3A_694 = vector.shape_cast %add3A_687 : vector<16xf32> to vector<1x16xf32>
          tpu.vector_store %arg10[%swap3A_690, %swap3A_691], %swap3A_694 {strides = array<i32>} : memref<128x128xf32, #tpu.memory_space<vmem>>, vector<1x16xf32>,
          %add3A_695 = arith.constant 3 : i32
          %add3A_696 = arith.addi %add3A_196, %add3A_695 : i32
          %get3A_697 = arith.index_cast %add3A_696 : i32 to index
          %get3A_698 = arith.constant 16 : index
          %get3A_699 = tpu.vector_load %arg10[%get3A_697, %get3A_698] {strides = array<i32>} : memref<128x128xf32, #tpu.memory_space<vmem>>, vector<1x16xf32>,
          %get3A_700 = vector.shape_cast %get3A_699 : vector<1x16xf32> to vector<16xf32>
          %add3A_701 = arith.constant 3 : i32
          %add3A_702 = arith.addi %add3A_196, %add3A_701 : i32
          %get3A_703 = arith.index_cast %add3A_702 : i32 to index
          %get3A_704 = arith.constant 16 : index
          %get3A_705 = tpu.vector_load %arg11[%get3A_703, %get3A_704] {strides = array<i32>} : memref<128x128xf32, #tpu.memory_space<vmem>>, vector<1x16xf32>,
          %get3A_706 = vector.shape_cast %get3A_705 : vector<1x16xf32> to vector<16xf32>
          %add3A_707 = arith.addf %get3A_700, %get3A_706 : vector<16xf32>
          %add3A_708 = arith.constant 3 : i32
          %add3A_709 = arith.addi %add3A_196, %add3A_708 : i32
          %swap3A_710 = arith.index_cast %add3A_709 : i32 to index
          %swap3A_711 = arith.constant 16 : index
          %swap3A_712 = tpu.vector_load %arg10[%swap3A_710, %swap3A_711] {strides = array<i32>} : memref<128x128xf32, #tpu.memory_space<vmem>>, vector<1x16xf32>,
          %swap3A_713 = vector.shape_cast %swap3A_712 : vector<1x16xf32> to vector<16xf32>
          %swap3A_714 = vector.shape_cast %add3A_707 : vector<16xf32> to vector<1x16xf32>
          tpu.vector_store %arg10[%swap3A_710, %swap3A_711], %swap3A_714 {strides = array<i32>} : memref<128x128xf32, #tpu.memory_space<vmem>>, vector<1x16xf32>,
          %add3A_715 = arith.constant 3 : i32
          %add3A_716 = arith.addi %add3A_196, %add3A_715 : i32
          %get3A_717 = arith.index_cast %add3A_716 : i32 to index
          %get3A_718 = arith.constant 32 : index
          %get3A_719 = tpu.vector_load %arg10[%get3A_717, %get3A_718] {strides = array<i32>} : memref<128x128xf32, #tpu.memory_space<vmem>>, vector<1x16xf32>,
          %get3A_720 = vector.shape_cast %get3A_719 : vector<1x16xf32> to vector<16xf32>
          %add3A_721 = arith.constant 3 : i32
          %add3A_722 = arith.addi %add3A_196, %add3A_721 : i32
          %get3A_723 = arith.index_cast %add3A_722 : i32 to index
          %get3A_724 = arith.constant 32 : index
          %get3A_725 = tpu.vector_load %arg11[%get3A_723, %get3A_724] {strides = array<i32>} : memref<128x128xf32, #tpu.memory_space<vmem>>, vector<1x16xf32>,
          %get3A_726 = vector.shape_cast %get3A_725 : vector<1x16xf32> to vector<16xf32>
          %add3A_727 = arith.addf %get3A_720, %get3A_726 : vector<16xf32>
          %add3A_728 = arith.constant 3 : i32
          %add3A_729 = arith.addi %add3A_196, %add3A_728 : i32
          %swap3A_730 = arith.index_cast %add3A_729 : i32 to index
          %swap3A_731 = arith.constant 32 : index
          %swap3A_732 = tpu.vector_load %arg10[%swap3A_730, %swap3A_731] {strides = array<i32>} : memref<128x128xf32, #tpu.memory_space<vmem>>, vector<1x16xf32>,
          %swap3A_733 = vector.shape_cast %swap3A_732 : vector<1x16xf32> to vector<16xf32>
          %swap3A_734 = vector.shape_cast %add3A_727 : vector<16xf32> to vector<1x16xf32>
          tpu.vector_store %arg10[%swap3A_730, %swap3A_731], %swap3A_734 {strides = array<i32>} : memref<128x128xf32, #tpu.memory_space<vmem>>, vector<1x16xf32>,
          %add3A_735 = arith.constant 3 : i32
          %add3A_736 = arith.addi %add3A_196, %add3A_735 : i32
          %get3A_737 = arith.index_cast %add3A_736 : i32 to index
          %get3A_738 = arith.constant 48 : index
          %get3A_739 = tpu.vector_load %arg10[%get3A_737, %get3A_738] {strides = array<i32>} : memref<128x128xf32, #tpu.memory_space<vmem>>, vector<1x16xf32>,
          %get3A_740 = vector.shape_cast %get3A_739 : vector<1x16xf32> to vector<16xf32>
          %add3A_741 = arith.constant 3 : i32
          %add3A_742 = arith.addi %add3A_196, %add3A_741 : i32
          %get3A_743 = arith.index_cast %add3A_742 : i32 to index
          %get3A_744 = arith.constant 48 : index
          %get3A_745 = tpu.vector_load %arg11[%get3A_743, %get3A_744] {strides = array<i32>} : memref<128x128xf32, #tpu.memory_space<vmem>>, vector<1x16xf32>,
          %get3A_746 = vector.shape_cast %get3A_745 : vector<1x16xf32> to vector<16xf32>
          %add3A_747 = arith.addf %get3A_740, %get3A_746 : vector<16xf32>
          %add3A_748 = arith.constant 3 : i32
          %add3A_749 = arith.addi %add3A_196, %add3A_748 : i32
          %swap3A_750 = arith.index_cast %add3A_749 : i32 to index
          %swap3A_751 = arith.constant 48 : index
          %swap3A_752 = tpu.vector_load %arg10[%swap3A_750, %swap3A_751] {strides = array<i32>} : memref<128x128xf32, #tpu.memory_space<vmem>>, vector<1x16xf32>,
          %swap3A_753 = vector.shape_cast %swap3A_752 : vector<1x16xf32> to vector<16xf32>
          %swap3A_754 = vector.shape_cast %add3A_747 : vector<16xf32> to vector<1x16xf32>
          tpu.vector_store %arg10[%swap3A_750, %swap3A_751], %swap3A_754 {strides = array<i32>} : memref<128x128xf32, #tpu.memory_space<vmem>>, vector<1x16xf32>,
          %add3A_755 = arith.constant 3 : i32
          %add3A_756 = arith.addi %add3A_196, %add3A_755 : i32
          %get3A_757 = arith.index_cast %add3A_756 : i32 to index
          %get3A_758 = arith.constant 64 : index
          %get3A_759 = tpu.vector_load %arg10[%get3A_757, %get3A_758] {strides = array<i32>} : memref<128x128xf32, #tpu.memory_space<vmem>>, vector<1x16xf32>,
          %get3A_760 = vector.shape_cast %get3A_759 : vector<1x16xf32> to vector<16xf32>
          %add3A_761 = arith.constant 3 : i32
          %add3A_762 = arith.addi %add3A_196, %add3A_761 : i32
          %get3A_763 = arith.index_cast %add3A_762 : i32 to index
          %get3A_764 = arith.constant 64 : index
          %get3A_765 = tpu.vector_load %arg11[%get3A_763, %get3A_764] {strides = array<i32>} : memref<128x128xf32, #tpu.memory_space<vmem>>, vector<1x16xf32>,
          %get3A_766 = vector.shape_cast %get3A_765 : vector<1x16xf32> to vector<16xf32>
          %add3A_767 = arith.addf %get3A_760, %get3A_766 : vector<16xf32>
          %add3A_768 = arith.constant 3 : i32
          %add3A_769 = arith.addi %add3A_196, %add3A_768 : i32
          %swap3A_770 = arith.index_cast %add3A_769 : i32 to index
          %swap3A_771 = arith.constant 64 : index
          %swap3A_772 = tpu.vector_load %arg10[%swap3A_770, %swap3A_771] {strides = array<i32>} : memref<128x128xf32, #tpu.memory_space<vmem>>, vector<1x16xf32>,
          %swap3A_773 = vector.shape_cast %swap3A_772 : vector<1x16xf32> to vector<16xf32>
          %swap3A_774 = vector.shape_cast %add3A_767 : vector<16xf32> to vector<1x16xf32>
          tpu.vector_store %arg10[%swap3A_770, %swap3A_771], %swap3A_774 {strides = array<i32>} : memref<128x128xf32, #tpu.memory_space<vmem>>, vector<1x16xf32>,
          %add3A_775 = arith.constant 3 : i32
          %add3A_776 = arith.addi %add3A_196, %add3A_775 : i32
          %get3A_777 = arith.index_cast %add3A_776 : i32 to index
          %get3A_778 = arith.constant 80 : index
          %get3A_779 = tpu.vector_load %arg10[%get3A_777, %get3A_778] {strides = array<i32>} : memref<128x128xf32, #tpu.memory_space<vmem>>, vector<1x16xf32>,
          %get3A_780 = vector.shape_cast %get3A_779 : vector<1x16xf32> to vector<16xf32>
          %add3A_781 = arith.constant 3 : i32
          %add3A_782 = arith.addi %add3A_196, %add3A_781 : i32
          %get3A_783 = arith.index_cast %add3A_782 : i32 to index
          %get3A_784 = arith.constant 80 : index
          %get3A_785 = tpu.vector_load %arg11[%get3A_783, %get3A_784] {strides = array<i32>} : memref<128x128xf32, #tpu.memory_space<vmem>>, vector<1x16xf32>,
          %get3A_786 = vector.shape_cast %get3A_785 : vector<1x16xf32> to vector<16xf32>
          %add3A_787 = arith.addf %get3A_780, %get3A_786 : vector<16xf32>
          %add3A_788 = arith.constant 3 : i32
          %add3A_789 = arith.addi %add3A_196, %add3A_788 : i32
          %swap3A_790 = arith.index_cast %add3A_789 : i32 to index
          %swap3A_791 = arith.constant 80 : index
          %swap3A_792 = tpu.vector_load %arg10[%swap3A_790, %swap3A_791] {strides = array<i32>} : memref<128x128xf32, #tpu.memory_space<vmem>>, vector<1x16xf32>,
          %swap3A_793 = vector.shape_cast %swap3A_792 : vector<1x16xf32> to vector<16xf32>
          %swap3A_794 = vector.shape_cast %add3A_787 : vector<16xf32> to vector<1x16xf32>
          tpu.vector_store %arg10[%swap3A_790, %swap3A_791], %swap3A_794 {strides = array<i32>} : memref<128x128xf32, #tpu.memory_space<vmem>>, vector<1x16xf32>,
          %add3A_795 = arith.constant 3 : i32
          %add3A_796 = arith.addi %add3A_196, %add3A_795 : i32
          %get3A_797 = arith.index_cast %add3A_796 : i32 to index
          %get3A_798 = arith.constant 96 : index
          %get3A_799 = tpu.vector_load %arg10[%get3A_797, %get3A_798] {strides = array<i32>} : memref<128x128xf32, #tpu.memory_space<vmem>>, vector<1x16xf32>,
          %get3A_800 = vector.shape_cast %get3A_799 : vector<1x16xf32> to vector<16xf32>
          %add3A_801 = arith.constant 3 : i32
          %add3A_802 = arith.addi %add3A_196, %add3A_801 : i32
          %get3A_803 = arith.index_cast %add3A_802 : i32 to index
          %get3A_804 = arith.constant 96 : index
          %get3A_805 = tpu.vector_load %arg11[%get3A_803, %get3A_804] {strides = array<i32>} : memref<128x128xf32, #tpu.memory_space<vmem>>, vector<1x16xf32>,
          %get3A_806 = vector.shape_cast %get3A_805 : vector<1x16xf32> to vector<16xf32>
          %add3A_807 = arith.addf %get3A_800, %get3A_806 : vector<16xf32>
          %add3A_808 = arith.constant 3 : i32
          %add3A_809 = arith.addi %add3A_196, %add3A_808 : i32
          %swap3A_810 = arith.index_cast %add3A_809 : i32 to index
          %swap3A_811 = arith.constant 96 : index
          %swap3A_812 = tpu.vector_load %arg10[%swap3A_810, %swap3A_811] {strides = array<i32>} : memref<128x128xf32, #tpu.memory_space<vmem>>, vector<1x16xf32>,
          %swap3A_813 = vector.shape_cast %swap3A_812 : vector<1x16xf32> to vector<16xf32>
          %swap3A_814 = vector.shape_cast %add3A_807 : vector<16xf32> to vector<1x16xf32>
          tpu.vector_store %arg10[%swap3A_810, %swap3A_811], %swap3A_814 {strides = array<i32>} : memref<128x128xf32, #tpu.memory_space<vmem>>, vector<1x16xf32>,
          %add3A_815 = arith.constant 3 : i32
          %add3A_816 = arith.addi %add3A_196, %add3A_815 : i32
          %get3A_817 = arith.index_cast %add3A_816 : i32 to index
          %get3A_818 = arith.constant 112 : index
          %get3A_819 = tpu.vector_load %arg10[%get3A_817, %get3A_818] {strides = array<i32>} : memref<128x128xf32, #tpu.memory_space<vmem>>, vector<1x16xf32>,
          %get3A_820 = vector.shape_cast %get3A_819 : vector<1x16xf32> to vector<16xf32>
          %add3A_821 = arith.constant 3 : i32
          %add3A_822 = arith.addi %add3A_196, %add3A_821 : i32
          %get3A_823 = arith.index_cast %add3A_822 : i32 to index
          %get3A_824 = arith.constant 112 : index
          %get3A_825 = tpu.vector_load %arg11[%get3A_823, %get3A_824] {strides = array<i32>} : memref<128x128xf32, #tpu.memory_space<vmem>>, vector<1x16xf32>,
          %get3A_826 = vector.shape_cast %get3A_825 : vector<1x16xf32> to vector<16xf32>
          %add3A_827 = arith.addf %get3A_820, %get3A_826 : vector<16xf32>
          %add3A_828 = arith.constant 3 : i32
          %add3A_829 = arith.addi %add3A_196, %add3A_828 : i32
          %swap3A_830 = arith.index_cast %add3A_829 : i32 to index
          %swap3A_831 = arith.constant 112 : index
          %swap3A_832 = tpu.vector_load %arg10[%swap3A_830, %swap3A_831] {strides = array<i32>} : memref<128x128xf32, #tpu.memory_space<vmem>>, vector<1x16xf32>,
          %swap3A_833 = vector.shape_cast %swap3A_832 : vector<1x16xf32> to vector<16xf32>
          %swap3A_834 = vector.shape_cast %add3A_827 : vector<16xf32> to vector<1x16xf32>
          tpu.vector_store %arg10[%swap3A_830, %swap3A_831], %swap3A_834 {strides = array<i32>} : memref<128x128xf32, #tpu.memory_space<vmem>>, vector<1x16xf32>,
        }
        %scan3A_116 = arith.constant 16 : i32
        %dma_start3A_117 = arith.constant 0 : i32
        %dma_start3A_118 = arith.constant 0 : i32
        %dma_start3A_119 = tpu.memref_slice %arg11[%dma_start3A_117, %dma_start3A_118] : memref<128x128xf32, #tpu.memory_space<vmem>> -> memref<64x128xf32, #tpu.memory_space<vmem>>
        %dma_start3A_120 = arith.constant 0 : i32
        %dma_start3A_121 = tpu.memref_slice %arg9[%scan3A_62, %dma_start3A_120] : memref<8x128xi32, #tpu.memory_space<vmem>> -> memref<1x64xi32, #tpu.memory_space<vmem>>
        %dma_start3A_122 = tpu.memref_squeeze %dma_start3A_121 : memref<1x64xi32, #tpu.memory_space<vmem>> -> memref<64xi32, #tpu.memory_space<vmem>>
        %dma_start3A_123 = arith.constant 0 : i32
        %dma_start3A_124 = arith.constant 0 : i32
        %dma_start3A_125 = tpu.memref_slice %arg3[%dma_start3A_123, %dma_start3A_124] : memref<10112x128xf32, #tpu.memory_space<hbm>> -> memref<10112x128xf32, #tpu.memory_space<hbm>>
        tpu.enqueue_indirect_dma source(%dma_start3A_125 : memref<10112x128xf32, #tpu.memory_space<hbm>>) target(%dma_start3A_119 : memref<64x128xf32, #tpu.memory_space<vmem>>) offsets(%dma_start3A_122 : memref<64xi32, #tpu.memory_space<vmem>>) semaphore(%arg15 : memref<!tpu.dma_semaphore, #tpu.memory_space<semaphore_mem>>)
        %dma_wait3A_126 = arith.constant 64 : i32
        %dma_wait3A_127 = arith.constant 0 : i32
        %dma_wait3A_128 = tpu.memref_slice %arg10[%dma_wait3A_126, %dma_wait3A_127] : memref<128x128xf32, #tpu.memory_space<vmem>> -> memref<64x128xf32, #tpu.memory_space<vmem>>
        %dma_wait3A_129 = arith.constant 64 : i32
        %dma_wait3A_130 = tpu.memref_slice %arg8[%scan3A_62, %dma_wait3A_129] : memref<8x128xi32, #tpu.memory_space<vmem>> -> memref<1x64xi32, #tpu.memory_space<vmem>>
        %dma_wait3A_131 = tpu.memref_squeeze %dma_wait3A_130 : memref<1x64xi32, #tpu.memory_space<vmem>> -> memref<64xi32, #tpu.memory_space<vmem>>
        %dma_wait3A_132 = arith.constant 0 : i32
        %dma_wait3A_133 = arith.constant 0 : i32
        %dma_wait3A_134 = tpu.memref_slice %arg2[%dma_wait3A_132, %dma_wait3A_133] : memref<10112x128xf32, #tpu.memory_space<hbm>> -> memref<10112x128xf32, #tpu.memory_space<hbm>>
        tpu.wait_indirect_dma semaphore(%arg13 : memref<!tpu.dma_semaphore, #tpu.memory_space<semaphore_mem>>) src(%dma_wait3A_134 : memref<10112x128xf32, #tpu.memory_space<hbm>>) dst(%dma_wait3A_128 : memref<64x128xf32, #tpu.memory_space<vmem>>)
        %dma_wait3A_135 = arith.constant 64 : i32
        %dma_wait3A_136 = arith.constant 0 : i32
        %dma_wait3A_137 = tpu.memref_slice %arg11[%dma_wait3A_135, %dma_wait3A_136] : memref<128x128xf32, #tpu.memory_space<vmem>> -> memref<64x128xf32, #tpu.memory_space<vmem>>
        %dma_wait3A_138 = arith.constant 0 : i32
        %dma_wait3A_139 = tpu.memref_slice %arg4[%add3A_82, %dma_wait3A_138] : memref<327680x128xf32, #tpu.memory_space<hbm>> -> memref<64x128xf32, #tpu.memory_space<hbm>>
        %dma_wait3A_140 = arith.constant 64 : i32
        %dma_wait3A_141 = arith.constant 0 : i32
        %dma_wait3A_142 = tpu.memref_slice %arg11[%dma_wait3A_140, %dma_wait3A_141] : memref<128x128xf32, #tpu.memory_space<vmem>> -> memref<64x128xf32, #tpu.memory_space<vmem>>
        %dma_wait3A_143 = arith.constant 0 : i32
        %dma_wait3A_144 = tpu.memref_slice %arg4[%add3A_82, %dma_wait3A_143] : memref<327680x128xf32, #tpu.memory_space<hbm>> -> memref<64x128xf32, #tpu.memory_space<hbm>>
        tpu.wait_dma2 semaphore(%arg14 : memref<!tpu.dma_semaphore, #tpu.memory_space<semaphore_mem>>) src(%dma_wait3A_144 : memref<64x128xf32, #tpu.memory_space<hbm>>) dst(%dma_wait3A_142 : memref<64x128xf32, #tpu.memory_space<vmem>>)
        %scan3A_145 = arith.constant 0 : i32
        %scan3A_146 = arith.constant 0 : i32
        %scan3A_147 = arith.constant 16 : i32
        %scan3A_148 = arith.addi %scan3A_146, %scan3A_147 : i32
        %scan3A_149 = arith.constant 1 : i32
        scf.for %scan3A_192 = %scan3A_146 to %scan3A_148 step %scan3A_149  : i32 {
          %mul3A_193 = arith.constant 4 : i32
          %mul3A_194 = arith.muli %scan3A_192, %mul3A_193 : i32
          %add3A_195 = arith.constant 64 : i32
          %add3A_196 = arith.addi %add3A_195, %mul3A_194 : i32
          %add3A_197 = arith.constant 0 : i32
          %add3A_198 = arith.addi %add3A_196, %add3A_197 : i32
          %get3A = arith.index_cast %add3A_198 : i32 to index
          %get3A_199 = arith.constant 0 : index
          %get3A_200 = tpu.vector_load %arg10[%get3A, %get3A_199] {strides = array<i32>} : memref<128x128xf32, #tpu.memory_space<vmem>>, vector<1x16xf32>,
          %get3A_201 = vector.shape_cast %get3A_200 : vector<1x16xf32> to vector<16xf32>
          %add3A_202 = arith.constant 0 : i32
          %add3A_203 = arith.addi %add3A_196, %add3A_202 : i32
          %get3A_204 = arith.index_cast %add3A_203 : i32 to index
          %get3A_205 = arith.constant 0 : index
          %get3A_206 = tpu.vector_load %arg11[%get3A_204, %get3A_205] {strides = array<i32>} : memref<128x128xf32, #tpu.memory_space<vmem>>, vector<1x16xf32>,
          %get3A_207 = vector.shape_cast %get3A_206 : vector<1x16xf32> to vector<16xf32>
          %add3A_208 = arith.addf %get3A_201, %get3A_207 : vector<16xf32>
          %add3A_209 = arith.constant 0 : i32
          %add3A_210 = arith.addi %add3A_196, %add3A_209 : i32
          %swap3A = arith.index_cast %add3A_210 : i32 to index
          %swap3A_211 = arith.constant 0 : index
          %swap3A_212 = tpu.vector_load %arg10[%swap3A, %swap3A_211] {strides = array<i32>} : memref<128x128xf32, #tpu.memory_space<vmem>>, vector<1x16xf32>,
          %swap3A_213 = vector.shape_cast %swap3A_212 : vector<1x16xf32> to vector<16xf32>
          %swap3A_214 = vector.shape_cast %add3A_208 : vector<16xf32> to vector<1x16xf32>
          tpu.vector_store %arg10[%swap3A, %swap3A_211], %swap3A_214 {strides = array<i32>} : memref<128x128xf32, #tpu.memory_space<vmem>>, vector<1x16xf32>,
          %add3A_215 = arith.constant 0 : i32
          %add3A_216 = arith.addi %add3A_196, %add3A_215 : i32
          %get3A_217 = arith.index_cast %add3A_216 : i32 to index
          %get3A_218 = arith.constant 16 : index
          %get3A_219 = tpu.vector_load %arg10[%get3A_217, %get3A_218] {strides = array<i32>} : memref<128x128xf32, #tpu.memory_space<vmem>>, vector<1x16xf32>,
          %get3A_220 = vector.shape_cast %get3A_219 : vector<1x16xf32> to vector<16xf32>
          %add3A_221 = arith.constant 0 : i32
          %add3A_222 = arith.addi %add3A_196, %add3A_221 : i32
          %get3A_223 = arith.index_cast %add3A_222 : i32 to index
          %get3A_224 = arith.constant 16 : index
          %get3A_225 = tpu.vector_load %arg11[%get3A_223, %get3A_224] {strides = array<i32>} : memref<128x128xf32, #tpu.memory_space<vmem>>, vector<1x16xf32>,
          %get3A_226 = vector.shape_cast %get3A_225 : vector<1x16xf32> to vector<16xf32>
          %add3A_227 = arith.addf %get3A_220, %get3A_226 : vector<16xf32>
          %add3A_228 = arith.constant 0 : i32
          %add3A_229 = arith.addi %add3A_196, %add3A_228 : i32
          %swap3A_230 = arith.index_cast %add3A_229 : i32 to index
          %swap3A_231 = arith.constant 16 : index
          %swap3A_232 = tpu.vector_load %arg10[%swap3A_230, %swap3A_231] {strides = array<i32>} : memref<128x128xf32, #tpu.memory_space<vmem>>, vector<1x16xf32>,
          %swap3A_233 = vector.shape_cast %swap3A_232 : vector<1x16xf32> to vector<16xf32>
          %swap3A_234 = vector.shape_cast %add3A_227 : vector<16xf32> to vector<1x16xf32>
          tpu.vector_store %arg10[%swap3A_230, %swap3A_231], %swap3A_234 {strides = array<i32>} : memref<128x128xf32, #tpu.memory_space<vmem>>, vector<1x16xf32>,
          %add3A_235 = arith.constant 0 : i32
          %add3A_236 = arith.addi %add3A_196, %add3A_235 : i32
          %get3A_237 = arith.index_cast %add3A_236 : i32 to index
          %get3A_238 = arith.constant 32 : index
          %get3A_239 = tpu.vector_load %arg10[%get3A_237, %get3A_238] {strides = array<i32>} : memref<128x128xf32, #tpu.memory_space<vmem>>, vector<1x16xf32>,
          %get3A_240 = vector.shape_cast %get3A_239 : vector<1x16xf32> to vector<16xf32>
          %add3A_241 = arith.constant 0 : i32
          %add3A_242 = arith.addi %add3A_196, %add3A_241 : i32
          %get3A_243 = arith.index_cast %add3A_242 : i32 to index
          %get3A_244 = arith.constant 32 : index
          %get3A_245 = tpu.vector_load %arg11[%get3A_243, %get3A_244] {strides = array<i32>} : memref<128x128xf32, #tpu.memory_space<vmem>>, vector<1x16xf32>,
          %get3A_246 = vector.shape_cast %get3A_245 : vector<1x16xf32> to vector<16xf32>
          %add3A_247 = arith.addf %get3A_240, %get3A_246 : vector<16xf32>
          %add3A_248 = arith.constant 0 : i32
          %add3A_249 = arith.addi %add3A_196, %add3A_248 : i32
          %swap3A_250 = arith.index_cast %add3A_249 : i32 to index
          %swap3A_251 = arith.constant 32 : index
          %swap3A_252 = tpu.vector_load %arg10[%swap3A_250, %swap3A_251] {strides = array<i32>} : memref<128x128xf32, #tpu.memory_space<vmem>>, vector<1x16xf32>,
          %swap3A_253 = vector.shape_cast %swap3A_252 : vector<1x16xf32> to vector<16xf32>
          %swap3A_254 = vector.shape_cast %add3A_247 : vector<16xf32> to vector<1x16xf32>
          tpu.vector_store %arg10[%swap3A_250, %swap3A_251], %swap3A_254 {strides = array<i32>} : memref<128x128xf32, #tpu.memory_space<vmem>>, vector<1x16xf32>,
          %add3A_255 = arith.constant 0 : i32
          %add3A_256 = arith.addi %add3A_196, %add3A_255 : i32
          %get3A_257 = arith.index_cast %add3A_256 : i32 to index
          %get3A_258 = arith.constant 48 : index
          %get3A_259 = tpu.vector_load %arg10[%get3A_257, %get3A_258] {strides = array<i32>} : memref<128x128xf32, #tpu.memory_space<vmem>>, vector<1x16xf32>,
          %get3A_260 = vector.shape_cast %get3A_259 : vector<1x16xf32> to vector<16xf32>
          %add3A_261 = arith.constant 0 : i32
          %add3A_262 = arith.addi %add3A_196, %add3A_261 : i32
          %get3A_263 = arith.index_cast %add3A_262 : i32 to index
          %get3A_264 = arith.constant 48 : index
          %get3A_265 = tpu.vector_load %arg11[%get3A_263, %get3A_264] {strides = array<i32>} : memref<128x128xf32, #tpu.memory_space<vmem>>, vector<1x16xf32>,
          %get3A_266 = vector.shape_cast %get3A_265 : vector<1x16xf32> to vector<16xf32>
          %add3A_267 = arith.addf %get3A_260, %get3A_266 : vector<16xf32>
          %add3A_268 = arith.constant 0 : i32
          %add3A_269 = arith.addi %add3A_196, %add3A_268 : i32
          %swap3A_270 = arith.index_cast %add3A_269 : i32 to index
          %swap3A_271 = arith.constant 48 : index
          %swap3A_272 = tpu.vector_load %arg10[%swap3A_270, %swap3A_271] {strides = array<i32>} : memref<128x128xf32, #tpu.memory_space<vmem>>, vector<1x16xf32>,
          %swap3A_273 = vector.shape_cast %swap3A_272 : vector<1x16xf32> to vector<16xf32>
          %swap3A_274 = vector.shape_cast %add3A_267 : vector<16xf32> to vector<1x16xf32>
          tpu.vector_store %arg10[%swap3A_270, %swap3A_271], %swap3A_274 {strides = array<i32>} : memref<128x128xf32, #tpu.memory_space<vmem>>, vector<1x16xf32>,
          %add3A_275 = arith.constant 0 : i32
          %add3A_276 = arith.addi %add3A_196, %add3A_275 : i32
          %get3A_277 = arith.index_cast %add3A_276 : i32 to index
          %get3A_278 = arith.constant 64 : index
          %get3A_279 = tpu.vector_load %arg10[%get3A_277, %get3A_278] {strides = array<i32>} : memref<128x128xf32, #tpu.memory_space<vmem>>, vector<1x16xf32>,
          %get3A_280 = vector.shape_cast %get3A_279 : vector<1x16xf32> to vector<16xf32>
          %add3A_281 = arith.constant 0 : i32
          %add3A_282 = arith.addi %add3A_196, %add3A_281 : i32
          %get3A_283 = arith.index_cast %add3A_282 : i32 to index
          %get3A_284 = arith.constant 64 : index
          %get3A_285 = tpu.vector_load %arg11[%get3A_283, %get3A_284] {strides = array<i32>} : memref<128x128xf32, #tpu.memory_space<vmem>>, vector<1x16xf32>,
          %get3A_286 = vector.shape_cast %get3A_285 : vector<1x16xf32> to vector<16xf32>
          %add3A_287 = arith.addf %get3A_280, %get3A_286 : vector<16xf32>
          %add3A_288 = arith.constant 0 : i32
          %add3A_289 = arith.addi %add3A_196, %add3A_288 : i32
          %swap3A_290 = arith.index_cast %add3A_289 : i32 to index
          %swap3A_291 = arith.constant 64 : index
          %swap3A_292 = tpu.vector_load %arg10[%swap3A_290, %swap3A_291] {strides = array<i32>} : memref<128x128xf32, #tpu.memory_space<vmem>>, vector<1x16xf32>,
          %swap3A_293 = vector.shape_cast %swap3A_292 : vector<1x16xf32> to vector<16xf32>
          %swap3A_294 = vector.shape_cast %add3A_287 : vector<16xf32> to vector<1x16xf32>
          tpu.vector_store %arg10[%swap3A_290, %swap3A_291], %swap3A_294 {strides = array<i32>} : memref<128x128xf32, #tpu.memory_space<vmem>>, vector<1x16xf32>,
          %add3A_295 = arith.constant 0 : i32
          %add3A_296 = arith.addi %add3A_196, %add3A_295 : i32
          %get3A_297 = arith.index_cast %add3A_296 : i32 to index
          %get3A_298 = arith.constant 80 : index
          %get3A_299 = tpu.vector_load %arg10[%get3A_297, %get3A_298] {strides = array<i32>} : memref<128x128xf32, #tpu.memory_space<vmem>>, vector<1x16xf32>,
          %get3A_300 = vector.shape_cast %get3A_299 : vector<1x16xf32> to vector<16xf32>
          %add3A_301 = arith.constant 0 : i32
          %add3A_302 = arith.addi %add3A_196, %add3A_301 : i32
          %get3A_303 = arith.index_cast %add3A_302 : i32 to index
          %get3A_304 = arith.constant 80 : index
          %get3A_305 = tpu.vector_load %arg11[%get3A_303, %get3A_304] {strides = array<i32>} : memref<128x128xf32, #tpu.memory_space<vmem>>, vector<1x16xf32>,
          %get3A_306 = vector.shape_cast %get3A_305 : vector<1x16xf32> to vector<16xf32>
          %add3A_307 = arith.addf %get3A_300, %get3A_306 : vector<16xf32>
          %add3A_308 = arith.constant 0 : i32
          %add3A_309 = arith.addi %add3A_196, %add3A_308 : i32
          %swap3A_310 = arith.index_cast %add3A_309 : i32 to index
          %swap3A_311 = arith.constant 80 : index
          %swap3A_312 = tpu.vector_load %arg10[%swap3A_310, %swap3A_311] {strides = array<i32>} : memref<128x128xf32, #tpu.memory_space<vmem>>, vector<1x16xf32>,
          %swap3A_313 = vector.shape_cast %swap3A_312 : vector<1x16xf32> to vector<16xf32>
          %swap3A_314 = vector.shape_cast %add3A_307 : vector<16xf32> to vector<1x16xf32>
          tpu.vector_store %arg10[%swap3A_310, %swap3A_311], %swap3A_314 {strides = array<i32>} : memref<128x128xf32, #tpu.memory_space<vmem>>, vector<1x16xf32>,
          %add3A_315 = arith.constant 0 : i32
          %add3A_316 = arith.addi %add3A_196, %add3A_315 : i32
          %get3A_317 = arith.index_cast %add3A_316 : i32 to index
          %get3A_318 = arith.constant 96 : index
          %get3A_319 = tpu.vector_load %arg10[%get3A_317, %get3A_318] {strides = array<i32>} : memref<128x128xf32, #tpu.memory_space<vmem>>, vector<1x16xf32>,
          %get3A_320 = vector.shape_cast %get3A_319 : vector<1x16xf32> to vector<16xf32>
          %add3A_321 = arith.constant 0 : i32
          %add3A_322 = arith.addi %add3A_196, %add3A_321 : i32
          %get3A_323 = arith.index_cast %add3A_322 : i32 to index
          %get3A_324 = arith.constant 96 : index
          %get3A_325 = tpu.vector_load %arg11[%get3A_323, %get3A_324] {strides = array<i32>} : memref<128x128xf32, #tpu.memory_space<vmem>>, vector<1x16xf32>,
          %get3A_326 = vector.shape_cast %get3A_325 : vector<1x16xf32> to vector<16xf32>
          %add3A_327 = arith.addf %get3A_320, %get3A_326 : vector<16xf32>
          %add3A_328 = arith.constant 0 : i32
          %add3A_329 = arith.addi %add3A_196, %add3A_328 : i32
          %swap3A_330 = arith.index_cast %add3A_329 : i32 to index
          %swap3A_331 = arith.constant 96 : index
          %swap3A_332 = tpu.vector_load %arg10[%swap3A_330, %swap3A_331] {strides = array<i32>} : memref<128x128xf32, #tpu.memory_space<vmem>>, vector<1x16xf32>,
          %swap3A_333 = vector.shape_cast %swap3A_332 : vector<1x16xf32> to vector<16xf32>
          %swap3A_334 = vector.shape_cast %add3A_327 : vector<16xf32> to vector<1x16xf32>
          tpu.vector_store %arg10[%swap3A_330, %swap3A_331], %swap3A_334 {strides = array<i32>} : memref<128x128xf32, #tpu.memory_space<vmem>>, vector<1x16xf32>,
          %add3A_335 = arith.constant 0 : i32
          %add3A_336 = arith.addi %add3A_196, %add3A_335 : i32
          %get3A_337 = arith.index_cast %add3A_336 : i32 to index
          %get3A_338 = arith.constant 112 : index
          %get3A_339 = tpu.vector_load %arg10[%get3A_337, %get3A_338] {strides = array<i32>} : memref<128x128xf32, #tpu.memory_space<vmem>>, vector<1x16xf32>,
          %get3A_340 = vector.shape_cast %get3A_339 : vector<1x16xf32> to vector<16xf32>
          %add3A_341 = arith.constant 0 : i32
          %add3A_342 = arith.addi %add3A_196, %add3A_341 : i32
          %get3A_343 = arith.index_cast %add3A_342 : i32 to index
          %get3A_344 = arith.constant 112 : index
          %get3A_345 = tpu.vector_load %arg11[%get3A_343, %get3A_344] {strides = array<i32>} : memref<128x128xf32, #tpu.memory_space<vmem>>, vector<1x16xf32>,
          %get3A_346 = vector.shape_cast %get3A_345 : vector<1x16xf32> to vector<16xf32>
          %add3A_347 = arith.addf %get3A_340, %get3A_346 : vector<16xf32>
          %add3A_348 = arith.constant 0 : i32
          %add3A_349 = arith.addi %add3A_196, %add3A_348 : i32
          %swap3A_350 = arith.index_cast %add3A_349 : i32 to index
          %swap3A_351 = arith.constant 112 : index
          %swap3A_352 = tpu.vector_load %arg10[%swap3A_350, %swap3A_351] {strides = array<i32>} : memref<128x128xf32, #tpu.memory_space<vmem>>, vector<1x16xf32>,
          %swap3A_353 = vector.shape_cast %swap3A_352 : vector<1x16xf32> to vector<16xf32>
          %swap3A_354 = vector.shape_cast %add3A_347 : vector<16xf32> to vector<1x16xf32>
          tpu.vector_store %arg10[%swap3A_350, %swap3A_351], %swap3A_354 {strides = array<i32>} : memref<128x128xf32, #tpu.memory_space<vmem>>, vector<1x16xf32>,
          %add3A_355 = arith.constant 1 : i32
          %add3A_356 = arith.addi %add3A_196, %add3A_355 : i32
          %get3A_357 = arith.index_cast %add3A_356 : i32 to index
          %get3A_358 = arith.constant 0 : index
          %get3A_359 = tpu.vector_load %arg10[%get3A_357, %get3A_358] {strides = array<i32>} : memref<128x128xf32, #tpu.memory_space<vmem>>, vector<1x16xf32>,
          %get3A_360 = vector.shape_cast %get3A_359 : vector<1x16xf32> to vector<16xf32>
          %add3A_361 = arith.constant 1 : i32
          %add3A_362 = arith.addi %add3A_196, %add3A_361 : i32
          %get3A_363 = arith.index_cast %add3A_362 : i32 to index
          %get3A_364 = arith.constant 0 : index
          %get3A_365 = tpu.vector_load %arg11[%get3A_363, %get3A_364] {strides = array<i32>} : memref<128x128xf32, #tpu.memory_space<vmem>>, vector<1x16xf32>,
          %get3A_366 = vector.shape_cast %get3A_365 : vector<1x16xf32> to vector<16xf32>
          %add3A_367 = arith.addf %get3A_360, %get3A_366 : vector<16xf32>
          %add3A_368 = arith.constant 1 : i32
          %add3A_369 = arith.addi %add3A_196, %add3A_368 : i32
          %swap3A_370 = arith.index_cast %add3A_369 : i32 to index
          %swap3A_371 = arith.constant 0 : index
          %swap3A_372 = tpu.vector_load %arg10[%swap3A_370, %swap3A_371] {strides = array<i32>} : memref<128x128xf32, #tpu.memory_space<vmem>>, vector<1x16xf32>,
          %swap3A_373 = vector.shape_cast %swap3A_372 : vector<1x16xf32> to vector<16xf32>
          %swap3A_374 = vector.shape_cast %add3A_367 : vector<16xf32> to vector<1x16xf32>
          tpu.vector_store %arg10[%swap3A_370, %swap3A_371], %swap3A_374 {strides = array<i32>} : memref<128x128xf32, #tpu.memory_space<vmem>>, vector<1x16xf32>,
          %add3A_375 = arith.constant 1 : i32
          %add3A_376 = arith.addi %add3A_196, %add3A_375 : i32
          %get3A_377 = arith.index_cast %add3A_376 : i32 to index
          %get3A_378 = arith.constant 16 : index
          %get3A_379 = tpu.vector_load %arg10[%get3A_377, %get3A_378] {strides = array<i32>} : memref<128x128xf32, #tpu.memory_space<vmem>>, vector<1x16xf32>,
          %get3A_380 = vector.shape_cast %get3A_379 : vector<1x16xf32> to vector<16xf32>
          %add3A_381 = arith.constant 1 : i32
          %add3A_382 = arith.addi %add3A_196, %add3A_381 : i32
          %get3A_383 = arith.index_cast %add3A_382 : i32 to index
          %get3A_384 = arith.constant 16 : index
          %get3A_385 = tpu.vector_load %arg11[%get3A_383, %get3A_384] {strides = array<i32>} : memref<128x128xf32, #tpu.memory_space<vmem>>, vector<1x16xf32>,
          %get3A_386 = vector.shape_cast %get3A_385 : vector<1x16xf32> to vector<16xf32>
          %add3A_387 = arith.addf %get3A_380, %get3A_386 : vector<16xf32>
          %add3A_388 = arith.constant 1 : i32
          %add3A_389 = arith.addi %add3A_196, %add3A_388 : i32
          %swap3A_390 = arith.index_cast %add3A_389 : i32 to index
          %swap3A_391 = arith.constant 16 : index
          %swap3A_392 = tpu.vector_load %arg10[%swap3A_390, %swap3A_391] {strides = array<i32>} : memref<128x128xf32, #tpu.memory_space<vmem>>, vector<1x16xf32>,
          %swap3A_393 = vector.shape_cast %swap3A_392 : vector<1x16xf32> to vector<16xf32>
          %swap3A_394 = vector.shape_cast %add3A_387 : vector<16xf32> to vector<1x16xf32>
          tpu.vector_store %arg10[%swap3A_390, %swap3A_391], %swap3A_394 {strides = array<i32>} : memref<128x128xf32, #tpu.memory_space<vmem>>, vector<1x16xf32>,
          %add3A_395 = arith.constant 1 : i32
          %add3A_396 = arith.addi %add3A_196, %add3A_395 : i32
          %get3A_397 = arith.index_cast %add3A_396 : i32 to index
          %get3A_398 = arith.constant 32 : index
          %get3A_399 = tpu.vector_load %arg10[%get3A_397, %get3A_398] {strides = array<i32>} : memref<128x128xf32, #tpu.memory_space<vmem>>, vector<1x16xf32>,
          %get3A_400 = vector.shape_cast %get3A_399 : vector<1x16xf32> to vector<16xf32>
          %add3A_401 = arith.constant 1 : i32
          %add3A_402 = arith.addi %add3A_196, %add3A_401 : i32
          %get3A_403 = arith.index_cast %add3A_402 : i32 to index
          %get3A_404 = arith.constant 32 : index
          %get3A_405 = tpu.vector_load %arg11[%get3A_403, %get3A_404] {strides = array<i32>} : memref<128x128xf32, #tpu.memory_space<vmem>>, vector<1x16xf32>,
          %get3A_406 = vector.shape_cast %get3A_405 : vector<1x16xf32> to vector<16xf32>
          %add3A_407 = arith.addf %get3A_400, %get3A_406 : vector<16xf32>
          %add3A_408 = arith.constant 1 : i32
          %add3A_409 = arith.addi %add3A_196, %add3A_408 : i32
          %swap3A_410 = arith.index_cast %add3A_409 : i32 to index
          %swap3A_411 = arith.constant 32 : index
          %swap3A_412 = tpu.vector_load %arg10[%swap3A_410, %swap3A_411] {strides = array<i32>} : memref<128x128xf32, #tpu.memory_space<vmem>>, vector<1x16xf32>,
          %swap3A_413 = vector.shape_cast %swap3A_412 : vector<1x16xf32> to vector<16xf32>
          %swap3A_414 = vector.shape_cast %add3A_407 : vector<16xf32> to vector<1x16xf32>
          tpu.vector_store %arg10[%swap3A_410, %swap3A_411], %swap3A_414 {strides = array<i32>} : memref<128x128xf32, #tpu.memory_space<vmem>>, vector<1x16xf32>,
          %add3A_415 = arith.constant 1 : i32
          %add3A_416 = arith.addi %add3A_196, %add3A_415 : i32
          %get3A_417 = arith.index_cast %add3A_416 : i32 to index
          %get3A_418 = arith.constant 48 : index
          %get3A_419 = tpu.vector_load %arg10[%get3A_417, %get3A_418] {strides = array<i32>} : memref<128x128xf32, #tpu.memory_space<vmem>>, vector<1x16xf32>,
          %get3A_420 = vector.shape_cast %get3A_419 : vector<1x16xf32> to vector<16xf32>
          %add3A_421 = arith.constant 1 : i32
          %add3A_422 = arith.addi %add3A_196, %add3A_421 : i32
          %get3A_423 = arith.index_cast %add3A_422 : i32 to index
          %get3A_424 = arith.constant 48 : index
          %get3A_425 = tpu.vector_load %arg11[%get3A_423, %get3A_424] {strides = array<i32>} : memref<128x128xf32, #tpu.memory_space<vmem>>, vector<1x16xf32>,
          %get3A_426 = vector.shape_cast %get3A_425 : vector<1x16xf32> to vector<16xf32>
          %add3A_427 = arith.addf %get3A_420, %get3A_426 : vector<16xf32>
          %add3A_428 = arith.constant 1 : i32
          %add3A_429 = arith.addi %add3A_196, %add3A_428 : i32
          %swap3A_430 = arith.index_cast %add3A_429 : i32 to index
          %swap3A_431 = arith.constant 48 : index
          %swap3A_432 = tpu.vector_load %arg10[%swap3A_430, %swap3A_431] {strides = array<i32>} : memref<128x128xf32, #tpu.memory_space<vmem>>, vector<1x16xf32>,
          %swap3A_433 = vector.shape_cast %swap3A_432 : vector<1x16xf32> to vector<16xf32>
          %swap3A_434 = vector.shape_cast %add3A_427 : vector<16xf32> to vector<1x16xf32>
          tpu.vector_store %arg10[%swap3A_430, %swap3A_431], %swap3A_434 {strides = array<i32>} : memref<128x128xf32, #tpu.memory_space<vmem>>, vector<1x16xf32>,
          %add3A_435 = arith.constant 1 : i32
          %add3A_436 = arith.addi %add3A_196, %add3A_435 : i32
          %get3A_437 = arith.index_cast %add3A_436 : i32 to index
          %get3A_438 = arith.constant 64 : index
          %get3A_439 = tpu.vector_load %arg10[%get3A_437, %get3A_438] {strides = array<i32>} : memref<128x128xf32, #tpu.memory_space<vmem>>, vector<1x16xf32>,
          %get3A_440 = vector.shape_cast %get3A_439 : vector<1x16xf32> to vector<16xf32>
          %add3A_441 = arith.constant 1 : i32
          %add3A_442 = arith.addi %add3A_196, %add3A_441 : i32
          %get3A_443 = arith.index_cast %add3A_442 : i32 to index
          %get3A_444 = arith.constant 64 : index
          %get3A_445 = tpu.vector_load %arg11[%get3A_443, %get3A_444] {strides = array<i32>} : memref<128x128xf32, #tpu.memory_space<vmem>>, vector<1x16xf32>,
          %get3A_446 = vector.shape_cast %get3A_445 : vector<1x16xf32> to vector<16xf32>
          %add3A_447 = arith.addf %get3A_440, %get3A_446 : vector<16xf32>
          %add3A_448 = arith.constant 1 : i32
          %add3A_449 = arith.addi %add3A_196, %add3A_448 : i32
          %swap3A_450 = arith.index_cast %add3A_449 : i32 to index
          %swap3A_451 = arith.constant 64 : index
          %swap3A_452 = tpu.vector_load %arg10[%swap3A_450, %swap3A_451] {strides = array<i32>} : memref<128x128xf32, #tpu.memory_space<vmem>>, vector<1x16xf32>,
          %swap3A_453 = vector.shape_cast %swap3A_452 : vector<1x16xf32> to vector<16xf32>
          %swap3A_454 = vector.shape_cast %add3A_447 : vector<16xf32> to vector<1x16xf32>
          tpu.vector_store %arg10[%swap3A_450, %swap3A_451], %swap3A_454 {strides = array<i32>} : memref<128x128xf32, #tpu.memory_space<vmem>>, vector<1x16xf32>,
          %add3A_455 = arith.constant 1 : i32
          %add3A_456 = arith.addi %add3A_196, %add3A_455 : i32
          %get3A_457 = arith.index_cast %add3A_456 : i32 to index
          %get3A_458 = arith.constant 80 : index
          %get3A_459 = tpu.vector_load %arg10[%get3A_457, %get3A_458] {strides = array<i32>} : memref<128x128xf32, #tpu.memory_space<vmem>>, vector<1x16xf32>,
          %get3A_460 = vector.shape_cast %get3A_459 : vector<1x16xf32> to vector<16xf32>
          %add3A_461 = arith.constant 1 : i32
          %add3A_462 = arith.addi %add3A_196, %add3A_461 : i32
          %get3A_463 = arith.index_cast %add3A_462 : i32 to index
          %get3A_464 = arith.constant 80 : index
          %get3A_465 = tpu.vector_load %arg11[%get3A_463, %get3A_464] {strides = array<i32>} : memref<128x128xf32, #tpu.memory_space<vmem>>, vector<1x16xf32>,
          %get3A_466 = vector.shape_cast %get3A_465 : vector<1x16xf32> to vector<16xf32>
          %add3A_467 = arith.addf %get3A_460, %get3A_466 : vector<16xf32>
          %add3A_468 = arith.constant 1 : i32
          %add3A_469 = arith.addi %add3A_196, %add3A_468 : i32
          %swap3A_470 = arith.index_cast %add3A_469 : i32 to index
          %swap3A_471 = arith.constant 80 : index
          %swap3A_472 = tpu.vector_load %arg10[%swap3A_470, %swap3A_471] {strides = array<i32>} : memref<128x128xf32, #tpu.memory_space<vmem>>, vector<1x16xf32>,
          %swap3A_473 = vector.shape_cast %swap3A_472 : vector<1x16xf32> to vector<16xf32>
          %swap3A_474 = vector.shape_cast %add3A_467 : vector<16xf32> to vector<1x16xf32>
          tpu.vector_store %arg10[%swap3A_470, %swap3A_471], %swap3A_474 {strides = array<i32>} : memref<128x128xf32, #tpu.memory_space<vmem>>, vector<1x16xf32>,
          %add3A_475 = arith.constant 1 : i32
          %add3A_476 = arith.addi %add3A_196, %add3A_475 : i32
          %get3A_477 = arith.index_cast %add3A_476 : i32 to index
          %get3A_478 = arith.constant 96 : index
          %get3A_479 = tpu.vector_load %arg10[%get3A_477, %get3A_478] {strides = array<i32>} : memref<128x128xf32, #tpu.memory_space<vmem>>, vector<1x16xf32>,
          %get3A_480 = vector.shape_cast %get3A_479 : vector<1x16xf32> to vector<16xf32>
          %add3A_481 = arith.constant 1 : i32
          %add3A_482 = arith.addi %add3A_196, %add3A_481 : i32
          %get3A_483 = arith.index_cast %add3A_482 : i32 to index
          %get3A_484 = arith.constant 96 : index
          %get3A_485 = tpu.vector_load %arg11[%get3A_483, %get3A_484] {strides = array<i32>} : memref<128x128xf32, #tpu.memory_space<vmem>>, vector<1x16xf32>,
          %get3A_486 = vector.shape_cast %get3A_485 : vector<1x16xf32> to vector<16xf32>
          %add3A_487 = arith.addf %get3A_480, %get3A_486 : vector<16xf32>
          %add3A_488 = arith.constant 1 : i32
          %add3A_489 = arith.addi %add3A_196, %add3A_488 : i32
          %swap3A_490 = arith.index_cast %add3A_489 : i32 to index
          %swap3A_491 = arith.constant 96 : index
          %swap3A_492 = tpu.vector_load %arg10[%swap3A_490, %swap3A_491] {strides = array<i32>} : memref<128x128xf32, #tpu.memory_space<vmem>>, vector<1x16xf32>,
          %swap3A_493 = vector.shape_cast %swap3A_492 : vector<1x16xf32> to vector<16xf32>
          %swap3A_494 = vector.shape_cast %add3A_487 : vector<16xf32> to vector<1x16xf32>
          tpu.vector_store %arg10[%swap3A_490, %swap3A_491], %swap3A_494 {strides = array<i32>} : memref<128x128xf32, #tpu.memory_space<vmem>>, vector<1x16xf32>,
          %add3A_495 = arith.constant 1 : i32
          %add3A_496 = arith.addi %add3A_196, %add3A_495 : i32
          %get3A_497 = arith.index_cast %add3A_496 : i32 to index
          %get3A_498 = arith.constant 112 : index
          %get3A_499 = tpu.vector_load %arg10[%get3A_497, %get3A_498] {strides = array<i32>} : memref<128x128xf32, #tpu.memory_space<vmem>>, vector<1x16xf32>,
          %get3A_500 = vector.shape_cast %get3A_499 : vector<1x16xf32> to vector<16xf32>
          %add3A_501 = arith.constant 1 : i32
          %add3A_502 = arith.addi %add3A_196, %add3A_501 : i32
          %get3A_503 = arith.index_cast %add3A_502 : i32 to index
          %get3A_504 = arith.constant 112 : index
          %get3A_505 = tpu.vector_load %arg11[%get3A_503, %get3A_504] {strides = array<i32>} : memref<128x128xf32, #tpu.memory_space<vmem>>, vector<1x16xf32>,
          %get3A_506 = vector.shape_cast %get3A_505 : vector<1x16xf32> to vector<16xf32>
          %add3A_507 = arith.addf %get3A_500, %get3A_506 : vector<16xf32>
          %add3A_508 = arith.constant 1 : i32
          %add3A_509 = arith.addi %add3A_196, %add3A_508 : i32
          %swap3A_510 = arith.index_cast %add3A_509 : i32 to index
          %swap3A_511 = arith.constant 112 : index
          %swap3A_512 = tpu.vector_load %arg10[%swap3A_510, %swap3A_511] {strides = array<i32>} : memref<128x128xf32, #tpu.memory_space<vmem>>, vector<1x16xf32>,
          %swap3A_513 = vector.shape_cast %swap3A_512 : vector<1x16xf32> to vector<16xf32>
          %swap3A_514 = vector.shape_cast %add3A_507 : vector<16xf32> to vector<1x16xf32>
          tpu.vector_store %arg10[%swap3A_510, %swap3A_511], %swap3A_514 {strides = array<i32>} : memref<128x128xf32, #tpu.memory_space<vmem>>, vector<1x16xf32>,
          %add3A_515 = arith.constant 2 : i32
          %add3A_516 = arith.addi %add3A_196, %add3A_515 : i32
          %get3A_517 = arith.index_cast %add3A_516 : i32 to index
          %get3A_518 = arith.constant 0 : index
          %get3A_519 = tpu.vector_load %arg10[%get3A_517, %get3A_518] {strides = array<i32>} : memref<128x128xf32, #tpu.memory_space<vmem>>, vector<1x16xf32>,
          %get3A_520 = vector.shape_cast %get3A_519 : vector<1x16xf32> to vector<16xf32>
          %add3A_521 = arith.constant 2 : i32
          %add3A_522 = arith.addi %add3A_196, %add3A_521 : i32
          %get3A_523 = arith.index_cast %add3A_522 : i32 to index
          %get3A_524 = arith.constant 0 : index
          %get3A_525 = tpu.vector_load %arg11[%get3A_523, %get3A_524] {strides = array<i32>} : memref<128x128xf32, #tpu.memory_space<vmem>>, vector<1x16xf32>,
          %get3A_526 = vector.shape_cast %get3A_525 : vector<1x16xf32> to vector<16xf32>
          %add3A_527 = arith.addf %get3A_520, %get3A_526 : vector<16xf32>
          %add3A_528 = arith.constant 2 : i32
          %add3A_529 = arith.addi %add3A_196, %add3A_528 : i32
          %swap3A_530 = arith.index_cast %add3A_529 : i32 to index
          %swap3A_531 = arith.constant 0 : index
          %swap3A_532 = tpu.vector_load %arg10[%swap3A_530, %swap3A_531] {strides = array<i32>} : memref<128x128xf32, #tpu.memory_space<vmem>>, vector<1x16xf32>,
          %swap3A_533 = vector.shape_cast %swap3A_532 : vector<1x16xf32> to vector<16xf32>
          %swap3A_534 = vector.shape_cast %add3A_527 : vector<16xf32> to vector<1x16xf32>
          tpu.vector_store %arg10[%swap3A_530, %swap3A_531], %swap3A_534 {strides = array<i32>} : memref<128x128xf32, #tpu.memory_space<vmem>>, vector<1x16xf32>,
          %add3A_535 = arith.constant 2 : i32
          %add3A_536 = arith.addi %add3A_196, %add3A_535 : i32
          %get3A_537 = arith.index_cast %add3A_536 : i32 to index
          %get3A_538 = arith.constant 16 : index
          %get3A_539 = tpu.vector_load %arg10[%get3A_537, %get3A_538] {strides = array<i32>} : memref<128x128xf32, #tpu.memory_space<vmem>>, vector<1x16xf32>,
          %get3A_540 = vector.shape_cast %get3A_539 : vector<1x16xf32> to vector<16xf32>
          %add3A_541 = arith.constant 2 : i32
          %add3A_542 = arith.addi %add3A_196, %add3A_541 : i32
          %get3A_543 = arith.index_cast %add3A_542 : i32 to index
          %get3A_544 = arith.constant 16 : index
          %get3A_545 = tpu.vector_load %arg11[%get3A_543, %get3A_544] {strides = array<i32>} : memref<128x128xf32, #tpu.memory_space<vmem>>, vector<1x16xf32>,
          %get3A_546 = vector.shape_cast %get3A_545 : vector<1x16xf32> to vector<16xf32>
          %add3A_547 = arith.addf %get3A_540, %get3A_546 : vector<16xf32>
          %add3A_548 = arith.constant 2 : i32
          %add3A_549 = arith.addi %add3A_196, %add3A_548 : i32
          %swap3A_550 = arith.index_cast %add3A_549 : i32 to index
          %swap3A_551 = arith.constant 16 : index
          %swap3A_552 = tpu.vector_load %arg10[%swap3A_550, %swap3A_551] {strides = array<i32>} : memref<128x128xf32, #tpu.memory_space<vmem>>, vector<1x16xf32>,
          %swap3A_553 = vector.shape_cast %swap3A_552 : vector<1x16xf32> to vector<16xf32>
          %swap3A_554 = vector.shape_cast %add3A_547 : vector<16xf32> to vector<1x16xf32>
          tpu.vector_store %arg10[%swap3A_550, %swap3A_551], %swap3A_554 {strides = array<i32>} : memref<128x128xf32, #tpu.memory_space<vmem>>, vector<1x16xf32>,
          %add3A_555 = arith.constant 2 : i32
          %add3A_556 = arith.addi %add3A_196, %add3A_555 : i32
          %get3A_557 = arith.index_cast %add3A_556 : i32 to index
          %get3A_558 = arith.constant 32 : index
          %get3A_559 = tpu.vector_load %arg10[%get3A_557, %get3A_558] {strides = array<i32>} : memref<128x128xf32, #tpu.memory_space<vmem>>, vector<1x16xf32>,
          %get3A_560 = vector.shape_cast %get3A_559 : vector<1x16xf32> to vector<16xf32>
          %add3A_561 = arith.constant 2 : i32
          %add3A_562 = arith.addi %add3A_196, %add3A_561 : i32
          %get3A_563 = arith.index_cast %add3A_562 : i32 to index
          %get3A_564 = arith.constant 32 : index
          %get3A_565 = tpu.vector_load %arg11[%get3A_563, %get3A_564] {strides = array<i32>} : memref<128x128xf32, #tpu.memory_space<vmem>>, vector<1x16xf32>,
          %get3A_566 = vector.shape_cast %get3A_565 : vector<1x16xf32> to vector<16xf32>
          %add3A_567 = arith.addf %get3A_560, %get3A_566 : vector<16xf32>
          %add3A_568 = arith.constant 2 : i32
          %add3A_569 = arith.addi %add3A_196, %add3A_568 : i32
          %swap3A_570 = arith.index_cast %add3A_569 : i32 to index
          %swap3A_571 = arith.constant 32 : index
          %swap3A_572 = tpu.vector_load %arg10[%swap3A_570, %swap3A_571] {strides = array<i32>} : memref<128x128xf32, #tpu.memory_space<vmem>>, vector<1x16xf32>,
          %swap3A_573 = vector.shape_cast %swap3A_572 : vector<1x16xf32> to vector<16xf32>
          %swap3A_574 = vector.shape_cast %add3A_567 : vector<16xf32> to vector<1x16xf32>
          tpu.vector_store %arg10[%swap3A_570, %swap3A_571], %swap3A_574 {strides = array<i32>} : memref<128x128xf32, #tpu.memory_space<vmem>>, vector<1x16xf32>,
          %add3A_575 = arith.constant 2 : i32
          %add3A_576 = arith.addi %add3A_196, %add3A_575 : i32
          %get3A_577 = arith.index_cast %add3A_576 : i32 to index
          %get3A_578 = arith.constant 48 : index
          %get3A_579 = tpu.vector_load %arg10[%get3A_577, %get3A_578] {strides = array<i32>} : memref<128x128xf32, #tpu.memory_space<vmem>>, vector<1x16xf32>,
          %get3A_580 = vector.shape_cast %get3A_579 : vector<1x16xf32> to vector<16xf32>
          %add3A_581 = arith.constant 2 : i32
          %add3A_582 = arith.addi %add3A_196, %add3A_581 : i32
          %get3A_583 = arith.index_cast %add3A_582 : i32 to index
          %get3A_584 = arith.constant 48 : index
          %get3A_585 = tpu.vector_load %arg11[%get3A_583, %get3A_584] {strides = array<i32>} : memref<128x128xf32, #tpu.memory_space<vmem>>, vector<1x16xf32>,
          %get3A_586 = vector.shape_cast %get3A_585 : vector<1x16xf32> to vector<16xf32>
          %add3A_587 = arith.addf %get3A_580, %get3A_586 : vector<16xf32>
          %add3A_588 = arith.constant 2 : i32
          %add3A_589 = arith.addi %add3A_196, %add3A_588 : i32
          %swap3A_590 = arith.index_cast %add3A_589 : i32 to index
          %swap3A_591 = arith.constant 48 : index
          %swap3A_592 = tpu.vector_load %arg10[%swap3A_590, %swap3A_591] {strides = array<i32>} : memref<128x128xf32, #tpu.memory_space<vmem>>, vector<1x16xf32>,
          %swap3A_593 = vector.shape_cast %swap3A_592 : vector<1x16xf32> to vector<16xf32>
          %swap3A_594 = vector.shape_cast %add3A_587 : vector<16xf32> to vector<1x16xf32>
          tpu.vector_store %arg10[%swap3A_590, %swap3A_591], %swap3A_594 {strides = array<i32>} : memref<128x128xf32, #tpu.memory_space<vmem>>, vector<1x16xf32>,
          %add3A_595 = arith.constant 2 : i32
          %add3A_596 = arith.addi %add3A_196, %add3A_595 : i32
          %get3A_597 = arith.index_cast %add3A_596 : i32 to index
          %get3A_598 = arith.constant 64 : index
          %get3A_599 = tpu.vector_load %arg10[%get3A_597, %get3A_598] {strides = array<i32>} : memref<128x128xf32, #tpu.memory_space<vmem>>, vector<1x16xf32>,
          %get3A_600 = vector.shape_cast %get3A_599 : vector<1x16xf32> to vector<16xf32>
          %add3A_601 = arith.constant 2 : i32
          %add3A_602 = arith.addi %add3A_196, %add3A_601 : i32
          %get3A_603 = arith.index_cast %add3A_602 : i32 to index
          %get3A_604 = arith.constant 64 : index
          %get3A_605 = tpu.vector_load %arg11[%get3A_603, %get3A_604] {strides = array<i32>} : memref<128x128xf32, #tpu.memory_space<vmem>>, vector<1x16xf32>,
          %get3A_606 = vector.shape_cast %get3A_605 : vector<1x16xf32> to vector<16xf32>
          %add3A_607 = arith.addf %get3A_600, %get3A_606 : vector<16xf32>
          %add3A_608 = arith.constant 2 : i32
          %add3A_609 = arith.addi %add3A_196, %add3A_608 : i32
          %swap3A_610 = arith.index_cast %add3A_609 : i32 to index
          %swap3A_611 = arith.constant 64 : index
          %swap3A_612 = tpu.vector_load %arg10[%swap3A_610, %swap3A_611] {strides = array<i32>} : memref<128x128xf32, #tpu.memory_space<vmem>>, vector<1x16xf32>,
          %swap3A_613 = vector.shape_cast %swap3A_612 : vector<1x16xf32> to vector<16xf32>
          %swap3A_614 = vector.shape_cast %add3A_607 : vector<16xf32> to vector<1x16xf32>
          tpu.vector_store %arg10[%swap3A_610, %swap3A_611], %swap3A_614 {strides = array<i32>} : memref<128x128xf32, #tpu.memory_space<vmem>>, vector<1x16xf32>,
          %add3A_615 = arith.constant 2 : i32
          %add3A_616 = arith.addi %add3A_196, %add3A_615 : i32
          %get3A_617 = arith.index_cast %add3A_616 : i32 to index
          %get3A_618 = arith.constant 80 : index
          %get3A_619 = tpu.vector_load %arg10[%get3A_617, %get3A_618] {strides = array<i32>} : memref<128x128xf32, #tpu.memory_space<vmem>>, vector<1x16xf32>,
          %get3A_620 = vector.shape_cast %get3A_619 : vector<1x16xf32> to vector<16xf32>
          %add3A_621 = arith.constant 2 : i32
          %add3A_622 = arith.addi %add3A_196, %add3A_621 : i32
          %get3A_623 = arith.index_cast %add3A_622 : i32 to index
          %get3A_624 = arith.constant 80 : index
          %get3A_625 = tpu.vector_load %arg11[%get3A_623, %get3A_624] {strides = array<i32>} : memref<128x128xf32, #tpu.memory_space<vmem>>, vector<1x16xf32>,
          %get3A_626 = vector.shape_cast %get3A_625 : vector<1x16xf32> to vector<16xf32>
          %add3A_627 = arith.addf %get3A_620, %get3A_626 : vector<16xf32>
          %add3A_628 = arith.constant 2 : i32
          %add3A_629 = arith.addi %add3A_196, %add3A_628 : i32
          %swap3A_630 = arith.index_cast %add3A_629 : i32 to index
          %swap3A_631 = arith.constant 80 : index
          %swap3A_632 = tpu.vector_load %arg10[%swap3A_630, %swap3A_631] {strides = array<i32>} : memref<128x128xf32, #tpu.memory_space<vmem>>, vector<1x16xf32>,
          %swap3A_633 = vector.shape_cast %swap3A_632 : vector<1x16xf32> to vector<16xf32>
          %swap3A_634 = vector.shape_cast %add3A_627 : vector<16xf32> to vector<1x16xf32>
          tpu.vector_store %arg10[%swap3A_630, %swap3A_631], %swap3A_634 {strides = array<i32>} : memref<128x128xf32, #tpu.memory_space<vmem>>, vector<1x16xf32>,
          %add3A_635 = arith.constant 2 : i32
          %add3A_636 = arith.addi %add3A_196, %add3A_635 : i32
          %get3A_637 = arith.index_cast %add3A_636 : i32 to index
          %get3A_638 = arith.constant 96 : index
          %get3A_639 = tpu.vector_load %arg10[%get3A_637, %get3A_638] {strides = array<i32>} : memref<128x128xf32, #tpu.memory_space<vmem>>, vector<1x16xf32>,
          %get3A_640 = vector.shape_cast %get3A_639 : vector<1x16xf32> to vector<16xf32>
          %add3A_641 = arith.constant 2 : i32
          %add3A_642 = arith.addi %add3A_196, %add3A_641 : i32
          %get3A_643 = arith.index_cast %add3A_642 : i32 to index
          %get3A_644 = arith.constant 96 : index
          %get3A_645 = tpu.vector_load %arg11[%get3A_643, %get3A_644] {strides = array<i32>} : memref<128x128xf32, #tpu.memory_space<vmem>>, vector<1x16xf32>,
          %get3A_646 = vector.shape_cast %get3A_645 : vector<1x16xf32> to vector<16xf32>
          %add3A_647 = arith.addf %get3A_640, %get3A_646 : vector<16xf32>
          %add3A_648 = arith.constant 2 : i32
          %add3A_649 = arith.addi %add3A_196, %add3A_648 : i32
          %swap3A_650 = arith.index_cast %add3A_649 : i32 to index
          %swap3A_651 = arith.constant 96 : index
          %swap3A_652 = tpu.vector_load %arg10[%swap3A_650, %swap3A_651] {strides = array<i32>} : memref<128x128xf32, #tpu.memory_space<vmem>>, vector<1x16xf32>,
          %swap3A_653 = vector.shape_cast %swap3A_652 : vector<1x16xf32> to vector<16xf32>
          %swap3A_654 = vector.shape_cast %add3A_647 : vector<16xf32> to vector<1x16xf32>
          tpu.vector_store %arg10[%swap3A_650, %swap3A_651], %swap3A_654 {strides = array<i32>} : memref<128x128xf32, #tpu.memory_space<vmem>>, vector<1x16xf32>,
          %add3A_655 = arith.constant 2 : i32
          %add3A_656 = arith.addi %add3A_196, %add3A_655 : i32
          %get3A_657 = arith.index_cast %add3A_656 : i32 to index
          %get3A_658 = arith.constant 112 : index
          %get3A_659 = tpu.vector_load %arg10[%get3A_657, %get3A_658] {strides = array<i32>} : memref<128x128xf32, #tpu.memory_space<vmem>>, vector<1x16xf32>,
          %get3A_660 = vector.shape_cast %get3A_659 : vector<1x16xf32> to vector<16xf32>
          %add3A_661 = arith.constant 2 : i32
          %add3A_662 = arith.addi %add3A_196, %add3A_661 : i32
          %get3A_663 = arith.index_cast %add3A_662 : i32 to index
          %get3A_664 = arith.constant 112 : index
          %get3A_665 = tpu.vector_load %arg11[%get3A_663, %get3A_664] {strides = array<i32>} : memref<128x128xf32, #tpu.memory_space<vmem>>, vector<1x16xf32>,
          %get3A_666 = vector.shape_cast %get3A_665 : vector<1x16xf32> to vector<16xf32>
          %add3A_667 = arith.addf %get3A_660, %get3A_666 : vector<16xf32>
          %add3A_668 = arith.constant 2 : i32
          %add3A_669 = arith.addi %add3A_196, %add3A_668 : i32
          %swap3A_670 = arith.index_cast %add3A_669 : i32 to index
          %swap3A_671 = arith.constant 112 : index
          %swap3A_672 = tpu.vector_load %arg10[%swap3A_670, %swap3A_671] {strides = array<i32>} : memref<128x128xf32, #tpu.memory_space<vmem>>, vector<1x16xf32>,
          %swap3A_673 = vector.shape_cast %swap3A_672 : vector<1x16xf32> to vector<16xf32>
          %swap3A_674 = vector.shape_cast %add3A_667 : vector<16xf32> to vector<1x16xf32>
          tpu.vector_store %arg10[%swap3A_670, %swap3A_671], %swap3A_674 {strides = array<i32>} : memref<128x128xf32, #tpu.memory_space<vmem>>, vector<1x16xf32>,
          %add3A_675 = arith.constant 3 : i32
          %add3A_676 = arith.addi %add3A_196, %add3A_675 : i32
          %get3A_677 = arith.index_cast %add3A_676 : i32 to index
          %get3A_678 = arith.constant 0 : index
          %get3A_679 = tpu.vector_load %arg10[%get3A_677, %get3A_678] {strides = array<i32>} : memref<128x128xf32, #tpu.memory_space<vmem>>, vector<1x16xf32>,
          %get3A_680 = vector.shape_cast %get3A_679 : vector<1x16xf32> to vector<16xf32>
          %add3A_681 = arith.constant 3 : i32
          %add3A_682 = arith.addi %add3A_196, %add3A_681 : i32
          %get3A_683 = arith.index_cast %add3A_682 : i32 to index
          %get3A_684 = arith.constant 0 : index
          %get3A_685 = tpu.vector_load %arg11[%get3A_683, %get3A_684] {strides = array<i32>} : memref<128x128xf32, #tpu.memory_space<vmem>>, vector<1x16xf32>,
          %get3A_686 = vector.shape_cast %get3A_685 : vector<1x16xf32> to vector<16xf32>
          %add3A_687 = arith.addf %get3A_680, %get3A_686 : vector<16xf32>
          %add3A_688 = arith.constant 3 : i32
          %add3A_689 = arith.addi %add3A_196, %add3A_688 : i32
          %swap3A_690 = arith.index_cast %add3A_689 : i32 to index
          %swap3A_691 = arith.constant 0 : index
          %swap3A_692 = tpu.vector_load %arg10[%swap3A_690, %swap3A_691] {strides = array<i32>} : memref<128x128xf32, #tpu.memory_space<vmem>>, vector<1x16xf32>,
          %swap3A_693 = vector.shape_cast %swap3A_692 : vector<1x16xf32> to vector<16xf32>
          %swap3A_694 = vector.shape_cast %add3A_687 : vector<16xf32> to vector<1x16xf32>
          tpu.vector_store %arg10[%swap3A_690, %swap3A_691], %swap3A_694 {strides = array<i32>} : memref<128x128xf32, #tpu.memory_space<vmem>>, vector<1x16xf32>,
          %add3A_695 = arith.constant 3 : i32
          %add3A_696 = arith.addi %add3A_196, %add3A_695 : i32
          %get3A_697 = arith.index_cast %add3A_696 : i32 to index
          %get3A_698 = arith.constant 16 : index
          %get3A_699 = tpu.vector_load %arg10[%get3A_697, %get3A_698] {strides = array<i32>} : memref<128x128xf32, #tpu.memory_space<vmem>>, vector<1x16xf32>,
          %get3A_700 = vector.shape_cast %get3A_699 : vector<1x16xf32> to vector<16xf32>
          %add3A_701 = arith.constant 3 : i32
          %add3A_702 = arith.addi %add3A_196, %add3A_701 : i32
          %get3A_703 = arith.index_cast %add3A_702 : i32 to index
          %get3A_704 = arith.constant 16 : index
          %get3A_705 = tpu.vector_load %arg11[%get3A_703, %get3A_704] {strides = array<i32>} : memref<128x128xf32, #tpu.memory_space<vmem>>, vector<1x16xf32>,
          %get3A_706 = vector.shape_cast %get3A_705 : vector<1x16xf32> to vector<16xf32>
          %add3A_707 = arith.addf %get3A_700, %get3A_706 : vector<16xf32>
          %add3A_708 = arith.constant 3 : i32
          %add3A_709 = arith.addi %add3A_196, %add3A_708 : i32
          %swap3A_710 = arith.index_cast %add3A_709 : i32 to index
          %swap3A_711 = arith.constant 16 : index
          %swap3A_712 = tpu.vector_load %arg10[%swap3A_710, %swap3A_711] {strides = array<i32>} : memref<128x128xf32, #tpu.memory_space<vmem>>, vector<1x16xf32>,
          %swap3A_713 = vector.shape_cast %swap3A_712 : vector<1x16xf32> to vector<16xf32>
          %swap3A_714 = vector.shape_cast %add3A_707 : vector<16xf32> to vector<1x16xf32>
          tpu.vector_store %arg10[%swap3A_710, %swap3A_711], %swap3A_714 {strides = array<i32>} : memref<128x128xf32, #tpu.memory_space<vmem>>, vector<1x16xf32>,
          %add3A_715 = arith.constant 3 : i32
          %add3A_716 = arith.addi %add3A_196, %add3A_715 : i32
          %get3A_717 = arith.index_cast %add3A_716 : i32 to index
          %get3A_718 = arith.constant 32 : index
          %get3A_719 = tpu.vector_load %arg10[%get3A_717, %get3A_718] {strides = array<i32>} : memref<128x128xf32, #tpu.memory_space<vmem>>, vector<1x16xf32>,
          %get3A_720 = vector.shape_cast %get3A_719 : vector<1x16xf32> to vector<16xf32>
          %add3A_721 = arith.constant 3 : i32
          %add3A_722 = arith.addi %add3A_196, %add3A_721 : i32
          %get3A_723 = arith.index_cast %add3A_722 : i32 to index
          %get3A_724 = arith.constant 32 : index
          %get3A_725 = tpu.vector_load %arg11[%get3A_723, %get3A_724] {strides = array<i32>} : memref<128x128xf32, #tpu.memory_space<vmem>>, vector<1x16xf32>,
          %get3A_726 = vector.shape_cast %get3A_725 : vector<1x16xf32> to vector<16xf32>
          %add3A_727 = arith.addf %get3A_720, %get3A_726 : vector<16xf32>
          %add3A_728 = arith.constant 3 : i32
          %add3A_729 = arith.addi %add3A_196, %add3A_728 : i32
          %swap3A_730 = arith.index_cast %add3A_729 : i32 to index
          %swap3A_731 = arith.constant 32 : index
          %swap3A_732 = tpu.vector_load %arg10[%swap3A_730, %swap3A_731] {strides = array<i32>} : memref<128x128xf32, #tpu.memory_space<vmem>>, vector<1x16xf32>,
          %swap3A_733 = vector.shape_cast %swap3A_732 : vector<1x16xf32> to vector<16xf32>
          %swap3A_734 = vector.shape_cast %add3A_727 : vector<16xf32> to vector<1x16xf32>
          tpu.vector_store %arg10[%swap3A_730, %swap3A_731], %swap3A_734 {strides = array<i32>} : memref<128x128xf32, #tpu.memory_space<vmem>>, vector<1x16xf32>,
          %add3A_735 = arith.constant 3 : i32
          %add3A_736 = arith.addi %add3A_196, %add3A_735 : i32
          %get3A_737 = arith.index_cast %add3A_736 : i32 to index
          %get3A_738 = arith.constant 48 : index
          %get3A_739 = tpu.vector_load %arg10[%get3A_737, %get3A_738] {strides = array<i32>} : memref<128x128xf32, #tpu.memory_space<vmem>>, vector<1x16xf32>,
          %get3A_740 = vector.shape_cast %get3A_739 : vector<1x16xf32> to vector<16xf32>
          %add3A_741 = arith.constant 3 : i32
          %add3A_742 = arith.addi %add3A_196, %add3A_741 : i32
          %get3A_743 = arith.index_cast %add3A_742 : i32 to index
          %get3A_744 = arith.constant 48 : index
          %get3A_745 = tpu.vector_load %arg11[%get3A_743, %get3A_744] {strides = array<i32>} : memref<128x128xf32, #tpu.memory_space<vmem>>, vector<1x16xf32>,
          %get3A_746 = vector.shape_cast %get3A_745 : vector<1x16xf32> to vector<16xf32>
          %add3A_747 = arith.addf %get3A_740, %get3A_746 : vector<16xf32>
          %add3A_748 = arith.constant 3 : i32
          %add3A_749 = arith.addi %add3A_196, %add3A_748 : i32
          %swap3A_750 = arith.index_cast %add3A_749 : i32 to index
          %swap3A_751 = arith.constant 48 : index
          %swap3A_752 = tpu.vector_load %arg10[%swap3A_750, %swap3A_751] {strides = array<i32>} : memref<128x128xf32, #tpu.memory_space<vmem>>, vector<1x16xf32>,
          %swap3A_753 = vector.shape_cast %swap3A_752 : vector<1x16xf32> to vector<16xf32>
          %swap3A_754 = vector.shape_cast %add3A_747 : vector<16xf32> to vector<1x16xf32>
          tpu.vector_store %arg10[%swap3A_750, %swap3A_751], %swap3A_754 {strides = array<i32>} : memref<128x128xf32, #tpu.memory_space<vmem>>, vector<1x16xf32>,
          %add3A_755 = arith.constant 3 : i32
          %add3A_756 = arith.addi %add3A_196, %add3A_755 : i32
          %get3A_757 = arith.index_cast %add3A_756 : i32 to index
          %get3A_758 = arith.constant 64 : index
          %get3A_759 = tpu.vector_load %arg10[%get3A_757, %get3A_758] {strides = array<i32>} : memref<128x128xf32, #tpu.memory_space<vmem>>, vector<1x16xf32>,
          %get3A_760 = vector.shape_cast %get3A_759 : vector<1x16xf32> to vector<16xf32>
          %add3A_761 = arith.constant 3 : i32
          %add3A_762 = arith.addi %add3A_196, %add3A_761 : i32
          %get3A_763 = arith.index_cast %add3A_762 : i32 to index
          %get3A_764 = arith.constant 64 : index
          %get3A_765 = tpu.vector_load %arg11[%get3A_763, %get3A_764] {strides = array<i32>} : memref<128x128xf32, #tpu.memory_space<vmem>>, vector<1x16xf32>,
          %get3A_766 = vector.shape_cast %get3A_765 : vector<1x16xf32> to vector<16xf32>
          %add3A_767 = arith.addf %get3A_760, %get3A_766 : vector<16xf32>
          %add3A_768 = arith.constant 3 : i32
          %add3A_769 = arith.addi %add3A_196, %add3A_768 : i32
          %swap3A_770 = arith.index_cast %add3A_769 : i32 to index
          %swap3A_771 = arith.constant 64 : index
          %swap3A_772 = tpu.vector_load %arg10[%swap3A_770, %swap3A_771] {strides = array<i32>} : memref<128x128xf32, #tpu.memory_space<vmem>>, vector<1x16xf32>,
          %swap3A_773 = vector.shape_cast %swap3A_772 : vector<1x16xf32> to vector<16xf32>
          %swap3A_774 = vector.shape_cast %add3A_767 : vector<16xf32> to vector<1x16xf32>
          tpu.vector_store %arg10[%swap3A_770, %swap3A_771], %swap3A_774 {strides = array<i32>} : memref<128x128xf32, #tpu.memory_space<vmem>>, vector<1x16xf32>,
          %add3A_775 = arith.constant 3 : i32
          %add3A_776 = arith.addi %add3A_196, %add3A_775 : i32
          %get3A_777 = arith.index_cast %add3A_776 : i32 to index
          %get3A_778 = arith.constant 80 : index
          %get3A_779 = tpu.vector_load %arg10[%get3A_777, %get3A_778] {strides = array<i32>} : memref<128x128xf32, #tpu.memory_space<vmem>>, vector<1x16xf32>,
          %get3A_780 = vector.shape_cast %get3A_779 : vector<1x16xf32> to vector<16xf32>
          %add3A_781 = arith.constant 3 : i32
          %add3A_782 = arith.addi %add3A_196, %add3A_781 : i32
          %get3A_783 = arith.index_cast %add3A_782 : i32 to index
          %get3A_784 = arith.constant 80 : index
          %get3A_785 = tpu.vector_load %arg11[%get3A_783, %get3A_784] {strides = array<i32>} : memref<128x128xf32, #tpu.memory_space<vmem>>, vector<1x16xf32>,
          %get3A_786 = vector.shape_cast %get3A_785 : vector<1x16xf32> to vector<16xf32>
          %add3A_787 = arith.addf %get3A_780, %get3A_786 : vector<16xf32>
          %add3A_788 = arith.constant 3 : i32
          %add3A_789 = arith.addi %add3A_196, %add3A_788 : i32
          %swap3A_790 = arith.index_cast %add3A_789 : i32 to index
          %swap3A_791 = arith.constant 80 : index
          %swap3A_792 = tpu.vector_load %arg10[%swap3A_790, %swap3A_791] {strides = array<i32>} : memref<128x128xf32, #tpu.memory_space<vmem>>, vector<1x16xf32>,
          %swap3A_793 = vector.shape_cast %swap3A_792 : vector<1x16xf32> to vector<16xf32>
          %swap3A_794 = vector.shape_cast %add3A_787 : vector<16xf32> to vector<1x16xf32>
          tpu.vector_store %arg10[%swap3A_790, %swap3A_791], %swap3A_794 {strides = array<i32>} : memref<128x128xf32, #tpu.memory_space<vmem>>, vector<1x16xf32>,
          %add3A_795 = arith.constant 3 : i32
          %add3A_796 = arith.addi %add3A_196, %add3A_795 : i32
          %get3A_797 = arith.index_cast %add3A_796 : i32 to index
          %get3A_798 = arith.constant 96 : index
          %get3A_799 = tpu.vector_load %arg10[%get3A_797, %get3A_798] {strides = array<i32>} : memref<128x128xf32, #tpu.memory_space<vmem>>, vector<1x16xf32>,
          %get3A_800 = vector.shape_cast %get3A_799 : vector<1x16xf32> to vector<16xf32>
          %add3A_801 = arith.constant 3 : i32
          %add3A_802 = arith.addi %add3A_196, %add3A_801 : i32
          %get3A_803 = arith.index_cast %add3A_802 : i32 to index
          %get3A_804 = arith.constant 96 : index
          %get3A_805 = tpu.vector_load %arg11[%get3A_803, %get3A_804] {strides = array<i32>} : memref<128x128xf32, #tpu.memory_space<vmem>>, vector<1x16xf32>,
          %get3A_806 = vector.shape_cast %get3A_805 : vector<1x16xf32> to vector<16xf32>
          %add3A_807 = arith.addf %get3A_800, %get3A_806 : vector<16xf32>
          %add3A_808 = arith.constant 3 : i32
          %add3A_809 = arith.addi %add3A_196, %add3A_808 : i32
          %swap3A_810 = arith.index_cast %add3A_809 : i32 to index
          %swap3A_811 = arith.constant 96 : index
          %swap3A_812 = tpu.vector_load %arg10[%swap3A_810, %swap3A_811] {strides = array<i32>} : memref<128x128xf32, #tpu.memory_space<vmem>>, vector<1x16xf32>,
          %swap3A_813 = vector.shape_cast %swap3A_812 : vector<1x16xf32> to vector<16xf32>
          %swap3A_814 = vector.shape_cast %add3A_807 : vector<16xf32> to vector<1x16xf32>
          tpu.vector_store %arg10[%swap3A_810, %swap3A_811], %swap3A_814 {strides = array<i32>} : memref<128x128xf32, #tpu.memory_space<vmem>>, vector<1x16xf32>,
          %add3A_815 = arith.constant 3 : i32
          %add3A_816 = arith.addi %add3A_196, %add3A_815 : i32
          %get3A_817 = arith.index_cast %add3A_816 : i32 to index
          %get3A_818 = arith.constant 112 : index
          %get3A_819 = tpu.vector_load %arg10[%get3A_817, %get3A_818] {strides = array<i32>} : memref<128x128xf32, #tpu.memory_space<vmem>>, vector<1x16xf32>,
          %get3A_820 = vector.shape_cast %get3A_819 : vector<1x16xf32> to vector<16xf32>
          %add3A_821 = arith.constant 3 : i32
          %add3A_822 = arith.addi %add3A_196, %add3A_821 : i32
          %get3A_823 = arith.index_cast %add3A_822 : i32 to index
          %get3A_824 = arith.constant 112 : index
          %get3A_825 = tpu.vector_load %arg11[%get3A_823, %get3A_824] {strides = array<i32>} : memref<128x128xf32, #tpu.memory_space<vmem>>, vector<1x16xf32>,
          %get3A_826 = vector.shape_cast %get3A_825 : vector<1x16xf32> to vector<16xf32>
          %add3A_827 = arith.addf %get3A_820, %get3A_826 : vector<16xf32>
          %add3A_828 = arith.constant 3 : i32
          %add3A_829 = arith.addi %add3A_196, %add3A_828 : i32
          %swap3A_830 = arith.index_cast %add3A_829 : i32 to index
          %swap3A_831 = arith.constant 112 : index
          %swap3A_832 = tpu.vector_load %arg10[%swap3A_830, %swap3A_831] {strides = array<i32>} : memref<128x128xf32, #tpu.memory_space<vmem>>, vector<1x16xf32>,
          %swap3A_833 = vector.shape_cast %swap3A_832 : vector<1x16xf32> to vector<16xf32>
          %swap3A_834 = vector.shape_cast %add3A_827 : vector<16xf32> to vector<1x16xf32>
          tpu.vector_store %arg10[%swap3A_830, %swap3A_831], %swap3A_834 {strides = array<i32>} : memref<128x128xf32, #tpu.memory_space<vmem>>, vector<1x16xf32>,
        }
        %scan3A_150 = arith.constant 16 : i32
        %dma_start3A_151 = arith.constant 64 : i32
        %dma_start3A_152 = arith.constant 0 : i32
        %dma_start3A_153 = tpu.memref_slice %arg11[%dma_start3A_151, %dma_start3A_152] : memref<128x128xf32, #tpu.memory_space<vmem>> -> memref<64x128xf32, #tpu.memory_space<vmem>>
        %dma_start3A_154 = arith.constant 64 : i32
        %dma_start3A_155 = tpu.memref_slice %arg9[%scan3A_62, %dma_start3A_154] : memref<8x128xi32, #tpu.memory_space<vmem>> -> memref<1x64xi32, #tpu.memory_space<vmem>>
        %dma_start3A_156 = tpu.memref_squeeze %dma_start3A_155 : memref<1x64xi32, #tpu.memory_space<vmem>> -> memref<64xi32, #tpu.memory_space<vmem>>
        %dma_start3A_157 = arith.constant 0 : i32
        %dma_start3A_158 = arith.constant 0 : i32
        %dma_start3A_159 = tpu.memref_slice %arg3[%dma_start3A_157, %dma_start3A_158] : memref<10112x128xf32, #tpu.memory_space<hbm>> -> memref<10112x128xf32, #tpu.memory_space<hbm>>
        tpu.enqueue_indirect_dma source(%dma_start3A_159 : memref<10112x128xf32, #tpu.memory_space<hbm>>) target(%dma_start3A_153 : memref<64x128xf32, #tpu.memory_space<vmem>>) offsets(%dma_start3A_156 : memref<64xi32, #tpu.memory_space<vmem>>) semaphore(%arg15 : memref<!tpu.dma_semaphore, #tpu.memory_space<semaphore_mem>>)
        %dma_wait3A_160 = arith.constant 0 : i32
        %dma_wait3A_161 = arith.constant 0 : i32
        %dma_wait3A_162 = tpu.memref_slice %arg11[%dma_wait3A_160, %dma_wait3A_161] : memref<128x128xf32, #tpu.memory_space<vmem>> -> memref<64x128xf32, #tpu.memory_space<vmem>>
        %dma_wait3A_163 = arith.constant 0 : i32
        %dma_wait3A_164 = tpu.memref_slice %arg9[%scan3A_62, %dma_wait3A_163] : memref<8x128xi32, #tpu.memory_space<vmem>> -> memref<1x64xi32, #tpu.memory_space<vmem>>
        %dma_wait3A_165 = tpu.memref_squeeze %dma_wait3A_164 : memref<1x64xi32, #tpu.memory_space<vmem>> -> memref<64xi32, #tpu.memory_space<vmem>>
        %dma_wait3A_166 = arith.constant 0 : i32
        %dma_wait3A_167 = arith.constant 0 : i32
        %dma_wait3A_168 = tpu.memref_slice %arg3[%dma_wait3A_166, %dma_wait3A_167] : memref<10112x128xf32, #tpu.memory_space<hbm>> -> memref<10112x128xf32, #tpu.memory_space<hbm>>
        tpu.wait_indirect_dma semaphore(%arg15 : memref<!tpu.dma_semaphore, #tpu.memory_space<semaphore_mem>>) src(%dma_wait3A_168 : memref<10112x128xf32, #tpu.memory_space<hbm>>) dst(%dma_wait3A_162 : memref<64x128xf32, #tpu.memory_space<vmem>>)
        %scan3A_169 = arith.constant 0 : i32
        %scan3A_170 = arith.constant 0 : i32
        %scan3A_171 = arith.constant 16 : i32
        %scan3A_172 = arith.addi %scan3A_170, %scan3A_171 : i32
        %scan3A_173 = arith.constant 1 : i32
        scf.for %scan3A_192 = %scan3A_170 to %scan3A_172 step %scan3A_173  : i32 {
          %mul3A_193 = arith.constant 4 : i32
          %mul3A_194 = arith.muli %scan3A_192, %mul3A_193 : i32
          %add3A_195 = arith.constant 0 : i32
          %add3A_196 = arith.addi %add3A_195, %mul3A_194 : i32
          %add3A_197 = arith.constant 0 : i32
          %add3A_198 = arith.addi %add3A_196, %add3A_197 : i32
          %get3A = arith.index_cast %add3A_198 : i32 to index
          %get3A_199 = arith.constant 0 : index
          %get3A_200 = tpu.vector_load %arg10[%get3A, %get3A_199] {strides = array<i32>} : memref<128x128xf32, #tpu.memory_space<vmem>>, vector<1x16xf32>,
          %get3A_201 = vector.shape_cast %get3A_200 : vector<1x16xf32> to vector<16xf32>
          %add3A_202 = arith.constant 0 : i32
          %add3A_203 = arith.addi %add3A_196, %add3A_202 : i32
          %get3A_204 = arith.index_cast %add3A_203 : i32 to index
          %get3A_205 = arith.constant 0 : index
          %get3A_206 = tpu.vector_load %arg11[%get3A_204, %get3A_205] {strides = array<i32>} : memref<128x128xf32, #tpu.memory_space<vmem>>, vector<1x16xf32>,
          %get3A_207 = vector.shape_cast %get3A_206 : vector<1x16xf32> to vector<16xf32>
          %add3A_208 = arith.addf %get3A_201, %get3A_207 : vector<16xf32>
          %neg3A = arith.constant 0.000000e+00 : f32
          %neg3A_209 = vector.broadcast %neg3A : f32 to vector<16xf32>
          %neg3A_210 = arith.subf %neg3A_209, %add3A_208 : vector<16xf32>
          %exp3A = math.exp %neg3A_210 : vector<16xf32>
          %add3A_211 = arith.constant 1.000000e+00 : f32
          %add3A_212 = vector.broadcast %add3A_211 : f32 to vector<16xf32>
          %add3A_213 = arith.addf %add3A_212, %exp3A : vector<16xf32>
          %div3A = arith.divf %add3A_208, %add3A_213 : vector<16xf32>
          %add3A_214 = arith.constant 0 : i32
          %add3A_215 = arith.addi %add3A_196, %add3A_214 : i32
          %swap3A = arith.index_cast %add3A_215 : i32 to index
          %swap3A_216 = arith.constant 0 : index
          %swap3A_217 = tpu.vector_load %arg11[%swap3A, %swap3A_216] {strides = array<i32>} : memref<128x128xf32, #tpu.memory_space<vmem>>, vector<1x16xf32>,
          %swap3A_218 = vector.shape_cast %swap3A_217 : vector<1x16xf32> to vector<16xf32>
          %swap3A_219 = vector.shape_cast %div3A : vector<16xf32> to vector<1x16xf32>
          tpu.vector_store %arg11[%swap3A, %swap3A_216], %swap3A_219 {strides = array<i32>} : memref<128x128xf32, #tpu.memory_space<vmem>>, vector<1x16xf32>,
          %add3A_220 = arith.constant 0 : i32
          %add3A_221 = arith.addi %add3A_196, %add3A_220 : i32
          %get3A_222 = arith.index_cast %add3A_221 : i32 to index
          %get3A_223 = arith.constant 16 : index
          %get3A_224 = tpu.vector_load %arg10[%get3A_222, %get3A_223] {strides = array<i32>} : memref<128x128xf32, #tpu.memory_space<vmem>>, vector<1x16xf32>,
          %get3A_225 = vector.shape_cast %get3A_224 : vector<1x16xf32> to vector<16xf32>
          %add3A_226 = arith.constant 0 : i32
          %add3A_227 = arith.addi %add3A_196, %add3A_226 : i32
          %get3A_228 = arith.index_cast %add3A_227 : i32 to index
          %get3A_229 = arith.constant 16 : index
          %get3A_230 = tpu.vector_load %arg11[%get3A_228, %get3A_229] {strides = array<i32>} : memref<128x128xf32, #tpu.memory_space<vmem>>, vector<1x16xf32>,
          %get3A_231 = vector.shape_cast %get3A_230 : vector<1x16xf32> to vector<16xf32>
          %add3A_232 = arith.addf %get3A_225, %get3A_231 : vector<16xf32>
          %neg3A_233 = arith.constant 0.000000e+00 : f32
          %neg3A_234 = vector.broadcast %neg3A_233 : f32 to vector<16xf32>
          %neg3A_235 = arith.subf %neg3A_234, %add3A_232 : vector<16xf32>
          %exp3A_236 = math.exp %neg3A_235 : vector<16xf32>
          %add3A_237 = arith.constant 1.000000e+00 : f32
          %add3A_238 = vector.broadcast %add3A_237 : f32 to vector<16xf32>
          %add3A_239 = arith.addf %add3A_238, %exp3A_236 : vector<16xf32>
          %div3A_240 = arith.divf %add3A_232, %add3A_239 : vector<16xf32>
          %add3A_241 = arith.constant 0 : i32
          %add3A_242 = arith.addi %add3A_196, %add3A_241 : i32
          %swap3A_243 = arith.index_cast %add3A_242 : i32 to index
          %swap3A_244 = arith.constant 16 : index
          %swap3A_245 = tpu.vector_load %arg11[%swap3A_243, %swap3A_244] {strides = array<i32>} : memref<128x128xf32, #tpu.memory_space<vmem>>, vector<1x16xf32>,
          %swap3A_246 = vector.shape_cast %swap3A_245 : vector<1x16xf32> to vector<16xf32>
          %swap3A_247 = vector.shape_cast %div3A_240 : vector<16xf32> to vector<1x16xf32>
          tpu.vector_store %arg11[%swap3A_243, %swap3A_244], %swap3A_247 {strides = array<i32>} : memref<128x128xf32, #tpu.memory_space<vmem>>, vector<1x16xf32>,
          %add3A_248 = arith.constant 0 : i32
          %add3A_249 = arith.addi %add3A_196, %add3A_248 : i32
          %get3A_250 = arith.index_cast %add3A_249 : i32 to index
          %get3A_251 = arith.constant 32 : index
          %get3A_252 = tpu.vector_load %arg10[%get3A_250, %get3A_251] {strides = array<i32>} : memref<128x128xf32, #tpu.memory_space<vmem>>, vector<1x16xf32>,
          %get3A_253 = vector.shape_cast %get3A_252 : vector<1x16xf32> to vector<16xf32>
          %add3A_254 = arith.constant 0 : i32
          %add3A_255 = arith.addi %add3A_196, %add3A_254 : i32
          %get3A_256 = arith.index_cast %add3A_255 : i32 to index
          %get3A_257 = arith.constant 32 : index
          %get3A_258 = tpu.vector_load %arg11[%get3A_256, %get3A_257] {strides = array<i32>} : memref<128x128xf32, #tpu.memory_space<vmem>>, vector<1x16xf32>,
          %get3A_259 = vector.shape_cast %get3A_258 : vector<1x16xf32> to vector<16xf32>
          %add3A_260 = arith.addf %get3A_253, %get3A_259 : vector<16xf32>
          %neg3A_261 = arith.constant 0.000000e+00 : f32
          %neg3A_262 = vector.broadcast %neg3A_261 : f32 to vector<16xf32>
          %neg3A_263 = arith.subf %neg3A_262, %add3A_260 : vector<16xf32>
          %exp3A_264 = math.exp %neg3A_263 : vector<16xf32>
          %add3A_265 = arith.constant 1.000000e+00 : f32
          %add3A_266 = vector.broadcast %add3A_265 : f32 to vector<16xf32>
          %add3A_267 = arith.addf %add3A_266, %exp3A_264 : vector<16xf32>
          %div3A_268 = arith.divf %add3A_260, %add3A_267 : vector<16xf32>
          %add3A_269 = arith.constant 0 : i32
          %add3A_270 = arith.addi %add3A_196, %add3A_269 : i32
          %swap3A_271 = arith.index_cast %add3A_270 : i32 to index
          %swap3A_272 = arith.constant 32 : index
          %swap3A_273 = tpu.vector_load %arg11[%swap3A_271, %swap3A_272] {strides = array<i32>} : memref<128x128xf32, #tpu.memory_space<vmem>>, vector<1x16xf32>,
          %swap3A_274 = vector.shape_cast %swap3A_273 : vector<1x16xf32> to vector<16xf32>
          %swap3A_275 = vector.shape_cast %div3A_268 : vector<16xf32> to vector<1x16xf32>
          tpu.vector_store %arg11[%swap3A_271, %swap3A_272], %swap3A_275 {strides = array<i32>} : memref<128x128xf32, #tpu.memory_space<vmem>>, vector<1x16xf32>,
          %add3A_276 = arith.constant 0 : i32
          %add3A_277 = arith.addi %add3A_196, %add3A_276 : i32
          %get3A_278 = arith.index_cast %add3A_277 : i32 to index
          %get3A_279 = arith.constant 48 : index
          %get3A_280 = tpu.vector_load %arg10[%get3A_278, %get3A_279] {strides = array<i32>} : memref<128x128xf32, #tpu.memory_space<vmem>>, vector<1x16xf32>,
          %get3A_281 = vector.shape_cast %get3A_280 : vector<1x16xf32> to vector<16xf32>
          %add3A_282 = arith.constant 0 : i32
          %add3A_283 = arith.addi %add3A_196, %add3A_282 : i32
          %get3A_284 = arith.index_cast %add3A_283 : i32 to index
          %get3A_285 = arith.constant 48 : index
          %get3A_286 = tpu.vector_load %arg11[%get3A_284, %get3A_285] {strides = array<i32>} : memref<128x128xf32, #tpu.memory_space<vmem>>, vector<1x16xf32>,
          %get3A_287 = vector.shape_cast %get3A_286 : vector<1x16xf32> to vector<16xf32>
          %add3A_288 = arith.addf %get3A_281, %get3A_287 : vector<16xf32>
          %neg3A_289 = arith.constant 0.000000e+00 : f32
          %neg3A_290 = vector.broadcast %neg3A_289 : f32 to vector<16xf32>
          %neg3A_291 = arith.subf %neg3A_290, %add3A_288 : vector<16xf32>
          %exp3A_292 = math.exp %neg3A_291 : vector<16xf32>
          %add3A_293 = arith.constant 1.000000e+00 : f32
          %add3A_294 = vector.broadcast %add3A_293 : f32 to vector<16xf32>
          %add3A_295 = arith.addf %add3A_294, %exp3A_292 : vector<16xf32>
          %div3A_296 = arith.divf %add3A_288, %add3A_295 : vector<16xf32>
          %add3A_297 = arith.constant 0 : i32
          %add3A_298 = arith.addi %add3A_196, %add3A_297 : i32
          %swap3A_299 = arith.index_cast %add3A_298 : i32 to index
          %swap3A_300 = arith.constant 48 : index
          %swap3A_301 = tpu.vector_load %arg11[%swap3A_299, %swap3A_300] {strides = array<i32>} : memref<128x128xf32, #tpu.memory_space<vmem>>, vector<1x16xf32>,
          %swap3A_302 = vector.shape_cast %swap3A_301 : vector<1x16xf32> to vector<16xf32>
          %swap3A_303 = vector.shape_cast %div3A_296 : vector<16xf32> to vector<1x16xf32>
          tpu.vector_store %arg11[%swap3A_299, %swap3A_300], %swap3A_303 {strides = array<i32>} : memref<128x128xf32, #tpu.memory_space<vmem>>, vector<1x16xf32>,
          %add3A_304 = arith.constant 0 : i32
          %add3A_305 = arith.addi %add3A_196, %add3A_304 : i32
          %get3A_306 = arith.index_cast %add3A_305 : i32 to index
          %get3A_307 = arith.constant 64 : index
          %get3A_308 = tpu.vector_load %arg10[%get3A_306, %get3A_307] {strides = array<i32>} : memref<128x128xf32, #tpu.memory_space<vmem>>, vector<1x16xf32>,
          %get3A_309 = vector.shape_cast %get3A_308 : vector<1x16xf32> to vector<16xf32>
          %add3A_310 = arith.constant 0 : i32
          %add3A_311 = arith.addi %add3A_196, %add3A_310 : i32
          %get3A_312 = arith.index_cast %add3A_311 : i32 to index
          %get3A_313 = arith.constant 64 : index
          %get3A_314 = tpu.vector_load %arg11[%get3A_312, %get3A_313] {strides = array<i32>} : memref<128x128xf32, #tpu.memory_space<vmem>>, vector<1x16xf32>,
          %get3A_315 = vector.shape_cast %get3A_314 : vector<1x16xf32> to vector<16xf32>
          %add3A_316 = arith.addf %get3A_309, %get3A_315 : vector<16xf32>
          %neg3A_317 = arith.constant 0.000000e+00 : f32
          %neg3A_318 = vector.broadcast %neg3A_317 : f32 to vector<16xf32>
          %neg3A_319 = arith.subf %neg3A_318, %add3A_316 : vector<16xf32>
          %exp3A_320 = math.exp %neg3A_319 : vector<16xf32>
          %add3A_321 = arith.constant 1.000000e+00 : f32
          %add3A_322 = vector.broadcast %add3A_321 : f32 to vector<16xf32>
          %add3A_323 = arith.addf %add3A_322, %exp3A_320 : vector<16xf32>
          %div3A_324 = arith.divf %add3A_316, %add3A_323 : vector<16xf32>
          %add3A_325 = arith.constant 0 : i32
          %add3A_326 = arith.addi %add3A_196, %add3A_325 : i32
          %swap3A_327 = arith.index_cast %add3A_326 : i32 to index
          %swap3A_328 = arith.constant 64 : index
          %swap3A_329 = tpu.vector_load %arg11[%swap3A_327, %swap3A_328] {strides = array<i32>} : memref<128x128xf32, #tpu.memory_space<vmem>>, vector<1x16xf32>,
          %swap3A_330 = vector.shape_cast %swap3A_329 : vector<1x16xf32> to vector<16xf32>
          %swap3A_331 = vector.shape_cast %div3A_324 : vector<16xf32> to vector<1x16xf32>
          tpu.vector_store %arg11[%swap3A_327, %swap3A_328], %swap3A_331 {strides = array<i32>} : memref<128x128xf32, #tpu.memory_space<vmem>>, vector<1x16xf32>,
          %add3A_332 = arith.constant 0 : i32
          %add3A_333 = arith.addi %add3A_196, %add3A_332 : i32
          %get3A_334 = arith.index_cast %add3A_333 : i32 to index
          %get3A_335 = arith.constant 80 : index
          %get3A_336 = tpu.vector_load %arg10[%get3A_334, %get3A_335] {strides = array<i32>} : memref<128x128xf32, #tpu.memory_space<vmem>>, vector<1x16xf32>,
          %get3A_337 = vector.shape_cast %get3A_336 : vector<1x16xf32> to vector<16xf32>
          %add3A_338 = arith.constant 0 : i32
          %add3A_339 = arith.addi %add3A_196, %add3A_338 : i32
          %get3A_340 = arith.index_cast %add3A_339 : i32 to index
          %get3A_341 = arith.constant 80 : index
          %get3A_342 = tpu.vector_load %arg11[%get3A_340, %get3A_341] {strides = array<i32>} : memref<128x128xf32, #tpu.memory_space<vmem>>, vector<1x16xf32>,
          %get3A_343 = vector.shape_cast %get3A_342 : vector<1x16xf32> to vector<16xf32>
          %add3A_344 = arith.addf %get3A_337, %get3A_343 : vector<16xf32>
          %neg3A_345 = arith.constant 0.000000e+00 : f32
          %neg3A_346 = vector.broadcast %neg3A_345 : f32 to vector<16xf32>
          %neg3A_347 = arith.subf %neg3A_346, %add3A_344 : vector<16xf32>
          %exp3A_348 = math.exp %neg3A_347 : vector<16xf32>
          %add3A_349 = arith.constant 1.000000e+00 : f32
          %add3A_350 = vector.broadcast %add3A_349 : f32 to vector<16xf32>
          %add3A_351 = arith.addf %add3A_350, %exp3A_348 : vector<16xf32>
          %div3A_352 = arith.divf %add3A_344, %add3A_351 : vector<16xf32>
          %add3A_353 = arith.constant 0 : i32
          %add3A_354 = arith.addi %add3A_196, %add3A_353 : i32
          %swap3A_355 = arith.index_cast %add3A_354 : i32 to index
          %swap3A_356 = arith.constant 80 : index
          %swap3A_357 = tpu.vector_load %arg11[%swap3A_355, %swap3A_356] {strides = array<i32>} : memref<128x128xf32, #tpu.memory_space<vmem>>, vector<1x16xf32>,
          %swap3A_358 = vector.shape_cast %swap3A_357 : vector<1x16xf32> to vector<16xf32>
          %swap3A_359 = vector.shape_cast %div3A_352 : vector<16xf32> to vector<1x16xf32>
          tpu.vector_store %arg11[%swap3A_355, %swap3A_356], %swap3A_359 {strides = array<i32>} : memref<128x128xf32, #tpu.memory_space<vmem>>, vector<1x16xf32>,
          %add3A_360 = arith.constant 0 : i32
          %add3A_361 = arith.addi %add3A_196, %add3A_360 : i32
          %get3A_362 = arith.index_cast %add3A_361 : i32 to index
          %get3A_363 = arith.constant 96 : index
          %get3A_364 = tpu.vector_load %arg10[%get3A_362, %get3A_363] {strides = array<i32>} : memref<128x128xf32, #tpu.memory_space<vmem>>, vector<1x16xf32>,
          %get3A_365 = vector.shape_cast %get3A_364 : vector<1x16xf32> to vector<16xf32>
          %add3A_366 = arith.constant 0 : i32
          %add3A_367 = arith.addi %add3A_196, %add3A_366 : i32
          %get3A_368 = arith.index_cast %add3A_367 : i32 to index
          %get3A_369 = arith.constant 96 : index
          %get3A_370 = tpu.vector_load %arg11[%get3A_368, %get3A_369] {strides = array<i32>} : memref<128x128xf32, #tpu.memory_space<vmem>>, vector<1x16xf32>,
          %get3A_371 = vector.shape_cast %get3A_370 : vector<1x16xf32> to vector<16xf32>
          %add3A_372 = arith.addf %get3A_365, %get3A_371 : vector<16xf32>
          %neg3A_373 = arith.constant 0.000000e+00 : f32
          %neg3A_374 = vector.broadcast %neg3A_373 : f32 to vector<16xf32>
          %neg3A_375 = arith.subf %neg3A_374, %add3A_372 : vector<16xf32>
          %exp3A_376 = math.exp %neg3A_375 : vector<16xf32>
          %add3A_377 = arith.constant 1.000000e+00 : f32
          %add3A_378 = vector.broadcast %add3A_377 : f32 to vector<16xf32>
          %add3A_379 = arith.addf %add3A_378, %exp3A_376 : vector<16xf32>
          %div3A_380 = arith.divf %add3A_372, %add3A_379 : vector<16xf32>
          %add3A_381 = arith.constant 0 : i32
          %add3A_382 = arith.addi %add3A_196, %add3A_381 : i32
          %swap3A_383 = arith.index_cast %add3A_382 : i32 to index
          %swap3A_384 = arith.constant 96 : index
          %swap3A_385 = tpu.vector_load %arg11[%swap3A_383, %swap3A_384] {strides = array<i32>} : memref<128x128xf32, #tpu.memory_space<vmem>>, vector<1x16xf32>,
          %swap3A_386 = vector.shape_cast %swap3A_385 : vector<1x16xf32> to vector<16xf32>
          %swap3A_387 = vector.shape_cast %div3A_380 : vector<16xf32> to vector<1x16xf32>
          tpu.vector_store %arg11[%swap3A_383, %swap3A_384], %swap3A_387 {strides = array<i32>} : memref<128x128xf32, #tpu.memory_space<vmem>>, vector<1x16xf32>,
          %add3A_388 = arith.constant 0 : i32
          %add3A_389 = arith.addi %add3A_196, %add3A_388 : i32
          %get3A_390 = arith.index_cast %add3A_389 : i32 to index
          %get3A_391 = arith.constant 112 : index
          %get3A_392 = tpu.vector_load %arg10[%get3A_390, %get3A_391] {strides = array<i32>} : memref<128x128xf32, #tpu.memory_space<vmem>>, vector<1x16xf32>,
          %get3A_393 = vector.shape_cast %get3A_392 : vector<1x16xf32> to vector<16xf32>
          %add3A_394 = arith.constant 0 : i32
          %add3A_395 = arith.addi %add3A_196, %add3A_394 : i32
          %get3A_396 = arith.index_cast %add3A_395 : i32 to index
          %get3A_397 = arith.constant 112 : index
          %get3A_398 = tpu.vector_load %arg11[%get3A_396, %get3A_397] {strides = array<i32>} : memref<128x128xf32, #tpu.memory_space<vmem>>, vector<1x16xf32>,
          %get3A_399 = vector.shape_cast %get3A_398 : vector<1x16xf32> to vector<16xf32>
          %add3A_400 = arith.addf %get3A_393, %get3A_399 : vector<16xf32>
          %neg3A_401 = arith.constant 0.000000e+00 : f32
          %neg3A_402 = vector.broadcast %neg3A_401 : f32 to vector<16xf32>
          %neg3A_403 = arith.subf %neg3A_402, %add3A_400 : vector<16xf32>
          %exp3A_404 = math.exp %neg3A_403 : vector<16xf32>
          %add3A_405 = arith.constant 1.000000e+00 : f32
          %add3A_406 = vector.broadcast %add3A_405 : f32 to vector<16xf32>
          %add3A_407 = arith.addf %add3A_406, %exp3A_404 : vector<16xf32>
          %div3A_408 = arith.divf %add3A_400, %add3A_407 : vector<16xf32>
          %add3A_409 = arith.constant 0 : i32
          %add3A_410 = arith.addi %add3A_196, %add3A_409 : i32
          %swap3A_411 = arith.index_cast %add3A_410 : i32 to index
          %swap3A_412 = arith.constant 112 : index
          %swap3A_413 = tpu.vector_load %arg11[%swap3A_411, %swap3A_412] {strides = array<i32>} : memref<128x128xf32, #tpu.memory_space<vmem>>, vector<1x16xf32>,
          %swap3A_414 = vector.shape_cast %swap3A_413 : vector<1x16xf32> to vector<16xf32>
          %swap3A_415 = vector.shape_cast %div3A_408 : vector<16xf32> to vector<1x16xf32>
          tpu.vector_store %arg11[%swap3A_411, %swap3A_412], %swap3A_415 {strides = array<i32>} : memref<128x128xf32, #tpu.memory_space<vmem>>, vector<1x16xf32>,
          %add3A_416 = arith.constant 1 : i32
          %add3A_417 = arith.addi %add3A_196, %add3A_416 : i32
          %get3A_418 = arith.index_cast %add3A_417 : i32 to index
          %get3A_419 = arith.constant 0 : index
          %get3A_420 = tpu.vector_load %arg10[%get3A_418, %get3A_419] {strides = array<i32>} : memref<128x128xf32, #tpu.memory_space<vmem>>, vector<1x16xf32>,
          %get3A_421 = vector.shape_cast %get3A_420 : vector<1x16xf32> to vector<16xf32>
          %add3A_422 = arith.constant 1 : i32
          %add3A_423 = arith.addi %add3A_196, %add3A_422 : i32
          %get3A_424 = arith.index_cast %add3A_423 : i32 to index
          %get3A_425 = arith.constant 0 : index
          %get3A_426 = tpu.vector_load %arg11[%get3A_424, %get3A_425] {strides = array<i32>} : memref<128x128xf32, #tpu.memory_space<vmem>>, vector<1x16xf32>,
          %get3A_427 = vector.shape_cast %get3A_426 : vector<1x16xf32> to vector<16xf32>
          %add3A_428 = arith.addf %get3A_421, %get3A_427 : vector<16xf32>
          %neg3A_429 = arith.constant 0.000000e+00 : f32
          %neg3A_430 = vector.broadcast %neg3A_429 : f32 to vector<16xf32>
          %neg3A_431 = arith.subf %neg3A_430, %add3A_428 : vector<16xf32>
          %exp3A_432 = math.exp %neg3A_431 : vector<16xf32>
          %add3A_433 = arith.constant 1.000000e+00 : f32
          %add3A_434 = vector.broadcast %add3A_433 : f32 to vector<16xf32>
          %add3A_435 = arith.addf %add3A_434, %exp3A_432 : vector<16xf32>
          %div3A_436 = arith.divf %add3A_428, %add3A_435 : vector<16xf32>
          %add3A_437 = arith.constant 1 : i32
          %add3A_438 = arith.addi %add3A_196, %add3A_437 : i32
          %swap3A_439 = arith.index_cast %add3A_438 : i32 to index
          %swap3A_440 = arith.constant 0 : index
          %swap3A_441 = tpu.vector_load %arg11[%swap3A_439, %swap3A_440] {strides = array<i32>} : memref<128x128xf32, #tpu.memory_space<vmem>>, vector<1x16xf32>,
          %swap3A_442 = vector.shape_cast %swap3A_441 : vector<1x16xf32> to vector<16xf32>
          %swap3A_443 = vector.shape_cast %div3A_436 : vector<16xf32> to vector<1x16xf32>
          tpu.vector_store %arg11[%swap3A_439, %swap3A_440], %swap3A_443 {strides = array<i32>} : memref<128x128xf32, #tpu.memory_space<vmem>>, vector<1x16xf32>,
          %add3A_444 = arith.constant 1 : i32
          %add3A_445 = arith.addi %add3A_196, %add3A_444 : i32
          %get3A_446 = arith.index_cast %add3A_445 : i32 to index
          %get3A_447 = arith.constant 16 : index
          %get3A_448 = tpu.vector_load %arg10[%get3A_446, %get3A_447] {strides = array<i32>} : memref<128x128xf32, #tpu.memory_space<vmem>>, vector<1x16xf32>,
          %get3A_449 = vector.shape_cast %get3A_448 : vector<1x16xf32> to vector<16xf32>
          %add3A_450 = arith.constant 1 : i32
          %add3A_451 = arith.addi %add3A_196, %add3A_450 : i32
          %get3A_452 = arith.index_cast %add3A_451 : i32 to index
          %get3A_453 = arith.constant 16 : index
          %get3A_454 = tpu.vector_load %arg11[%get3A_452, %get3A_453] {strides = array<i32>} : memref<128x128xf32, #tpu.memory_space<vmem>>, vector<1x16xf32>,
          %get3A_455 = vector.shape_cast %get3A_454 : vector<1x16xf32> to vector<16xf32>
          %add3A_456 = arith.addf %get3A_449, %get3A_455 : vector<16xf32>
          %neg3A_457 = arith.constant 0.000000e+00 : f32
          %neg3A_458 = vector.broadcast %neg3A_457 : f32 to vector<16xf32>
          %neg3A_459 = arith.subf %neg3A_458, %add3A_456 : vector<16xf32>
          %exp3A_460 = math.exp %neg3A_459 : vector<16xf32>
          %add3A_461 = arith.constant 1.000000e+00 : f32
          %add3A_462 = vector.broadcast %add3A_461 : f32 to vector<16xf32>
          %add3A_463 = arith.addf %add3A_462, %exp3A_460 : vector<16xf32>
          %div3A_464 = arith.divf %add3A_456, %add3A_463 : vector<16xf32>
          %add3A_465 = arith.constant 1 : i32
          %add3A_466 = arith.addi %add3A_196, %add3A_465 : i32
          %swap3A_467 = arith.index_cast %add3A_466 : i32 to index
          %swap3A_468 = arith.constant 16 : index
          %swap3A_469 = tpu.vector_load %arg11[%swap3A_467, %swap3A_468] {strides = array<i32>} : memref<128x128xf32, #tpu.memory_space<vmem>>, vector<1x16xf32>,
          %swap3A_470 = vector.shape_cast %swap3A_469 : vector<1x16xf32> to vector<16xf32>
          %swap3A_471 = vector.shape_cast %div3A_464 : vector<16xf32> to vector<1x16xf32>
          tpu.vector_store %arg11[%swap3A_467, %swap3A_468], %swap3A_471 {strides = array<i32>} : memref<128x128xf32, #tpu.memory_space<vmem>>, vector<1x16xf32>,
          %add3A_472 = arith.constant 1 : i32
          %add3A_473 = arith.addi %add3A_196, %add3A_472 : i32
          %get3A_474 = arith.index_cast %add3A_473 : i32 to index
          %get3A_475 = arith.constant 32 : index
          %get3A_476 = tpu.vector_load %arg10[%get3A_474, %get3A_475] {strides = array<i32>} : memref<128x128xf32, #tpu.memory_space<vmem>>, vector<1x16xf32>,
          %get3A_477 = vector.shape_cast %get3A_476 : vector<1x16xf32> to vector<16xf32>
          %add3A_478 = arith.constant 1 : i32
          %add3A_479 = arith.addi %add3A_196, %add3A_478 : i32
          %get3A_480 = arith.index_cast %add3A_479 : i32 to index
          %get3A_481 = arith.constant 32 : index
          %get3A_482 = tpu.vector_load %arg11[%get3A_480, %get3A_481] {strides = array<i32>} : memref<128x128xf32, #tpu.memory_space<vmem>>, vector<1x16xf32>,
          %get3A_483 = vector.shape_cast %get3A_482 : vector<1x16xf32> to vector<16xf32>
          %add3A_484 = arith.addf %get3A_477, %get3A_483 : vector<16xf32>
          %neg3A_485 = arith.constant 0.000000e+00 : f32
          %neg3A_486 = vector.broadcast %neg3A_485 : f32 to vector<16xf32>
          %neg3A_487 = arith.subf %neg3A_486, %add3A_484 : vector<16xf32>
          %exp3A_488 = math.exp %neg3A_487 : vector<16xf32>
          %add3A_489 = arith.constant 1.000000e+00 : f32
          %add3A_490 = vector.broadcast %add3A_489 : f32 to vector<16xf32>
          %add3A_491 = arith.addf %add3A_490, %exp3A_488 : vector<16xf32>
          %div3A_492 = arith.divf %add3A_484, %add3A_491 : vector<16xf32>
          %add3A_493 = arith.constant 1 : i32
          %add3A_494 = arith.addi %add3A_196, %add3A_493 : i32
          %swap3A_495 = arith.index_cast %add3A_494 : i32 to index
          %swap3A_496 = arith.constant 32 : index
          %swap3A_497 = tpu.vector_load %arg11[%swap3A_495, %swap3A_496] {strides = array<i32>} : memref<128x128xf32, #tpu.memory_space<vmem>>, vector<1x16xf32>,
          %swap3A_498 = vector.shape_cast %swap3A_497 : vector<1x16xf32> to vector<16xf32>
          %swap3A_499 = vector.shape_cast %div3A_492 : vector<16xf32> to vector<1x16xf32>
          tpu.vector_store %arg11[%swap3A_495, %swap3A_496], %swap3A_499 {strides = array<i32>} : memref<128x128xf32, #tpu.memory_space<vmem>>, vector<1x16xf32>,
          %add3A_500 = arith.constant 1 : i32
          %add3A_501 = arith.addi %add3A_196, %add3A_500 : i32
          %get3A_502 = arith.index_cast %add3A_501 : i32 to index
          %get3A_503 = arith.constant 48 : index
          %get3A_504 = tpu.vector_load %arg10[%get3A_502, %get3A_503] {strides = array<i32>} : memref<128x128xf32, #tpu.memory_space<vmem>>, vector<1x16xf32>,
          %get3A_505 = vector.shape_cast %get3A_504 : vector<1x16xf32> to vector<16xf32>
          %add3A_506 = arith.constant 1 : i32
          %add3A_507 = arith.addi %add3A_196, %add3A_506 : i32
          %get3A_508 = arith.index_cast %add3A_507 : i32 to index
          %get3A_509 = arith.constant 48 : index
          %get3A_510 = tpu.vector_load %arg11[%get3A_508, %get3A_509] {strides = array<i32>} : memref<128x128xf32, #tpu.memory_space<vmem>>, vector<1x16xf32>,
          %get3A_511 = vector.shape_cast %get3A_510 : vector<1x16xf32> to vector<16xf32>
          %add3A_512 = arith.addf %get3A_505, %get3A_511 : vector<16xf32>
          %neg3A_513 = arith.constant 0.000000e+00 : f32
          %neg3A_514 = vector.broadcast %neg3A_513 : f32 to vector<16xf32>
          %neg3A_515 = arith.subf %neg3A_514, %add3A_512 : vector<16xf32>
          %exp3A_516 = math.exp %neg3A_515 : vector<16xf32>
          %add3A_517 = arith.constant 1.000000e+00 : f32
          %add3A_518 = vector.broadcast %add3A_517 : f32 to vector<16xf32>
          %add3A_519 = arith.addf %add3A_518, %exp3A_516 : vector<16xf32>
          %div3A_520 = arith.divf %add3A_512, %add3A_519 : vector<16xf32>
          %add3A_521 = arith.constant 1 : i32
          %add3A_522 = arith.addi %add3A_196, %add3A_521 : i32
          %swap3A_523 = arith.index_cast %add3A_522 : i32 to index
          %swap3A_524 = arith.constant 48 : index
          %swap3A_525 = tpu.vector_load %arg11[%swap3A_523, %swap3A_524] {strides = array<i32>} : memref<128x128xf32, #tpu.memory_space<vmem>>, vector<1x16xf32>,
          %swap3A_526 = vector.shape_cast %swap3A_525 : vector<1x16xf32> to vector<16xf32>
          %swap3A_527 = vector.shape_cast %div3A_520 : vector<16xf32> to vector<1x16xf32>
          tpu.vector_store %arg11[%swap3A_523, %swap3A_524], %swap3A_527 {strides = array<i32>} : memref<128x128xf32, #tpu.memory_space<vmem>>, vector<1x16xf32>,
          %add3A_528 = arith.constant 1 : i32
          %add3A_529 = arith.addi %add3A_196, %add3A_528 : i32
          %get3A_530 = arith.index_cast %add3A_529 : i32 to index
          %get3A_531 = arith.constant 64 : index
          %get3A_532 = tpu.vector_load %arg10[%get3A_530, %get3A_531] {strides = array<i32>} : memref<128x128xf32, #tpu.memory_space<vmem>>, vector<1x16xf32>,
          %get3A_533 = vector.shape_cast %get3A_532 : vector<1x16xf32> to vector<16xf32>
          %add3A_534 = arith.constant 1 : i32
          %add3A_535 = arith.addi %add3A_196, %add3A_534 : i32
          %get3A_536 = arith.index_cast %add3A_535 : i32 to index
          %get3A_537 = arith.constant 64 : index
          %get3A_538 = tpu.vector_load %arg11[%get3A_536, %get3A_537] {strides = array<i32>} : memref<128x128xf32, #tpu.memory_space<vmem>>, vector<1x16xf32>,
          %get3A_539 = vector.shape_cast %get3A_538 : vector<1x16xf32> to vector<16xf32>
          %add3A_540 = arith.addf %get3A_533, %get3A_539 : vector<16xf32>
          %neg3A_541 = arith.constant 0.000000e+00 : f32
          %neg3A_542 = vector.broadcast %neg3A_541 : f32 to vector<16xf32>
          %neg3A_543 = arith.subf %neg3A_542, %add3A_540 : vector<16xf32>
          %exp3A_544 = math.exp %neg3A_543 : vector<16xf32>
          %add3A_545 = arith.constant 1.000000e+00 : f32
          %add3A_546 = vector.broadcast %add3A_545 : f32 to vector<16xf32>
          %add3A_547 = arith.addf %add3A_546, %exp3A_544 : vector<16xf32>
          %div3A_548 = arith.divf %add3A_540, %add3A_547 : vector<16xf32>
          %add3A_549 = arith.constant 1 : i32
          %add3A_550 = arith.addi %add3A_196, %add3A_549 : i32
          %swap3A_551 = arith.index_cast %add3A_550 : i32 to index
          %swap3A_552 = arith.constant 64 : index
          %swap3A_553 = tpu.vector_load %arg11[%swap3A_551, %swap3A_552] {strides = array<i32>} : memref<128x128xf32, #tpu.memory_space<vmem>>, vector<1x16xf32>,
          %swap3A_554 = vector.shape_cast %swap3A_553 : vector<1x16xf32> to vector<16xf32>
          %swap3A_555 = vector.shape_cast %div3A_548 : vector<16xf32> to vector<1x16xf32>
          tpu.vector_store %arg11[%swap3A_551, %swap3A_552], %swap3A_555 {strides = array<i32>} : memref<128x128xf32, #tpu.memory_space<vmem>>, vector<1x16xf32>,
          %add3A_556 = arith.constant 1 : i32
          %add3A_557 = arith.addi %add3A_196, %add3A_556 : i32
          %get3A_558 = arith.index_cast %add3A_557 : i32 to index
          %get3A_559 = arith.constant 80 : index
          %get3A_560 = tpu.vector_load %arg10[%get3A_558, %get3A_559] {strides = array<i32>} : memref<128x128xf32, #tpu.memory_space<vmem>>, vector<1x16xf32>,
          %get3A_561 = vector.shape_cast %get3A_560 : vector<1x16xf32> to vector<16xf32>
          %add3A_562 = arith.constant 1 : i32
          %add3A_563 = arith.addi %add3A_196, %add3A_562 : i32
          %get3A_564 = arith.index_cast %add3A_563 : i32 to index
          %get3A_565 = arith.constant 80 : index
          %get3A_566 = tpu.vector_load %arg11[%get3A_564, %get3A_565] {strides = array<i32>} : memref<128x128xf32, #tpu.memory_space<vmem>>, vector<1x16xf32>,
          %get3A_567 = vector.shape_cast %get3A_566 : vector<1x16xf32> to vector<16xf32>
          %add3A_568 = arith.addf %get3A_561, %get3A_567 : vector<16xf32>
          %neg3A_569 = arith.constant 0.000000e+00 : f32
          %neg3A_570 = vector.broadcast %neg3A_569 : f32 to vector<16xf32>
          %neg3A_571 = arith.subf %neg3A_570, %add3A_568 : vector<16xf32>
          %exp3A_572 = math.exp %neg3A_571 : vector<16xf32>
          %add3A_573 = arith.constant 1.000000e+00 : f32
          %add3A_574 = vector.broadcast %add3A_573 : f32 to vector<16xf32>
          %add3A_575 = arith.addf %add3A_574, %exp3A_572 : vector<16xf32>
          %div3A_576 = arith.divf %add3A_568, %add3A_575 : vector<16xf32>
          %add3A_577 = arith.constant 1 : i32
          %add3A_578 = arith.addi %add3A_196, %add3A_577 : i32
          %swap3A_579 = arith.index_cast %add3A_578 : i32 to index
          %swap3A_580 = arith.constant 80 : index
          %swap3A_581 = tpu.vector_load %arg11[%swap3A_579, %swap3A_580] {strides = array<i32>} : memref<128x128xf32, #tpu.memory_space<vmem>>, vector<1x16xf32>,
          %swap3A_582 = vector.shape_cast %swap3A_581 : vector<1x16xf32> to vector<16xf32>
          %swap3A_583 = vector.shape_cast %div3A_576 : vector<16xf32> to vector<1x16xf32>
          tpu.vector_store %arg11[%swap3A_579, %swap3A_580], %swap3A_583 {strides = array<i32>} : memref<128x128xf32, #tpu.memory_space<vmem>>, vector<1x16xf32>,
          %add3A_584 = arith.constant 1 : i32
          %add3A_585 = arith.addi %add3A_196, %add3A_584 : i32
          %get3A_586 = arith.index_cast %add3A_585 : i32 to index
          %get3A_587 = arith.constant 96 : index
          %get3A_588 = tpu.vector_load %arg10[%get3A_586, %get3A_587] {strides = array<i32>} : memref<128x128xf32, #tpu.memory_space<vmem>>, vector<1x16xf32>,
          %get3A_589 = vector.shape_cast %get3A_588 : vector<1x16xf32> to vector<16xf32>
          %add3A_590 = arith.constant 1 : i32
          %add3A_591 = arith.addi %add3A_196, %add3A_590 : i32
          %get3A_592 = arith.index_cast %add3A_591 : i32 to index
          %get3A_593 = arith.constant 96 : index
          %get3A_594 = tpu.vector_load %arg11[%get3A_592, %get3A_593] {strides = array<i32>} : memref<128x128xf32, #tpu.memory_space<vmem>>, vector<1x16xf32>,
          %get3A_595 = vector.shape_cast %get3A_594 : vector<1x16xf32> to vector<16xf32>
          %add3A_596 = arith.addf %get3A_589, %get3A_595 : vector<16xf32>
          %neg3A_597 = arith.constant 0.000000e+00 : f32
          %neg3A_598 = vector.broadcast %neg3A_597 : f32 to vector<16xf32>
          %neg3A_599 = arith.subf %neg3A_598, %add3A_596 : vector<16xf32>
          %exp3A_600 = math.exp %neg3A_599 : vector<16xf32>
          %add3A_601 = arith.constant 1.000000e+00 : f32
          %add3A_602 = vector.broadcast %add3A_601 : f32 to vector<16xf32>
          %add3A_603 = arith.addf %add3A_602, %exp3A_600 : vector<16xf32>
          %div3A_604 = arith.divf %add3A_596, %add3A_603 : vector<16xf32>
          %add3A_605 = arith.constant 1 : i32
          %add3A_606 = arith.addi %add3A_196, %add3A_605 : i32
          %swap3A_607 = arith.index_cast %add3A_606 : i32 to index
          %swap3A_608 = arith.constant 96 : index
          %swap3A_609 = tpu.vector_load %arg11[%swap3A_607, %swap3A_608] {strides = array<i32>} : memref<128x128xf32, #tpu.memory_space<vmem>>, vector<1x16xf32>,
          %swap3A_610 = vector.shape_cast %swap3A_609 : vector<1x16xf32> to vector<16xf32>
          %swap3A_611 = vector.shape_cast %div3A_604 : vector<16xf32> to vector<1x16xf32>
          tpu.vector_store %arg11[%swap3A_607, %swap3A_608], %swap3A_611 {strides = array<i32>} : memref<128x128xf32, #tpu.memory_space<vmem>>, vector<1x16xf32>,
          %add3A_612 = arith.constant 1 : i32
          %add3A_613 = arith.addi %add3A_196, %add3A_612 : i32
          %get3A_614 = arith.index_cast %add3A_613 : i32 to index
          %get3A_615 = arith.constant 112 : index
          %get3A_616 = tpu.vector_load %arg10[%get3A_614, %get3A_615] {strides = array<i32>} : memref<128x128xf32, #tpu.memory_space<vmem>>, vector<1x16xf32>,
          %get3A_617 = vector.shape_cast %get3A_616 : vector<1x16xf32> to vector<16xf32>
          %add3A_618 = arith.constant 1 : i32
          %add3A_619 = arith.addi %add3A_196, %add3A_618 : i32
          %get3A_620 = arith.index_cast %add3A_619 : i32 to index
          %get3A_621 = arith.constant 112 : index
          %get3A_622 = tpu.vector_load %arg11[%get3A_620, %get3A_621] {strides = array<i32>} : memref<128x128xf32, #tpu.memory_space<vmem>>, vector<1x16xf32>,
          %get3A_623 = vector.shape_cast %get3A_622 : vector<1x16xf32> to vector<16xf32>
          %add3A_624 = arith.addf %get3A_617, %get3A_623 : vector<16xf32>
          %neg3A_625 = arith.constant 0.000000e+00 : f32
          %neg3A_626 = vector.broadcast %neg3A_625 : f32 to vector<16xf32>
          %neg3A_627 = arith.subf %neg3A_626, %add3A_624 : vector<16xf32>
          %exp3A_628 = math.exp %neg3A_627 : vector<16xf32>
          %add3A_629 = arith.constant 1.000000e+00 : f32
          %add3A_630 = vector.broadcast %add3A_629 : f32 to vector<16xf32>
          %add3A_631 = arith.addf %add3A_630, %exp3A_628 : vector<16xf32>
          %div3A_632 = arith.divf %add3A_624, %add3A_631 : vector<16xf32>
          %add3A_633 = arith.constant 1 : i32
          %add3A_634 = arith.addi %add3A_196, %add3A_633 : i32
          %swap3A_635 = arith.index_cast %add3A_634 : i32 to index
          %swap3A_636 = arith.constant 112 : index
          %swap3A_637 = tpu.vector_load %arg11[%swap3A_635, %swap3A_636] {strides = array<i32>} : memref<128x128xf32, #tpu.memory_space<vmem>>, vector<1x16xf32>,
          %swap3A_638 = vector.shape_cast %swap3A_637 : vector<1x16xf32> to vector<16xf32>
          %swap3A_639 = vector.shape_cast %div3A_632 : vector<16xf32> to vector<1x16xf32>
          tpu.vector_store %arg11[%swap3A_635, %swap3A_636], %swap3A_639 {strides = array<i32>} : memref<128x128xf32, #tpu.memory_space<vmem>>, vector<1x16xf32>,
          %add3A_640 = arith.constant 2 : i32
          %add3A_641 = arith.addi %add3A_196, %add3A_640 : i32
          %get3A_642 = arith.index_cast %add3A_641 : i32 to index
          %get3A_643 = arith.constant 0 : index
          %get3A_644 = tpu.vector_load %arg10[%get3A_642, %get3A_643] {strides = array<i32>} : memref<128x128xf32, #tpu.memory_space<vmem>>, vector<1x16xf32>,
          %get3A_645 = vector.shape_cast %get3A_644 : vector<1x16xf32> to vector<16xf32>
          %add3A_646 = arith.constant 2 : i32
          %add3A_647 = arith.addi %add3A_196, %add3A_646 : i32
          %get3A_648 = arith.index_cast %add3A_647 : i32 to index
          %get3A_649 = arith.constant 0 : index
          %get3A_650 = tpu.vector_load %arg11[%get3A_648, %get3A_649] {strides = array<i32>} : memref<128x128xf32, #tpu.memory_space<vmem>>, vector<1x16xf32>,
          %get3A_651 = vector.shape_cast %get3A_650 : vector<1x16xf32> to vector<16xf32>
          %add3A_652 = arith.addf %get3A_645, %get3A_651 : vector<16xf32>
          %neg3A_653 = arith.constant 0.000000e+00 : f32
          %neg3A_654 = vector.broadcast %neg3A_653 : f32 to vector<16xf32>
          %neg3A_655 = arith.subf %neg3A_654, %add3A_652 : vector<16xf32>
          %exp3A_656 = math.exp %neg3A_655 : vector<16xf32>
          %add3A_657 = arith.constant 1.000000e+00 : f32
          %add3A_658 = vector.broadcast %add3A_657 : f32 to vector<16xf32>
          %add3A_659 = arith.addf %add3A_658, %exp3A_656 : vector<16xf32>
          %div3A_660 = arith.divf %add3A_652, %add3A_659 : vector<16xf32>
          %add3A_661 = arith.constant 2 : i32
          %add3A_662 = arith.addi %add3A_196, %add3A_661 : i32
          %swap3A_663 = arith.index_cast %add3A_662 : i32 to index
          %swap3A_664 = arith.constant 0 : index
          %swap3A_665 = tpu.vector_load %arg11[%swap3A_663, %swap3A_664] {strides = array<i32>} : memref<128x128xf32, #tpu.memory_space<vmem>>, vector<1x16xf32>,
          %swap3A_666 = vector.shape_cast %swap3A_665 : vector<1x16xf32> to vector<16xf32>
          %swap3A_667 = vector.shape_cast %div3A_660 : vector<16xf32> to vector<1x16xf32>
          tpu.vector_store %arg11[%swap3A_663, %swap3A_664], %swap3A_667 {strides = array<i32>} : memref<128x128xf32, #tpu.memory_space<vmem>>, vector<1x16xf32>,
          %add3A_668 = arith.constant 2 : i32
          %add3A_669 = arith.addi %add3A_196, %add3A_668 : i32
          %get3A_670 = arith.index_cast %add3A_669 : i32 to index
          %get3A_671 = arith.constant 16 : index
          %get3A_672 = tpu.vector_load %arg10[%get3A_670, %get3A_671] {strides = array<i32>} : memref<128x128xf32, #tpu.memory_space<vmem>>, vector<1x16xf32>,
          %get3A_673 = vector.shape_cast %get3A_672 : vector<1x16xf32> to vector<16xf32>
          %add3A_674 = arith.constant 2 : i32
          %add3A_675 = arith.addi %add3A_196, %add3A_674 : i32
          %get3A_676 = arith.index_cast %add3A_675 : i32 to index
          %get3A_677 = arith.constant 16 : index
          %get3A_678 = tpu.vector_load %arg11[%get3A_676, %get3A_677] {strides = array<i32>} : memref<128x128xf32, #tpu.memory_space<vmem>>, vector<1x16xf32>,
          %get3A_679 = vector.shape_cast %get3A_678 : vector<1x16xf32> to vector<16xf32>
          %add3A_680 = arith.addf %get3A_673, %get3A_679 : vector<16xf32>
          %neg3A_681 = arith.constant 0.000000e+00 : f32
          %neg3A_682 = vector.broadcast %neg3A_681 : f32 to vector<16xf32>
          %neg3A_683 = arith.subf %neg3A_682, %add3A_680 : vector<16xf32>
          %exp3A_684 = math.exp %neg3A_683 : vector<16xf32>
          %add3A_685 = arith.constant 1.000000e+00 : f32
          %add3A_686 = vector.broadcast %add3A_685 : f32 to vector<16xf32>
          %add3A_687 = arith.addf %add3A_686, %exp3A_684 : vector<16xf32>
          %div3A_688 = arith.divf %add3A_680, %add3A_687 : vector<16xf32>
          %add3A_689 = arith.constant 2 : i32
          %add3A_690 = arith.addi %add3A_196, %add3A_689 : i32
          %swap3A_691 = arith.index_cast %add3A_690 : i32 to index
          %swap3A_692 = arith.constant 16 : index
          %swap3A_693 = tpu.vector_load %arg11[%swap3A_691, %swap3A_692] {strides = array<i32>} : memref<128x128xf32, #tpu.memory_space<vmem>>, vector<1x16xf32>,
          %swap3A_694 = vector.shape_cast %swap3A_693 : vector<1x16xf32> to vector<16xf32>
          %swap3A_695 = vector.shape_cast %div3A_688 : vector<16xf32> to vector<1x16xf32>
          tpu.vector_store %arg11[%swap3A_691, %swap3A_692], %swap3A_695 {strides = array<i32>} : memref<128x128xf32, #tpu.memory_space<vmem>>, vector<1x16xf32>,
          %add3A_696 = arith.constant 2 : i32
          %add3A_697 = arith.addi %add3A_196, %add3A_696 : i32
          %get3A_698 = arith.index_cast %add3A_697 : i32 to index
          %get3A_699 = arith.constant 32 : index
          %get3A_700 = tpu.vector_load %arg10[%get3A_698, %get3A_699] {strides = array<i32>} : memref<128x128xf32, #tpu.memory_space<vmem>>, vector<1x16xf32>,
          %get3A_701 = vector.shape_cast %get3A_700 : vector<1x16xf32> to vector<16xf32>
          %add3A_702 = arith.constant 2 : i32
          %add3A_703 = arith.addi %add3A_196, %add3A_702 : i32
          %get3A_704 = arith.index_cast %add3A_703 : i32 to index
          %get3A_705 = arith.constant 32 : index
          %get3A_706 = tpu.vector_load %arg11[%get3A_704, %get3A_705] {strides = array<i32>} : memref<128x128xf32, #tpu.memory_space<vmem>>, vector<1x16xf32>,
          %get3A_707 = vector.shape_cast %get3A_706 : vector<1x16xf32> to vector<16xf32>
          %add3A_708 = arith.addf %get3A_701, %get3A_707 : vector<16xf32>
          %neg3A_709 = arith.constant 0.000000e+00 : f32
          %neg3A_710 = vector.broadcast %neg3A_709 : f32 to vector<16xf32>
          %neg3A_711 = arith.subf %neg3A_710, %add3A_708 : vector<16xf32>
          %exp3A_712 = math.exp %neg3A_711 : vector<16xf32>
          %add3A_713 = arith.constant 1.000000e+00 : f32
          %add3A_714 = vector.broadcast %add3A_713 : f32 to vector<16xf32>
          %add3A_715 = arith.addf %add3A_714, %exp3A_712 : vector<16xf32>
          %div3A_716 = arith.divf %add3A_708, %add3A_715 : vector<16xf32>
          %add3A_717 = arith.constant 2 : i32
          %add3A_718 = arith.addi %add3A_196, %add3A_717 : i32
          %swap3A_719 = arith.index_cast %add3A_718 : i32 to index
          %swap3A_720 = arith.constant 32 : index
          %swap3A_721 = tpu.vector_load %arg11[%swap3A_719, %swap3A_720] {strides = array<i32>} : memref<128x128xf32, #tpu.memory_space<vmem>>, vector<1x16xf32>,
          %swap3A_722 = vector.shape_cast %swap3A_721 : vector<1x16xf32> to vector<16xf32>
          %swap3A_723 = vector.shape_cast %div3A_716 : vector<16xf32> to vector<1x16xf32>
          tpu.vector_store %arg11[%swap3A_719, %swap3A_720], %swap3A_723 {strides = array<i32>} : memref<128x128xf32, #tpu.memory_space<vmem>>, vector<1x16xf32>,
          %add3A_724 = arith.constant 2 : i32
          %add3A_725 = arith.addi %add3A_196, %add3A_724 : i32
          %get3A_726 = arith.index_cast %add3A_725 : i32 to index
          %get3A_727 = arith.constant 48 : index
          %get3A_728 = tpu.vector_load %arg10[%get3A_726, %get3A_727] {strides = array<i32>} : memref<128x128xf32, #tpu.memory_space<vmem>>, vector<1x16xf32>,
          %get3A_729 = vector.shape_cast %get3A_728 : vector<1x16xf32> to vector<16xf32>
          %add3A_730 = arith.constant 2 : i32
          %add3A_731 = arith.addi %add3A_196, %add3A_730 : i32
          %get3A_732 = arith.index_cast %add3A_731 : i32 to index
          %get3A_733 = arith.constant 48 : index
          %get3A_734 = tpu.vector_load %arg11[%get3A_732, %get3A_733] {strides = array<i32>} : memref<128x128xf32, #tpu.memory_space<vmem>>, vector<1x16xf32>,
          %get3A_735 = vector.shape_cast %get3A_734 : vector<1x16xf32> to vector<16xf32>
          %add3A_736 = arith.addf %get3A_729, %get3A_735 : vector<16xf32>
          %neg3A_737 = arith.constant 0.000000e+00 : f32
          %neg3A_738 = vector.broadcast %neg3A_737 : f32 to vector<16xf32>
          %neg3A_739 = arith.subf %neg3A_738, %add3A_736 : vector<16xf32>
          %exp3A_740 = math.exp %neg3A_739 : vector<16xf32>
          %add3A_741 = arith.constant 1.000000e+00 : f32
          %add3A_742 = vector.broadcast %add3A_741 : f32 to vector<16xf32>
          %add3A_743 = arith.addf %add3A_742, %exp3A_740 : vector<16xf32>
          %div3A_744 = arith.divf %add3A_736, %add3A_743 : vector<16xf32>
          %add3A_745 = arith.constant 2 : i32
          %add3A_746 = arith.addi %add3A_196, %add3A_745 : i32
          %swap3A_747 = arith.index_cast %add3A_746 : i32 to index
          %swap3A_748 = arith.constant 48 : index
          %swap3A_749 = tpu.vector_load %arg11[%swap3A_747, %swap3A_748] {strides = array<i32>} : memref<128x128xf32, #tpu.memory_space<vmem>>, vector<1x16xf32>,
          %swap3A_750 = vector.shape_cast %swap3A_749 : vector<1x16xf32> to vector<16xf32>
          %swap3A_751 = vector.shape_cast %div3A_744 : vector<16xf32> to vector<1x16xf32>
          tpu.vector_store %arg11[%swap3A_747, %swap3A_748], %swap3A_751 {strides = array<i32>} : memref<128x128xf32, #tpu.memory_space<vmem>>, vector<1x16xf32>,
          %add3A_752 = arith.constant 2 : i32
          %add3A_753 = arith.addi %add3A_196, %add3A_752 : i32
          %get3A_754 = arith.index_cast %add3A_753 : i32 to index
          %get3A_755 = arith.constant 64 : index
          %get3A_756 = tpu.vector_load %arg10[%get3A_754, %get3A_755] {strides = array<i32>} : memref<128x128xf32, #tpu.memory_space<vmem>>, vector<1x16xf32>,
          %get3A_757 = vector.shape_cast %get3A_756 : vector<1x16xf32> to vector<16xf32>
          %add3A_758 = arith.constant 2 : i32
          %add3A_759 = arith.addi %add3A_196, %add3A_758 : i32
          %get3A_760 = arith.index_cast %add3A_759 : i32 to index
          %get3A_761 = arith.constant 64 : index
          %get3A_762 = tpu.vector_load %arg11[%get3A_760, %get3A_761] {strides = array<i32>} : memref<128x128xf32, #tpu.memory_space<vmem>>, vector<1x16xf32>,
          %get3A_763 = vector.shape_cast %get3A_762 : vector<1x16xf32> to vector<16xf32>
          %add3A_764 = arith.addf %get3A_757, %get3A_763 : vector<16xf32>
          %neg3A_765 = arith.constant 0.000000e+00 : f32
          %neg3A_766 = vector.broadcast %neg3A_765 : f32 to vector<16xf32>
          %neg3A_767 = arith.subf %neg3A_766, %add3A_764 : vector<16xf32>
          %exp3A_768 = math.exp %neg3A_767 : vector<16xf32>
          %add3A_769 = arith.constant 1.000000e+00 : f32
          %add3A_770 = vector.broadcast %add3A_769 : f32 to vector<16xf32>
          %add3A_771 = arith.addf %add3A_770, %exp3A_768 : vector<16xf32>
          %div3A_772 = arith.divf %add3A_764, %add3A_771 : vector<16xf32>
          %add3A_773 = arith.constant 2 : i32
          %add3A_774 = arith.addi %add3A_196, %add3A_773 : i32
          %swap3A_775 = arith.index_cast %add3A_774 : i32 to index
          %swap3A_776 = arith.constant 64 : index
          %swap3A_777 = tpu.vector_load %arg11[%swap3A_775, %swap3A_776] {strides = array<i32>} : memref<128x128xf32, #tpu.memory_space<vmem>>, vector<1x16xf32>,
          %swap3A_778 = vector.shape_cast %swap3A_777 : vector<1x16xf32> to vector<16xf32>
          %swap3A_779 = vector.shape_cast %div3A_772 : vector<16xf32> to vector<1x16xf32>
          tpu.vector_store %arg11[%swap3A_775, %swap3A_776], %swap3A_779 {strides = array<i32>} : memref<128x128xf32, #tpu.memory_space<vmem>>, vector<1x16xf32>,
          %add3A_780 = arith.constant 2 : i32
          %add3A_781 = arith.addi %add3A_196, %add3A_780 : i32
          %get3A_782 = arith.index_cast %add3A_781 : i32 to index
          %get3A_783 = arith.constant 80 : index
          %get3A_784 = tpu.vector_load %arg10[%get3A_782, %get3A_783] {strides = array<i32>} : memref<128x128xf32, #tpu.memory_space<vmem>>, vector<1x16xf32>,
          %get3A_785 = vector.shape_cast %get3A_784 : vector<1x16xf32> to vector<16xf32>
          %add3A_786 = arith.constant 2 : i32
          %add3A_787 = arith.addi %add3A_196, %add3A_786 : i32
          %get3A_788 = arith.index_cast %add3A_787 : i32 to index
          %get3A_789 = arith.constant 80 : index
          %get3A_790 = tpu.vector_load %arg11[%get3A_788, %get3A_789] {strides = array<i32>} : memref<128x128xf32, #tpu.memory_space<vmem>>, vector<1x16xf32>,
          %get3A_791 = vector.shape_cast %get3A_790 : vector<1x16xf32> to vector<16xf32>
          %add3A_792 = arith.addf %get3A_785, %get3A_791 : vector<16xf32>
          %neg3A_793 = arith.constant 0.000000e+00 : f32
          %neg3A_794 = vector.broadcast %neg3A_793 : f32 to vector<16xf32>
          %neg3A_795 = arith.subf %neg3A_794, %add3A_792 : vector<16xf32>
          %exp3A_796 = math.exp %neg3A_795 : vector<16xf32>
          %add3A_797 = arith.constant 1.000000e+00 : f32
          %add3A_798 = vector.broadcast %add3A_797 : f32 to vector<16xf32>
          %add3A_799 = arith.addf %add3A_798, %exp3A_796 : vector<16xf32>
          %div3A_800 = arith.divf %add3A_792, %add3A_799 : vector<16xf32>
          %add3A_801 = arith.constant 2 : i32
          %add3A_802 = arith.addi %add3A_196, %add3A_801 : i32
          %swap3A_803 = arith.index_cast %add3A_802 : i32 to index
          %swap3A_804 = arith.constant 80 : index
          %swap3A_805 = tpu.vector_load %arg11[%swap3A_803, %swap3A_804] {strides = array<i32>} : memref<128x128xf32, #tpu.memory_space<vmem>>, vector<1x16xf32>,
          %swap3A_806 = vector.shape_cast %swap3A_805 : vector<1x16xf32> to vector<16xf32>
          %swap3A_807 = vector.shape_cast %div3A_800 : vector<16xf32> to vector<1x16xf32>
          tpu.vector_store %arg11[%swap3A_803, %swap3A_804], %swap3A_807 {strides = array<i32>} : memref<128x128xf32, #tpu.memory_space<vmem>>, vector<1x16xf32>,
          %add3A_808 = arith.constant 2 : i32
          %add3A_809 = arith.addi %add3A_196, %add3A_808 : i32
          %get3A_810 = arith.index_cast %add3A_809 : i32 to index
          %get3A_811 = arith.constant 96 : index
          %get3A_812 = tpu.vector_load %arg10[%get3A_810, %get3A_811] {strides = array<i32>} : memref<128x128xf32, #tpu.memory_space<vmem>>, vector<1x16xf32>,
          %get3A_813 = vector.shape_cast %get3A_812 : vector<1x16xf32> to vector<16xf32>
          %add3A_814 = arith.constant 2 : i32
          %add3A_815 = arith.addi %add3A_196, %add3A_814 : i32
          %get3A_816 = arith.index_cast %add3A_815 : i32 to index
          %get3A_817 = arith.constant 96 : index
          %get3A_818 = tpu.vector_load %arg11[%get3A_816, %get3A_817] {strides = array<i32>} : memref<128x128xf32, #tpu.memory_space<vmem>>, vector<1x16xf32>,
          %get3A_819 = vector.shape_cast %get3A_818 : vector<1x16xf32> to vector<16xf32>
          %add3A_820 = arith.addf %get3A_813, %get3A_819 : vector<16xf32>
          %neg3A_821 = arith.constant 0.000000e+00 : f32
          %neg3A_822 = vector.broadcast %neg3A_821 : f32 to vector<16xf32>
          %neg3A_823 = arith.subf %neg3A_822, %add3A_820 : vector<16xf32>
          %exp3A_824 = math.exp %neg3A_823 : vector<16xf32>
          %add3A_825 = arith.constant 1.000000e+00 : f32
          %add3A_826 = vector.broadcast %add3A_825 : f32 to vector<16xf32>
          %add3A_827 = arith.addf %add3A_826, %exp3A_824 : vector<16xf32>
          %div3A_828 = arith.divf %add3A_820, %add3A_827 : vector<16xf32>
          %add3A_829 = arith.constant 2 : i32
          %add3A_830 = arith.addi %add3A_196, %add3A_829 : i32
          %swap3A_831 = arith.index_cast %add3A_830 : i32 to index
          %swap3A_832 = arith.constant 96 : index
          %swap3A_833 = tpu.vector_load %arg11[%swap3A_831, %swap3A_832] {strides = array<i32>} : memref<128x128xf32, #tpu.memory_space<vmem>>, vector<1x16xf32>,
          %swap3A_834 = vector.shape_cast %swap3A_833 : vector<1x16xf32> to vector<16xf32>
          %swap3A_835 = vector.shape_cast %div3A_828 : vector<16xf32> to vector<1x16xf32>
          tpu.vector_store %arg11[%swap3A_831, %swap3A_832], %swap3A_835 {strides = array<i32>} : memref<128x128xf32, #tpu.memory_space<vmem>>, vector<1x16xf32>,
          %add3A_836 = arith.constant 2 : i32
          %add3A_837 = arith.addi %add3A_196, %add3A_836 : i32
          %get3A_838 = arith.index_cast %add3A_837 : i32 to index
          %get3A_839 = arith.constant 112 : index
          %get3A_840 = tpu.vector_load %arg10[%get3A_838, %get3A_839] {strides = array<i32>} : memref<128x128xf32, #tpu.memory_space<vmem>>, vector<1x16xf32>,
          %get3A_841 = vector.shape_cast %get3A_840 : vector<1x16xf32> to vector<16xf32>
          %add3A_842 = arith.constant 2 : i32
          %add3A_843 = arith.addi %add3A_196, %add3A_842 : i32
          %get3A_844 = arith.index_cast %add3A_843 : i32 to index
          %get3A_845 = arith.constant 112 : index
          %get3A_846 = tpu.vector_load %arg11[%get3A_844, %get3A_845] {strides = array<i32>} : memref<128x128xf32, #tpu.memory_space<vmem>>, vector<1x16xf32>,
          %get3A_847 = vector.shape_cast %get3A_846 : vector<1x16xf32> to vector<16xf32>
          %add3A_848 = arith.addf %get3A_841, %get3A_847 : vector<16xf32>
          %neg3A_849 = arith.constant 0.000000e+00 : f32
          %neg3A_850 = vector.broadcast %neg3A_849 : f32 to vector<16xf32>
          %neg3A_851 = arith.subf %neg3A_850, %add3A_848 : vector<16xf32>
          %exp3A_852 = math.exp %neg3A_851 : vector<16xf32>
          %add3A_853 = arith.constant 1.000000e+00 : f32
          %add3A_854 = vector.broadcast %add3A_853 : f32 to vector<16xf32>
          %add3A_855 = arith.addf %add3A_854, %exp3A_852 : vector<16xf32>
          %div3A_856 = arith.divf %add3A_848, %add3A_855 : vector<16xf32>
          %add3A_857 = arith.constant 2 : i32
          %add3A_858 = arith.addi %add3A_196, %add3A_857 : i32
          %swap3A_859 = arith.index_cast %add3A_858 : i32 to index
          %swap3A_860 = arith.constant 112 : index
          %swap3A_861 = tpu.vector_load %arg11[%swap3A_859, %swap3A_860] {strides = array<i32>} : memref<128x128xf32, #tpu.memory_space<vmem>>, vector<1x16xf32>,
          %swap3A_862 = vector.shape_cast %swap3A_861 : vector<1x16xf32> to vector<16xf32>
          %swap3A_863 = vector.shape_cast %div3A_856 : vector<16xf32> to vector<1x16xf32>
          tpu.vector_store %arg11[%swap3A_859, %swap3A_860], %swap3A_863 {strides = array<i32>} : memref<128x128xf32, #tpu.memory_space<vmem>>, vector<1x16xf32>,
          %add3A_864 = arith.constant 3 : i32
          %add3A_865 = arith.addi %add3A_196, %add3A_864 : i32
          %get3A_866 = arith.index_cast %add3A_865 : i32 to index
          %get3A_867 = arith.constant 0 : index
          %get3A_868 = tpu.vector_load %arg10[%get3A_866, %get3A_867] {strides = array<i32>} : memref<128x128xf32, #tpu.memory_space<vmem>>, vector<1x16xf32>,
          %get3A_869 = vector.shape_cast %get3A_868 : vector<1x16xf32> to vector<16xf32>
          %add3A_870 = arith.constant 3 : i32
          %add3A_871 = arith.addi %add3A_196, %add3A_870 : i32
          %get3A_872 = arith.index_cast %add3A_871 : i32 to index
          %get3A_873 = arith.constant 0 : index
          %get3A_874 = tpu.vector_load %arg11[%get3A_872, %get3A_873] {strides = array<i32>} : memref<128x128xf32, #tpu.memory_space<vmem>>, vector<1x16xf32>,
          %get3A_875 = vector.shape_cast %get3A_874 : vector<1x16xf32> to vector<16xf32>
          %add3A_876 = arith.addf %get3A_869, %get3A_875 : vector<16xf32>
          %neg3A_877 = arith.constant 0.000000e+00 : f32
          %neg3A_878 = vector.broadcast %neg3A_877 : f32 to vector<16xf32>
          %neg3A_879 = arith.subf %neg3A_878, %add3A_876 : vector<16xf32>
          %exp3A_880 = math.exp %neg3A_879 : vector<16xf32>
          %add3A_881 = arith.constant 1.000000e+00 : f32
          %add3A_882 = vector.broadcast %add3A_881 : f32 to vector<16xf32>
          %add3A_883 = arith.addf %add3A_882, %exp3A_880 : vector<16xf32>
          %div3A_884 = arith.divf %add3A_876, %add3A_883 : vector<16xf32>
          %add3A_885 = arith.constant 3 : i32
          %add3A_886 = arith.addi %add3A_196, %add3A_885 : i32
          %swap3A_887 = arith.index_cast %add3A_886 : i32 to index
          %swap3A_888 = arith.constant 0 : index
          %swap3A_889 = tpu.vector_load %arg11[%swap3A_887, %swap3A_888] {strides = array<i32>} : memref<128x128xf32, #tpu.memory_space<vmem>>, vector<1x16xf32>,
          %swap3A_890 = vector.shape_cast %swap3A_889 : vector<1x16xf32> to vector<16xf32>
          %swap3A_891 = vector.shape_cast %div3A_884 : vector<16xf32> to vector<1x16xf32>
          tpu.vector_store %arg11[%swap3A_887, %swap3A_888], %swap3A_891 {strides = array<i32>} : memref<128x128xf32, #tpu.memory_space<vmem>>, vector<1x16xf32>,
          %add3A_892 = arith.constant 3 : i32
          %add3A_893 = arith.addi %add3A_196, %add3A_892 : i32
          %get3A_894 = arith.index_cast %add3A_893 : i32 to index
          %get3A_895 = arith.constant 16 : index
          %get3A_896 = tpu.vector_load %arg10[%get3A_894, %get3A_895] {strides = array<i32>} : memref<128x128xf32, #tpu.memory_space<vmem>>, vector<1x16xf32>,
          %get3A_897 = vector.shape_cast %get3A_896 : vector<1x16xf32> to vector<16xf32>
          %add3A_898 = arith.constant 3 : i32
          %add3A_899 = arith.addi %add3A_196, %add3A_898 : i32
          %get3A_900 = arith.index_cast %add3A_899 : i32 to index
          %get3A_901 = arith.constant 16 : index
          %get3A_902 = tpu.vector_load %arg11[%get3A_900, %get3A_901] {strides = array<i32>} : memref<128x128xf32, #tpu.memory_space<vmem>>, vector<1x16xf32>,
          %get3A_903 = vector.shape_cast %get3A_902 : vector<1x16xf32> to vector<16xf32>
          %add3A_904 = arith.addf %get3A_897, %get3A_903 : vector<16xf32>
          %neg3A_905 = arith.constant 0.000000e+00 : f32
          %neg3A_906 = vector.broadcast %neg3A_905 : f32 to vector<16xf32>
          %neg3A_907 = arith.subf %neg3A_906, %add3A_904 : vector<16xf32>
          %exp3A_908 = math.exp %neg3A_907 : vector<16xf32>
          %add3A_909 = arith.constant 1.000000e+00 : f32
          %add3A_910 = vector.broadcast %add3A_909 : f32 to vector<16xf32>
          %add3A_911 = arith.addf %add3A_910, %exp3A_908 : vector<16xf32>
          %div3A_912 = arith.divf %add3A_904, %add3A_911 : vector<16xf32>
          %add3A_913 = arith.constant 3 : i32
          %add3A_914 = arith.addi %add3A_196, %add3A_913 : i32
          %swap3A_915 = arith.index_cast %add3A_914 : i32 to index
          %swap3A_916 = arith.constant 16 : index
          %swap3A_917 = tpu.vector_load %arg11[%swap3A_915, %swap3A_916] {strides = array<i32>} : memref<128x128xf32, #tpu.memory_space<vmem>>, vector<1x16xf32>,
          %swap3A_918 = vector.shape_cast %swap3A_917 : vector<1x16xf32> to vector<16xf32>
          %swap3A_919 = vector.shape_cast %div3A_912 : vector<16xf32> to vector<1x16xf32>
          tpu.vector_store %arg11[%swap3A_915, %swap3A_916], %swap3A_919 {strides = array<i32>} : memref<128x128xf32, #tpu.memory_space<vmem>>, vector<1x16xf32>,
          %add3A_920 = arith.constant 3 : i32
          %add3A_921 = arith.addi %add3A_196, %add3A_920 : i32
          %get3A_922 = arith.index_cast %add3A_921 : i32 to index
          %get3A_923 = arith.constant 32 : index
          %get3A_924 = tpu.vector_load %arg10[%get3A_922, %get3A_923] {strides = array<i32>} : memref<128x128xf32, #tpu.memory_space<vmem>>, vector<1x16xf32>,
          %get3A_925 = vector.shape_cast %get3A_924 : vector<1x16xf32> to vector<16xf32>
          %add3A_926 = arith.constant 3 : i32
          %add3A_927 = arith.addi %add3A_196, %add3A_926 : i32
          %get3A_928 = arith.index_cast %add3A_927 : i32 to index
          %get3A_929 = arith.constant 32 : index
          %get3A_930 = tpu.vector_load %arg11[%get3A_928, %get3A_929] {strides = array<i32>} : memref<128x128xf32, #tpu.memory_space<vmem>>, vector<1x16xf32>,
          %get3A_931 = vector.shape_cast %get3A_930 : vector<1x16xf32> to vector<16xf32>
          %add3A_932 = arith.addf %get3A_925, %get3A_931 : vector<16xf32>
          %neg3A_933 = arith.constant 0.000000e+00 : f32
          %neg3A_934 = vector.broadcast %neg3A_933 : f32 to vector<16xf32>
          %neg3A_935 = arith.subf %neg3A_934, %add3A_932 : vector<16xf32>
          %exp3A_936 = math.exp %neg3A_935 : vector<16xf32>
          %add3A_937 = arith.constant 1.000000e+00 : f32
          %add3A_938 = vector.broadcast %add3A_937 : f32 to vector<16xf32>
          %add3A_939 = arith.addf %add3A_938, %exp3A_936 : vector<16xf32>
          %div3A_940 = arith.divf %add3A_932, %add3A_939 : vector<16xf32>
          %add3A_941 = arith.constant 3 : i32
          %add3A_942 = arith.addi %add3A_196, %add3A_941 : i32
          %swap3A_943 = arith.index_cast %add3A_942 : i32 to index
          %swap3A_944 = arith.constant 32 : index
          %swap3A_945 = tpu.vector_load %arg11[%swap3A_943, %swap3A_944] {strides = array<i32>} : memref<128x128xf32, #tpu.memory_space<vmem>>, vector<1x16xf32>,
          %swap3A_946 = vector.shape_cast %swap3A_945 : vector<1x16xf32> to vector<16xf32>
          %swap3A_947 = vector.shape_cast %div3A_940 : vector<16xf32> to vector<1x16xf32>
          tpu.vector_store %arg11[%swap3A_943, %swap3A_944], %swap3A_947 {strides = array<i32>} : memref<128x128xf32, #tpu.memory_space<vmem>>, vector<1x16xf32>,
          %add3A_948 = arith.constant 3 : i32
          %add3A_949 = arith.addi %add3A_196, %add3A_948 : i32
          %get3A_950 = arith.index_cast %add3A_949 : i32 to index
          %get3A_951 = arith.constant 48 : index
          %get3A_952 = tpu.vector_load %arg10[%get3A_950, %get3A_951] {strides = array<i32>} : memref<128x128xf32, #tpu.memory_space<vmem>>, vector<1x16xf32>,
          %get3A_953 = vector.shape_cast %get3A_952 : vector<1x16xf32> to vector<16xf32>
          %add3A_954 = arith.constant 3 : i32
          %add3A_955 = arith.addi %add3A_196, %add3A_954 : i32
          %get3A_956 = arith.index_cast %add3A_955 : i32 to index
          %get3A_957 = arith.constant 48 : index
          %get3A_958 = tpu.vector_load %arg11[%get3A_956, %get3A_957] {strides = array<i32>} : memref<128x128xf32, #tpu.memory_space<vmem>>, vector<1x16xf32>,
          %get3A_959 = vector.shape_cast %get3A_958 : vector<1x16xf32> to vector<16xf32>
          %add3A_960 = arith.addf %get3A_953, %get3A_959 : vector<16xf32>
          %neg3A_961 = arith.constant 0.000000e+00 : f32
          %neg3A_962 = vector.broadcast %neg3A_961 : f32 to vector<16xf32>
          %neg3A_963 = arith.subf %neg3A_962, %add3A_960 : vector<16xf32>
          %exp3A_964 = math.exp %neg3A_963 : vector<16xf32>
          %add3A_965 = arith.constant 1.000000e+00 : f32
          %add3A_966 = vector.broadcast %add3A_965 : f32 to vector<16xf32>
          %add3A_967 = arith.addf %add3A_966, %exp3A_964 : vector<16xf32>
          %div3A_968 = arith.divf %add3A_960, %add3A_967 : vector<16xf32>
          %add3A_969 = arith.constant 3 : i32
          %add3A_970 = arith.addi %add3A_196, %add3A_969 : i32
          %swap3A_971 = arith.index_cast %add3A_970 : i32 to index
          %swap3A_972 = arith.constant 48 : index
          %swap3A_973 = tpu.vector_load %arg11[%swap3A_971, %swap3A_972] {strides = array<i32>} : memref<128x128xf32, #tpu.memory_space<vmem>>, vector<1x16xf32>,
          %swap3A_974 = vector.shape_cast %swap3A_973 : vector<1x16xf32> to vector<16xf32>
          %swap3A_975 = vector.shape_cast %div3A_968 : vector<16xf32> to vector<1x16xf32>
          tpu.vector_store %arg11[%swap3A_971, %swap3A_972], %swap3A_975 {strides = array<i32>} : memref<128x128xf32, #tpu.memory_space<vmem>>, vector<1x16xf32>,
          %add3A_976 = arith.constant 3 : i32
          %add3A_977 = arith.addi %add3A_196, %add3A_976 : i32
          %get3A_978 = arith.index_cast %add3A_977 : i32 to index
          %get3A_979 = arith.constant 64 : index
          %get3A_980 = tpu.vector_load %arg10[%get3A_978, %get3A_979] {strides = array<i32>} : memref<128x128xf32, #tpu.memory_space<vmem>>, vector<1x16xf32>,
          %get3A_981 = vector.shape_cast %get3A_980 : vector<1x16xf32> to vector<16xf32>
          %add3A_982 = arith.constant 3 : i32
          %add3A_983 = arith.addi %add3A_196, %add3A_982 : i32
          %get3A_984 = arith.index_cast %add3A_983 : i32 to index
          %get3A_985 = arith.constant 64 : index
          %get3A_986 = tpu.vector_load %arg11[%get3A_984, %get3A_985] {strides = array<i32>} : memref<128x128xf32, #tpu.memory_space<vmem>>, vector<1x16xf32>,
          %get3A_987 = vector.shape_cast %get3A_986 : vector<1x16xf32> to vector<16xf32>
          %add3A_988 = arith.addf %get3A_981, %get3A_987 : vector<16xf32>
          %neg3A_989 = arith.constant 0.000000e+00 : f32
          %neg3A_990 = vector.broadcast %neg3A_989 : f32 to vector<16xf32>
          %neg3A_991 = arith.subf %neg3A_990, %add3A_988 : vector<16xf32>
          %exp3A_992 = math.exp %neg3A_991 : vector<16xf32>
          %add3A_993 = arith.constant 1.000000e+00 : f32
          %add3A_994 = vector.broadcast %add3A_993 : f32 to vector<16xf32>
          %add3A_995 = arith.addf %add3A_994, %exp3A_992 : vector<16xf32>
          %div3A_996 = arith.divf %add3A_988, %add3A_995 : vector<16xf32>
          %add3A_997 = arith.constant 3 : i32
          %add3A_998 = arith.addi %add3A_196, %add3A_997 : i32
          %swap3A_999 = arith.index_cast %add3A_998 : i32 to index
          %swap3A_1000 = arith.constant 64 : index
          %swap3A_1001 = tpu.vector_load %arg11[%swap3A_999, %swap3A_1000] {strides = array<i32>} : memref<128x128xf32, #tpu.memory_space<vmem>>, vector<1x16xf32>,
          %swap3A_1002 = vector.shape_cast %swap3A_1001 : vector<1x16xf32> to vector<16xf32>
          %swap3A_1003 = vector.shape_cast %div3A_996 : vector<16xf32> to vector<1x16xf32>
          tpu.vector_store %arg11[%swap3A_999, %swap3A_1000], %swap3A_1003 {strides = array<i32>} : memref<128x128xf32, #tpu.memory_space<vmem>>, vector<1x16xf32>,
          %add3A_1004 = arith.constant 3 : i32
          %add3A_1005 = arith.addi %add3A_196, %add3A_1004 : i32
          %get3A_1006 = arith.index_cast %add3A_1005 : i32 to index
          %get3A_1007 = arith.constant 80 : index
          %get3A_1008 = tpu.vector_load %arg10[%get3A_1006, %get3A_1007] {strides = array<i32>} : memref<128x128xf32, #tpu.memory_space<vmem>>, vector<1x16xf32>,
          %get3A_1009 = vector.shape_cast %get3A_1008 : vector<1x16xf32> to vector<16xf32>
          %add3A_1010 = arith.constant 3 : i32
          %add3A_1011 = arith.addi %add3A_196, %add3A_1010 : i32
          %get3A_1012 = arith.index_cast %add3A_1011 : i32 to index
          %get3A_1013 = arith.constant 80 : index
          %get3A_1014 = tpu.vector_load %arg11[%get3A_1012, %get3A_1013] {strides = array<i32>} : memref<128x128xf32, #tpu.memory_space<vmem>>, vector<1x16xf32>,
          %get3A_1015 = vector.shape_cast %get3A_1014 : vector<1x16xf32> to vector<16xf32>
          %add3A_1016 = arith.addf %get3A_1009, %get3A_1015 : vector<16xf32>
          %neg3A_1017 = arith.constant 0.000000e+00 : f32
          %neg3A_1018 = vector.broadcast %neg3A_1017 : f32 to vector<16xf32>
          %neg3A_1019 = arith.subf %neg3A_1018, %add3A_1016 : vector<16xf32>
          %exp3A_1020 = math.exp %neg3A_1019 : vector<16xf32>
          %add3A_1021 = arith.constant 1.000000e+00 : f32
          %add3A_1022 = vector.broadcast %add3A_1021 : f32 to vector<16xf32>
          %add3A_1023 = arith.addf %add3A_1022, %exp3A_1020 : vector<16xf32>
          %div3A_1024 = arith.divf %add3A_1016, %add3A_1023 : vector<16xf32>
          %add3A_1025 = arith.constant 3 : i32
          %add3A_1026 = arith.addi %add3A_196, %add3A_1025 : i32
          %swap3A_1027 = arith.index_cast %add3A_1026 : i32 to index
          %swap3A_1028 = arith.constant 80 : index
          %swap3A_1029 = tpu.vector_load %arg11[%swap3A_1027, %swap3A_1028] {strides = array<i32>} : memref<128x128xf32, #tpu.memory_space<vmem>>, vector<1x16xf32>,
          %swap3A_1030 = vector.shape_cast %swap3A_1029 : vector<1x16xf32> to vector<16xf32>
          %swap3A_1031 = vector.shape_cast %div3A_1024 : vector<16xf32> to vector<1x16xf32>
          tpu.vector_store %arg11[%swap3A_1027, %swap3A_1028], %swap3A_1031 {strides = array<i32>} : memref<128x128xf32, #tpu.memory_space<vmem>>, vector<1x16xf32>,
          %add3A_1032 = arith.constant 3 : i32
          %add3A_1033 = arith.addi %add3A_196, %add3A_1032 : i32
          %get3A_1034 = arith.index_cast %add3A_1033 : i32 to index
          %get3A_1035 = arith.constant 96 : index
          %get3A_1036 = tpu.vector_load %arg10[%get3A_1034, %get3A_1035] {strides = array<i32>} : memref<128x128xf32, #tpu.memory_space<vmem>>, vector<1x16xf32>,
          %get3A_1037 = vector.shape_cast %get3A_1036 : vector<1x16xf32> to vector<16xf32>
          %add3A_1038 = arith.constant 3 : i32
          %add3A_1039 = arith.addi %add3A_196, %add3A_1038 : i32
          %get3A_1040 = arith.index_cast %add3A_1039 : i32 to index
          %get3A_1041 = arith.constant 96 : index
          %get3A_1042 = tpu.vector_load %arg11[%get3A_1040, %get3A_1041] {strides = array<i32>} : memref<128x128xf32, #tpu.memory_space<vmem>>, vector<1x16xf32>,
          %get3A_1043 = vector.shape_cast %get3A_1042 : vector<1x16xf32> to vector<16xf32>
          %add3A_1044 = arith.addf %get3A_1037, %get3A_1043 : vector<16xf32>
          %neg3A_1045 = arith.constant 0.000000e+00 : f32
          %neg3A_1046 = vector.broadcast %neg3A_1045 : f32 to vector<16xf32>
          %neg3A_1047 = arith.subf %neg3A_1046, %add3A_1044 : vector<16xf32>
          %exp3A_1048 = math.exp %neg3A_1047 : vector<16xf32>
          %add3A_1049 = arith.constant 1.000000e+00 : f32
          %add3A_1050 = vector.broadcast %add3A_1049 : f32 to vector<16xf32>
          %add3A_1051 = arith.addf %add3A_1050, %exp3A_1048 : vector<16xf32>
          %div3A_1052 = arith.divf %add3A_1044, %add3A_1051 : vector<16xf32>
          %add3A_1053 = arith.constant 3 : i32
          %add3A_1054 = arith.addi %add3A_196, %add3A_1053 : i32
          %swap3A_1055 = arith.index_cast %add3A_1054 : i32 to index
          %swap3A_1056 = arith.constant 96 : index
          %swap3A_1057 = tpu.vector_load %arg11[%swap3A_1055, %swap3A_1056] {strides = array<i32>} : memref<128x128xf32, #tpu.memory_space<vmem>>, vector<1x16xf32>,
          %swap3A_1058 = vector.shape_cast %swap3A_1057 : vector<1x16xf32> to vector<16xf32>
          %swap3A_1059 = vector.shape_cast %div3A_1052 : vector<16xf32> to vector<1x16xf32>
          tpu.vector_store %arg11[%swap3A_1055, %swap3A_1056], %swap3A_1059 {strides = array<i32>} : memref<128x128xf32, #tpu.memory_space<vmem>>, vector<1x16xf32>,
          %add3A_1060 = arith.constant 3 : i32
          %add3A_1061 = arith.addi %add3A_196, %add3A_1060 : i32
          %get3A_1062 = arith.index_cast %add3A_1061 : i32 to index
          %get3A_1063 = arith.constant 112 : index
          %get3A_1064 = tpu.vector_load %arg10[%get3A_1062, %get3A_1063] {strides = array<i32>} : memref<128x128xf32, #tpu.memory_space<vmem>>, vector<1x16xf32>,
          %get3A_1065 = vector.shape_cast %get3A_1064 : vector<1x16xf32> to vector<16xf32>
          %add3A_1066 = arith.constant 3 : i32
          %add3A_1067 = arith.addi %add3A_196, %add3A_1066 : i32
          %get3A_1068 = arith.index_cast %add3A_1067 : i32 to index
          %get3A_1069 = arith.constant 112 : index
          %get3A_1070 = tpu.vector_load %arg11[%get3A_1068, %get3A_1069] {strides = array<i32>} : memref<128x128xf32, #tpu.memory_space<vmem>>, vector<1x16xf32>,
          %get3A_1071 = vector.shape_cast %get3A_1070 : vector<1x16xf32> to vector<16xf32>
          %add3A_1072 = arith.addf %get3A_1065, %get3A_1071 : vector<16xf32>
          %neg3A_1073 = arith.constant 0.000000e+00 : f32
          %neg3A_1074 = vector.broadcast %neg3A_1073 : f32 to vector<16xf32>
          %neg3A_1075 = arith.subf %neg3A_1074, %add3A_1072 : vector<16xf32>
          %exp3A_1076 = math.exp %neg3A_1075 : vector<16xf32>
          %add3A_1077 = arith.constant 1.000000e+00 : f32
          %add3A_1078 = vector.broadcast %add3A_1077 : f32 to vector<16xf32>
          %add3A_1079 = arith.addf %add3A_1078, %exp3A_1076 : vector<16xf32>
          %div3A_1080 = arith.divf %add3A_1072, %add3A_1079 : vector<16xf32>
          %add3A_1081 = arith.constant 3 : i32
          %add3A_1082 = arith.addi %add3A_196, %add3A_1081 : i32
          %swap3A_1083 = arith.index_cast %add3A_1082 : i32 to index
          %swap3A_1084 = arith.constant 112 : index
          %swap3A_1085 = tpu.vector_load %arg11[%swap3A_1083, %swap3A_1084] {strides = array<i32>} : memref<128x128xf32, #tpu.memory_space<vmem>>, vector<1x16xf32>,
          %swap3A_1086 = vector.shape_cast %swap3A_1085 : vector<1x16xf32> to vector<16xf32>
          %swap3A_1087 = vector.shape_cast %div3A_1080 : vector<16xf32> to vector<1x16xf32>
          tpu.vector_store %arg11[%swap3A_1083, %swap3A_1084], %swap3A_1087 {strides = array<i32>} : memref<128x128xf32, #tpu.memory_space<vmem>>, vector<1x16xf32>,
        }
        %scan3A_174 = arith.constant 16 : i32
        %dma_wait3A_175 = arith.constant 64 : i32
        %dma_wait3A_176 = arith.constant 0 : i32
        %dma_wait3A_177 = tpu.memref_slice %arg11[%dma_wait3A_175, %dma_wait3A_176] : memref<128x128xf32, #tpu.memory_space<vmem>> -> memref<64x128xf32, #tpu.memory_space<vmem>>
        %dma_wait3A_178 = arith.constant 64 : i32
        %dma_wait3A_179 = tpu.memref_slice %arg9[%scan3A_62, %dma_wait3A_178] : memref<8x128xi32, #tpu.memory_space<vmem>> -> memref<1x64xi32, #tpu.memory_space<vmem>>
        %dma_wait3A_180 = tpu.memref_squeeze %dma_wait3A_179 : memref<1x64xi32, #tpu.memory_space<vmem>> -> memref<64xi32, #tpu.memory_space<vmem>>
        %dma_wait3A_181 = arith.constant 0 : i32
        %dma_wait3A_182 = arith.constant 0 : i32
        %dma_wait3A_183 = tpu.memref_slice %arg3[%dma_wait3A_181, %dma_wait3A_182] : memref<10112x128xf32, #tpu.memory_space<hbm>> -> memref<10112x128xf32, #tpu.memory_space<hbm>>
        tpu.wait_indirect_dma semaphore(%arg15 : memref<!tpu.dma_semaphore, #tpu.memory_space<semaphore_mem>>) src(%dma_wait3A_183 : memref<10112x128xf32, #tpu.memory_space<hbm>>) dst(%dma_wait3A_177 : memref<64x128xf32, #tpu.memory_space<vmem>>)
        %scan3A_184 = arith.constant 0 : i32
        %scan3A_185 = arith.constant 0 : i32
        %scan3A_186 = arith.constant 16 : i32
        %scan3A_187 = arith.addi %scan3A_185, %scan3A_186 : i32
        %scan3A_188 = arith.constant 1 : i32
        scf.for %scan3A_192 = %scan3A_185 to %scan3A_187 step %scan3A_188  : i32 {
          %mul3A_193 = arith.constant 4 : i32
          %mul3A_194 = arith.muli %scan3A_192, %mul3A_193 : i32
          %add3A_195 = arith.constant 64 : i32
          %add3A_196 = arith.addi %add3A_195, %mul3A_194 : i32
          %add3A_197 = arith.constant 0 : i32
          %add3A_198 = arith.addi %add3A_196, %add3A_197 : i32
          %get3A = arith.index_cast %add3A_198 : i32 to index
          %get3A_199 = arith.constant 0 : index
          %get3A_200 = tpu.vector_load %arg10[%get3A, %get3A_199] {strides = array<i32>} : memref<128x128xf32, #tpu.memory_space<vmem>>, vector<1x16xf32>,
          %get3A_201 = vector.shape_cast %get3A_200 : vector<1x16xf32> to vector<16xf32>
          %add3A_202 = arith.constant 0 : i32
          %add3A_203 = arith.addi %add3A_196, %add3A_202 : i32
          %get3A_204 = arith.index_cast %add3A_203 : i32 to index
          %get3A_205 = arith.constant 0 : index
          %get3A_206 = tpu.vector_load %arg11[%get3A_204, %get3A_205] {strides = array<i32>} : memref<128x128xf32, #tpu.memory_space<vmem>>, vector<1x16xf32>,
          %get3A_207 = vector.shape_cast %get3A_206 : vector<1x16xf32> to vector<16xf32>
          %add3A_208 = arith.addf %get3A_201, %get3A_207 : vector<16xf32>
          %neg3A = arith.constant 0.000000e+00 : f32
          %neg3A_209 = vector.broadcast %neg3A : f32 to vector<16xf32>
          %neg3A_210 = arith.subf %neg3A_209, %add3A_208 : vector<16xf32>
          %exp3A = math.exp %neg3A_210 : vector<16xf32>
          %add3A_211 = arith.constant 1.000000e+00 : f32
          %add3A_212 = vector.broadcast %add3A_211 : f32 to vector<16xf32>
          %add3A_213 = arith.addf %add3A_212, %exp3A : vector<16xf32>
          %div3A = arith.divf %add3A_208, %add3A_213 : vector<16xf32>
          %add3A_214 = arith.constant 0 : i32
          %add3A_215 = arith.addi %add3A_196, %add3A_214 : i32
          %swap3A = arith.index_cast %add3A_215 : i32 to index
          %swap3A_216 = arith.constant 0 : index
          %swap3A_217 = tpu.vector_load %arg11[%swap3A, %swap3A_216] {strides = array<i32>} : memref<128x128xf32, #tpu.memory_space<vmem>>, vector<1x16xf32>,
          %swap3A_218 = vector.shape_cast %swap3A_217 : vector<1x16xf32> to vector<16xf32>
          %swap3A_219 = vector.shape_cast %div3A : vector<16xf32> to vector<1x16xf32>
          tpu.vector_store %arg11[%swap3A, %swap3A_216], %swap3A_219 {strides = array<i32>} : memref<128x128xf32, #tpu.memory_space<vmem>>, vector<1x16xf32>,
          %add3A_220 = arith.constant 0 : i32
          %add3A_221 = arith.addi %add3A_196, %add3A_220 : i32
          %get3A_222 = arith.index_cast %add3A_221 : i32 to index
          %get3A_223 = arith.constant 16 : index
          %get3A_224 = tpu.vector_load %arg10[%get3A_222, %get3A_223] {strides = array<i32>} : memref<128x128xf32, #tpu.memory_space<vmem>>, vector<1x16xf32>,
          %get3A_225 = vector.shape_cast %get3A_224 : vector<1x16xf32> to vector<16xf32>
          %add3A_226 = arith.constant 0 : i32
          %add3A_227 = arith.addi %add3A_196, %add3A_226 : i32
          %get3A_228 = arith.index_cast %add3A_227 : i32 to index
          %get3A_229 = arith.constant 16 : index
          %get3A_230 = tpu.vector_load %arg11[%get3A_228, %get3A_229] {strides = array<i32>} : memref<128x128xf32, #tpu.memory_space<vmem>>, vector<1x16xf32>,
          %get3A_231 = vector.shape_cast %get3A_230 : vector<1x16xf32> to vector<16xf32>
          %add3A_232 = arith.addf %get3A_225, %get3A_231 : vector<16xf32>
          %neg3A_233 = arith.constant 0.000000e+00 : f32
          %neg3A_234 = vector.broadcast %neg3A_233 : f32 to vector<16xf32>
          %neg3A_235 = arith.subf %neg3A_234, %add3A_232 : vector<16xf32>
          %exp3A_236 = math.exp %neg3A_235 : vector<16xf32>
          %add3A_237 = arith.constant 1.000000e+00 : f32
          %add3A_238 = vector.broadcast %add3A_237 : f32 to vector<16xf32>
          %add3A_239 = arith.addf %add3A_238, %exp3A_236 : vector<16xf32>
          %div3A_240 = arith.divf %add3A_232, %add3A_239 : vector<16xf32>
          %add3A_241 = arith.constant 0 : i32
          %add3A_242 = arith.addi %add3A_196, %add3A_241 : i32
          %swap3A_243 = arith.index_cast %add3A_242 : i32 to index
          %swap3A_244 = arith.constant 16 : index
          %swap3A_245 = tpu.vector_load %arg11[%swap3A_243, %swap3A_244] {strides = array<i32>} : memref<128x128xf32, #tpu.memory_space<vmem>>, vector<1x16xf32>,
          %swap3A_246 = vector.shape_cast %swap3A_245 : vector<1x16xf32> to vector<16xf32>
          %swap3A_247 = vector.shape_cast %div3A_240 : vector<16xf32> to vector<1x16xf32>
          tpu.vector_store %arg11[%swap3A_243, %swap3A_244], %swap3A_247 {strides = array<i32>} : memref<128x128xf32, #tpu.memory_space<vmem>>, vector<1x16xf32>,
          %add3A_248 = arith.constant 0 : i32
          %add3A_249 = arith.addi %add3A_196, %add3A_248 : i32
          %get3A_250 = arith.index_cast %add3A_249 : i32 to index
          %get3A_251 = arith.constant 32 : index
          %get3A_252 = tpu.vector_load %arg10[%get3A_250, %get3A_251] {strides = array<i32>} : memref<128x128xf32, #tpu.memory_space<vmem>>, vector<1x16xf32>,
          %get3A_253 = vector.shape_cast %get3A_252 : vector<1x16xf32> to vector<16xf32>
          %add3A_254 = arith.constant 0 : i32
          %add3A_255 = arith.addi %add3A_196, %add3A_254 : i32
          %get3A_256 = arith.index_cast %add3A_255 : i32 to index
          %get3A_257 = arith.constant 32 : index
          %get3A_258 = tpu.vector_load %arg11[%get3A_256, %get3A_257] {strides = array<i32>} : memref<128x128xf32, #tpu.memory_space<vmem>>, vector<1x16xf32>,
          %get3A_259 = vector.shape_cast %get3A_258 : vector<1x16xf32> to vector<16xf32>
          %add3A_260 = arith.addf %get3A_253, %get3A_259 : vector<16xf32>
          %neg3A_261 = arith.constant 0.000000e+00 : f32
          %neg3A_262 = vector.broadcast %neg3A_261 : f32 to vector<16xf32>
          %neg3A_263 = arith.subf %neg3A_262, %add3A_260 : vector<16xf32>
          %exp3A_264 = math.exp %neg3A_263 : vector<16xf32>
          %add3A_265 = arith.constant 1.000000e+00 : f32
          %add3A_266 = vector.broadcast %add3A_265 : f32 to vector<16xf32>
          %add3A_267 = arith.addf %add3A_266, %exp3A_264 : vector<16xf32>
          %div3A_268 = arith.divf %add3A_260, %add3A_267 : vector<16xf32>
          %add3A_269 = arith.constant 0 : i32
          %add3A_270 = arith.addi %add3A_196, %add3A_269 : i32
          %swap3A_271 = arith.index_cast %add3A_270 : i32 to index
          %swap3A_272 = arith.constant 32 : index
          %swap3A_273 = tpu.vector_load %arg11[%swap3A_271, %swap3A_272] {strides = array<i32>} : memref<128x128xf32, #tpu.memory_space<vmem>>, vector<1x16xf32>,
          %swap3A_274 = vector.shape_cast %swap3A_273 : vector<1x16xf32> to vector<16xf32>
          %swap3A_275 = vector.shape_cast %div3A_268 : vector<16xf32> to vector<1x16xf32>
          tpu.vector_store %arg11[%swap3A_271, %swap3A_272], %swap3A_275 {strides = array<i32>} : memref<128x128xf32, #tpu.memory_space<vmem>>, vector<1x16xf32>,
          %add3A_276 = arith.constant 0 : i32
          %add3A_277 = arith.addi %add3A_196, %add3A_276 : i32
          %get3A_278 = arith.index_cast %add3A_277 : i32 to index
          %get3A_279 = arith.constant 48 : index
          %get3A_280 = tpu.vector_load %arg10[%get3A_278, %get3A_279] {strides = array<i32>} : memref<128x128xf32, #tpu.memory_space<vmem>>, vector<1x16xf32>,
          %get3A_281 = vector.shape_cast %get3A_280 : vector<1x16xf32> to vector<16xf32>
          %add3A_282 = arith.constant 0 : i32
          %add3A_283 = arith.addi %add3A_196, %add3A_282 : i32
          %get3A_284 = arith.index_cast %add3A_283 : i32 to index
          %get3A_285 = arith.constant 48 : index
          %get3A_286 = tpu.vector_load %arg11[%get3A_284, %get3A_285] {strides = array<i32>} : memref<128x128xf32, #tpu.memory_space<vmem>>, vector<1x16xf32>,
          %get3A_287 = vector.shape_cast %get3A_286 : vector<1x16xf32> to vector<16xf32>
          %add3A_288 = arith.addf %get3A_281, %get3A_287 : vector<16xf32>
          %neg3A_289 = arith.constant 0.000000e+00 : f32
          %neg3A_290 = vector.broadcast %neg3A_289 : f32 to vector<16xf32>
          %neg3A_291 = arith.subf %neg3A_290, %add3A_288 : vector<16xf32>
          %exp3A_292 = math.exp %neg3A_291 : vector<16xf32>
          %add3A_293 = arith.constant 1.000000e+00 : f32
          %add3A_294 = vector.broadcast %add3A_293 : f32 to vector<16xf32>
          %add3A_295 = arith.addf %add3A_294, %exp3A_292 : vector<16xf32>
          %div3A_296 = arith.divf %add3A_288, %add3A_295 : vector<16xf32>
          %add3A_297 = arith.constant 0 : i32
          %add3A_298 = arith.addi %add3A_196, %add3A_297 : i32
          %swap3A_299 = arith.index_cast %add3A_298 : i32 to index
          %swap3A_300 = arith.constant 48 : index
          %swap3A_301 = tpu.vector_load %arg11[%swap3A_299, %swap3A_300] {strides = array<i32>} : memref<128x128xf32, #tpu.memory_space<vmem>>, vector<1x16xf32>,
          %swap3A_302 = vector.shape_cast %swap3A_301 : vector<1x16xf32> to vector<16xf32>
          %swap3A_303 = vector.shape_cast %div3A_296 : vector<16xf32> to vector<1x16xf32>
          tpu.vector_store %arg11[%swap3A_299, %swap3A_300], %swap3A_303 {strides = array<i32>} : memref<128x128xf32, #tpu.memory_space<vmem>>, vector<1x16xf32>,
          %add3A_304 = arith.constant 0 : i32
          %add3A_305 = arith.addi %add3A_196, %add3A_304 : i32
          %get3A_306 = arith.index_cast %add3A_305 : i32 to index
          %get3A_307 = arith.constant 64 : index
          %get3A_308 = tpu.vector_load %arg10[%get3A_306, %get3A_307] {strides = array<i32>} : memref<128x128xf32, #tpu.memory_space<vmem>>, vector<1x16xf32>,
          %get3A_309 = vector.shape_cast %get3A_308 : vector<1x16xf32> to vector<16xf32>
          %add3A_310 = arith.constant 0 : i32
          %add3A_311 = arith.addi %add3A_196, %add3A_310 : i32
          %get3A_312 = arith.index_cast %add3A_311 : i32 to index
          %get3A_313 = arith.constant 64 : index
          %get3A_314 = tpu.vector_load %arg11[%get3A_312, %get3A_313] {strides = array<i32>} : memref<128x128xf32, #tpu.memory_space<vmem>>, vector<1x16xf32>,
          %get3A_315 = vector.shape_cast %get3A_314 : vector<1x16xf32> to vector<16xf32>
          %add3A_316 = arith.addf %get3A_309, %get3A_315 : vector<16xf32>
          %neg3A_317 = arith.constant 0.000000e+00 : f32
          %neg3A_318 = vector.broadcast %neg3A_317 : f32 to vector<16xf32>
          %neg3A_319 = arith.subf %neg3A_318, %add3A_316 : vector<16xf32>
          %exp3A_320 = math.exp %neg3A_319 : vector<16xf32>
          %add3A_321 = arith.constant 1.000000e+00 : f32
          %add3A_322 = vector.broadcast %add3A_321 : f32 to vector<16xf32>
          %add3A_323 = arith.addf %add3A_322, %exp3A_320 : vector<16xf32>
          %div3A_324 = arith.divf %add3A_316, %add3A_323 : vector<16xf32>
          %add3A_325 = arith.constant 0 : i32
          %add3A_326 = arith.addi %add3A_196, %add3A_325 : i32
          %swap3A_327 = arith.index_cast %add3A_326 : i32 to index
          %swap3A_328 = arith.constant 64 : index
          %swap3A_329 = tpu.vector_load %arg11[%swap3A_327, %swap3A_328] {strides = array<i32>} : memref<128x128xf32, #tpu.memory_space<vmem>>, vector<1x16xf32>,
          %swap3A_330 = vector.shape_cast %swap3A_329 : vector<1x16xf32> to vector<16xf32>
          %swap3A_331 = vector.shape_cast %div3A_324 : vector<16xf32> to vector<1x16xf32>
          tpu.vector_store %arg11[%swap3A_327, %swap3A_328], %swap3A_331 {strides = array<i32>} : memref<128x128xf32, #tpu.memory_space<vmem>>, vector<1x16xf32>,
          %add3A_332 = arith.constant 0 : i32
          %add3A_333 = arith.addi %add3A_196, %add3A_332 : i32
          %get3A_334 = arith.index_cast %add3A_333 : i32 to index
          %get3A_335 = arith.constant 80 : index
          %get3A_336 = tpu.vector_load %arg10[%get3A_334, %get3A_335] {strides = array<i32>} : memref<128x128xf32, #tpu.memory_space<vmem>>, vector<1x16xf32>,
          %get3A_337 = vector.shape_cast %get3A_336 : vector<1x16xf32> to vector<16xf32>
          %add3A_338 = arith.constant 0 : i32
          %add3A_339 = arith.addi %add3A_196, %add3A_338 : i32
          %get3A_340 = arith.index_cast %add3A_339 : i32 to index
          %get3A_341 = arith.constant 80 : index
          %get3A_342 = tpu.vector_load %arg11[%get3A_340, %get3A_341] {strides = array<i32>} : memref<128x128xf32, #tpu.memory_space<vmem>>, vector<1x16xf32>,
          %get3A_343 = vector.shape_cast %get3A_342 : vector<1x16xf32> to vector<16xf32>
          %add3A_344 = arith.addf %get3A_337, %get3A_343 : vector<16xf32>
          %neg3A_345 = arith.constant 0.000000e+00 : f32
          %neg3A_346 = vector.broadcast %neg3A_345 : f32 to vector<16xf32>
          %neg3A_347 = arith.subf %neg3A_346, %add3A_344 : vector<16xf32>
          %exp3A_348 = math.exp %neg3A_347 : vector<16xf32>
          %add3A_349 = arith.constant 1.000000e+00 : f32
          %add3A_350 = vector.broadcast %add3A_349 : f32 to vector<16xf32>
          %add3A_351 = arith.addf %add3A_350, %exp3A_348 : vector<16xf32>
          %div3A_352 = arith.divf %add3A_344, %add3A_351 : vector<16xf32>
          %add3A_353 = arith.constant 0 : i32
          %add3A_354 = arith.addi %add3A_196, %add3A_353 : i32
          %swap3A_355 = arith.index_cast %add3A_354 : i32 to index
          %swap3A_356 = arith.constant 80 : index
          %swap3A_357 = tpu.vector_load %arg11[%swap3A_355, %swap3A_356] {strides = array<i32>} : memref<128x128xf32, #tpu.memory_space<vmem>>, vector<1x16xf32>,
          %swap3A_358 = vector.shape_cast %swap3A_357 : vector<1x16xf32> to vector<16xf32>
          %swap3A_359 = vector.shape_cast %div3A_352 : vector<16xf32> to vector<1x16xf32>
          tpu.vector_store %arg11[%swap3A_355, %swap3A_356], %swap3A_359 {strides = array<i32>} : memref<128x128xf32, #tpu.memory_space<vmem>>, vector<1x16xf32>,
          %add3A_360 = arith.constant 0 : i32
          %add3A_361 = arith.addi %add3A_196, %add3A_360 : i32
          %get3A_362 = arith.index_cast %add3A_361 : i32 to index
          %get3A_363 = arith.constant 96 : index
          %get3A_364 = tpu.vector_load %arg10[%get3A_362, %get3A_363] {strides = array<i32>} : memref<128x128xf32, #tpu.memory_space<vmem>>, vector<1x16xf32>,
          %get3A_365 = vector.shape_cast %get3A_364 : vector<1x16xf32> to vector<16xf32>
          %add3A_366 = arith.constant 0 : i32
          %add3A_367 = arith.addi %add3A_196, %add3A_366 : i32
          %get3A_368 = arith.index_cast %add3A_367 : i32 to index
          %get3A_369 = arith.constant 96 : index
          %get3A_370 = tpu.vector_load %arg11[%get3A_368, %get3A_369] {strides = array<i32>} : memref<128x128xf32, #tpu.memory_space<vmem>>, vector<1x16xf32>,
          %get3A_371 = vector.shape_cast %get3A_370 : vector<1x16xf32> to vector<16xf32>
          %add3A_372 = arith.addf %get3A_365, %get3A_371 : vector<16xf32>
          %neg3A_373 = arith.constant 0.000000e+00 : f32
          %neg3A_374 = vector.broadcast %neg3A_373 : f32 to vector<16xf32>
          %neg3A_375 = arith.subf %neg3A_374, %add3A_372 : vector<16xf32>
          %exp3A_376 = math.exp %neg3A_375 : vector<16xf32>
          %add3A_377 = arith.constant 1.000000e+00 : f32
          %add3A_378 = vector.broadcast %add3A_377 : f32 to vector<16xf32>
          %add3A_379 = arith.addf %add3A_378, %exp3A_376 : vector<16xf32>
          %div3A_380 = arith.divf %add3A_372, %add3A_379 : vector<16xf32>
          %add3A_381 = arith.constant 0 : i32
          %add3A_382 = arith.addi %add3A_196, %add3A_381 : i32
          %swap3A_383 = arith.index_cast %add3A_382 : i32 to index
          %swap3A_384 = arith.constant 96 : index
          %swap3A_385 = tpu.vector_load %arg11[%swap3A_383, %swap3A_384] {strides = array<i32>} : memref<128x128xf32, #tpu.memory_space<vmem>>, vector<1x16xf32>,
          %swap3A_386 = vector.shape_cast %swap3A_385 : vector<1x16xf32> to vector<16xf32>
          %swap3A_387 = vector.shape_cast %div3A_380 : vector<16xf32> to vector<1x16xf32>
          tpu.vector_store %arg11[%swap3A_383, %swap3A_384], %swap3A_387 {strides = array<i32>} : memref<128x128xf32, #tpu.memory_space<vmem>>, vector<1x16xf32>,
          %add3A_388 = arith.constant 0 : i32
          %add3A_389 = arith.addi %add3A_196, %add3A_388 : i32
          %get3A_390 = arith.index_cast %add3A_389 : i32 to index
          %get3A_391 = arith.constant 112 : index
          %get3A_392 = tpu.vector_load %arg10[%get3A_390, %get3A_391] {strides = array<i32>} : memref<128x128xf32, #tpu.memory_space<vmem>>, vector<1x16xf32>,
          %get3A_393 = vector.shape_cast %get3A_392 : vector<1x16xf32> to vector<16xf32>
          %add3A_394 = arith.constant 0 : i32
          %add3A_395 = arith.addi %add3A_196, %add3A_394 : i32
          %get3A_396 = arith.index_cast %add3A_395 : i32 to index
          %get3A_397 = arith.constant 112 : index
          %get3A_398 = tpu.vector_load %arg11[%get3A_396, %get3A_397] {strides = array<i32>} : memref<128x128xf32, #tpu.memory_space<vmem>>, vector<1x16xf32>,
          %get3A_399 = vector.shape_cast %get3A_398 : vector<1x16xf32> to vector<16xf32>
          %add3A_400 = arith.addf %get3A_393, %get3A_399 : vector<16xf32>
          %neg3A_401 = arith.constant 0.000000e+00 : f32
          %neg3A_402 = vector.broadcast %neg3A_401 : f32 to vector<16xf32>
          %neg3A_403 = arith.subf %neg3A_402, %add3A_400 : vector<16xf32>
          %exp3A_404 = math.exp %neg3A_403 : vector<16xf32>
          %add3A_405 = arith.constant 1.000000e+00 : f32
          %add3A_406 = vector.broadcast %add3A_405 : f32 to vector<16xf32>
          %add3A_407 = arith.addf %add3A_406, %exp3A_404 : vector<16xf32>
          %div3A_408 = arith.divf %add3A_400, %add3A_407 : vector<16xf32>
          %add3A_409 = arith.constant 0 : i32
          %add3A_410 = arith.addi %add3A_196, %add3A_409 : i32
          %swap3A_411 = arith.index_cast %add3A_410 : i32 to index
          %swap3A_412 = arith.constant 112 : index
          %swap3A_413 = tpu.vector_load %arg11[%swap3A_411, %swap3A_412] {strides = array<i32>} : memref<128x128xf32, #tpu.memory_space<vmem>>, vector<1x16xf32>,
          %swap3A_414 = vector.shape_cast %swap3A_413 : vector<1x16xf32> to vector<16xf32>
          %swap3A_415 = vector.shape_cast %div3A_408 : vector<16xf32> to vector<1x16xf32>
          tpu.vector_store %arg11[%swap3A_411, %swap3A_412], %swap3A_415 {strides = array<i32>} : memref<128x128xf32, #tpu.memory_space<vmem>>, vector<1x16xf32>,
          %add3A_416 = arith.constant 1 : i32
          %add3A_417 = arith.addi %add3A_196, %add3A_416 : i32
          %get3A_418 = arith.index_cast %add3A_417 : i32 to index
          %get3A_419 = arith.constant 0 : index
          %get3A_420 = tpu.vector_load %arg10[%get3A_418, %get3A_419] {strides = array<i32>} : memref<128x128xf32, #tpu.memory_space<vmem>>, vector<1x16xf32>,
          %get3A_421 = vector.shape_cast %get3A_420 : vector<1x16xf32> to vector<16xf32>
          %add3A_422 = arith.constant 1 : i32
          %add3A_423 = arith.addi %add3A_196, %add3A_422 : i32
          %get3A_424 = arith.index_cast %add3A_423 : i32 to index
          %get3A_425 = arith.constant 0 : index
          %get3A_426 = tpu.vector_load %arg11[%get3A_424, %get3A_425] {strides = array<i32>} : memref<128x128xf32, #tpu.memory_space<vmem>>, vector<1x16xf32>,
          %get3A_427 = vector.shape_cast %get3A_426 : vector<1x16xf32> to vector<16xf32>
          %add3A_428 = arith.addf %get3A_421, %get3A_427 : vector<16xf32>
          %neg3A_429 = arith.constant 0.000000e+00 : f32
          %neg3A_430 = vector.broadcast %neg3A_429 : f32 to vector<16xf32>
          %neg3A_431 = arith.subf %neg3A_430, %add3A_428 : vector<16xf32>
          %exp3A_432 = math.exp %neg3A_431 : vector<16xf32>
          %add3A_433 = arith.constant 1.000000e+00 : f32
          %add3A_434 = vector.broadcast %add3A_433 : f32 to vector<16xf32>
          %add3A_435 = arith.addf %add3A_434, %exp3A_432 : vector<16xf32>
          %div3A_436 = arith.divf %add3A_428, %add3A_435 : vector<16xf32>
          %add3A_437 = arith.constant 1 : i32
          %add3A_438 = arith.addi %add3A_196, %add3A_437 : i32
          %swap3A_439 = arith.index_cast %add3A_438 : i32 to index
          %swap3A_440 = arith.constant 0 : index
          %swap3A_441 = tpu.vector_load %arg11[%swap3A_439, %swap3A_440] {strides = array<i32>} : memref<128x128xf32, #tpu.memory_space<vmem>>, vector<1x16xf32>,
          %swap3A_442 = vector.shape_cast %swap3A_441 : vector<1x16xf32> to vector<16xf32>
          %swap3A_443 = vector.shape_cast %div3A_436 : vector<16xf32> to vector<1x16xf32>
          tpu.vector_store %arg11[%swap3A_439, %swap3A_440], %swap3A_443 {strides = array<i32>} : memref<128x128xf32, #tpu.memory_space<vmem>>, vector<1x16xf32>,
          %add3A_444 = arith.constant 1 : i32
          %add3A_445 = arith.addi %add3A_196, %add3A_444 : i32
          %get3A_446 = arith.index_cast %add3A_445 : i32 to index
          %get3A_447 = arith.constant 16 : index
          %get3A_448 = tpu.vector_load %arg10[%get3A_446, %get3A_447] {strides = array<i32>} : memref<128x128xf32, #tpu.memory_space<vmem>>, vector<1x16xf32>,
          %get3A_449 = vector.shape_cast %get3A_448 : vector<1x16xf32> to vector<16xf32>
          %add3A_450 = arith.constant 1 : i32
          %add3A_451 = arith.addi %add3A_196, %add3A_450 : i32
          %get3A_452 = arith.index_cast %add3A_451 : i32 to index
          %get3A_453 = arith.constant 16 : index
          %get3A_454 = tpu.vector_load %arg11[%get3A_452, %get3A_453] {strides = array<i32>} : memref<128x128xf32, #tpu.memory_space<vmem>>, vector<1x16xf32>,
          %get3A_455 = vector.shape_cast %get3A_454 : vector<1x16xf32> to vector<16xf32>
          %add3A_456 = arith.addf %get3A_449, %get3A_455 : vector<16xf32>
          %neg3A_457 = arith.constant 0.000000e+00 : f32
          %neg3A_458 = vector.broadcast %neg3A_457 : f32 to vector<16xf32>
          %neg3A_459 = arith.subf %neg3A_458, %add3A_456 : vector<16xf32>
          %exp3A_460 = math.exp %neg3A_459 : vector<16xf32>
          %add3A_461 = arith.constant 1.000000e+00 : f32
          %add3A_462 = vector.broadcast %add3A_461 : f32 to vector<16xf32>
          %add3A_463 = arith.addf %add3A_462, %exp3A_460 : vector<16xf32>
          %div3A_464 = arith.divf %add3A_456, %add3A_463 : vector<16xf32>
          %add3A_465 = arith.constant 1 : i32
          %add3A_466 = arith.addi %add3A_196, %add3A_465 : i32
          %swap3A_467 = arith.index_cast %add3A_466 : i32 to index
          %swap3A_468 = arith.constant 16 : index
          %swap3A_469 = tpu.vector_load %arg11[%swap3A_467, %swap3A_468] {strides = array<i32>} : memref<128x128xf32, #tpu.memory_space<vmem>>, vector<1x16xf32>,
          %swap3A_470 = vector.shape_cast %swap3A_469 : vector<1x16xf32> to vector<16xf32>
          %swap3A_471 = vector.shape_cast %div3A_464 : vector<16xf32> to vector<1x16xf32>
          tpu.vector_store %arg11[%swap3A_467, %swap3A_468], %swap3A_471 {strides = array<i32>} : memref<128x128xf32, #tpu.memory_space<vmem>>, vector<1x16xf32>,
          %add3A_472 = arith.constant 1 : i32
          %add3A_473 = arith.addi %add3A_196, %add3A_472 : i32
          %get3A_474 = arith.index_cast %add3A_473 : i32 to index
          %get3A_475 = arith.constant 32 : index
          %get3A_476 = tpu.vector_load %arg10[%get3A_474, %get3A_475] {strides = array<i32>} : memref<128x128xf32, #tpu.memory_space<vmem>>, vector<1x16xf32>,
          %get3A_477 = vector.shape_cast %get3A_476 : vector<1x16xf32> to vector<16xf32>
          %add3A_478 = arith.constant 1 : i32
          %add3A_479 = arith.addi %add3A_196, %add3A_478 : i32
          %get3A_480 = arith.index_cast %add3A_479 : i32 to index
          %get3A_481 = arith.constant 32 : index
          %get3A_482 = tpu.vector_load %arg11[%get3A_480, %get3A_481] {strides = array<i32>} : memref<128x128xf32, #tpu.memory_space<vmem>>, vector<1x16xf32>,
          %get3A_483 = vector.shape_cast %get3A_482 : vector<1x16xf32> to vector<16xf32>
          %add3A_484 = arith.addf %get3A_477, %get3A_483 : vector<16xf32>
          %neg3A_485 = arith.constant 0.000000e+00 : f32
          %neg3A_486 = vector.broadcast %neg3A_485 : f32 to vector<16xf32>
          %neg3A_487 = arith.subf %neg3A_486, %add3A_484 : vector<16xf32>
          %exp3A_488 = math.exp %neg3A_487 : vector<16xf32>
          %add3A_489 = arith.constant 1.000000e+00 : f32
          %add3A_490 = vector.broadcast %add3A_489 : f32 to vector<16xf32>
          %add3A_491 = arith.addf %add3A_490, %exp3A_488 : vector<16xf32>
          %div3A_492 = arith.divf %add3A_484, %add3A_491 : vector<16xf32>
          %add3A_493 = arith.constant 1 : i32
          %add3A_494 = arith.addi %add3A_196, %add3A_493 : i32
          %swap3A_495 = arith.index_cast %add3A_494 : i32 to index
          %swap3A_496 = arith.constant 32 : index
          %swap3A_497 = tpu.vector_load %arg11[%swap3A_495, %swap3A_496] {strides = array<i32>} : memref<128x128xf32, #tpu.memory_space<vmem>>, vector<1x16xf32>,
          %swap3A_498 = vector.shape_cast %swap3A_497 : vector<1x16xf32> to vector<16xf32>
          %swap3A_499 = vector.shape_cast %div3A_492 : vector<16xf32> to vector<1x16xf32>
          tpu.vector_store %arg11[%swap3A_495, %swap3A_496], %swap3A_499 {strides = array<i32>} : memref<128x128xf32, #tpu.memory_space<vmem>>, vector<1x16xf32>,
          %add3A_500 = arith.constant 1 : i32
          %add3A_501 = arith.addi %add3A_196, %add3A_500 : i32
          %get3A_502 = arith.index_cast %add3A_501 : i32 to index
          %get3A_503 = arith.constant 48 : index
          %get3A_504 = tpu.vector_load %arg10[%get3A_502, %get3A_503] {strides = array<i32>} : memref<128x128xf32, #tpu.memory_space<vmem>>, vector<1x16xf32>,
          %get3A_505 = vector.shape_cast %get3A_504 : vector<1x16xf32> to vector<16xf32>
          %add3A_506 = arith.constant 1 : i32
          %add3A_507 = arith.addi %add3A_196, %add3A_506 : i32
          %get3A_508 = arith.index_cast %add3A_507 : i32 to index
          %get3A_509 = arith.constant 48 : index
          %get3A_510 = tpu.vector_load %arg11[%get3A_508, %get3A_509] {strides = array<i32>} : memref<128x128xf32, #tpu.memory_space<vmem>>, vector<1x16xf32>,
          %get3A_511 = vector.shape_cast %get3A_510 : vector<1x16xf32> to vector<16xf32>
          %add3A_512 = arith.addf %get3A_505, %get3A_511 : vector<16xf32>
          %neg3A_513 = arith.constant 0.000000e+00 : f32
          %neg3A_514 = vector.broadcast %neg3A_513 : f32 to vector<16xf32>
          %neg3A_515 = arith.subf %neg3A_514, %add3A_512 : vector<16xf32>
          %exp3A_516 = math.exp %neg3A_515 : vector<16xf32>
          %add3A_517 = arith.constant 1.000000e+00 : f32
          %add3A_518 = vector.broadcast %add3A_517 : f32 to vector<16xf32>
          %add3A_519 = arith.addf %add3A_518, %exp3A_516 : vector<16xf32>
          %div3A_520 = arith.divf %add3A_512, %add3A_519 : vector<16xf32>
          %add3A_521 = arith.constant 1 : i32
          %add3A_522 = arith.addi %add3A_196, %add3A_521 : i32
          %swap3A_523 = arith.index_cast %add3A_522 : i32 to index
          %swap3A_524 = arith.constant 48 : index
          %swap3A_525 = tpu.vector_load %arg11[%swap3A_523, %swap3A_524] {strides = array<i32>} : memref<128x128xf32, #tpu.memory_space<vmem>>, vector<1x16xf32>,
          %swap3A_526 = vector.shape_cast %swap3A_525 : vector<1x16xf32> to vector<16xf32>
          %swap3A_527 = vector.shape_cast %div3A_520 : vector<16xf32> to vector<1x16xf32>
          tpu.vector_store %arg11[%swap3A_523, %swap3A_524], %swap3A_527 {strides = array<i32>} : memref<128x128xf32, #tpu.memory_space<vmem>>, vector<1x16xf32>,
          %add3A_528 = arith.constant 1 : i32
          %add3A_529 = arith.addi %add3A_196, %add3A_528 : i32
          %get3A_530 = arith.index_cast %add3A_529 : i32 to index
          %get3A_531 = arith.constant 64 : index
          %get3A_532 = tpu.vector_load %arg10[%get3A_530, %get3A_531] {strides = array<i32>} : memref<128x128xf32, #tpu.memory_space<vmem>>, vector<1x16xf32>,
          %get3A_533 = vector.shape_cast %get3A_532 : vector<1x16xf32> to vector<16xf32>
          %add3A_534 = arith.constant 1 : i32
          %add3A_535 = arith.addi %add3A_196, %add3A_534 : i32
          %get3A_536 = arith.index_cast %add3A_535 : i32 to index
          %get3A_537 = arith.constant 64 : index
          %get3A_538 = tpu.vector_load %arg11[%get3A_536, %get3A_537] {strides = array<i32>} : memref<128x128xf32, #tpu.memory_space<vmem>>, vector<1x16xf32>,
          %get3A_539 = vector.shape_cast %get3A_538 : vector<1x16xf32> to vector<16xf32>
          %add3A_540 = arith.addf %get3A_533, %get3A_539 : vector<16xf32>
          %neg3A_541 = arith.constant 0.000000e+00 : f32
          %neg3A_542 = vector.broadcast %neg3A_541 : f32 to vector<16xf32>
          %neg3A_543 = arith.subf %neg3A_542, %add3A_540 : vector<16xf32>
          %exp3A_544 = math.exp %neg3A_543 : vector<16xf32>
          %add3A_545 = arith.constant 1.000000e+00 : f32
          %add3A_546 = vector.broadcast %add3A_545 : f32 to vector<16xf32>
          %add3A_547 = arith.addf %add3A_546, %exp3A_544 : vector<16xf32>
          %div3A_548 = arith.divf %add3A_540, %add3A_547 : vector<16xf32>
          %add3A_549 = arith.constant 1 : i32
          %add3A_550 = arith.addi %add3A_196, %add3A_549 : i32
          %swap3A_551 = arith.index_cast %add3A_550 : i32 to index
          %swap3A_552 = arith.constant 64 : index
          %swap3A_553 = tpu.vector_load %arg11[%swap3A_551, %swap3A_552] {strides = array<i32>} : memref<128x128xf32, #tpu.memory_space<vmem>>, vector<1x16xf32>,
          %swap3A_554 = vector.shape_cast %swap3A_553 : vector<1x16xf32> to vector<16xf32>
          %swap3A_555 = vector.shape_cast %div3A_548 : vector<16xf32> to vector<1x16xf32>
          tpu.vector_store %arg11[%swap3A_551, %swap3A_552], %swap3A_555 {strides = array<i32>} : memref<128x128xf32, #tpu.memory_space<vmem>>, vector<1x16xf32>,
          %add3A_556 = arith.constant 1 : i32
          %add3A_557 = arith.addi %add3A_196, %add3A_556 : i32
          %get3A_558 = arith.index_cast %add3A_557 : i32 to index
          %get3A_559 = arith.constant 80 : index
          %get3A_560 = tpu.vector_load %arg10[%get3A_558, %get3A_559] {strides = array<i32>} : memref<128x128xf32, #tpu.memory_space<vmem>>, vector<1x16xf32>,
          %get3A_561 = vector.shape_cast %get3A_560 : vector<1x16xf32> to vector<16xf32>
          %add3A_562 = arith.constant 1 : i32
          %add3A_563 = arith.addi %add3A_196, %add3A_562 : i32
          %get3A_564 = arith.index_cast %add3A_563 : i32 to index
          %get3A_565 = arith.constant 80 : index
          %get3A_566 = tpu.vector_load %arg11[%get3A_564, %get3A_565] {strides = array<i32>} : memref<128x128xf32, #tpu.memory_space<vmem>>, vector<1x16xf32>,
          %get3A_567 = vector.shape_cast %get3A_566 : vector<1x16xf32> to vector<16xf32>
          %add3A_568 = arith.addf %get3A_561, %get3A_567 : vector<16xf32>
          %neg3A_569 = arith.constant 0.000000e+00 : f32
          %neg3A_570 = vector.broadcast %neg3A_569 : f32 to vector<16xf32>
          %neg3A_571 = arith.subf %neg3A_570, %add3A_568 : vector<16xf32>
          %exp3A_572 = math.exp %neg3A_571 : vector<16xf32>
          %add3A_573 = arith.constant 1.000000e+00 : f32
          %add3A_574 = vector.broadcast %add3A_573 : f32 to vector<16xf32>
          %add3A_575 = arith.addf %add3A_574, %exp3A_572 : vector<16xf32>
          %div3A_576 = arith.divf %add3A_568, %add3A_575 : vector<16xf32>
          %add3A_577 = arith.constant 1 : i32
          %add3A_578 = arith.addi %add3A_196, %add3A_577 : i32
          %swap3A_579 = arith.index_cast %add3A_578 : i32 to index
          %swap3A_580 = arith.constant 80 : index
          %swap3A_581 = tpu.vector_load %arg11[%swap3A_579, %swap3A_580] {strides = array<i32>} : memref<128x128xf32, #tpu.memory_space<vmem>>, vector<1x16xf32>,
          %swap3A_582 = vector.shape_cast %swap3A_581 : vector<1x16xf32> to vector<16xf32>
          %swap3A_583 = vector.shape_cast %div3A_576 : vector<16xf32> to vector<1x16xf32>
          tpu.vector_store %arg11[%swap3A_579, %swap3A_580], %swap3A_583 {strides = array<i32>} : memref<128x128xf32, #tpu.memory_space<vmem>>, vector<1x16xf32>,
          %add3A_584 = arith.constant 1 : i32
          %add3A_585 = arith.addi %add3A_196, %add3A_584 : i32
          %get3A_586 = arith.index_cast %add3A_585 : i32 to index
          %get3A_587 = arith.constant 96 : index
          %get3A_588 = tpu.vector_load %arg10[%get3A_586, %get3A_587] {strides = array<i32>} : memref<128x128xf32, #tpu.memory_space<vmem>>, vector<1x16xf32>,
          %get3A_589 = vector.shape_cast %get3A_588 : vector<1x16xf32> to vector<16xf32>
          %add3A_590 = arith.constant 1 : i32
          %add3A_591 = arith.addi %add3A_196, %add3A_590 : i32
          %get3A_592 = arith.index_cast %add3A_591 : i32 to index
          %get3A_593 = arith.constant 96 : index
          %get3A_594 = tpu.vector_load %arg11[%get3A_592, %get3A_593] {strides = array<i32>} : memref<128x128xf32, #tpu.memory_space<vmem>>, vector<1x16xf32>,
          %get3A_595 = vector.shape_cast %get3A_594 : vector<1x16xf32> to vector<16xf32>
          %add3A_596 = arith.addf %get3A_589, %get3A_595 : vector<16xf32>
          %neg3A_597 = arith.constant 0.000000e+00 : f32
          %neg3A_598 = vector.broadcast %neg3A_597 : f32 to vector<16xf32>
          %neg3A_599 = arith.subf %neg3A_598, %add3A_596 : vector<16xf32>
          %exp3A_600 = math.exp %neg3A_599 : vector<16xf32>
          %add3A_601 = arith.constant 1.000000e+00 : f32
          %add3A_602 = vector.broadcast %add3A_601 : f32 to vector<16xf32>
          %add3A_603 = arith.addf %add3A_602, %exp3A_600 : vector<16xf32>
          %div3A_604 = arith.divf %add3A_596, %add3A_603 : vector<16xf32>
          %add3A_605 = arith.constant 1 : i32
          %add3A_606 = arith.addi %add3A_196, %add3A_605 : i32
          %swap3A_607 = arith.index_cast %add3A_606 : i32 to index
          %swap3A_608 = arith.constant 96 : index
          %swap3A_609 = tpu.vector_load %arg11[%swap3A_607, %swap3A_608] {strides = array<i32>} : memref<128x128xf32, #tpu.memory_space<vmem>>, vector<1x16xf32>,
          %swap3A_610 = vector.shape_cast %swap3A_609 : vector<1x16xf32> to vector<16xf32>
          %swap3A_611 = vector.shape_cast %div3A_604 : vector<16xf32> to vector<1x16xf32>
          tpu.vector_store %arg11[%swap3A_607, %swap3A_608], %swap3A_611 {strides = array<i32>} : memref<128x128xf32, #tpu.memory_space<vmem>>, vector<1x16xf32>,
          %add3A_612 = arith.constant 1 : i32
          %add3A_613 = arith.addi %add3A_196, %add3A_612 : i32
          %get3A_614 = arith.index_cast %add3A_613 : i32 to index
          %get3A_615 = arith.constant 112 : index
          %get3A_616 = tpu.vector_load %arg10[%get3A_614, %get3A_615] {strides = array<i32>} : memref<128x128xf32, #tpu.memory_space<vmem>>, vector<1x16xf32>,
          %get3A_617 = vector.shape_cast %get3A_616 : vector<1x16xf32> to vector<16xf32>
          %add3A_618 = arith.constant 1 : i32
          %add3A_619 = arith.addi %add3A_196, %add3A_618 : i32
          %get3A_620 = arith.index_cast %add3A_619 : i32 to index
          %get3A_621 = arith.constant 112 : index
          %get3A_622 = tpu.vector_load %arg11[%get3A_620, %get3A_621] {strides = array<i32>} : memref<128x128xf32, #tpu.memory_space<vmem>>, vector<1x16xf32>,
          %get3A_623 = vector.shape_cast %get3A_622 : vector<1x16xf32> to vector<16xf32>
          %add3A_624 = arith.addf %get3A_617, %get3A_623 : vector<16xf32>
          %neg3A_625 = arith.constant 0.000000e+00 : f32
          %neg3A_626 = vector.broadcast %neg3A_625 : f32 to vector<16xf32>
          %neg3A_627 = arith.subf %neg3A_626, %add3A_624 : vector<16xf32>
          %exp3A_628 = math.exp %neg3A_627 : vector<16xf32>
          %add3A_629 = arith.constant 1.000000e+00 : f32
          %add3A_630 = vector.broadcast %add3A_629 : f32 to vector<16xf32>
          %add3A_631 = arith.addf %add3A_630, %exp3A_628 : vector<16xf32>
          %div3A_632 = arith.divf %add3A_624, %add3A_631 : vector<16xf32>
          %add3A_633 = arith.constant 1 : i32
          %add3A_634 = arith.addi %add3A_196, %add3A_633 : i32
          %swap3A_635 = arith.index_cast %add3A_634 : i32 to index
          %swap3A_636 = arith.constant 112 : index
          %swap3A_637 = tpu.vector_load %arg11[%swap3A_635, %swap3A_636] {strides = array<i32>} : memref<128x128xf32, #tpu.memory_space<vmem>>, vector<1x16xf32>,
          %swap3A_638 = vector.shape_cast %swap3A_637 : vector<1x16xf32> to vector<16xf32>
          %swap3A_639 = vector.shape_cast %div3A_632 : vector<16xf32> to vector<1x16xf32>
          tpu.vector_store %arg11[%swap3A_635, %swap3A_636], %swap3A_639 {strides = array<i32>} : memref<128x128xf32, #tpu.memory_space<vmem>>, vector<1x16xf32>,
          %add3A_640 = arith.constant 2 : i32
          %add3A_641 = arith.addi %add3A_196, %add3A_640 : i32
          %get3A_642 = arith.index_cast %add3A_641 : i32 to index
          %get3A_643 = arith.constant 0 : index
          %get3A_644 = tpu.vector_load %arg10[%get3A_642, %get3A_643] {strides = array<i32>} : memref<128x128xf32, #tpu.memory_space<vmem>>, vector<1x16xf32>,
          %get3A_645 = vector.shape_cast %get3A_644 : vector<1x16xf32> to vector<16xf32>
          %add3A_646 = arith.constant 2 : i32
          %add3A_647 = arith.addi %add3A_196, %add3A_646 : i32
          %get3A_648 = arith.index_cast %add3A_647 : i32 to index
          %get3A_649 = arith.constant 0 : index
          %get3A_650 = tpu.vector_load %arg11[%get3A_648, %get3A_649] {strides = array<i32>} : memref<128x128xf32, #tpu.memory_space<vmem>>, vector<1x16xf32>,
          %get3A_651 = vector.shape_cast %get3A_650 : vector<1x16xf32> to vector<16xf32>
          %add3A_652 = arith.addf %get3A_645, %get3A_651 : vector<16xf32>
          %neg3A_653 = arith.constant 0.000000e+00 : f32
          %neg3A_654 = vector.broadcast %neg3A_653 : f32 to vector<16xf32>
          %neg3A_655 = arith.subf %neg3A_654, %add3A_652 : vector<16xf32>
          %exp3A_656 = math.exp %neg3A_655 : vector<16xf32>
          %add3A_657 = arith.constant 1.000000e+00 : f32
          %add3A_658 = vector.broadcast %add3A_657 : f32 to vector<16xf32>
          %add3A_659 = arith.addf %add3A_658, %exp3A_656 : vector<16xf32>
          %div3A_660 = arith.divf %add3A_652, %add3A_659 : vector<16xf32>
          %add3A_661 = arith.constant 2 : i32
          %add3A_662 = arith.addi %add3A_196, %add3A_661 : i32
          %swap3A_663 = arith.index_cast %add3A_662 : i32 to index
          %swap3A_664 = arith.constant 0 : index
          %swap3A_665 = tpu.vector_load %arg11[%swap3A_663, %swap3A_664] {strides = array<i32>} : memref<128x128xf32, #tpu.memory_space<vmem>>, vector<1x16xf32>,
          %swap3A_666 = vector.shape_cast %swap3A_665 : vector<1x16xf32> to vector<16xf32>
          %swap3A_667 = vector.shape_cast %div3A_660 : vector<16xf32> to vector<1x16xf32>
          tpu.vector_store %arg11[%swap3A_663, %swap3A_664], %swap3A_667 {strides = array<i32>} : memref<128x128xf32, #tpu.memory_space<vmem>>, vector<1x16xf32>,
          %add3A_668 = arith.constant 2 : i32
          %add3A_669 = arith.addi %add3A_196, %add3A_668 : i32
          %get3A_670 = arith.index_cast %add3A_669 : i32 to index
          %get3A_671 = arith.constant 16 : index
          %get3A_672 = tpu.vector_load %arg10[%get3A_670, %get3A_671] {strides = array<i32>} : memref<128x128xf32, #tpu.memory_space<vmem>>, vector<1x16xf32>,
          %get3A_673 = vector.shape_cast %get3A_672 : vector<1x16xf32> to vector<16xf32>
          %add3A_674 = arith.constant 2 : i32
          %add3A_675 = arith.addi %add3A_196, %add3A_674 : i32
          %get3A_676 = arith.index_cast %add3A_675 : i32 to index
          %get3A_677 = arith.constant 16 : index
          %get3A_678 = tpu.vector_load %arg11[%get3A_676, %get3A_677] {strides = array<i32>} : memref<128x128xf32, #tpu.memory_space<vmem>>, vector<1x16xf32>,
          %get3A_679 = vector.shape_cast %get3A_678 : vector<1x16xf32> to vector<16xf32>
          %add3A_680 = arith.addf %get3A_673, %get3A_679 : vector<16xf32>
          %neg3A_681 = arith.constant 0.000000e+00 : f32
          %neg3A_682 = vector.broadcast %neg3A_681 : f32 to vector<16xf32>
          %neg3A_683 = arith.subf %neg3A_682, %add3A_680 : vector<16xf32>
          %exp3A_684 = math.exp %neg3A_683 : vector<16xf32>
          %add3A_685 = arith.constant 1.000000e+00 : f32
          %add3A_686 = vector.broadcast %add3A_685 : f32 to vector<16xf32>
          %add3A_687 = arith.addf %add3A_686, %exp3A_684 : vector<16xf32>
          %div3A_688 = arith.divf %add3A_680, %add3A_687 : vector<16xf32>
          %add3A_689 = arith.constant 2 : i32
          %add3A_690 = arith.addi %add3A_196, %add3A_689 : i32
          %swap3A_691 = arith.index_cast %add3A_690 : i32 to index
          %swap3A_692 = arith.constant 16 : index
          %swap3A_693 = tpu.vector_load %arg11[%swap3A_691, %swap3A_692] {strides = array<i32>} : memref<128x128xf32, #tpu.memory_space<vmem>>, vector<1x16xf32>,
          %swap3A_694 = vector.shape_cast %swap3A_693 : vector<1x16xf32> to vector<16xf32>
          %swap3A_695 = vector.shape_cast %div3A_688 : vector<16xf32> to vector<1x16xf32>
          tpu.vector_store %arg11[%swap3A_691, %swap3A_692], %swap3A_695 {strides = array<i32>} : memref<128x128xf32, #tpu.memory_space<vmem>>, vector<1x16xf32>,
          %add3A_696 = arith.constant 2 : i32
          %add3A_697 = arith.addi %add3A_196, %add3A_696 : i32
          %get3A_698 = arith.index_cast %add3A_697 : i32 to index
          %get3A_699 = arith.constant 32 : index
          %get3A_700 = tpu.vector_load %arg10[%get3A_698, %get3A_699] {strides = array<i32>} : memref<128x128xf32, #tpu.memory_space<vmem>>, vector<1x16xf32>,
          %get3A_701 = vector.shape_cast %get3A_700 : vector<1x16xf32> to vector<16xf32>
          %add3A_702 = arith.constant 2 : i32
          %add3A_703 = arith.addi %add3A_196, %add3A_702 : i32
          %get3A_704 = arith.index_cast %add3A_703 : i32 to index
          %get3A_705 = arith.constant 32 : index
          %get3A_706 = tpu.vector_load %arg11[%get3A_704, %get3A_705] {strides = array<i32>} : memref<128x128xf32, #tpu.memory_space<vmem>>, vector<1x16xf32>,
          %get3A_707 = vector.shape_cast %get3A_706 : vector<1x16xf32> to vector<16xf32>
          %add3A_708 = arith.addf %get3A_701, %get3A_707 : vector<16xf32>
          %neg3A_709 = arith.constant 0.000000e+00 : f32
          %neg3A_710 = vector.broadcast %neg3A_709 : f32 to vector<16xf32>
          %neg3A_711 = arith.subf %neg3A_710, %add3A_708 : vector<16xf32>
          %exp3A_712 = math.exp %neg3A_711 : vector<16xf32>
          %add3A_713 = arith.constant 1.000000e+00 : f32
          %add3A_714 = vector.broadcast %add3A_713 : f32 to vector<16xf32>
          %add3A_715 = arith.addf %add3A_714, %exp3A_712 : vector<16xf32>
          %div3A_716 = arith.divf %add3A_708, %add3A_715 : vector<16xf32>
          %add3A_717 = arith.constant 2 : i32
          %add3A_718 = arith.addi %add3A_196, %add3A_717 : i32
          %swap3A_719 = arith.index_cast %add3A_718 : i32 to index
          %swap3A_720 = arith.constant 32 : index
          %swap3A_721 = tpu.vector_load %arg11[%swap3A_719, %swap3A_720] {strides = array<i32>} : memref<128x128xf32, #tpu.memory_space<vmem>>, vector<1x16xf32>,
          %swap3A_722 = vector.shape_cast %swap3A_721 : vector<1x16xf32> to vector<16xf32>
          %swap3A_723 = vector.shape_cast %div3A_716 : vector<16xf32> to vector<1x16xf32>
          tpu.vector_store %arg11[%swap3A_719, %swap3A_720], %swap3A_723 {strides = array<i32>} : memref<128x128xf32, #tpu.memory_space<vmem>>, vector<1x16xf32>,
          %add3A_724 = arith.constant 2 : i32
          %add3A_725 = arith.addi %add3A_196, %add3A_724 : i32
          %get3A_726 = arith.index_cast %add3A_725 : i32 to index
          %get3A_727 = arith.constant 48 : index
          %get3A_728 = tpu.vector_load %arg10[%get3A_726, %get3A_727] {strides = array<i32>} : memref<128x128xf32, #tpu.memory_space<vmem>>, vector<1x16xf32>,
          %get3A_729 = vector.shape_cast %get3A_728 : vector<1x16xf32> to vector<16xf32>
          %add3A_730 = arith.constant 2 : i32
          %add3A_731 = arith.addi %add3A_196, %add3A_730 : i32
          %get3A_732 = arith.index_cast %add3A_731 : i32 to index
          %get3A_733 = arith.constant 48 : index
          %get3A_734 = tpu.vector_load %arg11[%get3A_732, %get3A_733] {strides = array<i32>} : memref<128x128xf32, #tpu.memory_space<vmem>>, vector<1x16xf32>,
          %get3A_735 = vector.shape_cast %get3A_734 : vector<1x16xf32> to vector<16xf32>
          %add3A_736 = arith.addf %get3A_729, %get3A_735 : vector<16xf32>
          %neg3A_737 = arith.constant 0.000000e+00 : f32
          %neg3A_738 = vector.broadcast %neg3A_737 : f32 to vector<16xf32>
          %neg3A_739 = arith.subf %neg3A_738, %add3A_736 : vector<16xf32>
          %exp3A_740 = math.exp %neg3A_739 : vector<16xf32>
          %add3A_741 = arith.constant 1.000000e+00 : f32
          %add3A_742 = vector.broadcast %add3A_741 : f32 to vector<16xf32>
          %add3A_743 = arith.addf %add3A_742, %exp3A_740 : vector<16xf32>
          %div3A_744 = arith.divf %add3A_736, %add3A_743 : vector<16xf32>
          %add3A_745 = arith.constant 2 : i32
          %add3A_746 = arith.addi %add3A_196, %add3A_745 : i32
          %swap3A_747 = arith.index_cast %add3A_746 : i32 to index
          %swap3A_748 = arith.constant 48 : index
          %swap3A_749 = tpu.vector_load %arg11[%swap3A_747, %swap3A_748] {strides = array<i32>} : memref<128x128xf32, #tpu.memory_space<vmem>>, vector<1x16xf32>,
          %swap3A_750 = vector.shape_cast %swap3A_749 : vector<1x16xf32> to vector<16xf32>
          %swap3A_751 = vector.shape_cast %div3A_744 : vector<16xf32> to vector<1x16xf32>
          tpu.vector_store %arg11[%swap3A_747, %swap3A_748], %swap3A_751 {strides = array<i32>} : memref<128x128xf32, #tpu.memory_space<vmem>>, vector<1x16xf32>,
          %add3A_752 = arith.constant 2 : i32
          %add3A_753 = arith.addi %add3A_196, %add3A_752 : i32
          %get3A_754 = arith.index_cast %add3A_753 : i32 to index
          %get3A_755 = arith.constant 64 : index
          %get3A_756 = tpu.vector_load %arg10[%get3A_754, %get3A_755] {strides = array<i32>} : memref<128x128xf32, #tpu.memory_space<vmem>>, vector<1x16xf32>,
          %get3A_757 = vector.shape_cast %get3A_756 : vector<1x16xf32> to vector<16xf32>
          %add3A_758 = arith.constant 2 : i32
          %add3A_759 = arith.addi %add3A_196, %add3A_758 : i32
          %get3A_760 = arith.index_cast %add3A_759 : i32 to index
          %get3A_761 = arith.constant 64 : index
          %get3A_762 = tpu.vector_load %arg11[%get3A_760, %get3A_761] {strides = array<i32>} : memref<128x128xf32, #tpu.memory_space<vmem>>, vector<1x16xf32>,
          %get3A_763 = vector.shape_cast %get3A_762 : vector<1x16xf32> to vector<16xf32>
          %add3A_764 = arith.addf %get3A_757, %get3A_763 : vector<16xf32>
          %neg3A_765 = arith.constant 0.000000e+00 : f32
          %neg3A_766 = vector.broadcast %neg3A_765 : f32 to vector<16xf32>
          %neg3A_767 = arith.subf %neg3A_766, %add3A_764 : vector<16xf32>
          %exp3A_768 = math.exp %neg3A_767 : vector<16xf32>
          %add3A_769 = arith.constant 1.000000e+00 : f32
          %add3A_770 = vector.broadcast %add3A_769 : f32 to vector<16xf32>
          %add3A_771 = arith.addf %add3A_770, %exp3A_768 : vector<16xf32>
          %div3A_772 = arith.divf %add3A_764, %add3A_771 : vector<16xf32>
          %add3A_773 = arith.constant 2 : i32
          %add3A_774 = arith.addi %add3A_196, %add3A_773 : i32
          %swap3A_775 = arith.index_cast %add3A_774 : i32 to index
          %swap3A_776 = arith.constant 64 : index
          %swap3A_777 = tpu.vector_load %arg11[%swap3A_775, %swap3A_776] {strides = array<i32>} : memref<128x128xf32, #tpu.memory_space<vmem>>, vector<1x16xf32>,
          %swap3A_778 = vector.shape_cast %swap3A_777 : vector<1x16xf32> to vector<16xf32>
          %swap3A_779 = vector.shape_cast %div3A_772 : vector<16xf32> to vector<1x16xf32>
          tpu.vector_store %arg11[%swap3A_775, %swap3A_776], %swap3A_779 {strides = array<i32>} : memref<128x128xf32, #tpu.memory_space<vmem>>, vector<1x16xf32>,
          %add3A_780 = arith.constant 2 : i32
          %add3A_781 = arith.addi %add3A_196, %add3A_780 : i32
          %get3A_782 = arith.index_cast %add3A_781 : i32 to index
          %get3A_783 = arith.constant 80 : index
          %get3A_784 = tpu.vector_load %arg10[%get3A_782, %get3A_783] {strides = array<i32>} : memref<128x128xf32, #tpu.memory_space<vmem>>, vector<1x16xf32>,
          %get3A_785 = vector.shape_cast %get3A_784 : vector<1x16xf32> to vector<16xf32>
          %add3A_786 = arith.constant 2 : i32
          %add3A_787 = arith.addi %add3A_196, %add3A_786 : i32
          %get3A_788 = arith.index_cast %add3A_787 : i32 to index
          %get3A_789 = arith.constant 80 : index
          %get3A_790 = tpu.vector_load %arg11[%get3A_788, %get3A_789] {strides = array<i32>} : memref<128x128xf32, #tpu.memory_space<vmem>>, vector<1x16xf32>,
          %get3A_791 = vector.shape_cast %get3A_790 : vector<1x16xf32> to vector<16xf32>
          %add3A_792 = arith.addf %get3A_785, %get3A_791 : vector<16xf32>
          %neg3A_793 = arith.constant 0.000000e+00 : f32
          %neg3A_794 = vector.broadcast %neg3A_793 : f32 to vector<16xf32>
          %neg3A_795 = arith.subf %neg3A_794, %add3A_792 : vector<16xf32>
          %exp3A_796 = math.exp %neg3A_795 : vector<16xf32>
          %add3A_797 = arith.constant 1.000000e+00 : f32
          %add3A_798 = vector.broadcast %add3A_797 : f32 to vector<16xf32>
          %add3A_799 = arith.addf %add3A_798, %exp3A_796 : vector<16xf32>
          %div3A_800 = arith.divf %add3A_792, %add3A_799 : vector<16xf32>
          %add3A_801 = arith.constant 2 : i32
          %add3A_802 = arith.addi %add3A_196, %add3A_801 : i32
          %swap3A_803 = arith.index_cast %add3A_802 : i32 to index
          %swap3A_804 = arith.constant 80 : index
          %swap3A_805 = tpu.vector_load %arg11[%swap3A_803, %swap3A_804] {strides = array<i32>} : memref<128x128xf32, #tpu.memory_space<vmem>>, vector<1x16xf32>,
          %swap3A_806 = vector.shape_cast %swap3A_805 : vector<1x16xf32> to vector<16xf32>
          %swap3A_807 = vector.shape_cast %div3A_800 : vector<16xf32> to vector<1x16xf32>
          tpu.vector_store %arg11[%swap3A_803, %swap3A_804], %swap3A_807 {strides = array<i32>} : memref<128x128xf32, #tpu.memory_space<vmem>>, vector<1x16xf32>,
          %add3A_808 = arith.constant 2 : i32
          %add3A_809 = arith.addi %add3A_196, %add3A_808 : i32
          %get3A_810 = arith.index_cast %add3A_809 : i32 to index
          %get3A_811 = arith.constant 96 : index
          %get3A_812 = tpu.vector_load %arg10[%get3A_810, %get3A_811] {strides = array<i32>} : memref<128x128xf32, #tpu.memory_space<vmem>>, vector<1x16xf32>,
          %get3A_813 = vector.shape_cast %get3A_812 : vector<1x16xf32> to vector<16xf32>
          %add3A_814 = arith.constant 2 : i32
          %add3A_815 = arith.addi %add3A_196, %add3A_814 : i32
          %get3A_816 = arith.index_cast %add3A_815 : i32 to index
          %get3A_817 = arith.constant 96 : index
          %get3A_818 = tpu.vector_load %arg11[%get3A_816, %get3A_817] {strides = array<i32>} : memref<128x128xf32, #tpu.memory_space<vmem>>, vector<1x16xf32>,
          %get3A_819 = vector.shape_cast %get3A_818 : vector<1x16xf32> to vector<16xf32>
          %add3A_820 = arith.addf %get3A_813, %get3A_819 : vector<16xf32>
          %neg3A_821 = arith.constant 0.000000e+00 : f32
          %neg3A_822 = vector.broadcast %neg3A_821 : f32 to vector<16xf32>
          %neg3A_823 = arith.subf %neg3A_822, %add3A_820 : vector<16xf32>
          %exp3A_824 = math.exp %neg3A_823 : vector<16xf32>
          %add3A_825 = arith.constant 1.000000e+00 : f32
          %add3A_826 = vector.broadcast %add3A_825 : f32 to vector<16xf32>
          %add3A_827 = arith.addf %add3A_826, %exp3A_824 : vector<16xf32>
          %div3A_828 = arith.divf %add3A_820, %add3A_827 : vector<16xf32>
          %add3A_829 = arith.constant 2 : i32
          %add3A_830 = arith.addi %add3A_196, %add3A_829 : i32
          %swap3A_831 = arith.index_cast %add3A_830 : i32 to index
          %swap3A_832 = arith.constant 96 : index
          %swap3A_833 = tpu.vector_load %arg11[%swap3A_831, %swap3A_832] {strides = array<i32>} : memref<128x128xf32, #tpu.memory_space<vmem>>, vector<1x16xf32>,
          %swap3A_834 = vector.shape_cast %swap3A_833 : vector<1x16xf32> to vector<16xf32>
          %swap3A_835 = vector.shape_cast %div3A_828 : vector<16xf32> to vector<1x16xf32>
          tpu.vector_store %arg11[%swap3A_831, %swap3A_832], %swap3A_835 {strides = array<i32>} : memref<128x128xf32, #tpu.memory_space<vmem>>, vector<1x16xf32>,
          %add3A_836 = arith.constant 2 : i32
          %add3A_837 = arith.addi %add3A_196, %add3A_836 : i32
          %get3A_838 = arith.index_cast %add3A_837 : i32 to index
          %get3A_839 = arith.constant 112 : index
          %get3A_840 = tpu.vector_load %arg10[%get3A_838, %get3A_839] {strides = array<i32>} : memref<128x128xf32, #tpu.memory_space<vmem>>, vector<1x16xf32>,
          %get3A_841 = vector.shape_cast %get3A_840 : vector<1x16xf32> to vector<16xf32>
          %add3A_842 = arith.constant 2 : i32
          %add3A_843 = arith.addi %add3A_196, %add3A_842 : i32
          %get3A_844 = arith.index_cast %add3A_843 : i32 to index
          %get3A_845 = arith.constant 112 : index
          %get3A_846 = tpu.vector_load %arg11[%get3A_844, %get3A_845] {strides = array<i32>} : memref<128x128xf32, #tpu.memory_space<vmem>>, vector<1x16xf32>,
          %get3A_847 = vector.shape_cast %get3A_846 : vector<1x16xf32> to vector<16xf32>
          %add3A_848 = arith.addf %get3A_841, %get3A_847 : vector<16xf32>
          %neg3A_849 = arith.constant 0.000000e+00 : f32
          %neg3A_850 = vector.broadcast %neg3A_849 : f32 to vector<16xf32>
          %neg3A_851 = arith.subf %neg3A_850, %add3A_848 : vector<16xf32>
          %exp3A_852 = math.exp %neg3A_851 : vector<16xf32>
          %add3A_853 = arith.constant 1.000000e+00 : f32
          %add3A_854 = vector.broadcast %add3A_853 : f32 to vector<16xf32>
          %add3A_855 = arith.addf %add3A_854, %exp3A_852 : vector<16xf32>
          %div3A_856 = arith.divf %add3A_848, %add3A_855 : vector<16xf32>
          %add3A_857 = arith.constant 2 : i32
          %add3A_858 = arith.addi %add3A_196, %add3A_857 : i32
          %swap3A_859 = arith.index_cast %add3A_858 : i32 to index
          %swap3A_860 = arith.constant 112 : index
          %swap3A_861 = tpu.vector_load %arg11[%swap3A_859, %swap3A_860] {strides = array<i32>} : memref<128x128xf32, #tpu.memory_space<vmem>>, vector<1x16xf32>,
          %swap3A_862 = vector.shape_cast %swap3A_861 : vector<1x16xf32> to vector<16xf32>
          %swap3A_863 = vector.shape_cast %div3A_856 : vector<16xf32> to vector<1x16xf32>
          tpu.vector_store %arg11[%swap3A_859, %swap3A_860], %swap3A_863 {strides = array<i32>} : memref<128x128xf32, #tpu.memory_space<vmem>>, vector<1x16xf32>,
          %add3A_864 = arith.constant 3 : i32
          %add3A_865 = arith.addi %add3A_196, %add3A_864 : i32
          %get3A_866 = arith.index_cast %add3A_865 : i32 to index
          %get3A_867 = arith.constant 0 : index
          %get3A_868 = tpu.vector_load %arg10[%get3A_866, %get3A_867] {strides = array<i32>} : memref<128x128xf32, #tpu.memory_space<vmem>>, vector<1x16xf32>,
          %get3A_869 = vector.shape_cast %get3A_868 : vector<1x16xf32> to vector<16xf32>
          %add3A_870 = arith.constant 3 : i32
          %add3A_871 = arith.addi %add3A_196, %add3A_870 : i32
          %get3A_872 = arith.index_cast %add3A_871 : i32 to index
          %get3A_873 = arith.constant 0 : index
          %get3A_874 = tpu.vector_load %arg11[%get3A_872, %get3A_873] {strides = array<i32>} : memref<128x128xf32, #tpu.memory_space<vmem>>, vector<1x16xf32>,
          %get3A_875 = vector.shape_cast %get3A_874 : vector<1x16xf32> to vector<16xf32>
          %add3A_876 = arith.addf %get3A_869, %get3A_875 : vector<16xf32>
          %neg3A_877 = arith.constant 0.000000e+00 : f32
          %neg3A_878 = vector.broadcast %neg3A_877 : f32 to vector<16xf32>
          %neg3A_879 = arith.subf %neg3A_878, %add3A_876 : vector<16xf32>
          %exp3A_880 = math.exp %neg3A_879 : vector<16xf32>
          %add3A_881 = arith.constant 1.000000e+00 : f32
          %add3A_882 = vector.broadcast %add3A_881 : f32 to vector<16xf32>
          %add3A_883 = arith.addf %add3A_882, %exp3A_880 : vector<16xf32>
          %div3A_884 = arith.divf %add3A_876, %add3A_883 : vector<16xf32>
          %add3A_885 = arith.constant 3 : i32
          %add3A_886 = arith.addi %add3A_196, %add3A_885 : i32
          %swap3A_887 = arith.index_cast %add3A_886 : i32 to index
          %swap3A_888 = arith.constant 0 : index
          %swap3A_889 = tpu.vector_load %arg11[%swap3A_887, %swap3A_888] {strides = array<i32>} : memref<128x128xf32, #tpu.memory_space<vmem>>, vector<1x16xf32>,
          %swap3A_890 = vector.shape_cast %swap3A_889 : vector<1x16xf32> to vector<16xf32>
          %swap3A_891 = vector.shape_cast %div3A_884 : vector<16xf32> to vector<1x16xf32>
          tpu.vector_store %arg11[%swap3A_887, %swap3A_888], %swap3A_891 {strides = array<i32>} : memref<128x128xf32, #tpu.memory_space<vmem>>, vector<1x16xf32>,
          %add3A_892 = arith.constant 3 : i32
          %add3A_893 = arith.addi %add3A_196, %add3A_892 : i32
          %get3A_894 = arith.index_cast %add3A_893 : i32 to index
          %get3A_895 = arith.constant 16 : index
          %get3A_896 = tpu.vector_load %arg10[%get3A_894, %get3A_895] {strides = array<i32>} : memref<128x128xf32, #tpu.memory_space<vmem>>, vector<1x16xf32>,
          %get3A_897 = vector.shape_cast %get3A_896 : vector<1x16xf32> to vector<16xf32>
          %add3A_898 = arith.constant 3 : i32
          %add3A_899 = arith.addi %add3A_196, %add3A_898 : i32
          %get3A_900 = arith.index_cast %add3A_899 : i32 to index
          %get3A_901 = arith.constant 16 : index
          %get3A_902 = tpu.vector_load %arg11[%get3A_900, %get3A_901] {strides = array<i32>} : memref<128x128xf32, #tpu.memory_space<vmem>>, vector<1x16xf32>,
          %get3A_903 = vector.shape_cast %get3A_902 : vector<1x16xf32> to vector<16xf32>
          %add3A_904 = arith.addf %get3A_897, %get3A_903 : vector<16xf32>
          %neg3A_905 = arith.constant 0.000000e+00 : f32
          %neg3A_906 = vector.broadcast %neg3A_905 : f32 to vector<16xf32>
          %neg3A_907 = arith.subf %neg3A_906, %add3A_904 : vector<16xf32>
          %exp3A_908 = math.exp %neg3A_907 : vector<16xf32>
          %add3A_909 = arith.constant 1.000000e+00 : f32
          %add3A_910 = vector.broadcast %add3A_909 : f32 to vector<16xf32>
          %add3A_911 = arith.addf %add3A_910, %exp3A_908 : vector<16xf32>
          %div3A_912 = arith.divf %add3A_904, %add3A_911 : vector<16xf32>
          %add3A_913 = arith.constant 3 : i32
          %add3A_914 = arith.addi %add3A_196, %add3A_913 : i32
          %swap3A_915 = arith.index_cast %add3A_914 : i32 to index
          %swap3A_916 = arith.constant 16 : index
          %swap3A_917 = tpu.vector_load %arg11[%swap3A_915, %swap3A_916] {strides = array<i32>} : memref<128x128xf32, #tpu.memory_space<vmem>>, vector<1x16xf32>,
          %swap3A_918 = vector.shape_cast %swap3A_917 : vector<1x16xf32> to vector<16xf32>
          %swap3A_919 = vector.shape_cast %div3A_912 : vector<16xf32> to vector<1x16xf32>
          tpu.vector_store %arg11[%swap3A_915, %swap3A_916], %swap3A_919 {strides = array<i32>} : memref<128x128xf32, #tpu.memory_space<vmem>>, vector<1x16xf32>,
          %add3A_920 = arith.constant 3 : i32
          %add3A_921 = arith.addi %add3A_196, %add3A_920 : i32
          %get3A_922 = arith.index_cast %add3A_921 : i32 to index
          %get3A_923 = arith.constant 32 : index
          %get3A_924 = tpu.vector_load %arg10[%get3A_922, %get3A_923] {strides = array<i32>} : memref<128x128xf32, #tpu.memory_space<vmem>>, vector<1x16xf32>,
          %get3A_925 = vector.shape_cast %get3A_924 : vector<1x16xf32> to vector<16xf32>
          %add3A_926 = arith.constant 3 : i32
          %add3A_927 = arith.addi %add3A_196, %add3A_926 : i32
          %get3A_928 = arith.index_cast %add3A_927 : i32 to index
          %get3A_929 = arith.constant 32 : index
          %get3A_930 = tpu.vector_load %arg11[%get3A_928, %get3A_929] {strides = array<i32>} : memref<128x128xf32, #tpu.memory_space<vmem>>, vector<1x16xf32>,
          %get3A_931 = vector.shape_cast %get3A_930 : vector<1x16xf32> to vector<16xf32>
          %add3A_932 = arith.addf %get3A_925, %get3A_931 : vector<16xf32>
          %neg3A_933 = arith.constant 0.000000e+00 : f32
          %neg3A_934 = vector.broadcast %neg3A_933 : f32 to vector<16xf32>
          %neg3A_935 = arith.subf %neg3A_934, %add3A_932 : vector<16xf32>
          %exp3A_936 = math.exp %neg3A_935 : vector<16xf32>
          %add3A_937 = arith.constant 1.000000e+00 : f32
          %add3A_938 = vector.broadcast %add3A_937 : f32 to vector<16xf32>
          %add3A_939 = arith.addf %add3A_938, %exp3A_936 : vector<16xf32>
          %div3A_940 = arith.divf %add3A_932, %add3A_939 : vector<16xf32>
          %add3A_941 = arith.constant 3 : i32
          %add3A_942 = arith.addi %add3A_196, %add3A_941 : i32
          %swap3A_943 = arith.index_cast %add3A_942 : i32 to index
          %swap3A_944 = arith.constant 32 : index
          %swap3A_945 = tpu.vector_load %arg11[%swap3A_943, %swap3A_944] {strides = array<i32>} : memref<128x128xf32, #tpu.memory_space<vmem>>, vector<1x16xf32>,
          %swap3A_946 = vector.shape_cast %swap3A_945 : vector<1x16xf32> to vector<16xf32>
          %swap3A_947 = vector.shape_cast %div3A_940 : vector<16xf32> to vector<1x16xf32>
          tpu.vector_store %arg11[%swap3A_943, %swap3A_944], %swap3A_947 {strides = array<i32>} : memref<128x128xf32, #tpu.memory_space<vmem>>, vector<1x16xf32>,
          %add3A_948 = arith.constant 3 : i32
          %add3A_949 = arith.addi %add3A_196, %add3A_948 : i32
          %get3A_950 = arith.index_cast %add3A_949 : i32 to index
          %get3A_951 = arith.constant 48 : index
          %get3A_952 = tpu.vector_load %arg10[%get3A_950, %get3A_951] {strides = array<i32>} : memref<128x128xf32, #tpu.memory_space<vmem>>, vector<1x16xf32>,
          %get3A_953 = vector.shape_cast %get3A_952 : vector<1x16xf32> to vector<16xf32>
          %add3A_954 = arith.constant 3 : i32
          %add3A_955 = arith.addi %add3A_196, %add3A_954 : i32
          %get3A_956 = arith.index_cast %add3A_955 : i32 to index
          %get3A_957 = arith.constant 48 : index
          %get3A_958 = tpu.vector_load %arg11[%get3A_956, %get3A_957] {strides = array<i32>} : memref<128x128xf32, #tpu.memory_space<vmem>>, vector<1x16xf32>,
          %get3A_959 = vector.shape_cast %get3A_958 : vector<1x16xf32> to vector<16xf32>
          %add3A_960 = arith.addf %get3A_953, %get3A_959 : vector<16xf32>
          %neg3A_961 = arith.constant 0.000000e+00 : f32
          %neg3A_962 = vector.broadcast %neg3A_961 : f32 to vector<16xf32>
          %neg3A_963 = arith.subf %neg3A_962, %add3A_960 : vector<16xf32>
          %exp3A_964 = math.exp %neg3A_963 : vector<16xf32>
          %add3A_965 = arith.constant 1.000000e+00 : f32
          %add3A_966 = vector.broadcast %add3A_965 : f32 to vector<16xf32>
          %add3A_967 = arith.addf %add3A_966, %exp3A_964 : vector<16xf32>
          %div3A_968 = arith.divf %add3A_960, %add3A_967 : vector<16xf32>
          %add3A_969 = arith.constant 3 : i32
          %add3A_970 = arith.addi %add3A_196, %add3A_969 : i32
          %swap3A_971 = arith.index_cast %add3A_970 : i32 to index
          %swap3A_972 = arith.constant 48 : index
          %swap3A_973 = tpu.vector_load %arg11[%swap3A_971, %swap3A_972] {strides = array<i32>} : memref<128x128xf32, #tpu.memory_space<vmem>>, vector<1x16xf32>,
          %swap3A_974 = vector.shape_cast %swap3A_973 : vector<1x16xf32> to vector<16xf32>
          %swap3A_975 = vector.shape_cast %div3A_968 : vector<16xf32> to vector<1x16xf32>
          tpu.vector_store %arg11[%swap3A_971, %swap3A_972], %swap3A_975 {strides = array<i32>} : memref<128x128xf32, #tpu.memory_space<vmem>>, vector<1x16xf32>,
          %add3A_976 = arith.constant 3 : i32
          %add3A_977 = arith.addi %add3A_196, %add3A_976 : i32
          %get3A_978 = arith.index_cast %add3A_977 : i32 to index
          %get3A_979 = arith.constant 64 : index
          %get3A_980 = tpu.vector_load %arg10[%get3A_978, %get3A_979] {strides = array<i32>} : memref<128x128xf32, #tpu.memory_space<vmem>>, vector<1x16xf32>,
          %get3A_981 = vector.shape_cast %get3A_980 : vector<1x16xf32> to vector<16xf32>
          %add3A_982 = arith.constant 3 : i32
          %add3A_983 = arith.addi %add3A_196, %add3A_982 : i32
          %get3A_984 = arith.index_cast %add3A_983 : i32 to index
          %get3A_985 = arith.constant 64 : index
          %get3A_986 = tpu.vector_load %arg11[%get3A_984, %get3A_985] {strides = array<i32>} : memref<128x128xf32, #tpu.memory_space<vmem>>, vector<1x16xf32>,
          %get3A_987 = vector.shape_cast %get3A_986 : vector<1x16xf32> to vector<16xf32>
          %add3A_988 = arith.addf %get3A_981, %get3A_987 : vector<16xf32>
          %neg3A_989 = arith.constant 0.000000e+00 : f32
          %neg3A_990 = vector.broadcast %neg3A_989 : f32 to vector<16xf32>
          %neg3A_991 = arith.subf %neg3A_990, %add3A_988 : vector<16xf32>
          %exp3A_992 = math.exp %neg3A_991 : vector<16xf32>
          %add3A_993 = arith.constant 1.000000e+00 : f32
          %add3A_994 = vector.broadcast %add3A_993 : f32 to vector<16xf32>
          %add3A_995 = arith.addf %add3A_994, %exp3A_992 : vector<16xf32>
          %div3A_996 = arith.divf %add3A_988, %add3A_995 : vector<16xf32>
          %add3A_997 = arith.constant 3 : i32
          %add3A_998 = arith.addi %add3A_196, %add3A_997 : i32
          %swap3A_999 = arith.index_cast %add3A_998 : i32 to index
          %swap3A_1000 = arith.constant 64 : index
          %swap3A_1001 = tpu.vector_load %arg11[%swap3A_999, %swap3A_1000] {strides = array<i32>} : memref<128x128xf32, #tpu.memory_space<vmem>>, vector<1x16xf32>,
          %swap3A_1002 = vector.shape_cast %swap3A_1001 : vector<1x16xf32> to vector<16xf32>
          %swap3A_1003 = vector.shape_cast %div3A_996 : vector<16xf32> to vector<1x16xf32>
          tpu.vector_store %arg11[%swap3A_999, %swap3A_1000], %swap3A_1003 {strides = array<i32>} : memref<128x128xf32, #tpu.memory_space<vmem>>, vector<1x16xf32>,
          %add3A_1004 = arith.constant 3 : i32
          %add3A_1005 = arith.addi %add3A_196, %add3A_1004 : i32
          %get3A_1006 = arith.index_cast %add3A_1005 : i32 to index
          %get3A_1007 = arith.constant 80 : index
          %get3A_1008 = tpu.vector_load %arg10[%get3A_1006, %get3A_1007] {strides = array<i32>} : memref<128x128xf32, #tpu.memory_space<vmem>>, vector<1x16xf32>,
          %get3A_1009 = vector.shape_cast %get3A_1008 : vector<1x16xf32> to vector<16xf32>
          %add3A_1010 = arith.constant 3 : i32
          %add3A_1011 = arith.addi %add3A_196, %add3A_1010 : i32
          %get3A_1012 = arith.index_cast %add3A_1011 : i32 to index
          %get3A_1013 = arith.constant 80 : index
          %get3A_1014 = tpu.vector_load %arg11[%get3A_1012, %get3A_1013] {strides = array<i32>} : memref<128x128xf32, #tpu.memory_space<vmem>>, vector<1x16xf32>,
          %get3A_1015 = vector.shape_cast %get3A_1014 : vector<1x16xf32> to vector<16xf32>
          %add3A_1016 = arith.addf %get3A_1009, %get3A_1015 : vector<16xf32>
          %neg3A_1017 = arith.constant 0.000000e+00 : f32
          %neg3A_1018 = vector.broadcast %neg3A_1017 : f32 to vector<16xf32>
          %neg3A_1019 = arith.subf %neg3A_1018, %add3A_1016 : vector<16xf32>
          %exp3A_1020 = math.exp %neg3A_1019 : vector<16xf32>
          %add3A_1021 = arith.constant 1.000000e+00 : f32
          %add3A_1022 = vector.broadcast %add3A_1021 : f32 to vector<16xf32>
          %add3A_1023 = arith.addf %add3A_1022, %exp3A_1020 : vector<16xf32>
          %div3A_1024 = arith.divf %add3A_1016, %add3A_1023 : vector<16xf32>
          %add3A_1025 = arith.constant 3 : i32
          %add3A_1026 = arith.addi %add3A_196, %add3A_1025 : i32
          %swap3A_1027 = arith.index_cast %add3A_1026 : i32 to index
          %swap3A_1028 = arith.constant 80 : index
          %swap3A_1029 = tpu.vector_load %arg11[%swap3A_1027, %swap3A_1028] {strides = array<i32>} : memref<128x128xf32, #tpu.memory_space<vmem>>, vector<1x16xf32>,
          %swap3A_1030 = vector.shape_cast %swap3A_1029 : vector<1x16xf32> to vector<16xf32>
          %swap3A_1031 = vector.shape_cast %div3A_1024 : vector<16xf32> to vector<1x16xf32>
          tpu.vector_store %arg11[%swap3A_1027, %swap3A_1028], %swap3A_1031 {strides = array<i32>} : memref<128x128xf32, #tpu.memory_space<vmem>>, vector<1x16xf32>,
          %add3A_1032 = arith.constant 3 : i32
          %add3A_1033 = arith.addi %add3A_196, %add3A_1032 : i32
          %get3A_1034 = arith.index_cast %add3A_1033 : i32 to index
          %get3A_1035 = arith.constant 96 : index
          %get3A_1036 = tpu.vector_load %arg10[%get3A_1034, %get3A_1035] {strides = array<i32>} : memref<128x128xf32, #tpu.memory_space<vmem>>, vector<1x16xf32>,
          %get3A_1037 = vector.shape_cast %get3A_1036 : vector<1x16xf32> to vector<16xf32>
          %add3A_1038 = arith.constant 3 : i32
          %add3A_1039 = arith.addi %add3A_196, %add3A_1038 : i32
          %get3A_1040 = arith.index_cast %add3A_1039 : i32 to index
          %get3A_1041 = arith.constant 96 : index
          %get3A_1042 = tpu.vector_load %arg11[%get3A_1040, %get3A_1041] {strides = array<i32>} : memref<128x128xf32, #tpu.memory_space<vmem>>, vector<1x16xf32>,
          %get3A_1043 = vector.shape_cast %get3A_1042 : vector<1x16xf32> to vector<16xf32>
          %add3A_1044 = arith.addf %get3A_1037, %get3A_1043 : vector<16xf32>
          %neg3A_1045 = arith.constant 0.000000e+00 : f32
          %neg3A_1046 = vector.broadcast %neg3A_1045 : f32 to vector<16xf32>
          %neg3A_1047 = arith.subf %neg3A_1046, %add3A_1044 : vector<16xf32>
          %exp3A_1048 = math.exp %neg3A_1047 : vector<16xf32>
          %add3A_1049 = arith.constant 1.000000e+00 : f32
          %add3A_1050 = vector.broadcast %add3A_1049 : f32 to vector<16xf32>
          %add3A_1051 = arith.addf %add3A_1050, %exp3A_1048 : vector<16xf32>
          %div3A_1052 = arith.divf %add3A_1044, %add3A_1051 : vector<16xf32>
          %add3A_1053 = arith.constant 3 : i32
          %add3A_1054 = arith.addi %add3A_196, %add3A_1053 : i32
          %swap3A_1055 = arith.index_cast %add3A_1054 : i32 to index
          %swap3A_1056 = arith.constant 96 : index
          %swap3A_1057 = tpu.vector_load %arg11[%swap3A_1055, %swap3A_1056] {strides = array<i32>} : memref<128x128xf32, #tpu.memory_space<vmem>>, vector<1x16xf32>,
          %swap3A_1058 = vector.shape_cast %swap3A_1057 : vector<1x16xf32> to vector<16xf32>
          %swap3A_1059 = vector.shape_cast %div3A_1052 : vector<16xf32> to vector<1x16xf32>
          tpu.vector_store %arg11[%swap3A_1055, %swap3A_1056], %swap3A_1059 {strides = array<i32>} : memref<128x128xf32, #tpu.memory_space<vmem>>, vector<1x16xf32>,
          %add3A_1060 = arith.constant 3 : i32
          %add3A_1061 = arith.addi %add3A_196, %add3A_1060 : i32
          %get3A_1062 = arith.index_cast %add3A_1061 : i32 to index
          %get3A_1063 = arith.constant 112 : index
          %get3A_1064 = tpu.vector_load %arg10[%get3A_1062, %get3A_1063] {strides = array<i32>} : memref<128x128xf32, #tpu.memory_space<vmem>>, vector<1x16xf32>,
          %get3A_1065 = vector.shape_cast %get3A_1064 : vector<1x16xf32> to vector<16xf32>
          %add3A_1066 = arith.constant 3 : i32
          %add3A_1067 = arith.addi %add3A_196, %add3A_1066 : i32
          %get3A_1068 = arith.index_cast %add3A_1067 : i32 to index
          %get3A_1069 = arith.constant 112 : index
          %get3A_1070 = tpu.vector_load %arg11[%get3A_1068, %get3A_1069] {strides = array<i32>} : memref<128x128xf32, #tpu.memory_space<vmem>>, vector<1x16xf32>,
          %get3A_1071 = vector.shape_cast %get3A_1070 : vector<1x16xf32> to vector<16xf32>
          %add3A_1072 = arith.addf %get3A_1065, %get3A_1071 : vector<16xf32>
          %neg3A_1073 = arith.constant 0.000000e+00 : f32
          %neg3A_1074 = vector.broadcast %neg3A_1073 : f32 to vector<16xf32>
          %neg3A_1075 = arith.subf %neg3A_1074, %add3A_1072 : vector<16xf32>
          %exp3A_1076 = math.exp %neg3A_1075 : vector<16xf32>
          %add3A_1077 = arith.constant 1.000000e+00 : f32
          %add3A_1078 = vector.broadcast %add3A_1077 : f32 to vector<16xf32>
          %add3A_1079 = arith.addf %add3A_1078, %exp3A_1076 : vector<16xf32>
          %div3A_1080 = arith.divf %add3A_1072, %add3A_1079 : vector<16xf32>
          %add3A_1081 = arith.constant 3 : i32
          %add3A_1082 = arith.addi %add3A_196, %add3A_1081 : i32
          %swap3A_1083 = arith.index_cast %add3A_1082 : i32 to index
          %swap3A_1084 = arith.constant 112 : index
          %swap3A_1085 = tpu.vector_load %arg11[%swap3A_1083, %swap3A_1084] {strides = array<i32>} : memref<128x128xf32, #tpu.memory_space<vmem>>, vector<1x16xf32>,
          %swap3A_1086 = vector.shape_cast %swap3A_1085 : vector<1x16xf32> to vector<16xf32>
          %swap3A_1087 = vector.shape_cast %div3A_1080 : vector<16xf32> to vector<1x16xf32>
          tpu.vector_store %arg11[%swap3A_1083, %swap3A_1084], %swap3A_1087 {strides = array<i32>} : memref<128x128xf32, #tpu.memory_space<vmem>>, vector<1x16xf32>,
        }
        %scan3A_189 = arith.constant 16 : i32
        %lt3A = arith.constant 7 : i32
        %lt3A_190 = arith.cmpi slt, %scan3A_62, %lt3A : i32
        %convert_element_type3A = arith.extui %lt3A_190 : i1 to i32
        %cond3A = arith.constant 0 : i32
        %cond3A_191 = arith.cmpi ne, %convert_element_type3A, %cond3A : i32
        scf.if %cond3A_191 {
          %add3A_192 = arith.constant 1 : i32
          %add3A_193 = arith.addi %scan3A_62, %add3A_192 : i32
          %dma_start3A_194 = arith.constant 0 : i32
          %dma_start3A_195 = arith.constant 0 : i32
          %dma_start3A_196 = tpu.memref_slice %arg10[%dma_start3A_194, %dma_start3A_195] : memref<128x128xf32, #tpu.memory_space<vmem>> -> memref<64x128xf32, #tpu.memory_space<vmem>>
          %dma_start3A_197 = arith.constant 0 : i32
          %dma_start3A_198 = tpu.memref_slice %arg8[%add3A_193, %dma_start3A_197] : memref<8x128xi32, #tpu.memory_space<vmem>> -> memref<1x64xi32, #tpu.memory_space<vmem>>
          %dma_start3A_199 = tpu.memref_squeeze %dma_start3A_198 : memref<1x64xi32, #tpu.memory_space<vmem>> -> memref<64xi32, #tpu.memory_space<vmem>>
          %dma_start3A_200 = arith.constant 0 : i32
          %dma_start3A_201 = arith.constant 0 : i32
          %dma_start3A_202 = tpu.memref_slice %arg2[%dma_start3A_200, %dma_start3A_201] : memref<10112x128xf32, #tpu.memory_space<hbm>> -> memref<10112x128xf32, #tpu.memory_space<hbm>>
          tpu.enqueue_indirect_dma source(%dma_start3A_202 : memref<10112x128xf32, #tpu.memory_space<hbm>>) target(%dma_start3A_196 : memref<64x128xf32, #tpu.memory_space<vmem>>) offsets(%dma_start3A_199 : memref<64xi32, #tpu.memory_space<vmem>>) semaphore(%arg13 : memref<!tpu.dma_semaphore, #tpu.memory_space<semaphore_mem>>)
          %add3A_203 = arith.constant 1 : i32
          %add3A_204 = arith.addi %scan3A_62, %add3A_203 : i32
          %dma_start3A_205 = arith.constant 64 : i32
          %dma_start3A_206 = arith.constant 0 : i32
          %dma_start3A_207 = tpu.memref_slice %arg10[%dma_start3A_205, %dma_start3A_206] : memref<128x128xf32, #tpu.memory_space<vmem>> -> memref<64x128xf32, #tpu.memory_space<vmem>>
          %dma_start3A_208 = arith.constant 64 : i32
          %dma_start3A_209 = tpu.memref_slice %arg8[%add3A_204, %dma_start3A_208] : memref<8x128xi32, #tpu.memory_space<vmem>> -> memref<1x64xi32, #tpu.memory_space<vmem>>
          %dma_start3A_210 = tpu.memref_squeeze %dma_start3A_209 : memref<1x64xi32, #tpu.memory_space<vmem>> -> memref<64xi32, #tpu.memory_space<vmem>>
          %dma_start3A_211 = arith.constant 0 : i32
          %dma_start3A_212 = arith.constant 0 : i32
          %dma_start3A_213 = tpu.memref_slice %arg2[%dma_start3A_211, %dma_start3A_212] : memref<10112x128xf32, #tpu.memory_space<hbm>> -> memref<10112x128xf32, #tpu.memory_space<hbm>>
          tpu.enqueue_indirect_dma source(%dma_start3A_213 : memref<10112x128xf32, #tpu.memory_space<hbm>>) target(%dma_start3A_207 : memref<64x128xf32, #tpu.memory_space<vmem>>) offsets(%dma_start3A_210 : memref<64xi32, #tpu.memory_space<vmem>>) semaphore(%arg13 : memref<!tpu.dma_semaphore, #tpu.memory_space<semaphore_mem>>)
        } else {
        }
        "tpu.region"() ({
          %run_scoped3A = tpu.sem_alloc : memref<!tpu.dma_semaphore, #tpu.memory_space<semaphore_mem>>
          %dma_start3A_192 = arith.constant 0 : i32
          %dma_start3A_193 = tpu.memref_slice %arg9[%scan3A_62, %dma_start3A_192] : memref<8x128xi32, #tpu.memory_space<vmem>> -> memref<1x128xi32, #tpu.memory_space<vmem>>
          %dma_start3A_194 = tpu.memref_squeeze %dma_start3A_193 : memref<1x128xi32, #tpu.memory_space<vmem>> -> memref<128xi32, #tpu.memory_space<vmem>>
          %dma_start3A_195 = arith.constant 0 : i32
          %dma_start3A_196 = arith.constant 0 : i32
          %dma_start3A_197 = tpu.memref_slice %arg12[%dma_start3A_195, %dma_start3A_196] : memref<10112x128xf32, #tpu.memory_space<vmem_shared>> -> memref<10112x128xf32, #tpu.memory_space<vmem_shared>>
          tpu.enqueue_indirect_dma source(%arg11 : memref<128x128xf32, #tpu.memory_space<vmem>>) target(%dma_start3A_197 : memref<10112x128xf32, #tpu.memory_space<vmem_shared>>) offsets(%dma_start3A_194 : memref<128xi32, #tpu.memory_space<vmem>>) semaphore(%run_scoped3A : memref<!tpu.dma_semaphore, #tpu.memory_space<semaphore_mem>>) {add = true}
          %dma_wait3A_198 = arith.constant 0 : i32
          %dma_wait3A_199 = tpu.memref_slice %arg9[%scan3A_62, %dma_wait3A_198] : memref<8x128xi32, #tpu.memory_space<vmem>> -> memref<1x128xi32, #tpu.memory_space<vmem>>
          %dma_wait3A_200 = tpu.memref_squeeze %dma_wait3A_199 : memref<1x128xi32, #tpu.memory_space<vmem>> -> memref<128xi32, #tpu.memory_space<vmem>>
          %dma_wait3A_201 = arith.constant 0 : i32
          %dma_wait3A_202 = arith.constant 0 : i32
          %dma_wait3A_203 = tpu.memref_slice %arg12[%dma_wait3A_201, %dma_wait3A_202] : memref<10112x128xf32, #tpu.memory_space<vmem_shared>> -> memref<10112x128xf32, #tpu.memory_space<vmem_shared>>
          tpu.wait_indirect_dma semaphore(%run_scoped3A : memref<!tpu.dma_semaphore, #tpu.memory_space<semaphore_mem>>) src(%arg11 : memref<128x128xf32, #tpu.memory_space<vmem>>) dst(%dma_wait3A_203 : memref<10112x128xf32, #tpu.memory_space<vmem_shared>>)
          tpu.yield
        }) : () -> ()
      }
      %scan3A_61 = arith.constant 8 : i32
    }
    %scan3A_32 = arith.constant 10 : i32
    %barrier3A_33 = arith.constant 0 : index
    tpu.barrier barrier_id(%barrier3A_33)
    %mul3A_34 = arith.constant 632 : i32
    %mul3A_35 = arith.muli %arg1, %mul3A_34 : i32
    "tpu.region"() ({
      %run_scoped3A = tpu.sem_alloc : memref<!tpu.dma_semaphore, #tpu.memory_space<semaphore_mem>>
      %dma_start3A = arith.constant 0 : i32
      %dma_start3A_36 = tpu.memref_slice %arg7[%arg0, %mul3A_35, %dma_start3A] : memref<2x10112x128xf32, #tpu.memory_space<hbm>> -> memref<1x632x128xf32, #tpu.memory_space<hbm>>
      %dma_start3A_37 = tpu.memref_squeeze %dma_start3A_36 : memref<1x632x128xf32, #tpu.memory_space<hbm>> -> memref<632x128xf32, #tpu.memory_space<hbm>>
      %dma_start3A_38 = arith.constant 0 : i32
      %dma_start3A_39 = tpu.memref_slice %arg12[%mul3A_35, %dma_start3A_38] : memref<10112x128xf32, #tpu.memory_space<vmem_shared>> -> memref<632x128xf32, #tpu.memory_space<vmem_shared>>
      tpu.enqueue_dma source(%dma_start3A_39 : memref<632x128xf32, #tpu.memory_space<vmem_shared>>) target(%dma_start3A_37 : memref<632x128xf32, #tpu.memory_space<hbm>>) target_semaphore(%run_scoped3A : memref<!tpu.dma_semaphore, #tpu.memory_space<semaphore_mem>>)
      %dma_wait3A = arith.constant 0 : i32
      %dma_wait3A_40 = tpu.memref_slice %arg7[%arg0, %mul3A_35, %dma_wait3A] : memref<2x10112x128xf32, #tpu.memory_space<hbm>> -> memref<1x632x128xf32, #tpu.memory_space<hbm>>
      %dma_wait3A_41 = tpu.memref_squeeze %dma_wait3A_40 : memref<1x632x128xf32, #tpu.memory_space<hbm>> -> memref<632x128xf32, #tpu.memory_space<hbm>>
      %dma_wait3A_42 = arith.constant 0 : i32
      %dma_wait3A_43 = tpu.memref_slice %arg12[%mul3A_35, %dma_wait3A_42] : memref<10112x128xf32, #tpu.memory_space<vmem_shared>> -> memref<632x128xf32, #tpu.memory_space<vmem_shared>>
      tpu.wait_dma2 semaphore(%run_scoped3A : memref<!tpu.dma_semaphore, #tpu.memory_space<semaphore_mem>>) src(%dma_wait3A_43 : memref<632x128xf32, #tpu.memory_space<vmem_shared>>) dst(%dma_wait3A_41 : memref<632x128xf32, #tpu.memory_space<hbm>>)
      tpu.yield
    }) : () -> ()
    return
  }
}

#map = affine_map<(d0, d1) -> (0, 0, 0, 0)>
#map1 = affine_map<(d0, d1) -> (0, 0, 0)>
module attributes {stable_mosaic.version = 14 : i64} {
  func.func @_sc_count_body(%arg0: i32, %arg1: i32, %arg2: memref<32x10x8x128xi32, #tpu.memory_space<hbm>>, %arg3: memref<2x10112x128xf32, #tpu.memory_space<hbm>>, %arg4: memref<8x128xi32, #tpu.memory_space<vmem>>, %arg5: memref<128x128xf32, #tpu.memory_space<vmem>>, %arg6: memref<10112x128xf32, #tpu.memory_space<vmem_shared>>) attributes {dimension_semantics = [#tpu.dimension_semantics<core_parallel>, #tpu.dimension_semantics<subcore_parallel>], iteration_bounds = array<i64: 2, 16>, scalar_prefetch = 0 : i64, scratch_operands = 3 : i64, tpu.core_type = #tpu.core_type<sc_vector_subcore>, window_params = [{transform_indices = #map}, {transform_indices = #map1}]} {
    %mul3A = arith.constant 16 : i32
    %mul3A_0 = arith.muli %arg0, %mul3A : i32
    %add3A = arith.addi %mul3A_0, %arg1 : i32
    %broadcast_in_dim3A = arith.constant 0.000000e+00 : f32
    %broadcast_in_dim3A_1 = vector.broadcast %broadcast_in_dim3A : f32 to vector<16xf32>
    %scan3A = arith.constant 0 : i32
    %scan3A_2 = arith.constant 0 : i32
    %scan3A_3 = arith.constant 128 : i32
    %scan3A_4 = arith.addi %scan3A_2, %scan3A_3 : i32
    %scan3A_5 = arith.constant 1 : i32
    scf.for %scan3A_44 = %scan3A_2 to %scan3A_4 step %scan3A_5  : i32 {
      %swap3A = arith.index_cast %scan3A_44 : i32 to index
      %swap3A_45 = arith.constant 0 : index
      %swap3A_46 = tpu.vector_load %arg5[%swap3A, %swap3A_45] {strides = array<i32>} : memref<128x128xf32, #tpu.memory_space<vmem>>, vector<1x16xf32>,
      %swap3A_47 = vector.shape_cast %swap3A_46 : vector<1x16xf32> to vector<16xf32>
      %swap3A_48 = vector.shape_cast %broadcast_in_dim3A_1 : vector<16xf32> to vector<1x16xf32>
      tpu.vector_store %arg5[%swap3A, %swap3A_45], %swap3A_48 {strides = array<i32>} : memref<128x128xf32, #tpu.memory_space<vmem>>, vector<1x16xf32>,
      %swap3A_49 = arith.index_cast %scan3A_44 : i32 to index
      %swap3A_50 = arith.constant 16 : index
      %swap3A_51 = tpu.vector_load %arg5[%swap3A_49, %swap3A_50] {strides = array<i32>} : memref<128x128xf32, #tpu.memory_space<vmem>>, vector<1x16xf32>,
      %swap3A_52 = vector.shape_cast %swap3A_51 : vector<1x16xf32> to vector<16xf32>
      %swap3A_53 = vector.shape_cast %broadcast_in_dim3A_1 : vector<16xf32> to vector<1x16xf32>
      tpu.vector_store %arg5[%swap3A_49, %swap3A_50], %swap3A_53 {strides = array<i32>} : memref<128x128xf32, #tpu.memory_space<vmem>>, vector<1x16xf32>,
      %swap3A_54 = arith.index_cast %scan3A_44 : i32 to index
      %swap3A_55 = arith.constant 32 : index
      %swap3A_56 = tpu.vector_load %arg5[%swap3A_54, %swap3A_55] {strides = array<i32>} : memref<128x128xf32, #tpu.memory_space<vmem>>, vector<1x16xf32>,
      %swap3A_57 = vector.shape_cast %swap3A_56 : vector<1x16xf32> to vector<16xf32>
      %swap3A_58 = vector.shape_cast %broadcast_in_dim3A_1 : vector<16xf32> to vector<1x16xf32>
      tpu.vector_store %arg5[%swap3A_54, %swap3A_55], %swap3A_58 {strides = array<i32>} : memref<128x128xf32, #tpu.memory_space<vmem>>, vector<1x16xf32>,
      %swap3A_59 = arith.index_cast %scan3A_44 : i32 to index
      %swap3A_60 = arith.constant 48 : index
      %swap3A_61 = tpu.vector_load %arg5[%swap3A_59, %swap3A_60] {strides = array<i32>} : memref<128x128xf32, #tpu.memory_space<vmem>>, vector<1x16xf32>,
      %swap3A_62 = vector.shape_cast %swap3A_61 : vector<1x16xf32> to vector<16xf32>
      %swap3A_63 = vector.shape_cast %broadcast_in_dim3A_1 : vector<16xf32> to vector<1x16xf32>
      tpu.vector_store %arg5[%swap3A_59, %swap3A_60], %swap3A_63 {strides = array<i32>} : memref<128x128xf32, #tpu.memory_space<vmem>>, vector<1x16xf32>,
      %swap3A_64 = arith.index_cast %scan3A_44 : i32 to index
      %swap3A_65 = arith.constant 64 : index
      %swap3A_66 = tpu.vector_load %arg5[%swap3A_64, %swap3A_65] {strides = array<i32>} : memref<128x128xf32, #tpu.memory_space<vmem>>, vector<1x16xf32>,
      %swap3A_67 = vector.shape_cast %swap3A_66 : vector<1x16xf32> to vector<16xf32>
      %swap3A_68 = vector.shape_cast %broadcast_in_dim3A_1 : vector<16xf32> to vector<1x16xf32>
      tpu.vector_store %arg5[%swap3A_64, %swap3A_65], %swap3A_68 {strides = array<i32>} : memref<128x128xf32, #tpu.memory_space<vmem>>, vector<1x16xf32>,
      %swap3A_69 = arith.index_cast %scan3A_44 : i32 to index
      %swap3A_70 = arith.constant 80 : index
      %swap3A_71 = tpu.vector_load %arg5[%swap3A_69, %swap3A_70] {strides = array<i32>} : memref<128x128xf32, #tpu.memory_space<vmem>>, vector<1x16xf32>,
      %swap3A_72 = vector.shape_cast %swap3A_71 : vector<1x16xf32> to vector<16xf32>
      %swap3A_73 = vector.shape_cast %broadcast_in_dim3A_1 : vector<16xf32> to vector<1x16xf32>
      tpu.vector_store %arg5[%swap3A_69, %swap3A_70], %swap3A_73 {strides = array<i32>} : memref<128x128xf32, #tpu.memory_space<vmem>>, vector<1x16xf32>,
      %swap3A_74 = arith.index_cast %scan3A_44 : i32 to index
      %swap3A_75 = arith.constant 96 : index
      %swap3A_76 = tpu.vector_load %arg5[%swap3A_74, %swap3A_75] {strides = array<i32>} : memref<128x128xf32, #tpu.memory_space<vmem>>, vector<1x16xf32>,
      %swap3A_77 = vector.shape_cast %swap3A_76 : vector<1x16xf32> to vector<16xf32>
      %swap3A_78 = vector.shape_cast %broadcast_in_dim3A_1 : vector<16xf32> to vector<1x16xf32>
      tpu.vector_store %arg5[%swap3A_74, %swap3A_75], %swap3A_78 {strides = array<i32>} : memref<128x128xf32, #tpu.memory_space<vmem>>, vector<1x16xf32>,
      %swap3A_79 = arith.index_cast %scan3A_44 : i32 to index
      %swap3A_80 = arith.constant 112 : index
      %swap3A_81 = tpu.vector_load %arg5[%swap3A_79, %swap3A_80] {strides = array<i32>} : memref<128x128xf32, #tpu.memory_space<vmem>>, vector<1x16xf32>,
      %swap3A_82 = vector.shape_cast %swap3A_81 : vector<1x16xf32> to vector<16xf32>
      %swap3A_83 = vector.shape_cast %broadcast_in_dim3A_1 : vector<16xf32> to vector<1x16xf32>
      tpu.vector_store %arg5[%swap3A_79, %swap3A_80], %swap3A_83 {strides = array<i32>} : memref<128x128xf32, #tpu.memory_space<vmem>>, vector<1x16xf32>,
    }
    %scan3A_6 = arith.constant 128 : i32
    %mul3A_7 = arith.constant 632 : i32
    %mul3A_8 = arith.muli %arg1, %mul3A_7 : i32
    %add3A_9 = arith.constant 0 : i32
    %add3A_10 = arith.addi %mul3A_8, %add3A_9 : i32
    "tpu.region"() ({
      %run_scoped3A = tpu.sem_alloc : memref<!tpu.dma_semaphore, #tpu.memory_space<semaphore_mem>>
      %dma_start3A = arith.constant 0 : i32
      %dma_start3A_44 = tpu.memref_slice %arg6[%add3A_10, %dma_start3A] : memref<10112x128xf32, #tpu.memory_space<vmem_shared>> -> memref<128x128xf32, #tpu.memory_space<vmem_shared>>
      %dma_start3A_45 = arith.constant 0 : i32
      %dma_start3A_46 = tpu.memref_slice %arg6[%add3A_10, %dma_start3A_45] : memref<10112x128xf32, #tpu.memory_space<vmem_shared>> -> memref<128x128xf32, #tpu.memory_space<vmem_shared>>
      tpu.enqueue_dma source(%arg5 : memref<128x128xf32, #tpu.memory_space<vmem>>) target(%dma_start3A_46 : memref<128x128xf32, #tpu.memory_space<vmem_shared>>) target_semaphore(%run_scoped3A : memref<!tpu.dma_semaphore, #tpu.memory_space<semaphore_mem>>)
      %dma_wait3A = arith.constant 0 : i32
      %dma_wait3A_47 = tpu.memref_slice %arg6[%add3A_10, %dma_wait3A] : memref<10112x128xf32, #tpu.memory_space<vmem_shared>> -> memref<128x128xf32, #tpu.memory_space<vmem_shared>>
      %dma_wait3A_48 = arith.constant 0 : i32
      %dma_wait3A_49 = tpu.memref_slice %arg6[%add3A_10, %dma_wait3A_48] : memref<10112x128xf32, #tpu.memory_space<vmem_shared>> -> memref<128x128xf32, #tpu.memory_space<vmem_shared>>
      tpu.wait_dma2 semaphore(%run_scoped3A : memref<!tpu.dma_semaphore, #tpu.memory_space<semaphore_mem>>) src(%arg5 : memref<128x128xf32, #tpu.memory_space<vmem>>) dst(%dma_wait3A_49 : memref<128x128xf32, #tpu.memory_space<vmem_shared>>)
      tpu.yield
    }) : () -> ()
    %mul3A_11 = arith.constant 632 : i32
    %mul3A_12 = arith.muli %arg1, %mul3A_11 : i32
    %add3A_13 = arith.constant 128 : i32
    %add3A_14 = arith.addi %mul3A_12, %add3A_13 : i32
    "tpu.region"() ({
      %run_scoped3A = tpu.sem_alloc : memref<!tpu.dma_semaphore, #tpu.memory_space<semaphore_mem>>
      %dma_start3A = arith.constant 0 : i32
      %dma_start3A_44 = tpu.memref_slice %arg6[%add3A_14, %dma_start3A] : memref<10112x128xf32, #tpu.memory_space<vmem_shared>> -> memref<128x128xf32, #tpu.memory_space<vmem_shared>>
      %dma_start3A_45 = arith.constant 0 : i32
      %dma_start3A_46 = tpu.memref_slice %arg6[%add3A_14, %dma_start3A_45] : memref<10112x128xf32, #tpu.memory_space<vmem_shared>> -> memref<128x128xf32, #tpu.memory_space<vmem_shared>>
      tpu.enqueue_dma source(%arg5 : memref<128x128xf32, #tpu.memory_space<vmem>>) target(%dma_start3A_46 : memref<128x128xf32, #tpu.memory_space<vmem_shared>>) target_semaphore(%run_scoped3A : memref<!tpu.dma_semaphore, #tpu.memory_space<semaphore_mem>>)
      %dma_wait3A = arith.constant 0 : i32
      %dma_wait3A_47 = tpu.memref_slice %arg6[%add3A_14, %dma_wait3A] : memref<10112x128xf32, #tpu.memory_space<vmem_shared>> -> memref<128x128xf32, #tpu.memory_space<vmem_shared>>
      %dma_wait3A_48 = arith.constant 0 : i32
      %dma_wait3A_49 = tpu.memref_slice %arg6[%add3A_14, %dma_wait3A_48] : memref<10112x128xf32, #tpu.memory_space<vmem_shared>> -> memref<128x128xf32, #tpu.memory_space<vmem_shared>>
      tpu.wait_dma2 semaphore(%run_scoped3A : memref<!tpu.dma_semaphore, #tpu.memory_space<semaphore_mem>>) src(%arg5 : memref<128x128xf32, #tpu.memory_space<vmem>>) dst(%dma_wait3A_49 : memref<128x128xf32, #tpu.memory_space<vmem_shared>>)
      tpu.yield
    }) : () -> ()
    %mul3A_15 = arith.constant 632 : i32
    %mul3A_16 = arith.muli %arg1, %mul3A_15 : i32
    %add3A_17 = arith.constant 256 : i32
    %add3A_18 = arith.addi %mul3A_16, %add3A_17 : i32
    "tpu.region"() ({
      %run_scoped3A = tpu.sem_alloc : memref<!tpu.dma_semaphore, #tpu.memory_space<semaphore_mem>>
      %dma_start3A = arith.constant 0 : i32
      %dma_start3A_44 = tpu.memref_slice %arg6[%add3A_18, %dma_start3A] : memref<10112x128xf32, #tpu.memory_space<vmem_shared>> -> memref<128x128xf32, #tpu.memory_space<vmem_shared>>
      %dma_start3A_45 = arith.constant 0 : i32
      %dma_start3A_46 = tpu.memref_slice %arg6[%add3A_18, %dma_start3A_45] : memref<10112x128xf32, #tpu.memory_space<vmem_shared>> -> memref<128x128xf32, #tpu.memory_space<vmem_shared>>
      tpu.enqueue_dma source(%arg5 : memref<128x128xf32, #tpu.memory_space<vmem>>) target(%dma_start3A_46 : memref<128x128xf32, #tpu.memory_space<vmem_shared>>) target_semaphore(%run_scoped3A : memref<!tpu.dma_semaphore, #tpu.memory_space<semaphore_mem>>)
      %dma_wait3A = arith.constant 0 : i32
      %dma_wait3A_47 = tpu.memref_slice %arg6[%add3A_18, %dma_wait3A] : memref<10112x128xf32, #tpu.memory_space<vmem_shared>> -> memref<128x128xf32, #tpu.memory_space<vmem_shared>>
      %dma_wait3A_48 = arith.constant 0 : i32
      %dma_wait3A_49 = tpu.memref_slice %arg6[%add3A_18, %dma_wait3A_48] : memref<10112x128xf32, #tpu.memory_space<vmem_shared>> -> memref<128x128xf32, #tpu.memory_space<vmem_shared>>
      tpu.wait_dma2 semaphore(%run_scoped3A : memref<!tpu.dma_semaphore, #tpu.memory_space<semaphore_mem>>) src(%arg5 : memref<128x128xf32, #tpu.memory_space<vmem>>) dst(%dma_wait3A_49 : memref<128x128xf32, #tpu.memory_space<vmem_shared>>)
      tpu.yield
    }) : () -> ()
    %mul3A_19 = arith.constant 632 : i32
    %mul3A_20 = arith.muli %arg1, %mul3A_19 : i32
    %add3A_21 = arith.constant 384 : i32
    %add3A_22 = arith.addi %mul3A_20, %add3A_21 : i32
    "tpu.region"() ({
      %run_scoped3A = tpu.sem_alloc : memref<!tpu.dma_semaphore, #tpu.memory_space<semaphore_mem>>
      %dma_start3A = arith.constant 0 : i32
      %dma_start3A_44 = tpu.memref_slice %arg6[%add3A_22, %dma_start3A] : memref<10112x128xf32, #tpu.memory_space<vmem_shared>> -> memref<128x128xf32, #tpu.memory_space<vmem_shared>>
      %dma_start3A_45 = arith.constant 0 : i32
      %dma_start3A_46 = tpu.memref_slice %arg6[%add3A_22, %dma_start3A_45] : memref<10112x128xf32, #tpu.memory_space<vmem_shared>> -> memref<128x128xf32, #tpu.memory_space<vmem_shared>>
      tpu.enqueue_dma source(%arg5 : memref<128x128xf32, #tpu.memory_space<vmem>>) target(%dma_start3A_46 : memref<128x128xf32, #tpu.memory_space<vmem_shared>>) target_semaphore(%run_scoped3A : memref<!tpu.dma_semaphore, #tpu.memory_space<semaphore_mem>>)
      %dma_wait3A = arith.constant 0 : i32
      %dma_wait3A_47 = tpu.memref_slice %arg6[%add3A_22, %dma_wait3A] : memref<10112x128xf32, #tpu.memory_space<vmem_shared>> -> memref<128x128xf32, #tpu.memory_space<vmem_shared>>
      %dma_wait3A_48 = arith.constant 0 : i32
      %dma_wait3A_49 = tpu.memref_slice %arg6[%add3A_22, %dma_wait3A_48] : memref<10112x128xf32, #tpu.memory_space<vmem_shared>> -> memref<128x128xf32, #tpu.memory_space<vmem_shared>>
      tpu.wait_dma2 semaphore(%run_scoped3A : memref<!tpu.dma_semaphore, #tpu.memory_space<semaphore_mem>>) src(%arg5 : memref<128x128xf32, #tpu.memory_space<vmem>>) dst(%dma_wait3A_49 : memref<128x128xf32, #tpu.memory_space<vmem_shared>>)
      tpu.yield
    }) : () -> ()
    %mul3A_23 = arith.constant 632 : i32
    %mul3A_24 = arith.muli %arg1, %mul3A_23 : i32
    %add3A_25 = arith.constant 512 : i32
    %add3A_26 = arith.addi %mul3A_24, %add3A_25 : i32
    "tpu.region"() ({
      %run_scoped3A = tpu.sem_alloc : memref<!tpu.dma_semaphore, #tpu.memory_space<semaphore_mem>>
      %dma_start3A = arith.constant 0 : i32
      %dma_start3A_44 = arith.constant 0 : i32
      %dma_start3A_45 = tpu.memref_slice %arg5[%dma_start3A, %dma_start3A_44] : memref<128x128xf32, #tpu.memory_space<vmem>> -> memref<120x128xf32, #tpu.memory_space<vmem>>
      %dma_start3A_46 = arith.constant 0 : i32
      %dma_start3A_47 = tpu.memref_slice %arg6[%add3A_26, %dma_start3A_46] : memref<10112x128xf32, #tpu.memory_space<vmem_shared>> -> memref<120x128xf32, #tpu.memory_space<vmem_shared>>
      %dma_start3A_48 = arith.constant 0 : i32
      %dma_start3A_49 = tpu.memref_slice %arg6[%add3A_26, %dma_start3A_48] : memref<10112x128xf32, #tpu.memory_space<vmem_shared>> -> memref<120x128xf32, #tpu.memory_space<vmem_shared>>
      %dma_start3A_50 = arith.constant 0 : i32
      %dma_start3A_51 = arith.constant 0 : i32
      %dma_start3A_52 = tpu.memref_slice %arg5[%dma_start3A_50, %dma_start3A_51] : memref<128x128xf32, #tpu.memory_space<vmem>> -> memref<120x128xf32, #tpu.memory_space<vmem>>
      tpu.enqueue_dma source(%dma_start3A_52 : memref<120x128xf32, #tpu.memory_space<vmem>>) target(%dma_start3A_49 : memref<120x128xf32, #tpu.memory_space<vmem_shared>>) target_semaphore(%run_scoped3A : memref<!tpu.dma_semaphore, #tpu.memory_space<semaphore_mem>>)
      %dma_wait3A = arith.constant 0 : i32
      %dma_wait3A_53 = arith.constant 0 : i32
      %dma_wait3A_54 = tpu.memref_slice %arg5[%dma_wait3A, %dma_wait3A_53] : memref<128x128xf32, #tpu.memory_space<vmem>> -> memref<120x128xf32, #tpu.memory_space<vmem>>
      %dma_wait3A_55 = arith.constant 0 : i32
      %dma_wait3A_56 = tpu.memref_slice %arg6[%add3A_26, %dma_wait3A_55] : memref<10112x128xf32, #tpu.memory_space<vmem_shared>> -> memref<120x128xf32, #tpu.memory_space<vmem_shared>>
      %dma_wait3A_57 = arith.constant 0 : i32
      %dma_wait3A_58 = tpu.memref_slice %arg6[%add3A_26, %dma_wait3A_57] : memref<10112x128xf32, #tpu.memory_space<vmem_shared>> -> memref<120x128xf32, #tpu.memory_space<vmem_shared>>
      %dma_wait3A_59 = arith.constant 0 : i32
      %dma_wait3A_60 = arith.constant 0 : i32
      %dma_wait3A_61 = tpu.memref_slice %arg5[%dma_wait3A_59, %dma_wait3A_60] : memref<128x128xf32, #tpu.memory_space<vmem>> -> memref<120x128xf32, #tpu.memory_space<vmem>>
      tpu.wait_dma2 semaphore(%run_scoped3A : memref<!tpu.dma_semaphore, #tpu.memory_space<semaphore_mem>>) src(%dma_wait3A_61 : memref<120x128xf32, #tpu.memory_space<vmem>>) dst(%dma_wait3A_58 : memref<120x128xf32, #tpu.memory_space<vmem_shared>>)
      tpu.yield
    }) : () -> ()
    %broadcast_in_dim3A_27 = arith.constant 1.000000e+00 : f32
    %broadcast_in_dim3A_28 = vector.broadcast %broadcast_in_dim3A_27 : f32 to vector<16xf32>
    %scan3A_29 = arith.constant 0 : i32
    %scan3A_30 = arith.constant 0 : i32
    %scan3A_31 = arith.constant 128 : i32
    %scan3A_32 = arith.addi %scan3A_30, %scan3A_31 : i32
    %scan3A_33 = arith.constant 1 : i32
    scf.for %scan3A_44 = %scan3A_30 to %scan3A_32 step %scan3A_33  : i32 {
      %swap3A = arith.index_cast %scan3A_44 : i32 to index
      %swap3A_45 = arith.constant 0 : index
      %swap3A_46 = tpu.vector_load %arg5[%swap3A, %swap3A_45] {strides = array<i32>} : memref<128x128xf32, #tpu.memory_space<vmem>>, vector<1x16xf32>,
      %swap3A_47 = vector.shape_cast %swap3A_46 : vector<1x16xf32> to vector<16xf32>
      %swap3A_48 = vector.shape_cast %broadcast_in_dim3A_28 : vector<16xf32> to vector<1x16xf32>
      tpu.vector_store %arg5[%swap3A, %swap3A_45], %swap3A_48 {strides = array<i32>} : memref<128x128xf32, #tpu.memory_space<vmem>>, vector<1x16xf32>,
    }
    %scan3A_34 = arith.constant 128 : i32
    %barrier3A = arith.constant 0 : index
    tpu.barrier barrier_id(%barrier3A)
    %scan3A_35 = arith.constant 0 : i32
    %scan3A_36 = arith.constant 0 : i32
    %scan3A_37 = arith.constant 10 : i32
    %scan3A_38 = arith.addi %scan3A_36, %scan3A_37 : i32
    %scan3A_39 = arith.constant 1 : i32
    scf.for %scan3A_44 = %scan3A_36 to %scan3A_38 step %scan3A_39  : i32 {
      "tpu.region"() ({
        %run_scoped3A = tpu.sem_alloc : memref<!tpu.dma_semaphore, #tpu.memory_space<semaphore_mem>>
        %dma_start3A = arith.constant 0 : i32
        %dma_start3A_51 = arith.constant 0 : i32
        %dma_start3A_52 = tpu.memref_slice %arg2[%add3A, %scan3A_44, %dma_start3A, %dma_start3A_51] : memref<32x10x8x128xi32, #tpu.memory_space<hbm>> -> memref<1x1x8x128xi32, #tpu.memory_space<hbm>>
        %dma_start3A_53 = tpu.memref_squeeze %dma_start3A_52 : memref<1x1x8x128xi32, #tpu.memory_space<hbm>> -> memref<8x128xi32, #tpu.memory_space<hbm>>
        %dma_start3A_54 = arith.constant 0 : i32
        %dma_start3A_55 = arith.constant 0 : i32
        %dma_start3A_56 = tpu.memref_slice %arg2[%add3A, %scan3A_44, %dma_start3A_54, %dma_start3A_55] : memref<32x10x8x128xi32, #tpu.memory_space<hbm>> -> memref<1x1x8x128xi32, #tpu.memory_space<hbm>>
        %dma_start3A_57 = tpu.memref_squeeze %dma_start3A_56 : memref<1x1x8x128xi32, #tpu.memory_space<hbm>> -> memref<8x128xi32, #tpu.memory_space<hbm>>
        tpu.enqueue_dma source(%dma_start3A_57 : memref<8x128xi32, #tpu.memory_space<hbm>>) target(%arg4 : memref<8x128xi32, #tpu.memory_space<vmem>>) target_semaphore(%run_scoped3A : memref<!tpu.dma_semaphore, #tpu.memory_space<semaphore_mem>>)
        %dma_wait3A = arith.constant 0 : i32
        %dma_wait3A_58 = arith.constant 0 : i32
        %dma_wait3A_59 = tpu.memref_slice %arg2[%add3A, %scan3A_44, %dma_wait3A, %dma_wait3A_58] : memref<32x10x8x128xi32, #tpu.memory_space<hbm>> -> memref<1x1x8x128xi32, #tpu.memory_space<hbm>>
        %dma_wait3A_60 = tpu.memref_squeeze %dma_wait3A_59 : memref<1x1x8x128xi32, #tpu.memory_space<hbm>> -> memref<8x128xi32, #tpu.memory_space<hbm>>
        %dma_wait3A_61 = arith.constant 0 : i32
        %dma_wait3A_62 = arith.constant 0 : i32
        %dma_wait3A_63 = tpu.memref_slice %arg2[%add3A, %scan3A_44, %dma_wait3A_61, %dma_wait3A_62] : memref<32x10x8x128xi32, #tpu.memory_space<hbm>> -> memref<1x1x8x128xi32, #tpu.memory_space<hbm>>
        %dma_wait3A_64 = tpu.memref_squeeze %dma_wait3A_63 : memref<1x1x8x128xi32, #tpu.memory_space<hbm>> -> memref<8x128xi32, #tpu.memory_space<hbm>>
        tpu.wait_dma2 semaphore(%run_scoped3A : memref<!tpu.dma_semaphore, #tpu.memory_space<semaphore_mem>>) src(%dma_wait3A_64 : memref<8x128xi32, #tpu.memory_space<hbm>>) dst(%arg4 : memref<8x128xi32, #tpu.memory_space<vmem>>)
        tpu.yield
      }) : () -> ()
      %scan3A_45 = arith.constant 0 : i32
      %scan3A_46 = arith.constant 0 : i32
      %scan3A_47 = arith.constant 8 : i32
      %scan3A_48 = arith.addi %scan3A_46, %scan3A_47 : i32
      %scan3A_49 = arith.constant 1 : i32
      scf.for %scan3A_51 = %scan3A_46 to %scan3A_48 step %scan3A_49  : i32 {
        "tpu.region"() ({
          %run_scoped3A = tpu.sem_alloc : memref<!tpu.dma_semaphore, #tpu.memory_space<semaphore_mem>>
          %dma_start3A = arith.constant 0 : i32
          %dma_start3A_52 = tpu.memref_slice %arg4[%scan3A_51, %dma_start3A] : memref<8x128xi32, #tpu.memory_space<vmem>> -> memref<1x128xi32, #tpu.memory_space<vmem>>
          %dma_start3A_53 = tpu.memref_squeeze %dma_start3A_52 : memref<1x128xi32, #tpu.memory_space<vmem>> -> memref<128xi32, #tpu.memory_space<vmem>>
          %dma_start3A_54 = arith.constant 0 : i32
          %dma_start3A_55 = arith.constant 0 : i32
          %dma_start3A_56 = tpu.memref_slice %arg6[%dma_start3A_54, %dma_start3A_55] : memref<10112x128xf32, #tpu.memory_space<vmem_shared>> -> memref<10112x128xf32, #tpu.memory_space<vmem_shared>>
          tpu.enqueue_indirect_dma source(%arg5 : memref<128x128xf32, #tpu.memory_space<vmem>>) target(%dma_start3A_56 : memref<10112x128xf32, #tpu.memory_space<vmem_shared>>) offsets(%dma_start3A_53 : memref<128xi32, #tpu.memory_space<vmem>>) semaphore(%run_scoped3A : memref<!tpu.dma_semaphore, #tpu.memory_space<semaphore_mem>>) {add = true}
          %dma_wait3A = arith.constant 0 : i32
          %dma_wait3A_57 = tpu.memref_slice %arg4[%scan3A_51, %dma_wait3A] : memref<8x128xi32, #tpu.memory_space<vmem>> -> memref<1x128xi32, #tpu.memory_space<vmem>>
          %dma_wait3A_58 = tpu.memref_squeeze %dma_wait3A_57 : memref<1x128xi32, #tpu.memory_space<vmem>> -> memref<128xi32, #tpu.memory_space<vmem>>
          %dma_wait3A_59 = arith.constant 0 : i32
          %dma_wait3A_60 = arith.constant 0 : i32
          %dma_wait3A_61 = tpu.memref_slice %arg6[%dma_wait3A_59, %dma_wait3A_60] : memref<10112x128xf32, #tpu.memory_space<vmem_shared>> -> memref<10112x128xf32, #tpu.memory_space<vmem_shared>>
          tpu.wait_indirect_dma semaphore(%run_scoped3A : memref<!tpu.dma_semaphore, #tpu.memory_space<semaphore_mem>>) src(%arg5 : memref<128x128xf32, #tpu.memory_space<vmem>>) dst(%dma_wait3A_61 : memref<10112x128xf32, #tpu.memory_space<vmem_shared>>)
          tpu.yield
        }) : () -> ()
      }
      %scan3A_50 = arith.constant 8 : i32
    }
    %scan3A_40 = arith.constant 10 : i32
    %barrier3A_41 = arith.constant 0 : index
    tpu.barrier barrier_id(%barrier3A_41)
    %mul3A_42 = arith.constant 632 : i32
    %mul3A_43 = arith.muli %arg1, %mul3A_42 : i32
    "tpu.region"() ({
      %run_scoped3A = tpu.sem_alloc : memref<!tpu.dma_semaphore, #tpu.memory_space<semaphore_mem>>
      %dma_start3A = arith.constant 0 : i32
      %dma_start3A_44 = tpu.memref_slice %arg3[%arg0, %mul3A_43, %dma_start3A] : memref<2x10112x128xf32, #tpu.memory_space<hbm>> -> memref<1x632x128xf32, #tpu.memory_space<hbm>>
      %dma_start3A_45 = tpu.memref_squeeze %dma_start3A_44 : memref<1x632x128xf32, #tpu.memory_space<hbm>> -> memref<632x128xf32, #tpu.memory_space<hbm>>
      %dma_start3A_46 = arith.constant 0 : i32
      %dma_start3A_47 = tpu.memref_slice %arg6[%mul3A_43, %dma_start3A_46] : memref<10112x128xf32, #tpu.memory_space<vmem_shared>> -> memref<632x128xf32, #tpu.memory_space<vmem_shared>>
      tpu.enqueue_dma source(%dma_start3A_47 : memref<632x128xf32, #tpu.memory_space<vmem_shared>>) target(%dma_start3A_45 : memref<632x128xf32, #tpu.memory_space<hbm>>) target_semaphore(%run_scoped3A : memref<!tpu.dma_semaphore, #tpu.memory_space<semaphore_mem>>)
      %dma_wait3A = arith.constant 0 : i32
      %dma_wait3A_48 = tpu.memref_slice %arg3[%arg0, %mul3A_43, %dma_wait3A] : memref<2x10112x128xf32, #tpu.memory_space<hbm>> -> memref<1x632x128xf32, #tpu.memory_space<hbm>>
      %dma_wait3A_49 = tpu.memref_squeeze %dma_wait3A_48 : memref<1x632x128xf32, #tpu.memory_space<hbm>> -> memref<632x128xf32, #tpu.memory_space<hbm>>
      %dma_wait3A_50 = arith.constant 0 : i32
      %dma_wait3A_51 = tpu.memref_slice %arg6[%mul3A_43, %dma_wait3A_50] : memref<10112x128xf32, #tpu.memory_space<vmem_shared>> -> memref<632x128xf32, #tpu.memory_space<vmem_shared>>
      tpu.wait_dma2 semaphore(%run_scoped3A : memref<!tpu.dma_semaphore, #tpu.memory_space<semaphore_mem>>) src(%dma_wait3A_51 : memref<632x128xf32, #tpu.memory_space<vmem_shared>>) dst(%dma_wait3A_49 : memref<632x128xf32, #tpu.memory_space<hbm>>)
      tpu.yield
    }) : () -> ()
    return
  }
}

module attributes {stable_mosaic.version = 14 : i64} {
  func.func @_pre_edge_body(%arg0: i32, %arg1: memref<4096x16xf32, #tpu.memory_space<vmem>>, %arg2: memref<16x128xf32, #tpu.memory_space<vmem>>, %arg3: memref<4096x128xf32, #tpu.memory_space<vmem>>) attributes {dimension_semantics = [#tpu.dimension_semantics<arbitrary>], iteration_bounds = array<i64: 80>, scalar_prefetch = 0 : i64, scratch_operands = 0 : i64, tpu.core_type = #tpu.core_type<tc>, window_params = [{transform_indices = @transform_0, window_bounds = array<i64: 4096, 16>}, {pipeline_mode = #tpu.pipeline_mode<synchronous>, transform_indices = @transform_1, window_bounds = array<i64: 16, 128>}, {transform_indices = @transform_2, window_bounds = array<i64: 4096, 128>}]} {
    %get3A = arith.constant 0 : index
    %get3A_0 = arith.constant 0 : index
    %get3A_1 = vector.load %arg1[%get3A, %get3A_0] : memref<4096x16xf32, #tpu.memory_space<vmem>>, vector<4096x16xf32>
    %get3A_2 = arith.constant 0 : index
    %get3A_3 = arith.constant 0 : index
    %get3A_4 = vector.load %arg2[%get3A_2, %get3A_3] : memref<16x128xf32, #tpu.memory_space<vmem>>, vector<16x128xf32>
    %dot_general3A = arith.constant dense<0.000000e+00> : vector<4096x128xf32>
    %dot_general3A_5 = tpu.matmul %get3A_1, %get3A_4, %dot_general3A {dimension_numbers = #tpu.dot_dimension_numbers<[1], [0], [0], [1], [0, 0, 1, 1], [], []>, transpose_lhs_hint = false} : vector<4096x16xf32>, vector<16x128xf32>, vector<4096x128xf32> -> vector<4096x128xf32>
    %swap3A = arith.constant 0 : index
    %swap3A_6 = arith.constant 0 : index
    %swap3A_7 = vector.load %arg3[%swap3A, %swap3A_6] : memref<4096x128xf32, #tpu.memory_space<vmem>>, vector<4096x128xf32>
    tpu.vector_store %arg3[%swap3A, %swap3A_6], %dot_general3A_5 {strides = array<i32>} : memref<4096x128xf32, #tpu.memory_space<vmem>>, vector<4096x128xf32>,
    return
  }
  func.func @transform_0(%arg0: i32) -> (i32, i32) {
    %c0_i32 = arith.constant 0 : i32
    %c0_i32_0 = arith.constant 0 : i32
    return %arg0, %c0_i32 : i32, i32
  }
  func.func @transform_1(%arg0: i32) -> (i32, i32) {
    %c0_i32 = arith.constant 0 : i32
    %c0_i32_0 = arith.constant 0 : i32
    %c0_i32_1 = arith.constant 0 : i32
    return %c0_i32, %c0_i32_0 : i32, i32
  }
  func.func @transform_2(%arg0: i32) -> (i32, i32) {
    %c0_i32 = arith.constant 0 : i32
    %c0_i32_0 = arith.constant 0 : i32
    return %arg0, %c0_i32 : i32, i32
  }
}

module attributes {stable_mosaic.version = 14 : i64} {
  func.func @_pre_node_body(%arg0: i32, %arg1: memref<1264x128xf32, #tpu.memory_space<vmem>>, %arg2: memref<1264x128xf32, #tpu.memory_space<vmem>>, %arg3: memref<128x128xf32, #tpu.memory_space<vmem>>, %arg4: memref<128x128xf32, #tpu.memory_space<vmem>>, %arg5: memref<1x128xf32, #tpu.memory_space<vmem>>, %arg6: memref<1264x128xf32, #tpu.memory_space<vmem>>, %arg7: memref<1264x128xf32, #tpu.memory_space<vmem>>) attributes {dimension_semantics = [#tpu.dimension_semantics<arbitrary>], iteration_bounds = array<i64: 8>, scalar_prefetch = 0 : i64, scratch_operands = 0 : i64, tpu.core_type = #tpu.core_type<tc>, window_params = [{transform_indices = @transform_0, window_bounds = array<i64: 1264, 128>}, {transform_indices = @transform_1, window_bounds = array<i64: 1264, 128>}, {pipeline_mode = #tpu.pipeline_mode<synchronous>, transform_indices = @transform_2, window_bounds = array<i64: 128, 128>}, {pipeline_mode = #tpu.pipeline_mode<synchronous>, transform_indices = @transform_3, window_bounds = array<i64: 128, 128>}, {pipeline_mode = #tpu.pipeline_mode<synchronous>, transform_indices = @transform_4, window_bounds = array<i64: 1, 128>}, {transform_indices = @transform_5, window_bounds = array<i64: 1264, 128>}, {transform_indices = @transform_6, window_bounds = array<i64: 1264, 128>}]} {
    %get3A = arith.constant 0 : index
    %get3A_0 = arith.constant 0 : index
    %get3A_1 = vector.load %arg1[%get3A, %get3A_0] : memref<1264x128xf32, #tpu.memory_space<vmem>>, vector<1264x128xf32>
    %get3A_2 = arith.constant 0 : index
    %get3A_3 = arith.constant 0 : index
    %get3A_4 = vector.load %arg3[%get3A_2, %get3A_3] : memref<128x128xf32, #tpu.memory_space<vmem>>, vector<128x128xf32>
    %dot_general3A = arith.constant dense<0.000000e+00> : vector<1264x128xf32>
    %dot_general3A_5 = tpu.matmul %get3A_1, %get3A_4, %dot_general3A {dimension_numbers = #tpu.dot_dimension_numbers<[1], [0], [0], [1], [0, 0, 1, 1], [], []>, transpose_lhs_hint = false} : vector<1264x128xf32>, vector<128x128xf32>, vector<1264x128xf32> -> vector<1264x128xf32>
    %swap3A = arith.constant 0 : index
    %swap3A_6 = arith.constant 0 : index
    %swap3A_7 = vector.load %arg6[%swap3A, %swap3A_6] : memref<1264x128xf32, #tpu.memory_space<vmem>>, vector<1264x128xf32>
    tpu.vector_store %arg6[%swap3A, %swap3A_6], %dot_general3A_5 {strides = array<i32>} : memref<1264x128xf32, #tpu.memory_space<vmem>>, vector<1264x128xf32>,
    %get3A_8 = arith.constant 0 : index
    %get3A_9 = arith.constant 0 : index
    %get3A_10 = vector.load %arg2[%get3A_8, %get3A_9] : memref<1264x128xf32, #tpu.memory_space<vmem>>, vector<1264x128xf32>
    %get3A_11 = arith.constant 0 : index
    %get3A_12 = arith.constant 0 : index
    %get3A_13 = vector.load %arg4[%get3A_11, %get3A_12] : memref<128x128xf32, #tpu.memory_space<vmem>>, vector<128x128xf32>
    %dot_general3A_14 = arith.constant dense<0.000000e+00> : vector<1264x128xf32>
    %dot_general3A_15 = tpu.matmul %get3A_10, %get3A_13, %dot_general3A_14 {dimension_numbers = #tpu.dot_dimension_numbers<[1], [0], [0], [1], [0, 0, 1, 1], [], []>, transpose_lhs_hint = false} : vector<1264x128xf32>, vector<128x128xf32>, vector<1264x128xf32> -> vector<1264x128xf32>
    %get3A_16 = arith.constant 0 : index
    %get3A_17 = arith.constant 0 : index
    %get3A_18 = vector.load %arg5[%get3A_16, %get3A_17] : memref<1x128xf32, #tpu.memory_space<vmem>>, vector<1x128xf32>
    %add3A = vector.broadcast %get3A_18 : vector<1x128xf32> to vector<1264x128xf32>
    %add3A_19 = arith.addf %dot_general3A_15, %add3A : vector<1264x128xf32>
    %swap3A_20 = arith.constant 0 : index
    %swap3A_21 = arith.constant 0 : index
    %swap3A_22 = vector.load %arg7[%swap3A_20, %swap3A_21] : memref<1264x128xf32, #tpu.memory_space<vmem>>, vector<1264x128xf32>
    tpu.vector_store %arg7[%swap3A_20, %swap3A_21], %add3A_19 {strides = array<i32>} : memref<1264x128xf32, #tpu.memory_space<vmem>>, vector<1264x128xf32>,
    return
  }
  func.func @transform_0(%arg0: i32) -> (i32, i32) {
    %c0_i32 = arith.constant 0 : i32
    %c0_i32_0 = arith.constant 0 : i32
    return %arg0, %c0_i32 : i32, i32
  }
  func.func @transform_1(%arg0: i32) -> (i32, i32) {
    %c0_i32 = arith.constant 0 : i32
    %c0_i32_0 = arith.constant 0 : i32
    return %arg0, %c0_i32 : i32, i32
  }
  func.func @transform_2(%arg0: i32) -> (i32, i32) {
    %c0_i32 = arith.constant 0 : i32
    %c0_i32_0 = arith.constant 0 : i32
    %c0_i32_1 = arith.constant 0 : i32
    return %c0_i32, %c0_i32_0 : i32, i32
  }
  func.func @transform_3(%arg0: i32) -> (i32, i32) {
    %c0_i32 = arith.constant 0 : i32
    %c0_i32_0 = arith.constant 0 : i32
    %c0_i32_1 = arith.constant 0 : i32
    return %c0_i32, %c0_i32_0 : i32, i32
  }
  func.func @transform_4(%arg0: i32) -> (i32, i32) {
    %c0_i32 = arith.constant 0 : i32
    %c0_i32_0 = arith.constant 0 : i32
    %c0_i32_1 = arith.constant 0 : i32
    return %c0_i32, %c0_i32_0 : i32, i32
  }
  func.func @transform_5(%arg0: i32) -> (i32, i32) {
    %c0_i32 = arith.constant 0 : i32
    %c0_i32_0 = arith.constant 0 : i32
    return %arg0, %c0_i32 : i32, i32
  }
  func.func @transform_6(%arg0: i32) -> (i32, i32) {
    %c0_i32 = arith.constant 0 : i32
    %c0_i32_0 = arith.constant 0 : i32
    return %arg0, %c0_i32 : i32, i32
  }
}

module attributes {stable_mosaic.version = 14 : i64} {
  func.func @_post_body(%arg0: i32, %arg1: memref<2x1000x128xf32, #tpu.memory_space<vmem>>, %arg2: memref<2x1000x128xf32, #tpu.memory_space<vmem>>, %arg3: memref<1000x128xf32, #tpu.memory_space<vmem>>, %arg4: memref<128x128xf32, #tpu.memory_space<vmem>>, %arg5: memref<1x128xf32, #tpu.memory_space<vmem>>, %arg6: memref<128x128xf32, #tpu.memory_space<vmem>>, %arg7: memref<128x128xf32, #tpu.memory_space<vmem>>, %arg8: memref<1x128xf32, #tpu.memory_space<vmem>>, %arg9: memref<128x128xf32, #tpu.memory_space<vmem>>, %arg10: memref<1x128xf32, #tpu.memory_space<vmem>>, %arg11: memref<1x128xf32, #tpu.memory_space<vmem>>, %arg12: memref<1x128xf32, #tpu.memory_space<vmem>>, %arg13: memref<1000x128xf32, #tpu.memory_space<vmem>>) attributes {dimension_semantics = [#tpu.dimension_semantics<arbitrary>], iteration_bounds = array<i64: 10>, scalar_prefetch = 0 : i64, scratch_operands = 0 : i64, tpu.core_type = #tpu.core_type<tc>, window_params = [{transform_indices = @transform_0, window_bounds = array<i64: 2, 1000, 128>}, {transform_indices = @transform_1, window_bounds = array<i64: 2, 1000, 128>}, {transform_indices = @transform_2, window_bounds = array<i64: 1000, 128>}, {pipeline_mode = #tpu.pipeline_mode<synchronous>, transform_indices = @transform_3, window_bounds = array<i64: 128, 128>}, {pipeline_mode = #tpu.pipeline_mode<synchronous>, transform_indices = @transform_4, window_bounds = array<i64: 1, 128>}, {pipeline_mode = #tpu.pipeline_mode<synchronous>, transform_indices = @transform_5, window_bounds = array<i64: 128, 128>}, {pipeline_mode = #tpu.pipeline_mode<synchronous>, transform_indices = @transform_6, window_bounds = array<i64: 128, 128>}, {pipeline_mode = #tpu.pipeline_mode<synchronous>, transform_indices = @transform_7, window_bounds = array<i64: 1, 128>}, {pipeline_mode = #tpu.pipeline_mode<synchronous>, transform_indices = @transform_8, window_bounds = array<i64: 128, 128>}, {pipeline_mode = #tpu.pipeline_mode<synchronous>, transform_indices = @transform_9, window_bounds = array<i64: 1, 128>}, {pipeline_mode = #tpu.pipeline_mode<synchronous>, transform_indices = @transform_10, window_bounds = array<i64: 1, 128>}, {pipeline_mode = #tpu.pipeline_mode<synchronous>, transform_indices = @transform_11, window_bounds = array<i64: 1, 128>}, {transform_indices = @transform_12, window_bounds = array<i64: 1000, 128>}]} {
    %get3A = arith.constant 0 : index
    %get3A_0 = arith.constant 0 : index
    %get3A_1 = arith.constant 0 : index
    %get3A_2 = vector.load %arg1[%get3A, %get3A_0, %get3A_1] : memref<2x1000x128xf32, #tpu.memory_space<vmem>>, vector<1x1000x128xf32>
    %get3A_3 = vector.shape_cast %get3A_2 : vector<1x1000x128xf32> to vector<1000x128xf32>
    %get3A_4 = arith.constant 1 : index
    %get3A_5 = arith.constant 0 : index
    %get3A_6 = arith.constant 0 : index
    %get3A_7 = vector.load %arg1[%get3A_4, %get3A_5, %get3A_6] : memref<2x1000x128xf32, #tpu.memory_space<vmem>>, vector<1x1000x128xf32>
    %get3A_8 = vector.shape_cast %get3A_7 : vector<1x1000x128xf32> to vector<1000x128xf32>
    %add3A = arith.addf %get3A_3, %get3A_8 : vector<1000x128xf32>
    %get3A_9 = arith.constant 0 : index
    %get3A_10 = arith.constant 0 : index
    %get3A_11 = arith.constant 0 : index
    %get3A_12 = vector.load %arg2[%get3A_9, %get3A_10, %get3A_11] : memref<2x1000x128xf32, #tpu.memory_space<vmem>>, vector<1x1000x128xf32>
    %get3A_13 = vector.shape_cast %get3A_12 : vector<1x1000x128xf32> to vector<1000x128xf32>
    %get3A_14 = arith.constant 1 : index
    %get3A_15 = arith.constant 0 : index
    %get3A_16 = arith.constant 0 : index
    %get3A_17 = vector.load %arg2[%get3A_14, %get3A_15, %get3A_16] : memref<2x1000x128xf32, #tpu.memory_space<vmem>>, vector<1x1000x128xf32>
    %get3A_18 = vector.shape_cast %get3A_17 : vector<1x1000x128xf32> to vector<1000x128xf32>
    %add3A_19 = arith.addf %get3A_13, %get3A_18 : vector<1000x128xf32>
    %slice3A = vector.extract_strided_slice %add3A_19 {offsets = [0, 0], sizes = [1000, 1], strides = [1, 1]} : vector<1000x128xf32> to vector<1000x1xf32>
    %get3A_20 = arith.constant 0 : index
    %get3A_21 = arith.constant 0 : index
    %get3A_22 = vector.load %arg4[%get3A_20, %get3A_21] : memref<128x128xf32, #tpu.memory_space<vmem>>, vector<128x128xf32>
    %dot_general3A = arith.constant dense<0.000000e+00> : vector<1000x128xf32>
    %dot_general3A_23 = tpu.matmul %add3A, %get3A_22, %dot_general3A {dimension_numbers = #tpu.dot_dimension_numbers<[1], [0], [0], [1], [0, 0, 1, 1], [], []>, transpose_lhs_hint = false} : vector<1000x128xf32>, vector<128x128xf32>, vector<1000x128xf32> -> vector<1000x128xf32>
    %get3A_24 = arith.constant 0 : index
    %get3A_25 = arith.constant 0 : index
    %get3A_26 = vector.load %arg5[%get3A_24, %get3A_25] : memref<1x128xf32, #tpu.memory_space<vmem>>, vector<1x128xf32>
    %mul3A = vector.broadcast %slice3A : vector<1000x1xf32> to vector<1000x128xf32>
    %mul3A_27 = vector.broadcast %get3A_26 : vector<1x128xf32> to vector<1000x128xf32>
    %mul3A_28 = arith.mulf %mul3A, %mul3A_27 : vector<1000x128xf32>
    %add3A_29 = arith.addf %dot_general3A_23, %mul3A_28 : vector<1000x128xf32>
    %max3A = arith.constant 1.000000e+00 : f32
    %max3A_30 = vector.broadcast %max3A : f32 to vector<1000x1xf32>
    %max3A_31 = arith.maximumf %slice3A, %max3A_30 : vector<1000x1xf32>
    %div3A = vector.broadcast %max3A_31 : vector<1000x1xf32> to vector<1000x128xf32>
    %div3A_32 = arith.divf %add3A_29, %div3A : vector<1000x128xf32>
    %get3A_33 = arith.constant 0 : index
    %get3A_34 = arith.constant 0 : index
    %get3A_35 = vector.load %arg3[%get3A_33, %get3A_34] : memref<1000x128xf32, #tpu.memory_space<vmem>>, vector<1000x128xf32>
    %get3A_36 = arith.constant 0 : index
    %get3A_37 = arith.constant 0 : index
    %get3A_38 = vector.load %arg6[%get3A_36, %get3A_37] : memref<128x128xf32, #tpu.memory_space<vmem>>, vector<128x128xf32>
    %dot_general3A_39 = arith.constant dense<0.000000e+00> : vector<1000x128xf32>
    %dot_general3A_40 = tpu.matmul %get3A_35, %get3A_38, %dot_general3A_39 {dimension_numbers = #tpu.dot_dimension_numbers<[1], [0], [0], [1], [0, 0, 1, 1], [], []>, transpose_lhs_hint = false} : vector<1000x128xf32>, vector<128x128xf32>, vector<1000x128xf32> -> vector<1000x128xf32>
    %get3A_41 = arith.constant 0 : index
    %get3A_42 = arith.constant 0 : index
    %get3A_43 = vector.load %arg7[%get3A_41, %get3A_42] : memref<128x128xf32, #tpu.memory_space<vmem>>, vector<128x128xf32>
    %dot_general3A_44 = arith.constant dense<0.000000e+00> : vector<1000x128xf32>
    %dot_general3A_45 = tpu.matmul %div3A_32, %get3A_43, %dot_general3A_44 {dimension_numbers = #tpu.dot_dimension_numbers<[1], [0], [0], [1], [0, 0, 1, 1], [], []>, transpose_lhs_hint = false} : vector<1000x128xf32>, vector<128x128xf32>, vector<1000x128xf32> -> vector<1000x128xf32>
    %add3A_46 = arith.addf %dot_general3A_40, %dot_general3A_45 : vector<1000x128xf32>
    %get3A_47 = arith.constant 0 : index
    %get3A_48 = arith.constant 0 : index
    %get3A_49 = vector.load %arg8[%get3A_47, %get3A_48] : memref<1x128xf32, #tpu.memory_space<vmem>>, vector<1x128xf32>
    %add3A_50 = vector.broadcast %get3A_49 : vector<1x128xf32> to vector<1000x128xf32>
    %add3A_51 = arith.addf %add3A_46, %add3A_50 : vector<1000x128xf32>
    %neg3A = arith.constant 0.000000e+00 : f32
    %neg3A_52 = vector.broadcast %neg3A : f32 to vector<1000x128xf32>
    %neg3A_53 = arith.subf %neg3A_52, %add3A_51 : vector<1000x128xf32>
    %exp3A = math.exp %neg3A_53 : vector<1000x128xf32>
    %add3A_54 = arith.constant 1.000000e+00 : f32
    %add3A_55 = vector.broadcast %add3A_54 : f32 to vector<1000x128xf32>
    %add3A_56 = arith.addf %add3A_55, %exp3A : vector<1000x128xf32>
    %div3A_57 = arith.divf %add3A_51, %add3A_56 : vector<1000x128xf32>
    %get3A_58 = arith.constant 0 : index
    %get3A_59 = arith.constant 0 : index
    %get3A_60 = vector.load %arg9[%get3A_58, %get3A_59] : memref<128x128xf32, #tpu.memory_space<vmem>>, vector<128x128xf32>
    %dot_general3A_61 = arith.constant dense<0.000000e+00> : vector<1000x128xf32>
    %dot_general3A_62 = tpu.matmul %div3A_57, %get3A_60, %dot_general3A_61 {dimension_numbers = #tpu.dot_dimension_numbers<[1], [0], [0], [1], [0, 0, 1, 1], [], []>, transpose_lhs_hint = false} : vector<1000x128xf32>, vector<128x128xf32>, vector<1000x128xf32> -> vector<1000x128xf32>
    %get3A_63 = arith.constant 0 : index
    %get3A_64 = arith.constant 0 : index
    %get3A_65 = vector.load %arg10[%get3A_63, %get3A_64] : memref<1x128xf32, #tpu.memory_space<vmem>>, vector<1x128xf32>
    %add3A_66 = vector.broadcast %get3A_65 : vector<1x128xf32> to vector<1000x128xf32>
    %add3A_67 = arith.addf %dot_general3A_62, %add3A_66 : vector<1000x128xf32>
    %add3A_68 = arith.addf %get3A_35, %add3A_67 : vector<1000x128xf32>
    %reduce_sum3A = arith.constant dense<0.000000e+00> : vector<1000xf32>
    %reduce_sum3A_69 = vector.multi_reduction <add>, %add3A_68, %reduce_sum3A [1] : vector<1000x128xf32> to vector<1000xf32>
    %broadcast_in_dim3A = vector.shape_cast %reduce_sum3A_69 : vector<1000xf32> to vector<1000x1xf32>
    %div3A_70 = arith.constant 1.280000e+02 : f32
    %div3A_71 = vector.broadcast %div3A_70 : f32 to vector<1000x1xf32>
    %div3A_72 = arith.divf %broadcast_in_dim3A, %div3A_71 : vector<1000x1xf32>
    %sub3A = vector.broadcast %div3A_72 : vector<1000x1xf32> to vector<1000x128xf32>
    %sub3A_73 = arith.subf %add3A_68, %sub3A : vector<1000x128xf32>
    %mul3A_74 = arith.mulf %sub3A_73, %sub3A_73 : vector<1000x128xf32>
    %reduce_sum3A_75 = arith.constant dense<0.000000e+00> : vector<1000xf32>
    %reduce_sum3A_76 = vector.multi_reduction <add>, %mul3A_74, %reduce_sum3A_75 [1] : vector<1000x128xf32> to vector<1000xf32>
    %broadcast_in_dim3A_77 = vector.shape_cast %reduce_sum3A_76 : vector<1000xf32> to vector<1000x1xf32>
    %div3A_78 = arith.constant 1.280000e+02 : f32
    %div3A_79 = vector.broadcast %div3A_78 : f32 to vector<1000x1xf32>
    %div3A_80 = arith.divf %broadcast_in_dim3A_77, %div3A_79 : vector<1000x1xf32>
    %add3A_81 = arith.constant 9.99999974E-6 : f32
    %add3A_82 = vector.broadcast %add3A_81 : f32 to vector<1000x1xf32>
    %add3A_83 = arith.addf %div3A_80, %add3A_82 : vector<1000x1xf32>
    %rsqrt3A = math.rsqrt %add3A_83 : vector<1000x1xf32>
    %mul3A_84 = vector.broadcast %rsqrt3A : vector<1000x1xf32> to vector<1000x128xf32>
    %mul3A_85 = arith.mulf %sub3A_73, %mul3A_84 : vector<1000x128xf32>
    %get3A_86 = arith.constant 0 : index
    %get3A_87 = arith.constant 0 : index
    %get3A_88 = vector.load %arg11[%get3A_86, %get3A_87] : memref<1x128xf32, #tpu.memory_space<vmem>>, vector<1x128xf32>
    %mul3A_89 = vector.broadcast %get3A_88 : vector<1x128xf32> to vector<1000x128xf32>
    %mul3A_90 = arith.mulf %mul3A_85, %mul3A_89 : vector<1000x128xf32>
    %get3A_91 = arith.constant 0 : index
    %get3A_92 = arith.constant 0 : index
    %get3A_93 = vector.load %arg12[%get3A_91, %get3A_92] : memref<1x128xf32, #tpu.memory_space<vmem>>, vector<1x128xf32>
    %add3A_94 = vector.broadcast %get3A_93 : vector<1x128xf32> to vector<1000x128xf32>
    %add3A_95 = arith.addf %mul3A_90, %add3A_94 : vector<1000x128xf32>
    %swap3A = arith.constant 0 : index
    %swap3A_96 = arith.constant 0 : index
    %swap3A_97 = vector.load %arg13[%swap3A, %swap3A_96] : memref<1000x128xf32, #tpu.memory_space<vmem>>, vector<1000x128xf32>
    tpu.vector_store %arg13[%swap3A, %swap3A_96], %add3A_95 {strides = array<i32>} : memref<1000x128xf32, #tpu.memory_space<vmem>>, vector<1000x128xf32>,
    return
  }
  func.func @transform_0(%arg0: i32) -> (i32, i32, i32) {
    %c0_i32 = arith.constant 0 : i32
    %c0_i32_0 = arith.constant 0 : i32
    %c0_i32_1 = arith.constant 0 : i32
    return %c0_i32, %arg0, %c0_i32_0 : i32, i32, i32
  }
  func.func @transform_1(%arg0: i32) -> (i32, i32, i32) {
    %c0_i32 = arith.constant 0 : i32
    %c0_i32_0 = arith.constant 0 : i32
    %c0_i32_1 = arith.constant 0 : i32
    return %c0_i32, %arg0, %c0_i32_0 : i32, i32, i32
  }
  func.func @transform_2(%arg0: i32) -> (i32, i32) {
    %c0_i32 = arith.constant 0 : i32
    %c0_i32_0 = arith.constant 0 : i32
    return %arg0, %c0_i32 : i32, i32
  }
  func.func @transform_3(%arg0: i32) -> (i32, i32) {
    %c0_i32 = arith.constant 0 : i32
    %c0_i32_0 = arith.constant 0 : i32
    %c0_i32_1 = arith.constant 0 : i32
    return %c0_i32, %c0_i32_0 : i32, i32
  }
  func.func @transform_4(%arg0: i32) -> (i32, i32) {
    %c0_i32 = arith.constant 0 : i32
    %c0_i32_0 = arith.constant 0 : i32
    %c0_i32_1 = arith.constant 0 : i32
    return %c0_i32, %c0_i32_0 : i32, i32
  }
  func.func @transform_5(%arg0: i32) -> (i32, i32) {
    %c0_i32 = arith.constant 0 : i32
    %c0_i32_0 = arith.constant 0 : i32
    %c0_i32_1 = arith.constant 0 : i32
    return %c0_i32, %c0_i32_0 : i32, i32
  }
  func.func @transform_6(%arg0: i32) -> (i32, i32) {
    %c0_i32 = arith.constant 0 : i32
    %c0_i32_0 = arith.constant 0 : i32
    %c0_i32_1 = arith.constant 0 : i32
    return %c0_i32, %c0_i32_0 : i32, i32
  }
  func.func @transform_7(%arg0: i32) -> (i32, i32) {
    %c0_i32 = arith.constant 0 : i32
    %c0_i32_0 = arith.constant 0 : i32
    %c0_i32_1 = arith.constant 0 : i32
    return %c0_i32, %c0_i32_0 : i32, i32
  }
  func.func @transform_8(%arg0: i32) -> (i32, i32) {
    %c0_i32 = arith.constant 0 : i32
    %c0_i32_0 = arith.constant 0 : i32
    %c0_i32_1 = arith.constant 0 : i32
    return %c0_i32, %c0_i32_0 : i32, i32
  }
  func.func @transform_9(%arg0: i32) -> (i32, i32) {
    %c0_i32 = arith.constant 0 : i32
    %c0_i32_0 = arith.constant 0 : i32
    %c0_i32_1 = arith.constant 0 : i32
    return %c0_i32, %c0_i32_0 : i32, i32
  }
  func.func @transform_10(%arg0: i32) -> (i32, i32) {
    %c0_i32 = arith.constant 0 : i32
    %c0_i32_0 = arith.constant 0 : i32
    %c0_i32_1 = arith.constant 0 : i32
    return %c0_i32, %c0_i32_0 : i32, i32
  }
  func.func @transform_11(%arg0: i32) -> (i32, i32) {
    %c0_i32 = arith.constant 0 : i32
    %c0_i32_0 = arith.constant 0 : i32
    %c0_i32_1 = arith.constant 0 : i32
    return %c0_i32, %c0_i32_0 : i32, i32
  }
  func.func @transform_12(%arg0: i32) -> (i32, i32) {
    %c0_i32 = arith.constant 0 : i32
    %c0_i32_0 = arith.constant 0 : i32
    return %arg0, %c0_i32 : i32, i32
  }
}

</mosaic_0001>

<sc_bundles>
// kernel: kernel.10.cloned.1.call-start
scs
__scs_entry_jumppad:
0x0: {  	(pc) =	sbr.rel $0x88, $3  }
0x1: {  	(tag) =	ssettag $0x0;
	lr =	simm.s32 $0x1  }
0x2: {  	[smem:$0x3F93] =	sst lr;
	_ =	strace $0xD0000000  }
0x3: {  	_ = 	snop  }
0x4: {  	_ = 	snop  }
0x5: {  	_ = 	snop  }
0x6: {  	_ = 	snop  }
0x7: {  	_ = 	snop  }
__scs_overlays_trampoline_lowered:
0x8: {  	[smem:$0x3FA2] =	sst s0  }
0x9: {  	[smem:$0x3FA3] =	sst s1  }
0xa: {  	[smem:$0x3FA4] =	sst s2  }
0xb: {  	[smem:$0x3FA5] =	sst s3  }
0xc: {  	[smem:$0x3FA6] =	sst s4  }
0xd: {  	[smem:$0x3FA7] =	sst s5  }
0xe: {  	[smem:$0x3FA8] =	sst s6  }
0xf: {  	[smem:$0x3FA9] =	sst s7  }
0x10: {  	[smem:$0x3FAA] =	sst s8  }
0x11: {  	[smem:$0x3FAB] =	sst s9;
	s0 =	simm.s32 @!p0 $0x0  }
0x12: {  	s1 =	sld [smem:$0x3F91];
	s0 =	simm.s32 @p0 $0x1  }
0x13: {  	[smem:$0x3FAC] =	sst s0;
	s0 =	simm.s32 @!p1 $0x0  }
0x14: {  	s2 =	sld [smem:$0x3F90];
	s0 =	simm.s32 @p1 $0x1  }
0x15: {  	[smem:$0x3FAD] =	sst s0;
	s0 =	simm.s32 @!p2 $0x0  }
0x16: {  	s3 =	sld [smem:$0x3FDB];
	s0 =	simm.s32 @p2 $0x1  }
0x17: {  	s4 =	simm.s32 $0x1BF5;
	[smem:$0x3FAF] =	sst s0  }
0x18: {  	s0 =	sld [smem:$0x3F92];
	_ =	swait.ge [sflag:s4], $0x0  }
0x19: {  	s7 =	sld [smem:$0x3F93]  }
0x1a: {  	s8 =	sadd.s32 $0xFFFFE003, lr  }
0x1b: {  	s9 =	sadd.s32 $0xFFFFFEF7, lr;
	s5 =	simm.s32 $0xFFFFFFFF;
	p2 =	slt.u32 s8, $0xFFFFF086  }
0x1c: {  	p1 =	slt.u32 s9, $0xF7A;
	s5 =	simm.s32 @!p2 $0x0  }
0x1d: {  	s5 =	simm.s32 @p1 $0x1;
	p0 =	seq.s32 s7, s2  }
0x1e: {  	s7 =	smul.u32 @!p0 $0xF7A, s2;
	p2 =	seq.s32 @!p0 s5, $0x0  }
0x1f: {  	s9 =	smul.u32 $0xF7A, s1;
	s8 =	simm.s32 @!p0 $0x1BF5;
	p2 =	por !p2, p0  }
0x20: {  	[sflag:s8] =	ssyncset.s32 @!p0 $0xFFFFF086;
	s6 =	sadd.s32 @!p0 s3, s7;
	s7 =	simm.s32 @!p0 $0x108  }
0x21: {  	s3 =	sadd.s32 s3, s9;
	s6 =	sadd.s32 @!p0 $0x88, s6;
	s7 =	simm.s32 @p2 $0x1082  }
0x22: {  	[simem:s7], [sflag:s8] =	dma.local @!p0 [hbm:s6], $0xF7A  }
0x23: {  	s9 =	sor.u32 $0xD0000000, s2;
	s6 =	simm.s32 $0x108;
	_ =	swait.ge @!p0 [sflag:s8], $0x0  }
0x24: {  	s3 =	sadd.s32 $0x88, s3;
	s6 =	simm.s32 @!p1 $0x1082;
	[sflag:s4] =	ssyncset.s32 $0xFFFFF086  }
0x25: {  	[simem:s6], [sflag:s4] =	dma.local [hbm:s3], $0xF7A  }
0x26: {  	[smem:$0x3F93] =	sst s1;
	(tag) =	ssettag s2;
	_ =	strace s9  }
0x27: {  	s1 =	sld [smem:$0x3FA3]  }
0x28: {  	s2 =	sld [smem:$0x3FA4]  }
0x29: {  	s4 =	sld [smem:$0x3FA6]  }
0x2a: {  	p0 =	seq.s32 s5, $0x0;
	s5 =	sld [smem:$0x3FA7]  }
0x2b: {  	s6 =	sld [smem:$0x3FA8]  }
0x2c: {  	s7 =	sld [smem:$0x3FA9]  }
0x2d: {  	s3 =	simm.s32 $0x108;
	s8 =	sld [smem:$0x3FAA]  }
0x2e: {  	s3 =	simm.s32 @!p0 $0x1082;
	s9 =	sld [smem:$0x3FAB]  }
0x2f: {  	lr =	sadd.s32 s0, s3;
	s0 =	sld [smem:$0x3FA2]  }
0x30: {  	s3 =	sld [smem:$0x3FA5]  }
0x31: {  	[smem:$0x3FAE] =	sst s10  }
0x32: {  	s10 =	sld [smem:$0x3FAC];
	_ =	sdelay $0x3  }
0x33: {  	p0 =	seq.s32 s10, $0x1;
	s10 =	sld [smem:$0x3FAE];
	_ =	sdelay $0x3  }
0x34: {  	[smem:$0x3FAE] =	sst s10  }
0x35: {  	s10 =	sld [smem:$0x3FAD];
	_ =	sdelay $0x3  }
0x36: {  	p1 =	seq.s32 s10, $0x1;
	s10 =	sld [smem:$0x3FAE];
	_ =	sdelay $0x3  }
0x37: {  	[smem:$0x3FAE] =	sst s10  }
0x38: {  	s10 =	sld [smem:$0x3FAF]  }
0x39: {  	_ = 	snop;
	(pc) =	sbr.ind lr, $3  }
0x3a: {  	_ = 	snop  }
0x3b: {  	_ = 	snop  }
0x3c: {  	p2 =	seq.s32 s10, $0x1;
	s10 =	sld [smem:$0x3FAE]  }
0x3d: {  	_ =	shalt  }
0x3e: {  	_ =	shalt  }
0x3f: {  	_ =	shalt  }
0x40: {  	_ =	shalt  }
0x41: {  	_ =	shalt  }
0x42: {  	_ =	shalt  }
0x43: {  	_ =	shalt  }
0x44: {  	_ =	shalt  }
0x45: {  	_ =	shalt  }
0x46: {  	_ =	shalt  }
0x47: {  	_ =	shalt  }
0x48: {  	_ =	shalt  }
0x49: {  	_ =	shalt  }
0x4a: {  	_ =	shalt  }
0x4b: {  	_ =	shalt  }
0x4c: {  	_ =	shalt  }
0x4d: {  	_ =	shalt  }
0x4e: {  	_ =	shalt  }
0x4f: {  	_ =	shalt  }
0x50: {  	_ =	shalt  }
0x51: {  	_ =	shalt  }
0x52: {  	_ =	shalt  }
0x53: {  	_ =	shalt  }
0x54: {  	_ =	shalt  }
0x55: {  	_ =	shalt  }
0x56: {  	_ =	shalt  }
0x57: {  	_ =	shalt  }
0x58: {  	_ =	shalt  }
0x59: {  	_ =	shalt  }
0x5a: {  	_ =	shalt  }
0x5b: {  	_ =	shalt  }
0x5c: {  	_ =	shalt  }
0x5d: {  	_ =	shalt  }
0x5e: {  	_ =	shalt  }
0x5f: {  	_ =	shalt  }
0x60: {  	_ =	shalt  }
0x61: {  	_ =	shalt  }
0x62: {  	_ =	shalt  }
0x63: {  	_ =	shalt  }
0x64: {  	_ =	shalt  }
0x65: {  	_ =	shalt  }
0x66: {  	_ =	shalt  }
0x67: {  	_ =	shalt  }
0x68: {  	_ =	shalt  }
0x69: {  	_ =	shalt  }
0x6a: {  	_ =	shalt  }
0x6b: {  	_ =	shalt  }
0x6c: {  	_ =	shalt  }
0x6d: {  	_ =	shalt  }
0x6e: {  	_ =	shalt  }
0x6f: {  	_ =	shalt  }
0x70: {  	_ =	shalt  }
0x71: {  	_ =	shalt  }
0x72: {  	_ =	shalt  }
0x73: {  	_ =	shalt  }
0x74: {  	_ =	shalt  }
0x75: {  	_ =	shalt  }
0x76: {  	_ =	shalt  }
0x77: {  	_ =	shalt  }
0x78: {  	_ =	shalt  }
0x79: {  	_ =	shalt  }
0x7a: {  	_ =	shalt  }
0x7b: {  	_ =	shalt  }
0x7c: {  	_ =	shalt  }
0x7d: {  	_ =	shalt  }
0x7e: {  	_ =	shalt  }
0x7f: {  	_ =	shalt  }
0x80: {  	_ =	shalt  }
0x81: {  	_ =	shalt  }
0x82: {  	_ =	shalt  }
0x83: {  	_ =	shalt  }
0x84: {  	_ =	shalt  }
0x85: {  	_ =	shalt  }
0x86: {  	_ =	shalt  }
0x87: {  	_ =	shalt  }
.Lfunc_end0:
.L_simem_size_0:
called_computation.1_lowered:
.L_overlay_start_0:
0x88: {  	s2 =	sld [smem:$0x3FD9]  }
0x89: {  	s3 =	sld [smem:$0x3FFE];
	_ =	sdelay $0x1  }
0x8a: {  	s1 =	srdreg.scid  }
0x8b: {  	s0 =	sand.u32 $0x1, s1  }
0x8c: {  	s17 =	sshll.u32 s0, $0xA;
	s2 =	sadd.s32 s3, s2  }
0x8d: {  	s2 =	sadd.s32 s2, s17  }
0x8e: {  	[smem:$0x3FBA] =	sst s2  }
0x8f: {  	_ = 	snop  }
0x90: {  	s2 =	sld [smem:$0x3FD0];
	(tm) =	ssettm $0x1  }
0x91: {  	s18 =	sld [smem:$0x3FFB];
	_ =	sdelay $0x3  }
0x92: {  	_ =	strace s18  }
0x93: {  	s3 =	sld [smem:$0x3FFC];
	_ =	sdelay $0x3  }
0x94: {  	_ =	strace s3  }
0x95: {  	s3 =	sld [smem:$0x3FFD];
	_ =	sdelay $0x3  }
0x96: {  	_ =	strace s3  }
0x97: {  	_ =	strace $0x8FFFFFFF  }
0x98: {  	s19 =	sld [smem:$0x3FDB];
	_ =	sdelay $0x1  }
0x99: {  	s4 =	simm.s32 $_scs_section_size  }
0x9a: {  	s5 =	simm.s32 $_size__tile_overlayer_lowered;
	s6 =	simm.s32 $_tile_overlayer_lowered  }
0x9b: {  	s22 =	simm.s32 $0x1BFF;
	s21 =	sshll.u32 s6, $0x1;
	s3 =	sadd.s32 s4, s19  }
0x9c: {  	s7 =	simm.s32 $0x0;
	s20 =	sshll.u32 s5, $0x1;
	s5 =	sadd.s32 s21, s3  }
0x9d: {  	[timem:s7], [sflag:s22] =	dma.local [hbm:s5], s20  }
0x9e: {  	_ =	swait.ge [sflag:s22], s20  }
0x9f: {  	s4 =	ssub.s32 $0x0, s20;
	[sflag:s22] =	ssyncset.done $0x0  }
0xa0: {  	[sflag:s22] =	ssyncadd.s32 s4;
	_ =	sdelay $0x1  }
0xa1: {  	s23 =	simm.s32 $0x1B8B  }
0xa2: {  	_ =	swait.ge [sflag:s23], $0x1  }
0xa3: {  	[sflag:s23] =	ssyncset.done $0x0  }
0xa4: {  	s25 =	simm.s32 $0x1B8E;
	s24 =	sld [smem:$0x3FFE];
	[sflag:s23] =	ssyncadd.s32 $0xFFFFFFFF  }
0xa5: {  	s26 =	simm.s32 $execute0_lowered;
	[smem:$0x3FD2] =	sst s25  }
0xa6: {  	s5 =	sshll.u32 s26, $0x1;
	_ =	strace $0x80000046;
	[dreg:$0x1] =	wrdreg $0xFFFFFFFF  }
0xa7: {  	s28 =	simm.s32 $_size_execute0_lowered;
	s3 =	sadd.s32 s3, s5;
	[dreg:$0x0] =	wrdreg $0x0  }
0xa8: {  	s5 =	sshll.u32 s28, $0x1;
	[dreg:$0x2] =	wrdreg s3  }
0xa9: {  	[dreg:$0x3] =	wrdreg s5  }
0xaa: {  	[dreg:$0x4] =	wrdreg $0xC0  }
0xab: {  	_ =	task [dreg:s7], $0x5FFFF  }
0xac: {  	[dreg:$0x1] =	wrdreg $0xFFFFFFFF  }
0xad: {  	[dreg:$0x0] =	wrdreg $0x60  }
0xae: {  	[dreg:$0x2] =	wrdreg s24  }
0xaf: {  	[dreg:$0x3] =	wrdreg s2  }
0xb0: {  	[dreg:$0x4] =	wrdreg $0x88000  }
0xb1: {  	[dreg:$0x5] =	wrdreg $0xA  }
0xb2: {  	_ =	task.clear_ibuf [dreg:s7], $0x6FFFF;
	_ =	strace $0x90000046  }
0xb3: {  	s29 =	simm.s32 $0xA;
	_ =	strace $0x80000048  }
0xb4: {  	_ =	swait.ge [sflag:s29], $0x1  }
0xb5: {  	[sflag:s29] =	ssyncadd.s32 $0xFFFFFFFF  }
0xb6: {  	_ =	strace $0x90000048  }
0xb7: {  	_ =	sfence  }
0xb8: {  	s30 =	sld [smem:$0x0];
	_ =	sdelay $0x2  }
0xb9: {  	s31 =	sshll.u32 s1, $0xD;
	s1 =	sshrl.u32 s1, $0x2  }
0xba: {  	s3 =	sand.u32 $0x4000, s31;
	s1 =	sadd.s32 s1, s30  }
0xbb: {  	s0 =	sor.u32 s3, s0;
	s1 =	sshll.u32 s1, $0x11  }
0xbc: {  	s0 =	sor.u32 s1, s0  }
0xbd: {  	s0 =	sadd.s32 $0x8F2B, s0  }
0xbe: {  	[sflag:s0] =	ssyncadd.remote.s32 $0x1  }
0xbf: {  	_ =	sfence.sel $0xFFFF  }
0xc0: {  	[dreg:$0x0] =	wrdreg $0xFFFFFFFF;
	(pc) =	sbr.abs _section_cstart, $3  }
0xc1: {  	[dreg:$0x1] =	wrdreg $0xFFFFFFFF  }
0xc2: {  	_ =	task.clear_ibuf [dreg:s7], $0x2FFFF;
	_ =	strace $0x9FFFFFFF  }
0xc3: {  	(tm) =	ssettm $0x7FFFFFFF  }
tec
execute0_lowered:
.L_overlay_start_1:
0x0: {  	(tag) =	ssettag $0x1  }
0x1: {  	s0 =	rddreg [dreg:$0x0]  }
0x2: {  	s1 =	rddreg [dreg:$0x1]  }
0x3: {  	s2 =	rddreg [dreg:$0x2];
	s3 =	srdreg.scid;
	s4 =	simm.s32 $0x0  }
0x4: {  	s13 =	stileid.u32;
	s19 =	simm.s32 $0x800;
	s20 =	simm.s32 $0x4  }
0x5: {  	s28 =	simm.s32 $0x2;
	s29 =	simm.s32 $0x3;
	s30 =	simm.s32 $0x80  }
0x6: {  	s31 =	simm.s32 $0x0;
	s3 =	sand.u32 $0x1, s3;
	s9 =	smul.u32 $0x13C00, s13  }
0x7: {  	[smem:$0x7FF] =	sst s4;
	s5 =	sadd.s32 $0x4600, s0;
	s10 =	smul.u32 $0x4F000, s13  }
0x8: {  	s6 =	sadd.s32 $0x2BE00, s0;
	s7 =	sadd.s32 $0xA36800, s0;
	s8 =	smul.u32 $0x13C000, s3  }
0x9: {  	s16 =	sadd.s32 $0xA36C00, s0;
	_ =	strace $0x80000047;
	s11 =	ssub.s32 $0x2, s3  }
0xa: {  	s3 =	sshll.u32 s3, $0x4;
	s21 =	sshrl.u32 s11, $0x1;
	s9 =	sadd.s32 s9, s8  }
0xb: {  	s10 =	sshrl.u32 s10, $0x2;
	s11 =	ssub.s32 s11, s21;
	s9 =	sshrl.u32 s9, $0x3  }
0xc: {  	s26 =	smax.u32 s11, $0x1;
	s12 =	sadd.s32 s9, s0;
	s9 =	sadd.s32 s10, s2  }
0xd: {  	s3 =	sor.u32 s13, s3;
	[dreg:$0x9] =	wrdreg s26;
	s10 =	sadd.s32 $0x4000, s9  }
0xe: {  	s8 =	sadd.s32 $0x54800, s0;
	s22 =	sadd.s32 $0x8000, s9;
	[dreg:$0x4] =	wrdreg s10  }
0xf: {  	s14 =	smul.u32 $0x2800, s3;
	s23 =	sadd.s32 $0xC000, s9;
	[dreg:$0x5] =	wrdreg s22  }
0x10: {  	s15 =	smul.u32 $0x2710, s3;
	s24 =	sadd.s32 $0x10000, s9;
	[dreg:$0x6] =	wrdreg s23  }
0x11: {  	s21 =	simm.s32 $0x400;
	s25 =	sadd.s32 $0x5E800, s12;
	[dreg:$0x7] =	wrdreg s24  }
0x12: {  	s26 =	simm.s32 $0x1;
	[dreg:$0x8] =	wrdreg s25;
	s22 =	simm.s32 $0x40  }
0x13: {  	v0 =	vimm.f32 $0.0e+00;
	s23 =	simm.s32 $0x2800;
	s24 =	simm.s32 $0x4800;
	s25 =	simm.s32 $0x6800  }
.LBB2_1:
0x14: {  	s0 =	simm.s32 $0x0;
	s3 =	simm.s32 $0x200  }
.LBB2_2:
0x15: {  	p0 =	sne.s32 s3, $0xFE00;
	[tilespmem:s0+$0x870] =	vst v0  }
0x16: {  	[tilespmem:s0+$0x800] =	vst v0  }
0x17: {  	[tilespmem:s0+$0x810] =	vst v0  }
.Ltmp0:
0x18: {  	[tilespmem:s0+$0x820] =	vst v0;
	(pc) =	sbr.rel @p0 .LBB2_2-.Ltmp0, $4  }
0x19: {  	[tilespmem:s0+$0x830] =	vst v0  }
0x1a: {  	[tilespmem:s0+$0x840] =	vst v0  }
0x1b: {  	[tilespmem:s0+$0x850] =	vst v0  }
0x1c: {  	[tilespmem:s0+$0x860] =	vst v0;
	s0 =	sshra.s32 s3, $0x2;
	s3 =	sadd.s32 $0x200, s3  }
0x1d: {  	[tilespmem:s0+$0x870] =	vst v0  }
0x1e: {  	[tilespmem:s0+$0x800] =	vst v0  }
0x1f: {  	[tilespmem:s0+$0x810] =	vst v0  }
0x20: {  	[tilespmem:s0+$0x820] =	vst v0  }
0x21: {  	[tilespmem:s0+$0x830] =	vst v0  }
0x22: {  	[tilespmem:s0+$0x840] =	vst v0  }
0x23: {  	[tilespmem:s0+$0x850] =	vst v0  }
0x24: {  	[tilespmem:s0+$0x860] =	vst v0  }
0x25: {  	[spmem:s9] =	stream.linear.scatter [tilespmem:s19], [sflag:$0x4], $0x4000, $0x38;
	[tilespmem:$0x1C400] =	vst v63  }
0x26: {  	_ =	swait.ge [sflag:s20], $0x4000  }
0x27: {  	[sflag:s20] =	ssyncset.done $0x0  }
0x28: {  	s12 =	rddreg [dreg:$0x4];
	[sflag:s20] =	ssyncadd.s32 $0xFFFFC000  }
0x29: {  	[spmem:s12] =	stream.linear.scatter [tilespmem:s19], [sflag:$0x4], $0x4000, $0x38;
	[tilespmem:$0x1C400] =	vst v63  }
0x2a: {  	_ =	swait.ge [sflag:s20], $0x4000  }
0x2b: {  	[sflag:s20] =	ssyncset.done $0x0  }
0x2c: {  	s13 =	rddreg [dreg:$0x5];
	[sflag:s20] =	ssyncadd.s32 $0xFFFFC000  }
0x2d: {  	[spmem:s13] =	stream.linear.scatter [tilespmem:s19], [sflag:$0x4], $0x4000, $0x38;
	[tilespmem:$0x1C400] =	vst v63  }
0x2e: {  	_ =	swait.ge [sflag:s20], $0x4000  }
0x2f: {  	[sflag:s20] =	ssyncset.done $0x0  }
0x30: {  	s17 =	rddreg [dreg:$0x6];
	[sflag:s20] =	ssyncadd.s32 $0xFFFFC000  }
0x31: {  	[spmem:s17] =	stream.linear.scatter [tilespmem:s19], [sflag:$0x4], $0x4000, $0x38;
	[tilespmem:$0x1C400] =	vst v63  }
0x32: {  	_ =	swait.ge [sflag:s20], $0x4000  }
0x33: {  	[sflag:s20] =	ssyncset.done $0x0  }
0x34: {  	s18 =	rddreg [dreg:$0x7];
	[sflag:s20] =	ssyncadd.s32 $0xFFFFC000  }
0x35: {  	[spmem:s18] =	stream.linear.scatter [tilespmem:s19], [sflag:$0x4], $0x3C00, $0x38;
	[tilespmem:$0x1C400] =	vst v63  }
0x36: {  	_ =	swait.ge [sflag:s20], $0x3C00  }
0x37: {  	[sflag:s20] =	ssyncset.done $0x0  }
0x38: {  	[sflag:s20] =	ssyncadd.s32 $0xFFFFC400  }
0x39: {  	s0 =	simm.s32 $0x0;
	[bflag:$0x0] =	sbarrier.arrive $0xFFFF  }
.LBB2_4:
0x3a: {  	s3 =	sshll.u32 s0, $0xA  }
0x3b: {  	s10 =	sadd.s32 s14, s3  }
0x3c: {  	s10 =	sshrl.u32 s10, $0x3  }
0x3d: {  	s11 =	sadd.s32 s1, s10  }
0x3e: {  	[tilespmem:s31], [sflag:$0x4] =	stream.linear.gather [hbm4b:s11+s31], $0x400, $0x38;
	[tilespmem:$0x1C400] =	vst v63  }
0x3f: {  	_ =	swait.ge [sflag:s20], $0x400  }
0x40: {  	[sflag:s20] =	ssyncset.done $0x0  }
0x41: {  	s10 =	sadd.s32 s8, s10;
	[sflag:s20] =	ssyncadd.s32 $0xFFFFFC00  }
0x42: {  	[tilespmem:s21], [sflag:$0x4] =	stream.linear.gather [hbm4b:s10+s31], $0x400, $0x38;
	[tilespmem:$0x1C400] =	vst v63  }
0x43: {  	_ =	swait.ge [sflag:s20], $0x400  }
0x44: {  	[sflag:s20] =	ssyncset.done $0x0  }
0x45: {  	[sflag:s20] =	ssyncadd.s32 $0xFFFFFC00  }
0x46: {  	[tilespmem:s19], [sflag:$0x1] =	stream.indirect.gather [hbm4b:s5+s22], $0x80, s31, s22, $0xb8;
	[tilespmem:$0x1C400] =	vst v63  }
0x47: {  	s3 =	sadd.s32 s15, s3;
	s10 =	simm.s32 $0x0  }
0x48: {  	[tilespmem:s23], [sflag:$0x1] =	stream.indirect.gather [hbm4b:s5+s22], $0x80, s22, s22, $0xb8;
	[tilespmem:$0x1C400] =	vst v63  }
.LBB2_5:
0x49: {  	s11 =	sshll.u32 s10, $0x7  }
0x4a: {  	s12 =	sadd.s32 s11, s3  }
0x4b: {  	s12 =	sshll.u32 s12, $0x4  }
0x4c: {  	s17 =	simm.s32 $0x0;
	s13 =	sadd.s32 s7, s12  }
0x4d: {  	[tilespmem:s24], [sflag:$0x2] =	stream.linear.gather [hbm4b:s13+s17], $0x2000, $0x38;
	[tilespmem:$0x1C400] =	vst v63  }
0x4e: {  	s12 =	sadd.s32 s12, s16  }
0x4f: {  	[tilespmem:s25], [sflag:$0x2] =	stream.linear.gather [hbm4b:s12+s17], $0x2000, $0x38;
	[tilespmem:$0x1C400] =	vst v63  }
0x50: {  	_ =	swait.ge [sflag:s26], $0x2000  }
0x51: {  	[sflag:s26] =	ssyncset.done $0x0  }
0x52: {  	[sflag:s26] =	ssyncadd.s32 $0xFFFFE000  }
0x53: {  	_ =	swait.ge [sflag:s28], $0x2000  }
0x54: {  	[sflag:s28] =	ssyncset.done $0x0  }
0x55: {  	s12 =	simm.s32 $0x0;
	[sflag:s28] =	ssyncadd.s32 $0xFFFFE000  }
0x56: {  	v7 =	vld [tilespmem:s12+$0x4800]  }
0x57: {  	v8 =	vld [tilespmem:s12+$0x4810]  }
0x58: {  	v9 =	vld [tilespmem:s12+$0x4820]  }
0x59: {  	v10 =	vld [tilespmem:s12+$0x4830]  }
0x5a: {  	v11 =	vld [tilespmem:s12+$0x4840]  }
0x5b: {  	v12 =	vld [tilespmem:s12+$0x4850]  }
0x5c: {  	v13 =	vld [tilespmem:s12+$0x4860]  }
0x5d: {  	v14 =	vld [tilespmem:s12+$0x4870]  }
0x5e: {  	v15 =	vld [tilespmem:s12+$0x4880]  }
0x5f: {  	v16 =	vld [tilespmem:s12+$0x4890]  }
0x60: {  	v17 =	vld [tilespmem:s12+$0x48A0]  }
0x61: {  	v18 =	vld [tilespmem:s12+$0x48B0]  }
0x62: {  	v19 =	vld [tilespmem:s12+$0x48C0]  }
0x63: {  	v20 =	vld [tilespmem:s12+$0x48D0]  }
0x64: {  	v21 =	vld [tilespmem:s12+$0x48E0]  }
0x65: {  	v22 =	vld [tilespmem:s12+$0x48F0]  }
0x66: {  	v23 =	vld [tilespmem:s12+$0x4900]  }
0x67: {  	v24 =	vld [tilespmem:s12+$0x4910]  }
0x68: {  	v25 =	vld [tilespmem:s12+$0x4920]  }
0x69: {  	v26 =	vld [tilespmem:s12+$0x4930]  }
0x6a: {  	v27 =	vld [tilespmem:s12+$0x4940]  }
0x6b: {  	v28 =	vld [tilespmem:s12+$0x4950]  }
0x6c: {  	v29 =	vld [tilespmem:s12+$0x4960]  }
0x6d: {  	v30 =	vld [tilespmem:s12+$0x4970]  }
0x6e: {  	v31 =	vld [tilespmem:s12+$0x4980]  }
0x6f: {  	v32 =	vld [tilespmem:s12+$0x4990]  }
0x70: {  	v6 =	vld [tilespmem:s12+$0x49A0]  }
0x71: {  	v5 =	vld [tilespmem:s12+$0x49B0]  }
0x72: {  	v4 =	vld [tilespmem:s12+$0x49C0]  }
0x73: {  	v3 =	vld [tilespmem:s12+$0x49D0]  }
0x74: {  	v2 =	vld [tilespmem:s12+$0x49E0]  }
0x75: {  	v33 =	vld [tilespmem:s12+$0x800]  }
0x76: {  	v34 =	vld [tilespmem:s12+$0x810]  }
0x77: {  	v35 =	vld [tilespmem:s12+$0x820]  }
0x78: {  	v36 =	vld [tilespmem:s12+$0x830]  }
0x79: {  	v37 =	vld [tilespmem:s12+$0x840]  }
0x7a: {  	v63 =	vld [tilespmem:s12+$0x850];
	v7 =	vadd.f32 v7, v33  }
0x7b: {  	v38 =	vld [tilespmem:s12+$0x860];
	v8 =	vadd.f32 v8, v34  }
0x7c: {  	v9 =	vadd.f32 v9, v35;
	[tilespmem:s12+$0x800] =	vst v7;
	v7 =	vld [tilespmem:s12+$0x870]  }
0x7d: {  	v10 =	vadd.f32 v10, v36;
	[tilespmem:s12+$0x810] =	vst v8;
	v8 =	vld [tilespmem:s12+$0x880]  }
0x7e: {  	v11 =	vadd.f32 v11, v37;
	[tilespmem:s12+$0x820] =	vst v9;
	v9 =	vld [tilespmem:s12+$0x890]  }
0x7f: {  	v12 =	vadd.f32 v12, v63;
	[tilespmem:s12+$0x830] =	vst v10;
	v10 =	vld [tilespmem:s12+$0x8A0]  }
0x80: {  	v13 =	vadd.f32 v13, v38;
	[tilespmem:s12+$0x840] =	vst v11;
	v11 =	vld [tilespmem:s12+$0x8B0]  }
0x81: {  	[tilespmem:s12+$0x850] =	vst v12;
	v12 =	vld [tilespmem:s12+$0x8C0];
	v7 =	vadd.f32 v14, v7  }
0x82: {  	[tilespmem:s12+$0x860] =	vst v13;
	v13 =	vld [tilespmem:s12+$0x8D0];
	v8 =	vadd.f32 v15, v8  }
0x83: {  	v9 =	vadd.f32 v16, v9;
	[tilespmem:s12+$0x870] =	vst v7;
	v7 =	vld [tilespmem:s12+$0x8E0]  }
0x84: {  	v10 =	vadd.f32 v17, v10;
	[tilespmem:s12+$0x880] =	vst v8;
	v8 =	vld [tilespmem:s12+$0x8F0]  }
0x85: {  	v11 =	vadd.f32 v18, v11;
	[tilespmem:s12+$0x890] =	vst v9;
	v9 =	vld [tilespmem:s12+$0x900]  }
0x86: {  	v12 =	vadd.f32 v19, v12;
	[tilespmem:s12+$0x8A0] =	vst v10;
	v10 =	vld [tilespmem:s12+$0x910]  }
0x87: {  	v13 =	vadd.f32 v20, v13;
	[tilespmem:s12+$0x8B0] =	vst v11;
	v11 =	vld [tilespmem:s12+$0x920]  }
0x88: {  	[tilespmem:s12+$0x8C0] =	vst v12;
	v12 =	vld [tilespmem:s12+$0x930];
	v7 =	vadd.f32 v21, v7  }
0x89: {  	[tilespmem:s12+$0x8D0] =	vst v13;
	v13 =	vld [tilespmem:s12+$0x940]  }
0x8a: {  	v8 =	vadd.f32 v22, v8;
	[tilespmem:s12+$0x8E0] =	vst v7;
	v7 =	vld [tilespmem:s12+$0x950]  }
0x8b: {  	v1 =	vld [tilespmem:s12+$0x49F0];
	v9 =	vadd.f32 v23, v9  }
0x8c: {  	[tilespmem:s12+$0x8F0] =	vst v8;
	v8 =	vadd.f32 v24, v10;
	v10 =	vld [tilespmem:s12+$0x970]  }
0x8d: {  	v14 =	vld [tilespmem:s12+$0x960];
	[tilespmem:s12+$0x900] =	vst v9;
	v9 =	vadd.f32 v25, v11  }
0x8e: {  	v11 =	vld [tilespmem:s12+$0x980];
	[tilespmem:s12+$0x910] =	vst v8;
	v8 =	vadd.f32 v26, v12  }
0x8f: {  	[tilespmem:s12+$0x920] =	vst v9;
	v12 =	vld [tilespmem:s12+$0x990];
	v9 =	vadd.f32 v27, v13;
	v13 =	vadd.f32 v28, v7  }
0x90: {  	[tilespmem:s12+$0x930] =	vst v8;
	v8 =	vld [tilespmem:s12+$0x9A0]  }
0x91: {  	v7 =	vld [tilespmem:s12+$0x9B0];
	[tilespmem:s12+$0x950] =	vst v13;
	v13 =	vadd.f32 v30, v10  }
0x92: {  	v14 =	vadd.f32 v29, v14;
	[tilespmem:s12+$0x940] =	vst v9;
	v9 =	vld [tilespmem:s12+$0x9C0]  }
0x93: {  	v10 =	vld [tilespmem:s12+$0x9D0];
	[tilespmem:s12+$0x970] =	vst v13;
	v13 =	vadd.f32 v31, v11  }
0x94: {  	s13 =	simm.s32 $0x800;
	[tilespmem:s12+$0x960] =	vst v14;
	v12 =	vadd.f32 v32, v12;
	v11 =	vld [tilespmem:s12+$0x9E0]  }
.LBB2_6:
0x95: {  	s17 =	sshra.s32 s13, $0x2;
	p0 =	sne.s32 s13, $0x7800;
	[tilespmem:s12+$0x980] =	vst v13;
	v6 =	vadd.f32 v6, v8;
	v8 =	vld [tilespmem:s12+$0x9F0]  }
0x96: {  	v13 =	vld [tilespmem:s17+$0x4800];
	[tilespmem:s12+$0x990] =	vst v12;
	v5 =	vadd.f32 v5, v7  }
0x97: {  	v7 =	vld [tilespmem:s17+$0x4810];
	[tilespmem:s12+$0x9A0] =	vst v6;
	v4 =	vadd.f32 v4, v9  }
0x98: {  	v9 =	vld [tilespmem:s17+$0x4820];
	[tilespmem:s12+$0x9B0] =	vst v5;
	v3 =	vadd.f32 v3, v10  }
0x99: {  	v10 =	vld [tilespmem:s17+$0x4830];
	[tilespmem:s12+$0x9C0] =	vst v4;
	v2 =	vadd.f32 v2, v11  }
0x9a: {  	v11 =	vld [tilespmem:s17+$0x4840];
	[tilespmem:s12+$0x9D0] =	vst v3;
	v1 =	vadd.f32 v1, v8  }
0x9b: {  	v8 =	vld [tilespmem:s17+$0x4850];
	[tilespmem:s12+$0x9E0] =	vst v2  }
0x9c: {  	v12 =	vld [tilespmem:s17+$0x4860];
	[tilespmem:s12+$0x9F0] =	vst v1;
	s12 =	smov.u32 s17  }
0x9d: {  	v14 =	vld [tilespmem:s12+$0x4870]  }
0x9e: {  	v15 =	vld [tilespmem:s12+$0x4880]  }
0x9f: {  	v16 =	vld [tilespmem:s12+$0x4890]  }
0xa0: {  	v17 =	vld [tilespmem:s12+$0x48A0]  }
0xa1: {  	v18 =	vld [tilespmem:s12+$0x48B0]  }
0xa2: {  	v19 =	vld [tilespmem:s12+$0x48C0]  }
0xa3: {  	v20 =	vld [tilespmem:s12+$0x48D0]  }
0xa4: {  	v21 =	vld [tilespmem:s12+$0x48E0]  }
0xa5: {  	v22 =	vld [tilespmem:s12+$0x48F0]  }
0xa6: {  	v23 =	vld [tilespmem:s12+$0x4900]  }
0xa7: {  	v24 =	vld [tilespmem:s12+$0x4910]  }
0xa8: {  	v25 =	vld [tilespmem:s12+$0x4920]  }
0xa9: {  	v26 =	vld [tilespmem:s12+$0x4930]  }
0xaa: {  	v27 =	vld [tilespmem:s12+$0x4940]  }
0xab: {  	v28 =	vld [tilespmem:s12+$0x4950]  }
0xac: {  	v29 =	vld [tilespmem:s12+$0x4960]  }
0xad: {  	v30 =	vld [tilespmem:s12+$0x4970]  }
0xae: {  	v31 =	vld [tilespmem:s12+$0x4980]  }
0xaf: {  	v32 =	vld [tilespmem:s12+$0x4990]  }
0xb0: {  	v6 =	vld [tilespmem:s12+$0x49A0]  }
0xb1: {  	v5 =	vld [tilespmem:s12+$0x49B0]  }
0xb2: {  	v4 =	vld [tilespmem:s12+$0x49C0]  }
0xb3: {  	v3 =	vld [tilespmem:s12+$0x49D0]  }
0xb4: {  	v2 =	vld [tilespmem:s12+$0x49E0]  }
0xb5: {  	v1 =	vld [tilespmem:s12+$0x49F0]  }
0xb6: {  	v33 =	vld [tilespmem:s12+$0x800]  }
0xb7: {  	v34 =	vld [tilespmem:s12+$0x810]  }
0xb8: {  	v35 =	vld [tilespmem:s12+$0x820]  }
0xb9: {  	v36 =	vld [tilespmem:s12+$0x830]  }
0xba: {  	v37 =	vld [tilespmem:s12+$0x840]  }
0xbb: {  	v13 =	vadd.f32 v13, v33;
	v33 =	vld [tilespmem:s12+$0x850]  }
0xbc: {  	v7 =	vadd.f32 v7, v34;
	v34 =	vld [tilespmem:s12+$0x860]  }
0xbd: {  	[tilespmem:s12+$0x800] =	vst v13;
	v9 =	vadd.f32 v9, v35;
	v13 =	vld [tilespmem:s12+$0x870]  }
0xbe: {  	[tilespmem:s12+$0x810] =	vst v7;
	v7 =	vadd.f32 v10, v36;
	v10 =	vld [tilespmem:s12+$0x880]  }
0xbf: {  	[tilespmem:s12+$0x820] =	vst v9;
	v9 =	vadd.f32 v11, v37;
	v11 =	vld [tilespmem:s12+$0x890]  }
0xc0: {  	[tilespmem:s12+$0x830] =	vst v7;
	v7 =	vadd.f32 v8, v33;
	v8 =	vld [tilespmem:s12+$0x8A0]  }
0xc1: {  	[tilespmem:s12+$0x840] =	vst v9;
	v9 =	vadd.f32 v12, v34;
	v12 =	vld [tilespmem:s12+$0x8B0]  }
0xc2: {  	[tilespmem:s12+$0x850] =	vst v7;
	v7 =	vadd.f32 v14, v13;
	v13 =	vld [tilespmem:s12+$0x8C0]  }
0xc3: {  	[tilespmem:s12+$0x860] =	vst v9;
	v9 =	vadd.f32 v15, v10;
	v10 =	vld [tilespmem:s12+$0x8D0]  }
0xc4: {  	[tilespmem:s12+$0x870] =	vst v7;
	v7 =	vadd.f32 v16, v11;
	v11 =	vld [tilespmem:s12+$0x8E0]  }
0xc5: {  	[tilespmem:s12+$0x880] =	vst v9;
	v8 =	vadd.f32 v17, v8;
	v9 =	vld [tilespmem:s12+$0x8F0]  }
0xc6: {  	[tilespmem:s12+$0x890] =	vst v7;
	v7 =	vadd.f32 v18, v12;
	v12 =	vld [tilespmem:s12+$0x900]  }
0xc7: {  	[tilespmem:s12+$0x8A0] =	vst v8;
	v8 =	vadd.f32 v19, v13;
	v13 =	vld [tilespmem:s12+$0x910]  }
0xc8: {  	[tilespmem:s12+$0x8B0] =	vst v7;
	v7 =	vadd.f32 v20, v10;
	v10 =	vld [tilespmem:s12+$0x920]  }
0xc9: {  	[tilespmem:s12+$0x8C0] =	vst v8;
	v8 =	vadd.f32 v21, v11;
	v11 =	vld [tilespmem:s12+$0x930]  }
0xca: {  	[tilespmem:s12+$0x8D0] =	vst v7;
	v7 =	vadd.f32 v22, v9;
	v9 =	vld [tilespmem:s12+$0x940]  }
0xcb: {  	[tilespmem:s12+$0x8E0] =	vst v8;
	v8 =	vadd.f32 v23, v12;
	v12 =	vld [tilespmem:s12+$0x950]  }
0xcc: {  	[tilespmem:s12+$0x8F0] =	vst v7;
	v7 =	vadd.f32 v24, v13;
	v13 =	vld [tilespmem:s12+$0x960]  }
0xcd: {  	[tilespmem:s12+$0x900] =	vst v8;
	v8 =	vadd.f32 v25, v10;
	v10 =	vld [tilespmem:s12+$0x970]  }
0xce: {  	[tilespmem:s12+$0x910] =	vst v7;
	v7 =	vadd.f32 v26, v11;
	v11 =	vld [tilespmem:s12+$0x980]  }
0xcf: {  	[tilespmem:s12+$0x920] =	vst v8;
	v9 =	vadd.f32 v27, v9;
	v14 =	vld [tilespmem:s12+$0x990]  }
.Ltmp1:
0xd0: {  	[tilespmem:s12+$0x930] =	vst v7;
	v12 =	vadd.f32 v28, v12;
	v8 =	vld [tilespmem:s12+$0x9A0];
	(pc) =	sbr.rel @p0 .LBB2_6-.Ltmp1, $4  }
0xd1: {  	[tilespmem:s12+$0x940] =	vst v9;
	v13 =	vadd.f32 v29, v13;
	v7 =	vld [tilespmem:s12+$0x9B0]  }
0xd2: {  	[tilespmem:s12+$0x950] =	vst v12;
	v12 =	vadd.f32 v30, v10;
	v9 =	vld [tilespmem:s12+$0x9C0]  }
0xd3: {  	[tilespmem:s12+$0x960] =	vst v13;
	v13 =	vadd.f32 v31, v11;
	v10 =	vld [tilespmem:s12+$0x9D0]  }
0xd4: {  	s13 =	sadd.s32 $0x800, s13;
	[tilespmem:s12+$0x970] =	vst v12;
	v12 =	vadd.f32 v32, v14;
	v11 =	vld [tilespmem:s12+$0x9E0]  }
0xd5: {  	[tilespmem:s12+$0x980] =	vst v13;
	v6 =	vadd.f32 v6, v8;
	v8 =	vld [tilespmem:s12+$0x9F0]  }
0xd6: {  	[tilespmem:s12+$0x990] =	vst v12;
	v5 =	vadd.f32 v5, v7  }
0xd7: {  	[tilespmem:s12+$0x9A0] =	vst v6;
	v4 =	vadd.f32 v4, v9  }
0xd8: {  	[tilespmem:s12+$0x9B0] =	vst v5;
	v3 =	vadd.f32 v3, v10  }
0xd9: {  	[tilespmem:s12+$0x9C0] =	vst v4;
	v2 =	vadd.f32 v2, v11  }
0xda: {  	[tilespmem:s12+$0x9D0] =	vst v3;
	v1 =	vadd.f32 v1, v8  }
0xdb: {  	[tilespmem:s12+$0x9E0] =	vst v2  }
0xdc: {  	[tilespmem:s12+$0x9F0] =	vst v1;
	s12 =	sadd.s32 $0x400, s11  }
0xdd: {  	[tilespmem:s24], [sflag:$0x3] =	stream.indirect.gather [hbm4b:s6+s22], $0x80, s12, s22, $0xb8;
	[tilespmem:$0x1C400] =	vst v63  }
0xde: {  	_ =	swait.ge [sflag:s26], $0x2000  }
0xdf: {  	[sflag:s26] =	ssyncset.done $0x0  }
0xe0: {  	[sflag:s26] =	ssyncadd.s32 $0xFFFFE000  }
0xe1: {  	_ =	swait.ge [sflag:s28], $0x2000  }
0xe2: {  	[sflag:s28] =	ssyncset.done $0x0  }
0xe3: {  	s13 =	simm.s32 $0x0;
	[sflag:s28] =	ssyncadd.s32 $0xFFFFE000  }
0xe4: {  	v7 =	vld [tilespmem:s13+$0x6800]  }
0xe5: {  	v8 =	vld [tilespmem:s13+$0x6810]  }
0xe6: {  	v9 =	vld [tilespmem:s13+$0x6820]  }
0xe7: {  	v10 =	vld [tilespmem:s13+$0x6830]  }
0xe8: {  	v11 =	vld [tilespmem:s13+$0x6840]  }
0xe9: {  	v12 =	vld [tilespmem:s13+$0x6850]  }
0xea: {  	v13 =	vld [tilespmem:s13+$0x6860]  }
0xeb: {  	v14 =	vld [tilespmem:s13+$0x6870]  }
0xec: {  	v15 =	vld [tilespmem:s13+$0x6880]  }
0xed: {  	v16 =	vld [tilespmem:s13+$0x6890]  }
0xee: {  	v17 =	vld [tilespmem:s13+$0x68A0]  }
0xef: {  	v18 =	vld [tilespmem:s13+$0x68B0]  }
0xf0: {  	v19 =	vld [tilespmem:s13+$0x68C0]  }
0xf1: {  	v20 =	vld [tilespmem:s13+$0x68D0]  }
0xf2: {  	v21 =	vld [tilespmem:s13+$0x68E0]  }
0xf3: {  	v22 =	vld [tilespmem:s13+$0x68F0]  }
0xf4: {  	v23 =	vld [tilespmem:s13+$0x6900]  }
0xf5: {  	v24 =	vld [tilespmem:s13+$0x6910]  }
0xf6: {  	v25 =	vld [tilespmem:s13+$0x6920]  }
0xf7: {  	v26 =	vld [tilespmem:s13+$0x6930]  }
0xf8: {  	v27 =	vld [tilespmem:s13+$0x6940]  }
0xf9: {  	v28 =	vld [tilespmem:s13+$0x6950]  }
0xfa: {  	v29 =	vld [tilespmem:s13+$0x6960]  }
0xfb: {  	v30 =	vld [tilespmem:s13+$0x6970]  }
0xfc: {  	v31 =	vld [tilespmem:s13+$0x6980]  }
0xfd: {  	v32 =	vld [tilespmem:s13+$0x6990]  }
0xfe: {  	v6 =	vld [tilespmem:s13+$0x69A0]  }
0xff: {  	v5 =	vld [tilespmem:s13+$0x69B0]  }
0x100: {  	v4 =	vld [tilespmem:s13+$0x69C0]  }
0x101: {  	v3 =	vld [tilespmem:s13+$0x69D0]  }
0x102: {  	v2 =	vld [tilespmem:s13+$0x69E0]  }
0x103: {  	v33 =	vld [tilespmem:s13+$0x2800]  }
0x104: {  	v34 =	vld [tilespmem:s13+$0x2810]  }
0x105: {  	v35 =	vld [tilespmem:s13+$0x2820]  }
0x106: {  	v36 =	vld [tilespmem:s13+$0x2830]  }
0x107: {  	v37 =	vld [tilespmem:s13+$0x2840]  }
0x108: {  	v63 =	vld [tilespmem:s13+$0x2850];
	v7 =	vadd.f32 v7, v33  }
0x109: {  	v38 =	vld [tilespmem:s13+$0x2860];
	v8 =	vadd.f32 v8, v34  }
0x10a: {  	v9 =	vadd.f32 v9, v35;
	[tilespmem:s13+$0x2800] =	vst v7;
	v7 =	vld [tilespmem:s13+$0x2870]  }
0x10b: {  	v10 =	vadd.f32 v10, v36;
	[tilespmem:s13+$0x2810] =	vst v8;
	v8 =	vld [tilespmem:s13+$0x2880]  }
0x10c: {  	v11 =	vadd.f32 v11, v37;
	[tilespmem:s13+$0x2820] =	vst v9;
	v9 =	vld [tilespmem:s13+$0x2890]  }
0x10d: {  	v12 =	vadd.f32 v12, v63;
	[tilespmem:s13+$0x2830] =	vst v10;
	v10 =	vld [tilespmem:s13+$0x28A0]  }
0x10e: {  	v13 =	vadd.f32 v13, v38;
	[tilespmem:s13+$0x2840] =	vst v11;
	v11 =	vld [tilespmem:s13+$0x28B0]  }
0x10f: {  	[tilespmem:s13+$0x2850] =	vst v12;
	v12 =	vld [tilespmem:s13+$0x28C0];
	v7 =	vadd.f32 v14, v7  }
0x110: {  	[tilespmem:s13+$0x2860] =	vst v13;
	v13 =	vld [tilespmem:s13+$0x28D0];
	v8 =	vadd.f32 v15, v8  }
0x111: {  	v9 =	vadd.f32 v16, v9;
	[tilespmem:s13+$0x2870] =	vst v7;
	v7 =	vld [tilespmem:s13+$0x28E0]  }
0x112: {  	v10 =	vadd.f32 v17, v10;
	[tilespmem:s13+$0x2880] =	vst v8;
	v8 =	vld [tilespmem:s13+$0x28F0]  }
0x113: {  	v11 =	vadd.f32 v18, v11;
	[tilespmem:s13+$0x2890] =	vst v9;
	v9 =	vld [tilespmem:s13+$0x2900]  }
0x114: {  	v12 =	vadd.f32 v19, v12;
	[tilespmem:s13+$0x28A0] =	vst v10;
	v10 =	vld [tilespmem:s13+$0x2910]  }
0x115: {  	v13 =	vadd.f32 v20, v13;
	[tilespmem:s13+$0x28B0] =	vst v11;
	v11 =	vld [tilespmem:s13+$0x2920]  }
0x116: {  	[tilespmem:s13+$0x28C0] =	vst v12;
	v12 =	vld [tilespmem:s13+$0x2930];
	v7 =	vadd.f32 v21, v7  }
0x117: {  	[tilespmem:s13+$0x28D0] =	vst v13;
	v13 =	vld [tilespmem:s13+$0x2940]  }
0x118: {  	v8 =	vadd.f32 v22, v8;
	[tilespmem:s13+$0x28E0] =	vst v7;
	v7 =	vld [tilespmem:s13+$0x2950]  }
0x119: {  	v1 =	vld [tilespmem:s13+$0x69F0];
	v9 =	vadd.f32 v23, v9  }
0x11a: {  	[tilespmem:s13+$0x28F0] =	vst v8;
	v8 =	vadd.f32 v24, v10;
	v10 =	vld [tilespmem:s13+$0x2970]  }
0x11b: {  	v14 =	vld [tilespmem:s13+$0x2960];
	[tilespmem:s13+$0x2900] =	vst v9;
	v9 =	vadd.f32 v25, v11  }
0x11c: {  	v11 =	vld [tilespmem:s13+$0x2980];
	[tilespmem:s13+$0x2910] =	vst v8;
	v8 =	vadd.f32 v26, v12  }
0x11d: {  	[tilespmem:s13+$0x2920] =	vst v9;
	v12 =	vld [tilespmem:s13+$0x2990];
	v9 =	vadd.f32 v27, v13;
	v13 =	vadd.f32 v28, v7  }
0x11e: {  	[tilespmem:s13+$0x2930] =	vst v8;
	v8 =	vld [tilespmem:s13+$0x29A0]  }
0x11f: {  	v7 =	vld [tilespmem:s13+$0x29B0];
	[tilespmem:s13+$0x2950] =	vst v13;
	v13 =	vadd.f32 v30, v10  }
0x120: {  	v14 =	vadd.f32 v29, v14;
	[tilespmem:s13+$0x2940] =	vst v9;
	v9 =	vld [tilespmem:s13+$0x29C0]  }
0x121: {  	v10 =	vld [tilespmem:s13+$0x29D0];
	[tilespmem:s13+$0x2970] =	vst v13;
	v13 =	vadd.f32 v31, v11  }
0x122: {  	s17 =	simm.s32 $0x800;
	[tilespmem:s13+$0x2960] =	vst v14;
	v12 =	vadd.f32 v32, v12;
	v11 =	vld [tilespmem:s13+$0x29E0]  }
.LBB2_8:
0x123: {  	s18 =	sshra.s32 s17, $0x2;
	p0 =	sne.s32 s17, $0x7800;
	[tilespmem:s13+$0x2980] =	vst v13;
	v6 =	vadd.f32 v6, v8;
	v8 =	vld [tilespmem:s13+$0x29F0]  }
0x124: {  	v13 =	vld [tilespmem:s18+$0x6800];
	[tilespmem:s13+$0x2990] =	vst v12;
	v5 =	vadd.f32 v5, v7  }
0x125: {  	v7 =	vld [tilespmem:s18+$0x6810];
	[tilespmem:s13+$0x29A0] =	vst v6;
	v4 =	vadd.f32 v4, v9  }
0x126: {  	v9 =	vld [tilespmem:s18+$0x6820];
	[tilespmem:s13+$0x29B0] =	vst v5;
	v3 =	vadd.f32 v3, v10  }
0x127: {  	v10 =	vld [tilespmem:s18+$0x6830];
	[tilespmem:s13+$0x29C0] =	vst v4;
	v2 =	vadd.f32 v2, v11  }
0x128: {  	v11 =	vld [tilespmem:s18+$0x6840];
	[tilespmem:s13+$0x29D0] =	vst v3;
	v1 =	vadd.f32 v1, v8  }
0x129: {  	v8 =	vld [tilespmem:s18+$0x6850];
	[tilespmem:s13+$0x29E0] =	vst v2  }
0x12a: {  	v12 =	vld [tilespmem:s18+$0x6860];
	[tilespmem:s13+$0x29F0] =	vst v1;
	s13 =	smov.u32 s18  }
0x12b: {  	v14 =	vld [tilespmem:s13+$0x6870]  }
0x12c: {  	v15 =	vld [tilespmem:s13+$0x6880]  }
0x12d: {  	v16 =	vld [tilespmem:s13+$0x6890]  }
0x12e: {  	v17 =	vld [tilespmem:s13+$0x68A0]  }
0x12f: {  	v18 =	vld [tilespmem:s13+$0x68B0]  }
0x130: {  	v19 =	vld [tilespmem:s13+$0x68C0]  }
0x131: {  	v20 =	vld [tilespmem:s13+$0x68D0]  }
0x132: {  	v21 =	vld [tilespmem:s13+$0x68E0]  }
0x133: {  	v22 =	vld [tilespmem:s13+$0x68F0]  }
0x134: {  	v23 =	vld [tilespmem:s13+$0x6900]  }
0x135: {  	v24 =	vld [tilespmem:s13+$0x6910]  }
0x136: {  	v25 =	vld [tilespmem:s13+$0x6920]  }
0x137: {  	v26 =	vld [tilespmem:s13+$0x6930]  }
0x138: {  	v27 =	vld [tilespmem:s13+$0x6940]  }
0x139: {  	v28 =	vld [tilespmem:s13+$0x6950]  }
0x13a: {  	v29 =	vld [tilespmem:s13+$0x6960]  }
0x13b: {  	v30 =	vld [tilespmem:s13+$0x6970]  }
0x13c: {  	v31 =	vld [tilespmem:s13+$0x6980]  }
0x13d: {  	v32 =	vld [tilespmem:s13+$0x6990]  }
0x13e: {  	v6 =	vld [tilespmem:s13+$0x69A0]  }
0x13f: {  	v5 =	vld [tilespmem:s13+$0x69B0]  }
0x140: {  	v4 =	vld [tilespmem:s13+$0x69C0]  }
0x141: {  	v3 =	vld [tilespmem:s13+$0x69D0]  }
0x142: {  	v2 =	vld [tilespmem:s13+$0x69E0]  }
0x143: {  	v1 =	vld [tilespmem:s13+$0x69F0]  }
0x144: {  	v33 =	vld [tilespmem:s13+$0x2800]  }
0x145: {  	v34 =	vld [tilespmem:s13+$0x2810]  }
0x146: {  	v35 =	vld [tilespmem:s13+$0x2820]  }
0x147: {  	v36 =	vld [tilespmem:s13+$0x2830]  }
0x148: {  	v37 =	vld [tilespmem:s13+$0x2840]  }
0x149: {  	v13 =	vadd.f32 v13, v33;
	v33 =	vld [tilespmem:s13+$0x2850]  }
0x14a: {  	v7 =	vadd.f32 v7, v34;
	v34 =	vld [tilespmem:s13+$0x2860]  }
0x14b: {  	[tilespmem:s13+$0x2800] =	vst v13;
	v9 =	vadd.f32 v9, v35;
	v13 =	vld [tilespmem:s13+$0x2870]  }
0x14c: {  	[tilespmem:s13+$0x2810] =	vst v7;
	v7 =	vadd.f32 v10, v36;
	v10 =	vld [tilespmem:s13+$0x2880]  }
0x14d: {  	[tilespmem:s13+$0x2820] =	vst v9;
	v9 =	vadd.f32 v11, v37;
	v11 =	vld [tilespmem:s13+$0x2890]  }
0x14e: {  	[tilespmem:s13+$0x2830] =	vst v7;
	v7 =	vadd.f32 v8, v33;
	v8 =	vld [tilespmem:s13+$0x28A0]  }
0x14f: {  	[tilespmem:s13+$0x2840] =	vst v9;
	v9 =	vadd.f32 v12, v34;
	v12 =	vld [tilespmem:s13+$0x28B0]  }
0x150: {  	[tilespmem:s13+$0x2850] =	vst v7;
	v7 =	vadd.f32 v14, v13;
	v13 =	vld [tilespmem:s13+$0x28C0]  }
0x151: {  	[tilespmem:s13+$0x2860] =	vst v9;
	v9 =	vadd.f32 v15, v10;
	v10 =	vld [tilespmem:s13+$0x28D0]  }
0x152: {  	[tilespmem:s13+$0x2870] =	vst v7;
	v7 =	vadd.f32 v16, v11;
	v11 =	vld [tilespmem:s13+$0x28E0]  }
0x153: {  	[tilespmem:s13+$0x2880] =	vst v9;
	v8 =	vadd.f32 v17, v8;
	v9 =	vld [tilespmem:s13+$0x28F0]  }
0x154: {  	[tilespmem:s13+$0x2890] =	vst v7;
	v7 =	vadd.f32 v18, v12;
	v12 =	vld [tilespmem:s13+$0x2900]  }
0x155: {  	[tilespmem:s13+$0x28A0] =	vst v8;
	v8 =	vadd.f32 v19, v13;
	v13 =	vld [tilespmem:s13+$0x2910]  }
0x156: {  	[tilespmem:s13+$0x28B0] =	vst v7;
	v7 =	vadd.f32 v20, v10;
	v10 =	vld [tilespmem:s13+$0x2920]  }
0x157: {  	[tilespmem:s13+$0x28C0] =	vst v8;
	v8 =	vadd.f32 v21, v11;
	v11 =	vld [tilespmem:s13+$0x2930]  }
0x158: {  	[tilespmem:s13+$0x28D0] =	vst v7;
	v7 =	vadd.f32 v22, v9;
	v9 =	vld [tilespmem:s13+$0x2940]  }
0x159: {  	[tilespmem:s13+$0x28E0] =	vst v8;
	v8 =	vadd.f32 v23, v12;
	v12 =	vld [tilespmem:s13+$0x2950]  }
0x15a: {  	[tilespmem:s13+$0x28F0] =	vst v7;
	v7 =	vadd.f32 v24, v13;
	v13 =	vld [tilespmem:s13+$0x2960]  }
0x15b: {  	[tilespmem:s13+$0x2900] =	vst v8;
	v8 =	vadd.f32 v25, v10;
	v10 =	vld [tilespmem:s13+$0x2970]  }
0x15c: {  	[tilespmem:s13+$0x2910] =	vst v7;
	v7 =	vadd.f32 v26, v11;
	v11 =	vld [tilespmem:s13+$0x2980]  }
0x15d: {  	[tilespmem:s13+$0x2920] =	vst v8;
	v9 =	vadd.f32 v27, v9;
	v14 =	vld [tilespmem:s13+$0x2990]  }
.Ltmp2:
0x15e: {  	[tilespmem:s13+$0x2930] =	vst v7;
	v12 =	vadd.f32 v28, v12;
	v8 =	vld [tilespmem:s13+$0x29A0];
	(pc) =	sbr.rel @p0 .LBB2_8-.Ltmp2, $4  }
0x15f: {  	[tilespmem:s13+$0x2940] =	vst v9;
	v13 =	vadd.f32 v29, v13;
	v7 =	vld [tilespmem:s13+$0x29B0]  }
0x160: {  	[tilespmem:s13+$0x2950] =	vst v12;
	v12 =	vadd.f32 v30, v10;
	v9 =	vld [tilespmem:s13+$0x29C0]  }
0x161: {  	[tilespmem:s13+$0x2960] =	vst v13;
	v13 =	vadd.f32 v31, v11;
	v10 =	vld [tilespmem:s13+$0x29D0]  }
0x162: {  	s17 =	sadd.s32 $0x800, s17;
	[tilespmem:s13+$0x2970] =	vst v12;
	v12 =	vadd.f32 v32, v14;
	v11 =	vld [tilespmem:s13+$0x29E0]  }
0x163: {  	[tilespmem:s13+$0x2980] =	vst v13;
	v6 =	vadd.f32 v6, v8;
	v8 =	vld [tilespmem:s13+$0x29F0]  }
0x164: {  	[tilespmem:s13+$0x2990] =	vst v12;
	v5 =	vadd.f32 v5, v7  }
0x165: {  	[tilespmem:s13+$0x29A0] =	vst v6;
	v4 =	vadd.f32 v4, v9  }
0x166: {  	[tilespmem:s13+$0x29B0] =	vst v5;
	v3 =	vadd.f32 v3, v10  }
0x167: {  	[tilespmem:s13+$0x29C0] =	vst v4;
	v2 =	vadd.f32 v2, v11  }
0x168: {  	[tilespmem:s13+$0x29D0] =	vst v3;
	v1 =	vadd.f32 v1, v8  }
0x169: {  	[tilespmem:s13+$0x29E0] =	vst v2  }
0x16a: {  	s18 =	sadd.s32 $0x440, s11;
	[tilespmem:s13+$0x29F0] =	vst v1  }
0x16b: {  	[tilespmem:s25], [sflag:$0x3] =	stream.indirect.gather [hbm4b:s6+s22], $0x80, s18, s22, $0xb8;
	[tilespmem:$0x1C400] =	vst v63  }
0x16c: {  	_ =	swait.ge [sflag:s29], $0x2000  }
0x16d: {  	[sflag:s29] =	ssyncset.done $0x0  }
0x16e: {  	s13 =	simm.s32 $0x0;
	[sflag:s29] =	ssyncadd.s32 $0xFFFFE000  }
0x16f: {  	v1 =	vld [tilespmem:s13+$0x800]  }
0x170: {  	v2 =	vld [tilespmem:s13+$0x810]  }
0x171: {  	v3 =	vld [tilespmem:s13+$0x820]  }
0x172: {  	v4 =	vld [tilespmem:s13+$0x830]  }
0x173: {  	v5 =	vld [tilespmem:s13+$0x4800]  }
0x174: {  	v6 =	vld [tilespmem:s13+$0x4810]  }
0x175: {  	v7 =	vld [tilespmem:s13+$0x840]  }
0x176: {  	v8 =	vld [tilespmem:s13+$0x850]  }
0x177: {  	v9 =	vld [tilespmem:s13+$0x4820]  }
0x178: {  	v10 =	vld [tilespmem:s13+$0x4830]  }
0x179: {  	v11 =	vld [tilespmem:s13+$0x860]  }
0x17a: {  	v13 =	vld [tilespmem:s13+$0x4860]  }
0x17b: {  	v20 =	vadd.f32 v5, v1;
	v1 =	vld [tilespmem:s13+$0x870]  }
0x17c: {  	v17 =	vadd.f32 v6, v2;
	v2 =	vld [tilespmem:s13+$0x4840]  }
0x17d: {  	v6 =	vld [tilespmem:s13+$0x4850]  }
0x17e: {  	v19 =	vadd.f32 v9, v3;
	v3 =	vld [tilespmem:s13+$0x4870];
	v5 =	vsub.f32 $0.0e+00, v20  }
0x17f: {  	v12 =	vsub.f32 $0.0e+00, v17  }
0x180: {  	v18 =	vadd.f32 v10, v4;
	v14 =	vadd.f32 v13, v11;
	v5 =	vmul.f32 $1.442695020e+00, v5  }
0x181: {  	v4 =	vsub.f32 $0.0e+00, v19;
	v9 =	vmul.f32 $1.442695020e+00, v12;
	v16 =	vadd.f32 v2, v7  }
0x182: {  	v2 =	vsub.f32 $0.0e+00, v18;
	v15 =	vadd.f32 v6, v8;
	(erf) = vpow2.f32 v5  }
0x183: {  	v4 =	vmul.f32 $1.442695020e+00, v4;
	v13 =	vadd.f32 v3, v1;
	v5 =	vsub.f32 $0.0e+00, v16  }
0x184: {  	(erf) = vpow2.f32 v9;
	v2 =	vmul.f32 $1.442695020e+00, v2;
	v6 =	vsub.f32 $0.0e+00, v15  }
0x185: {  	(erf) = vpow2.f32 v4;
	v3 =	vmul.f32 $1.442695020e+00, v5;
	v5 =	vsub.f32 $0.0e+00, v14  }
0x186: {  	v4 =	vmul.f32 $1.442695020e+00, v6  }
0x187: {  	v21 =	vld [tilespmem:s13+$0x8F0];
	v6 =	vsub.f32 $0.0e+00, v13;
	(erf) = vpow2.f32 v2;
	v2 =	vmul.f32 $1.442695020e+00, v5  }
0x188: {  	v22 =	vld [tilespmem:s13+$0x900]  }
0x189: {  	v23 =	vld [tilespmem:s13+$0x910];
	(erf) = vpow2.f32 v3;
	v3 =	vmul.f32 $1.442695020e+00, v6  }
0x18a: {  	v24 =	vld [tilespmem:s13+$0x48A0];
	(erf) = vpow2.f32 v4  }
0x18b: {  	v25 =	vld [tilespmem:s13+$0x48B0];
	(erf) = vpow2.f32 v2;
	v2 =	vpop (erf)  }
0x18c: {  	v12 =	vld [tilespmem:s13+$0x4890];
	v2 =	vadd.f32 $1.000000000e+00, v2  }
0x18d: {  	v1 =	vld [tilespmem:s13+$0x880];
	(erf) = vpow2.f32 v3;
	v3 =	vpop (erf)  }
0x18e: {  	v7 =	vld [tilespmem:s13+$0x890];
	v3 =	vadd.f32 $1.000000000e+00, v3;
	v6 =	vpop (erf)  }
0x18f: {  	v4 =	vld [tilespmem:s13+$0x4880];
	v6 =	vadd.f32 $1.000000000e+00, v6  }
0x190: {  	v8 =	vld [tilespmem:s13+$0x8A0];
	(erf) = vrcp.f32 v2;
	v2 =	vpop (erf)  }
0x191: {  	v27 =	vld [tilespmem:s13+$0x48C0];
	v2 =	vadd.f32 $1.000000000e+00, v2  }
0x192: {  	v10 =	vld [tilespmem:s13+$0x8D0];
	(erf) = vrcp.f32 v3;
	v3 =	vpop (erf)  }
0x193: {  	v7 =	vadd.f32 v12, v7;
	v5 =	vld [tilespmem:s13+$0x8B0];
	(erf) = vrcp.f32 v6;
	v3 =	vadd.f32 $1.000000000e+00, v3;
	v6 =	vpop (erf)  }
0x194: {  	v26 =	vadd.f32 $1.000000000e+00, v6;
	v6 =	vadd.f32 v4, v1;
	v1 =	vld [tilespmem:s13+$0x48D0]  }
0x195: {  	v9 =	vld [tilespmem:s13+$0x8C0];
	(erf) = vrcp.f32 v2;
	v4 =	vadd.f32 v24, v8;
	v8 =	vsub.f32 $0.0e+00, v7;
	v2 =	vpop (erf)  }
0x196: {  	v29 =	vld [tilespmem:s13+$0x4910];
	(erf) = vrcp.f32 v3;
	v2 =	vadd.f32 $1.000000000e+00, v2  }
0x197: {  	v11 =	vld [tilespmem:s13+$0x8E0];
	(erf) = vrcp.f32 v26;
	v12 =	vsub.f32 $0.0e+00, v6;
	v8 =	vmul.f32 $1.442695020e+00, v8;
	v3 =	vpop (erf)  }
0x198: {  	v3 =	vadd.f32 $1.000000000e+00, v3;
	(erf) = vrcp.f32 v2;
	v2 =	vadd.f32 v25, v5;
	v5 =	vld [tilespmem:s13+$0x48E0]  }
0x199: {  	v12 =	vmul.f32 $1.442695020e+00, v12;
	v25 =	vsub.f32 $0.0e+00, v4;
	v1 =	vadd.f32 v1, v10;
	v10 =	vld [tilespmem:s13+$0x4900]  }
0x19a: {  	(erf) = vrcp.f32 v3;
	v3 =	vadd.f32 v27, v9;
	v9 =	vld [tilespmem:s13+$0x48F0];
	v26 =	vsub.f32 $0.0e+00, v2  }
0x19b: {  	v28 =	vld [tilespmem:s13+$0x920];
	v25 =	vmul.f32 $1.442695020e+00, v25;
	(erf) = vpow2.f32 v12  }
0x19c: {  	v31 =	vld [tilespmem:s13+$0x4920];
	v27 =	vsub.f32 $0.0e+00, v3;
	(erf) = vpow2.f32 v8;
	v26 =	vmul.f32 $1.442695020e+00, v26  }
0x19d: {  	v30 =	vsub.f32 $0.0e+00, v1;
	(erf) = vpow2.f32 v25  }
0x19e: {  	v24 =	vld [tilespmem:s13+$0x930];
	v8 =	vmul.f32 $1.442695020e+00, v27;
	v12 =	vadd.f32 v5, v11;
	v10 =	vadd.f32 v10, v22  }
0x19f: {  	v5 =	vld [tilespmem:s13+$0x4930];
	v27 =	vmul.f32 $1.442695020e+00, v30;
	v25 =	vpop (erf);
	v11 =	vadd.f32 v9, v21;
	v9 =	vadd.f32 v29, v23  }
0x1a0: {  	(erf) = vpow2.f32 v26;
	v21 =	vsub.f32 $0.0e+00, v12;
	v23 =	vsub.f32 $0.0e+00, v10;
	v26 =	vpop (erf)  }
0x1a1: {  	(erf) = vpow2.f32 v8;
	v8 =	vadd.f32 v31, v28;
	v22 =	vsub.f32 $0.0e+00, v11;
	v30 =	vpop (erf)  }
0x1a2: {  	(erf) = vpow2.f32 v27;
	v21 =	vmul.f32 $1.442695020e+00, v21;
	v27 =	vsub.f32 $0.0e+00, v9;
	v32 =	vpop (erf)  }
0x1a3: {  	v23 =	vmul.f32 $1.442695020e+00, v23;
	v28 =	vsub.f32 $0.0e+00, v8;
	v22 =	vmul.f32 $1.442695020e+00, v22;
	v31 =	vpop (erf)  }
0x1a4: {  	v5 =	vadd.f32 v5, v24;
	v24 =	vpop (erf);
	(erf) = vpow2.f32 v21;
	v21 =	vmul.f32 $1.442695020e+00, v27  }
0x1a5: {  	v35 =	vpop (erf);
	(erf) = vpow2.f32 v22;
	v22 =	vmul.f32 $1.442695020e+00, v28  }
0x1a6: {  	v27 =	vsub.f32 $0.0e+00, v5;
	v37 =	vpop (erf)  }
0x1a7: {  	(erf) = vpow2.f32 v23;
	v23 =	vpop (erf)  }
0x1a8: {  	v33 =	vld [tilespmem:s13+$0x940];
	v28 =	vmul.f32 $1.442695020e+00, v27;
	(erf) = vpow2.f32 v21;
	v21 =	vpop (erf)  }
0x1a9: {  	v34 =	vld [tilespmem:s13+$0x950];
	v23 =	vadd.f32 $1.000000000e+00, v23;
	(erf) = vpow2.f32 v22;
	v22 =	vpop (erf)  }
0x1aa: {  	v36 =	vld [tilespmem:s13+$0x960];
	v40 =	vadd.f32 $1.000000000e+00, v21;
	(erf) = vpow2.f32 v28;
	v21 =	vmul.f32 v25, v20;
	v29 =	vpop (erf)  }
0x1ab: {  	v38 =	vld [tilespmem:s13+$0x970];
	v20 =	vadd.f32 $1.000000000e+00, v22;
	v22 =	vmul.f32 v26, v17;
	v25 =	vpop (erf);
	v17 =	vadd.f32 $1.000000000e+00, v29  }
0x1ac: {  	v39 =	vld [tilespmem:s13+$0x980];
	(erf) = vrcp.f32 v23;
	v23 =	vmul.f32 v30, v19;
	v26 =	vpop (erf);
	v25 =	vadd.f32 $1.000000000e+00, v25  }
0x1ad: {  	v42 =	vld [tilespmem:s13+$0x990];
	v19 =	vmul.f32 v32, v18;
	(erf) = vrcp.f32 v40;
	v18 =	vadd.f32 $1.000000000e+00, v26  }
0x1ae: {  	v60 =	vld [tilespmem:s13+$0x4940];
	(erf) = vrcp.f32 v20  }
0x1af: {  	v61 =	vld [tilespmem:s13+$0x4980];
	(erf) = vrcp.f32 v17;
	v17 =	vpop (erf)  }
0x1b0: {  	v44 =	vld [tilespmem:s13+$0x4990];
	v20 =	vmul.f32 v31, v16;
	(erf) = vrcp.f32 v25;
	v16 =	vadd.f32 $1.000000000e+00, v17;
	v25 =	vpop (erf)  }
0x1b1: {  	v41 =	vld [tilespmem:s13+$0x9F0];
	v24 =	vmul.f32 v24, v15;
	(erf) = vrcp.f32 v18;
	v18 =	vpop (erf)  }
0x1b2: {  	v17 =	vld [tilespmem:s13+$0x4950];
	v15 =	vadd.f32 $1.000000000e+00, v25;
	v25 =	vmul.f32 v35, v14;
	v14 =	vadd.f32 $1.000000000e+00, v18  }
0x1b3: {  	v31 =	vld [tilespmem:s13+$0x4960]  }
0x1b4: {  	v27 =	vld [tilespmem:s13+$0x9A0];
	(erf) = vrcp.f32 v16;
	v16 =	vpop (erf)  }
0x1b5: {  	v26 =	vmul.f32 v37, v13;
	v18 =	vld [tilespmem:s13+$0x4970];
	(erf) = vrcp.f32 v15;
	v16 =	vadd.f32 $1.000000000e+00, v16;
	v13 =	vpop (erf)  }
0x1b6: {  	v28 =	vld [tilespmem:s13+$0x9B0];
	(erf) = vrcp.f32 v14;
	v43 =	vadd.f32 $1.000000000e+00, v13;
	v13 =	vadd.f32 v60, v33;
	v14 =	vpop (erf)  }
0x1b7: {  	v30 =	vld [tilespmem:s13+$0x9D0];
	v62 =	vadd.f32 $1.000000000e+00, v14;
	v14 =	vadd.f32 v17, v34  }
0x1b8: {  	v32 =	vld [tilespmem:s13+$0x49B0];
	v15 =	vadd.f32 v31, v36;
	v35 =	vpop (erf);
	(erf) = vrcp.f32 v16  }
0x1b9: {  	v29 =	vld [tilespmem:s13+$0x9C0];
	v17 =	vsub.f32 $0.0e+00, v13;
	v36 =	vpop (erf);
	(erf) = vrcp.f32 v43;
	v34 =	vsub.f32 $0.0e+00, v14  }
0x1ba: {  	v31 =	vld [tilespmem:s13+$0x49A0];
	v16 =	vadd.f32 v18, v38;
	v33 =	vpop (erf);
	(erf) = vrcp.f32 v62  }
0x1bb: {  	v40 =	vld [tilespmem:s13+$0x9E0];
	v45 =	vsub.f32 $0.0e+00, v15;
	v46 =	vmul.f32 $1.442695020e+00, v17;
	v17 =	vadd.f32 v61, v39;
	v37 =	vpop (erf)  }
0x1bc: {  	v18 =	vadd.f32 v44, v42;
	v43 =	vld [tilespmem:s13+$0x49C0];
	v63 =	vsub.f32 $0.0e+00, v16;
	v49 =	vmul.f32 $1.442695020e+00, v34;
	v38 =	vpop (erf)  }
0x1bd: {  	v45 =	vmul.f32 $1.442695020e+00, v45;
	v44 =	vld [tilespmem:s13+$0x49D0];
	v47 =	vsub.f32 $0.0e+00, v17;
	v34 =	vpop (erf);
	(erf) = vpow2.f32 v46  }
0x1be: {  	s17 =	simm.s32 $0x800;
	v42 =	vld [tilespmem:s13+$0x49E0];
	v48 =	vsub.f32 $0.0e+00, v18;
	v46 =	vmul.f32 $1.442695020e+00, v63;
	v39 =	vpop (erf);
	(erf) = vpow2.f32 v49  }
.LBB2_10:
0x1bf: {  	p0 =	sne.s32 s17, $0x7800;
	v47 =	vmul.f32 $1.442695020e+00, v47;
	v31 =	vadd.f32 v31, v27;
	v49 =	vld [tilespmem:s13+$0x49F0];
	v50 =	vpop (erf);
	(erf) = vpow2.f32 v45  }
0x1c0: {  	v45 =	vmul.f32 $1.442695020e+00, v48;
	v32 =	vadd.f32 v32, v28;
	v48 =	vpop (erf);
	(erf) = vpow2.f32 v46  }
0x1c1: {  	v46 =	vsub.f32 $0.0e+00, v31;
	v28 =	vadd.f32 v43, v29;
	v43 =	vpop (erf);
	(erf) = vpow2.f32 v47  }
0x1c2: {  	v47 =	vsub.f32 $0.0e+00, v32;
	v27 =	vadd.f32 v44, v30;
	v30 =	vpop (erf);
	(erf) = vpow2.f32 v45  }
0x1c3: {  	[tilespmem:s13+$0x4800] =	vst v21;
	v46 =	vmul.f32 $1.442695020e+00, v46;
	v45 =	vsub.f32 $0.0e+00, v28;
	v29 =	vadd.f32 v42, v40;
	v40 =	vpop (erf)  }
0x1c4: {  	[tilespmem:s13+$0x4810] =	vst v22;
	v47 =	vmul.f32 $1.442695020e+00, v47;
	v42 =	vsub.f32 $0.0e+00, v27;
	v21 =	vadd.f32 v49, v41  }
0x1c5: {  	[tilespmem:s13+$0x4820] =	vst v23;
	v23 =	vmul.f32 $1.442695020e+00, v45;
	v41 =	vsub.f32 $0.0e+00, v29;
	(erf) = vpow2.f32 v46  }
0x1c6: {  	[tilespmem:s13+$0x4830] =	vst v19;
	v19 =	vmul.f32 $1.442695020e+00, v42;
	v42 =	vsub.f32 $0.0e+00, v21;
	v44 =	vpop (erf);
	(erf) = vpow2.f32 v47  }
0x1c7: {  	[tilespmem:s13+$0x4840] =	vst v20;
	v20 =	vmul.f32 $1.442695020e+00, v41;
	v22 =	vpop (erf);
	(erf) = vpow2.f32 v23  }
0x1c8: {  	[tilespmem:s13+$0x4850] =	vst v24;
	v23 =	vmul.f32 $1.442695020e+00, v42;
	v24 =	vpop (erf);
	(erf) = vpow2.f32 v19  }
0x1c9: {  	v6 =	vmul.f32 v35, v6;
	v35 =	vadd.f32 $1.000000000e+00, v44;
	[tilespmem:s13+$0x4860] =	vst v25;
	v25 =	vpop (erf);
	(erf) = vpow2.f32 v20  }
0x1ca: {  	v7 =	vmul.f32 v36, v7;
	v20 =	vadd.f32 $1.000000000e+00, v22;
	[tilespmem:s13+$0x4870] =	vst v26;
	v22 =	vpop (erf);
	(erf) = vpow2.f32 v23  }
0x1cb: {  	s18 =	sshra.s32 s17, $0x2;
	v4 =	vmul.f32 v33, v4;
	[tilespmem:s13+$0x4880] =	vst v6;
	v6 =	vadd.f32 $1.000000000e+00, v24;
	(erf) = vrcp.f32 v35;
	v19 =	vpop (erf)  }
0x1cc: {  	v2 =	vmul.f32 v37, v2;
	v24 =	vadd.f32 $1.000000000e+00, v25;
	v23 =	vld [tilespmem:s18+$0x800];
	[tilespmem:s13+$0x4890] =	vst v7;
	(erf) = vrcp.f32 v20  }
0x1cd: {  	v3 =	vmul.f32 v38, v3;
	v25 =	vadd.f32 $1.000000000e+00, v22;
	v20 =	vld [tilespmem:s18+$0x810];
	[tilespmem:s13+$0x48A0] =	vst v4;
	(erf) = vrcp.f32 v6  }
0x1ce: {  	v1 =	vmul.f32 v34, v1;
	v19 =	vadd.f32 $1.000000000e+00, v19;
	v6 =	vld [tilespmem:s18+$0x820];
	[tilespmem:s13+$0x48B0] =	vst v2;
	(erf) = vrcp.f32 v24;
	v7 =	vpop (erf)  }
0x1cf: {  	v22 =	vld [tilespmem:s18+$0x830];
	[tilespmem:s13+$0x48C0] =	vst v3;
	v3 =	vmul.f32 v39, v12;
	v24 =	vadd.f32 $1.000000000e+00, v7;
	(erf) = vrcp.f32 v25;
	v4 =	vpop (erf)  }
0x1d0: {  	v12 =	vld [tilespmem:s18+$0x4800];
	[tilespmem:s13+$0x48D0] =	vst v1;
	v1 =	vmul.f32 v50, v11;
	v25 =	vadd.f32 $1.000000000e+00, v4;
	(erf) = vrcp.f32 v19;
	v2 =	vpop (erf)  }
0x1d1: {  	v11 =	vld [tilespmem:s18+$0x4810];
	[tilespmem:s13+$0x48E0] =	vst v3;
	v3 =	vmul.f32 v48, v10;
	v19 =	vadd.f32 $1.000000000e+00, v2;
	(erf) = vrcp.f32 v24;
	v7 =	vpop (erf)  }
0x1d2: {  	v10 =	vld [tilespmem:s18+$0x840];
	[tilespmem:s13+$0x48F0] =	vst v1;
	v1 =	vmul.f32 v43, v9;
	v7 =	vadd.f32 $1.000000000e+00, v7;
	(erf) = vrcp.f32 v25;
	v4 =	vpop (erf)  }
0x1d3: {  	v9 =	vld [tilespmem:s18+$0x850];
	[tilespmem:s13+$0x4900] =	vst v3;
	v3 =	vmul.f32 v30, v8;
	v4 =	vadd.f32 $1.000000000e+00, v4;
	(erf) = vrcp.f32 v19;
	v2 =	vpop (erf)  }
0x1d4: {  	v8 =	vld [tilespmem:s18+$0x4820];
	[tilespmem:s13+$0x4910] =	vst v1;
	v1 =	vmul.f32 v40, v5;
	v2 =	vadd.f32 $1.000000000e+00, v2;
	v5 =	vpop (erf);
	(erf) = vrcp.f32 v7  }
0x1d5: {  	v19 =	vadd.f32 v12, v23;
	v7 =	vld [tilespmem:s18+$0x4830];
	[tilespmem:s13+$0x4920] =	vst v3;
	v3 =	vmul.f32 v5, v13;
	v5 =	vpop (erf);
	(erf) = vrcp.f32 v4  }
0x1d6: {  	v13 =	vadd.f32 v11, v20;
	v4 =	vld [tilespmem:s18+$0x860];
	[tilespmem:s13+$0x4930] =	vst v1;
	v1 =	vmul.f32 v5, v14;
	v5 =	vpop (erf);
	(erf) = vrcp.f32 v2  }
0x1d7: {  	v2 =	vsub.f32 $0.0e+00, v19;
	v11 =	vld [tilespmem:s18+$0x870];
	[tilespmem:s13+$0x4940] =	vst v3;
	v3 =	vmul.f32 v5, v15;
	v5 =	vpop (erf)  }
0x1d8: {  	v12 =	vsub.f32 $0.0e+00, v13;
	v20 =	vld [tilespmem:s18+$0x4840];
	[tilespmem:s13+$0x4950] =	vst v1;
	v1 =	vmul.f32 v5, v16;
	v5 =	vpop (erf)  }
0x1d9: {  	v2 =	vmul.f32 $1.442695020e+00, v2;
	v14 =	vadd.f32 v8, v6;
	v6 =	vld [tilespmem:s18+$0x4850];
	[tilespmem:s13+$0x4960] =	vst v3;
	v16 =	vmul.f32 v5, v17;
	v5 =	vpop (erf)  }
0x1da: {  	v8 =	vmul.f32 $1.442695020e+00, v12;
	v15 =	vadd.f32 v7, v22;
	v7 =	vld [tilespmem:s18+$0x4860];
	[tilespmem:s13+$0x4970] =	vst v1;
	v1 =	vmul.f32 v5, v18;
	v5 =	vpop (erf)  }
0x1db: {  	v12 =	vsub.f32 $0.0e+00, v14;
	v22 =	vld [tilespmem:s18+$0x4870];
	(erf) = vpow2.f32 v2;
	[tilespmem:s13+$0x4980] =	vst v16;
	v2 =	vmul.f32 v5, v31;
	v3 =	vpop (erf)  }
0x1dc: {  	v5 =	vsub.f32 $0.0e+00, v15;
	(erf) = vpow2.f32 v8;
	[tilespmem:s13+$0x4990] =	vst v1;
	v1 =	vmul.f32 v3, v32;
	v3 =	vpop (erf)  }
0x1dd: {  	v8 =	vmul.f32 $1.442695020e+00, v12;
	v16 =	vadd.f32 v20, v10;
	[tilespmem:s13+$0x49A0] =	vst v2;
	v2 =	vmul.f32 v3, v28;
	v3 =	vpop (erf)  }
0x1de: {  	v5 =	vmul.f32 $1.442695020e+00, v5;
	v17 =	vadd.f32 v6, v9;
	[tilespmem:s13+$0x49B0] =	vst v1;
	v1 =	vmul.f32 v3, v27;
	v3 =	vpop (erf)  }
0x1df: {  	v6 =	vsub.f32 $0.0e+00, v16;
	v18 =	vadd.f32 v7, v4;
	[tilespmem:s13+$0x49C0] =	vst v2;
	v2 =	vmul.f32 v3, v29;
	v3 =	vpop (erf)  }
0x1e0: {  	v4 =	vsub.f32 $0.0e+00, v17;
	v26 =	vadd.f32 v22, v11;
	v7 =	vld [tilespmem:s18+$0x880];
	[tilespmem:s13+$0x49D0] =	vst v1;
	v1 =	vmul.f32 v3, v21  }
0x1e1: {  	v3 =	vmul.f32 $1.442695020e+00, v6;
	v6 =	vsub.f32 $0.0e+00, v18;
	v9 =	vld [tilespmem:s18+$0x890];
	(erf) = vpow2.f32 v8;
	[tilespmem:s13+$0x49E0] =	vst v2  }
0x1e2: {  	v12 =	vmul.f32 $1.442695020e+00, v4;
	v11 =	vsub.f32 $0.0e+00, v26;
	v8 =	vld [tilespmem:s18+$0x8A0];
	(erf) = vpow2.f32 v5;
	[tilespmem:s13+$0x49F0] =	vst v1;
	s13 =	smov.u32 s18  }
0x1e3: {  	v1 =	vmul.f32 $1.442695020e+00, v6;
	v5 =	vld [tilespmem:s13+$0x8B0];
	(erf) = vpow2.f32 v3  }
0x1e4: {  	v3 =	vmul.f32 $1.442695020e+00, v11;
	v10 =	vld [tilespmem:s13+$0x8C0];
	v4 =	vpop (erf);
	(erf) = vpow2.f32 v12  }
0x1e5: {  	v11 =	vld [tilespmem:s13+$0x8D0];
	v2 =	vpop (erf);
	(erf) = vpow2.f32 v1  }
0x1e6: {  	v12 =	vld [tilespmem:s13+$0x8E0];
	(erf) = vpow2.f32 v3  }
0x1e7: {  	v20 =	vld [tilespmem:s13+$0x8F0]  }
0x1e8: {  	v21 =	vld [tilespmem:s13+$0x900]  }
0x1e9: {  	v6 =	vadd.f32 $1.000000000e+00, v4;
	v22 =	vld [tilespmem:s13+$0x910]  }
0x1ea: {  	v25 =	vadd.f32 $1.000000000e+00, v2;
	v3 =	vld [tilespmem:s13+$0x4880];
	v4 =	vpop (erf)  }
0x1eb: {  	v27 =	vadd.f32 $1.000000000e+00, v4;
	v23 =	vld [tilespmem:s13+$0x4890];
	(erf) = vrcp.f32 v6;
	v1 =	vpop (erf)  }
0x1ec: {  	v6 =	vadd.f32 $1.000000000e+00, v1;
	v24 =	vld [tilespmem:s13+$0x48A0];
	(erf) = vrcp.f32 v25;
	v2 =	vpop (erf)  }
0x1ed: {  	v29 =	vadd.f32 $1.000000000e+00, v2;
	v25 =	vld [tilespmem:s13+$0x48B0];
	(erf) = vrcp.f32 v27;
	v4 =	vpop (erf)  }
0x1ee: {  	v4 =	vadd.f32 $1.000000000e+00, v4;
	v27 =	vld [tilespmem:s13+$0x48C0];
	(erf) = vrcp.f32 v6;
	v1 =	vpop (erf)  }
0x1ef: {  	v1 =	vadd.f32 $1.000000000e+00, v1;
	v6 =	vadd.f32 v3, v7;
	v28 =	vld [tilespmem:s13+$0x48D0];
	(erf) = vrcp.f32 v29;
	v2 =	vpop (erf)  }
0x1f0: {  	v3 =	vadd.f32 $1.000000000e+00, v2;
	v7 =	vadd.f32 v23, v9;
	v23 =	vld [tilespmem:s13+$0x920];
	(erf) = vrcp.f32 v4  }
0x1f1: {  	v9 =	vsub.f32 $0.0e+00, v6;
	v4 =	vadd.f32 v24, v8;
	v24 =	vld [tilespmem:s13+$0x930];
	(erf) = vrcp.f32 v1  }
0x1f2: {  	v1 =	vsub.f32 $0.0e+00, v7;
	v2 =	vadd.f32 v25, v5;
	v5 =	vld [tilespmem:s13+$0x48E0];
	(erf) = vrcp.f32 v3  }
0x1f3: {  	v8 =	vmul.f32 $1.442695020e+00, v9;
	v9 =	vsub.f32 $0.0e+00, v4;
	v3 =	vadd.f32 v27, v10;
	v10 =	vld [tilespmem:s13+$0x48F0]  }
0x1f4: {  	v25 =	vmul.f32 $1.442695020e+00, v1;
	v27 =	vsub.f32 $0.0e+00, v2;
	v1 =	vadd.f32 v28, v11;
	v28 =	vld [tilespmem:s13+$0x4900];
	v29 =	vpop (erf)  }
0x1f5: {  	v9 =	vmul.f32 $1.442695020e+00, v9;
	v11 =	vsub.f32 $0.0e+00, v3;
	v30 =	vld [tilespmem:s13+$0x4910];
	v31 =	vpop (erf);
	(erf) = vpow2.f32 v8  }
0x1f6: {  	v8 =	vmul.f32 $1.442695020e+00, v27;
	v27 =	vsub.f32 $0.0e+00, v1;
	v32 =	vld [tilespmem:s13+$0x4920];
	v33 =	vpop (erf);
	(erf) = vpow2.f32 v25  }
0x1f7: {  	v36 =	vmul.f32 $1.442695020e+00, v11;
	v12 =	vadd.f32 v5, v12;
	v5 =	vld [tilespmem:s13+$0x4930];
	v34 =	vpop (erf);
	(erf) = vpow2.f32 v9  }
0x1f8: {  	v27 =	vmul.f32 $1.442695020e+00, v27;
	v11 =	vadd.f32 v10, v20;
	v20 =	vpop (erf);
	(erf) = vpow2.f32 v8  }
0x1f9: {  	v8 =	vsub.f32 $0.0e+00, v12;
	v10 =	vadd.f32 v28, v21;
	v35 =	vpop (erf);
	(erf) = vpow2.f32 v36  }
0x1fa: {  	v21 =	vsub.f32 $0.0e+00, v11;
	v9 =	vadd.f32 v30, v22;
	v25 =	vpop (erf);
	(erf) = vpow2.f32 v27  }
0x1fb: {  	v22 =	vmul.f32 $1.442695020e+00, v8;
	v27 =	vsub.f32 $0.0e+00, v10;
	v8 =	vadd.f32 v32, v23;
	v32 =	vpop (erf)  }
0x1fc: {  	v21 =	vmul.f32 $1.442695020e+00, v21;
	v23 =	vsub.f32 $0.0e+00, v9;
	v5 =	vadd.f32 v5, v24;
	v36 =	vld [tilespmem:s13+$0x940]  }
0x1fd: {  	v40 =	vmul.f32 $1.442695020e+00, v27;
	v30 =	vsub.f32 $0.0e+00, v8;
	v37 =	vld [tilespmem:s13+$0x950];
	(erf) = vpow2.f32 v22  }
0x1fe: {  	v22 =	vmul.f32 $1.442695020e+00, v23;
	v23 =	vsub.f32 $0.0e+00, v5;
	v38 =	vld [tilespmem:s13+$0x960];
	v28 =	vpop (erf);
	(erf) = vpow2.f32 v21  }
0x1ff: {  	v21 =	vmul.f32 $1.442695020e+00, v30;
	v39 =	vld [tilespmem:s13+$0x970];
	v27 =	vpop (erf);
	(erf) = vpow2.f32 v40  }
0x200: {  	v23 =	vmul.f32 $1.442695020e+00, v23;
	v42 =	vld [tilespmem:s13+$0x980];
	v24 =	vpop (erf);
	(erf) = vpow2.f32 v22  }
0x201: {  	v22 =	vadd.f32 $1.000000000e+00, v28;
	v43 =	vld [tilespmem:s13+$0x990];
	v30 =	vpop (erf);
	(erf) = vpow2.f32 v21  }
0x202: {  	v40 =	vadd.f32 $1.000000000e+00, v27;
	v27 =	vld [tilespmem:s13+$0x9A0];
	v41 =	vpop (erf);
	(erf) = vpow2.f32 v23  }
0x203: {  	v21 =	vmul.f32 v29, v19;
	v19 =	vadd.f32 $1.000000000e+00, v24;
	v28 =	vld [tilespmem:s13+$0x9B0];
	(erf) = vrcp.f32 v22;
	v24 =	vpop (erf)  }
0x204: {  	v44 =	vadd.f32 $1.000000000e+00, v30;
	v22 =	vmul.f32 v31, v13;
	v29 =	vld [tilespmem:s13+$0x9C0];
	(erf) = vrcp.f32 v40  }
0x205: {  	v23 =	vmul.f32 v33, v14;
	v33 =	vadd.f32 $1.000000000e+00, v41;
	v30 =	vld [tilespmem:s13+$0x9D0];
	(erf) = vrcp.f32 v19  }
0x206: {  	v19 =	vmul.f32 v34, v15;
	v34 =	vadd.f32 $1.000000000e+00, v24;
	v31 =	vld [tilespmem:s13+$0x4940];
	(erf) = vrcp.f32 v44;
	v13 =	vpop (erf)  }
0x207: {  	v20 =	vmul.f32 v20, v16;
	v40 =	vadd.f32 $1.000000000e+00, v13;
	v16 =	vld [tilespmem:s13+$0x4950];
	(erf) = vrcp.f32 v33;
	v14 =	vpop (erf)  }
0x208: {  	v24 =	vmul.f32 v35, v17;
	v35 =	vadd.f32 $1.000000000e+00, v14;
	v17 =	vld [tilespmem:s13+$0x4960];
	(erf) = vrcp.f32 v34;
	v15 =	vpop (erf)  }
0x209: {  	v25 =	vmul.f32 v25, v18;
	v15 =	vadd.f32 $1.000000000e+00, v15;
	v18 =	vld [tilespmem:s13+$0x4970];
	(erf) = vrcp.f32 v40;
	v13 =	vpop (erf)  }
0x20a: {  	v26 =	vmul.f32 v32, v26;
	v32 =	vadd.f32 $1.000000000e+00, v13;
	v34 =	vld [tilespmem:s13+$0x4980];
	(erf) = vrcp.f32 v35;
	v13 =	vpop (erf)  }
0x20b: {  	v46 =	vadd.f32 $1.000000000e+00, v13;
	v13 =	vadd.f32 v31, v36;
	v44 =	vld [tilespmem:s13+$0x4990];
	(erf) = vrcp.f32 v15;
	v14 =	vpop (erf)  }
0x20c: {  	v45 =	vadd.f32 $1.000000000e+00, v14;
	v14 =	vadd.f32 v16, v37;
	v40 =	vld [tilespmem:s13+$0x9E0];
	v35 =	vpop (erf);
	(erf) = vrcp.f32 v32  }
0x20d: {  	v32 =	vsub.f32 $0.0e+00, v13;
	v15 =	vadd.f32 v17, v38;
	v41 =	vld [tilespmem:s13+$0x9F0];
	v36 =	vpop (erf);
	(erf) = vrcp.f32 v46  }
.Ltmp3:
0x20e: {  	v46 =	vsub.f32 $0.0e+00, v14;
	v16 =	vadd.f32 v18, v39;
	v31 =	vld [tilespmem:s13+$0x49A0];
	v33 =	vpop (erf);
	(erf) = vrcp.f32 v45;
	(pc) =	sbr.rel @p0 .LBB2_10-.Ltmp3, $4  }
0x20f: {  	v50 =	vmul.f32 $1.442695020e+00, v32;
	v45 =	vsub.f32 $0.0e+00, v15;
	v17 =	vadd.f32 v34, v42;
	v32 =	vld [tilespmem:s13+$0x49B0];
	v37 =	vpop (erf)  }
0x210: {  	v49 =	vmul.f32 $1.442695020e+00, v46;
	v42 =	vsub.f32 $0.0e+00, v16;
	v18 =	vadd.f32 v44, v43;
	v43 =	vld [tilespmem:s13+$0x49C0];
	v38 =	vpop (erf)  }
0x211: {  	v45 =	vmul.f32 $1.442695020e+00, v45;
	v47 =	vsub.f32 $0.0e+00, v17;
	v44 =	vld [tilespmem:s13+$0x49D0];
	v34 =	vpop (erf);
	(erf) = vpow2.f32 v50  }
0x212: {  	s17 =	sadd.s32 $0x800, s17;
	v46 =	vmul.f32 $1.442695020e+00, v42;
	v48 =	vsub.f32 $0.0e+00, v18;
	v42 =	vld [tilespmem:s13+$0x49E0];
	v39 =	vpop (erf);
	(erf) = vpow2.f32 v49  }
0x213: {  	v27 =	vadd.f32 v31, v27  }
0x214: {  	v47 =	vmul.f32 $1.442695020e+00, v47;
	v31 =	vld [tilespmem:s13+$0x49F0];
	v28 =	vadd.f32 v32, v28  }
0x215: {  	(erf) = vpow2.f32 v45;
	v56 =	vsub.f32 $0.0e+00, v27;
	v29 =	vadd.f32 v43, v29  }
0x216: {  	v55 =	vmul.f32 $1.442695020e+00, v48;
	v57 =	vsub.f32 $0.0e+00, v28;
	v30 =	vadd.f32 v44, v30  }
0x217: {  	[tilespmem:s13+$0x4800] =	vst v21;
	(erf) = vpow2.f32 v46;
	v21 =	vmul.f32 $1.442695020e+00, v56;
	v59 =	vsub.f32 $0.0e+00, v29  }
0x218: {  	v58 =	vpop (erf);
	[tilespmem:s13+$0x4810] =	vst v22;
	v40 =	vadd.f32 v42, v40;
	v22 =	vmul.f32 $1.442695020e+00, v57;
	v61 =	vsub.f32 $0.0e+00, v30  }
0x219: {  	[tilespmem:s13+$0x4820] =	vst v23;
	v60 =	vpop (erf);
	(erf) = vpow2.f32 v47;
	v31 =	vadd.f32 v31, v41;
	v23 =	vmul.f32 $1.442695020e+00, v59  }
0x21a: {  	[tilespmem:s13+$0x4830] =	vst v19;
	v62 =	vpop (erf);
	(erf) = vpow2.f32 v55;
	v63 =	vsub.f32 $0.0e+00, v40;
	v19 =	vmul.f32 $1.442695020e+00, v61  }
0x21b: {  	(erf) = vpow2.f32 v21;
	v45 =	vsub.f32 $0.0e+00, v31;
	v21 =	vpop (erf)  }
0x21c: {  	[tilespmem:s13+$0x4840] =	vst v20;
	(erf) = vpow2.f32 v22;
	v20 =	vmul.f32 $1.442695020e+00, v63;
	v22 =	vpop (erf)  }
0x21d: {  	[tilespmem:s13+$0x4850] =	vst v24;
	(erf) = vpow2.f32 v23;
	v24 =	vmul.f32 $1.442695020e+00, v45;
	v23 =	vpop (erf)  }
0x21e: {  	(erf) = vpow2.f32 v19;
	v19 =	vpop (erf)  }
0x21f: {  	v6 =	vmul.f32 v35, v6;
	v19 =	vadd.f32 $1.000000000e+00, v19  }
0x220: {  	v7 =	vmul.f32 v36, v7;
	v23 =	vadd.f32 $1.000000000e+00, v23;
	(erf) = vpow2.f32 v20;
	v20 =	vpop (erf)  }
0x221: {  	v4 =	vmul.f32 v33, v4;
	[tilespmem:s13+$0x4880] =	vst v6;
	(erf) = vpow2.f32 v24;
	v24 =	vpop (erf)  }
0x222: {  	v2 =	vmul.f32 v37, v2;
	[tilespmem:s13+$0x4890] =	vst v7;
	v6 =	vadd.f32 $1.000000000e+00, v20;
	(erf) = vrcp.f32 v23;
	v20 =	vpop (erf)  }
0x223: {  	[tilespmem:s13+$0x48A0] =	vst v4;
	(erf) = vrcp.f32 v19;
	v4 =	vadd.f32 $1.000000000e+00, v20;
	v19 =	vpop (erf)  }
0x224: {  	[tilespmem:s13+$0x48B0] =	vst v2;
	v7 =	vadd.f32 $1.000000000e+00, v24;
	v2 =	vadd.f32 $1.000000000e+00, v19  }
0x225: {  	(erf) = vrcp.f32 v6  }
0x226: {  	(erf) = vrcp.f32 v7;
	v6 =	vpop (erf)  }
0x227: {  	v3 =	vmul.f32 v38, v3;
	(erf) = vrcp.f32 v4;
	v6 =	vadd.f32 $1.000000000e+00, v6;
	v4 =	vpop (erf)  }
0x228: {  	v1 =	vmul.f32 v34, v1;
	(erf) = vrcp.f32 v2;
	v4 =	vadd.f32 $1.000000000e+00, v4;
	v2 =	vpop (erf)  }
0x229: {  	[tilespmem:s13+$0x48C0] =	vst v3;
	v3 =	vmul.f32 v39, v12;
	v2 =	vadd.f32 $1.000000000e+00, v2  }
0x22a: {  	[tilespmem:s13+$0x48D0] =	vst v1;
	v1 =	vmul.f32 v58, v11  }
0x22b: {  	[tilespmem:s13+$0x48E0] =	vst v3;
	v3 =	vmul.f32 v60, v10;
	(erf) = vrcp.f32 v6;
	v6 =	vpop (erf)  }
0x22c: {  	[tilespmem:s13+$0x48F0] =	vst v1;
	v1 =	vmul.f32 v62, v9;
	(erf) = vrcp.f32 v4;
	v4 =	vpop (erf)  }
0x22d: {  	[tilespmem:s13+$0x4900] =	vst v3;
	v3 =	vmul.f32 v21, v8;
	(erf) = vrcp.f32 v2;
	v2 =	vpop (erf)  }
0x22e: {  	[tilespmem:s13+$0x4910] =	vst v1;
	v1 =	vmul.f32 v22, v5;
	v6 =	vadd.f32 $1.000000000e+00, v6;
	v4 =	vadd.f32 $1.000000000e+00, v4;
	v5 =	vpop (erf)  }
0x22f: {  	[tilespmem:s13+$0x4920] =	vst v3;
	v3 =	vmul.f32 v5, v13  }
0x230: {  	[tilespmem:s13+$0x4860] =	vst v25;
	v2 =	vadd.f32 $1.000000000e+00, v2;
	(erf) = vrcp.f32 v6  }
0x231: {  	[tilespmem:s13+$0x4870] =	vst v26;
	v5 =	vpop (erf);
	(erf) = vrcp.f32 v4  }
0x232: {  	[tilespmem:s13+$0x4930] =	vst v1;
	v1 =	vmul.f32 v5, v14;
	v4 =	vpop (erf);
	(erf) = vrcp.f32 v2  }
0x233: {  	[tilespmem:s13+$0x4940] =	vst v3;
	v2 =	vmul.f32 v4, v15;
	v3 =	vpop (erf)  }
0x234: {  	[tilespmem:s13+$0x4950] =	vst v1;
	v1 =	vmul.f32 v3, v16;
	v3 =	vpop (erf)  }
0x235: {  	[tilespmem:s13+$0x4960] =	vst v2;
	v2 =	vmul.f32 v3, v17;
	v3 =	vpop (erf)  }
0x236: {  	[tilespmem:s13+$0x4970] =	vst v1;
	v1 =	vmul.f32 v3, v18;
	v3 =	vpop (erf)  }
0x237: {  	[tilespmem:s13+$0x4980] =	vst v2;
	v2 =	vmul.f32 v3, v27;
	v3 =	vpop (erf)  }
0x238: {  	[tilespmem:s13+$0x4990] =	vst v1;
	v1 =	vmul.f32 v3, v28;
	v3 =	vpop (erf)  }
0x239: {  	[tilespmem:s13+$0x49A0] =	vst v2;
	v2 =	vmul.f32 v3, v29;
	v3 =	vpop (erf)  }
0x23a: {  	[tilespmem:s13+$0x49B0] =	vst v1;
	v1 =	vmul.f32 v3, v30;
	v3 =	vpop (erf)  }
0x23b: {  	[tilespmem:s13+$0x49C0] =	vst v2;
	v2 =	vmul.f32 v3, v40;
	v3 =	vpop (erf)  }
0x23c: {  	[tilespmem:s13+$0x49D0] =	vst v1;
	v1 =	vmul.f32 v3, v31  }
0x23d: {  	[tilespmem:s13+$0x49E0] =	vst v2  }
0x23e: {  	[tilespmem:s13+$0x49F0] =	vst v1  }
0x23f: {  	_ =	swait.ge [sflag:s29], $0x2000  }
0x240: {  	[sflag:s29] =	ssyncset.done $0x0  }
0x241: {  	s13 =	simm.s32 $0x0;
	[sflag:s29] =	ssyncadd.s32 $0xFFFFE000  }
0x242: {  	v1 =	vld [tilespmem:s13+$0x2800]  }
0x243: {  	v2 =	vld [tilespmem:s13+$0x2810]  }
0x244: {  	v3 =	vld [tilespmem:s13+$0x2820]  }
0x245: {  	v4 =	vld [tilespmem:s13+$0x2830]  }
0x246: {  	v5 =	vld [tilespmem:s13+$0x6800]  }
0x247: {  	v6 =	vld [tilespmem:s13+$0x6810]  }
0x248: {  	v7 =	vld [tilespmem:s13+$0x2840]  }
0x249: {  	v8 =	vld [tilespmem:s13+$0x2850]  }
0x24a: {  	v9 =	vld [tilespmem:s13+$0x6820]  }
0x24b: {  	v10 =	vld [tilespmem:s13+$0x6830]  }
0x24c: {  	v11 =	vld [tilespmem:s13+$0x2860]  }
0x24d: {  	v13 =	vld [tilespmem:s13+$0x6860]  }
0x24e: {  	v20 =	vadd.f32 v5, v1;
	v1 =	vld [tilespmem:s13+$0x2870]  }
0x24f: {  	v17 =	vadd.f32 v6, v2;
	v2 =	vld [tilespmem:s13+$0x6840]  }
0x250: {  	v6 =	vld [tilespmem:s13+$0x6850]  }
0x251: {  	v19 =	vadd.f32 v9, v3;
	v3 =	vld [tilespmem:s13+$0x6870];
	v5 =	vsub.f32 $0.0e+00, v20  }
0x252: {  	v12 =	vsub.f32 $0.0e+00, v17  }
0x253: {  	v18 =	vadd.f32 v10, v4;
	v14 =	vadd.f32 v13, v11;
	v5 =	vmul.f32 $1.442695020e+00, v5  }
0x254: {  	v4 =	vsub.f32 $0.0e+00, v19;
	v9 =	vmul.f32 $1.442695020e+00, v12;
	v16 =	vadd.f32 v2, v7  }
0x255: {  	v2 =	vsub.f32 $0.0e+00, v18;
	v15 =	vadd.f32 v6, v8;
	(erf) = vpow2.f32 v5  }
0x256: {  	v4 =	vmul.f32 $1.442695020e+00, v4;
	v13 =	vadd.f32 v3, v1;
	v5 =	vsub.f32 $0.0e+00, v16  }
0x257: {  	(erf) = vpow2.f32 v9;
	v2 =	vmul.f32 $1.442695020e+00, v2;
	v6 =	vsub.f32 $0.0e+00, v15  }
0x258: {  	(erf) = vpow2.f32 v4;
	v3 =	vmul.f32 $1.442695020e+00, v5;
	v5 =	vsub.f32 $0.0e+00, v14  }
0x259: {  	v4 =	vmul.f32 $1.442695020e+00, v6  }
0x25a: {  	v21 =	vld [tilespmem:s13+$0x28F0];
	v6 =	vsub.f32 $0.0e+00, v13;
	(erf) = vpow2.f32 v2;
	v2 =	vmul.f32 $1.442695020e+00, v5  }
0x25b: {  	v22 =	vld [tilespmem:s13+$0x2900]  }
0x25c: {  	v23 =	vld [tilespmem:s13+$0x2910];
	(erf) = vpow2.f32 v3;
	v3 =	vmul.f32 $1.442695020e+00, v6  }
0x25d: {  	v24 =	vld [tilespmem:s13+$0x68A0];
	(erf) = vpow2.f32 v4  }
0x25e: {  	v25 =	vld [tilespmem:s13+$0x68B0];
	(erf) = vpow2.f32 v2;
	v2 =	vpop (erf)  }
0x25f: {  	v12 =	vld [tilespmem:s13+$0x6890];
	v2 =	vadd.f32 $1.000000000e+00, v2  }
0x260: {  	v1 =	vld [tilespmem:s13+$0x2880];
	(erf) = vpow2.f32 v3;
	v3 =	vpop (erf)  }
0x261: {  	v7 =	vld [tilespmem:s13+$0x2890];
	v3 =	vadd.f32 $1.000000000e+00, v3;
	v6 =	vpop (erf)  }
0x262: {  	v4 =	vld [tilespmem:s13+$0x6880];
	v6 =	vadd.f32 $1.000000000e+00, v6  }
0x263: {  	v8 =	vld [tilespmem:s13+$0x28A0];
	(erf) = vrcp.f32 v2;
	v2 =	vpop (erf)  }
0x264: {  	v27 =	vld [tilespmem:s13+$0x68C0];
	v2 =	vadd.f32 $1.000000000e+00, v2  }
0x265: {  	v10 =	vld [tilespmem:s13+$0x28D0];
	(erf) = vrcp.f32 v3;
	v3 =	vpop (erf)  }
0x266: {  	v7 =	vadd.f32 v12, v7;
	v5 =	vld [tilespmem:s13+$0x28B0];
	(erf) = vrcp.f32 v6;
	v3 =	vadd.f32 $1.000000000e+00, v3;
	v6 =	vpop (erf)  }
0x267: {  	v26 =	vadd.f32 $1.000000000e+00, v6;
	v6 =	vadd.f32 v4, v1;
	v1 =	vld [tilespmem:s13+$0x68D0]  }
0x268: {  	v9 =	vld [tilespmem:s13+$0x28C0];
	(erf) = vrcp.f32 v2;
	v4 =	vadd.f32 v24, v8;
	v8 =	vsub.f32 $0.0e+00, v7;
	v2 =	vpop (erf)  }
0x269: {  	v29 =	vld [tilespmem:s13+$0x6910];
	(erf) = vrcp.f32 v3;
	v2 =	vadd.f32 $1.000000000e+00, v2  }
0x26a: {  	v11 =	vld [tilespmem:s13+$0x28E0];
	(erf) = vrcp.f32 v26;
	v12 =	vsub.f32 $0.0e+00, v6;
	v8 =	vmul.f32 $1.442695020e+00, v8;
	v3 =	vpop (erf)  }
0x26b: {  	v3 =	vadd.f32 $1.000000000e+00, v3;
	(erf) = vrcp.f32 v2;
	v2 =	vadd.f32 v25, v5;
	v5 =	vld [tilespmem:s13+$0x68E0]  }
0x26c: {  	v12 =	vmul.f32 $1.442695020e+00, v12;
	v25 =	vsub.f32 $0.0e+00, v4;
	v1 =	vadd.f32 v1, v10;
	v10 =	vld [tilespmem:s13+$0x6900]  }
0x26d: {  	(erf) = vrcp.f32 v3;
	v3 =	vadd.f32 v27, v9;
	v9 =	vld [tilespmem:s13+$0x68F0];
	v26 =	vsub.f32 $0.0e+00, v2  }
0x26e: {  	v28 =	vld [tilespmem:s13+$0x2920];
	v25 =	vmul.f32 $1.442695020e+00, v25;
	(erf) = vpow2.f32 v12  }
0x26f: {  	v31 =	vld [tilespmem:s13+$0x6920];
	v27 =	vsub.f32 $0.0e+00, v3;
	(erf) = vpow2.f32 v8;
	v26 =	vmul.f32 $1.442695020e+00, v26  }
0x270: {  	v30 =	vsub.f32 $0.0e+00, v1;
	(erf) = vpow2.f32 v25  }
0x271: {  	v24 =	vld [tilespmem:s13+$0x2930];
	v8 =	vmul.f32 $1.442695020e+00, v27;
	v12 =	vadd.f32 v5, v11;
	v10 =	vadd.f32 v10, v22  }
0x272: {  	v5 =	vld [tilespmem:s13+$0x6930];
	v27 =	vmul.f32 $1.442695020e+00, v30;
	v25 =	vpop (erf);
	v11 =	vadd.f32 v9, v21;
	v9 =	vadd.f32 v29, v23  }
0x273: {  	(erf) = vpow2.f32 v26;
	v21 =	vsub.f32 $0.0e+00, v12;
	v23 =	vsub.f32 $0.0e+00, v10;
	v26 =	vpop (erf)  }
0x274: {  	(erf) = vpow2.f32 v8;
	v8 =	vadd.f32 v31, v28;
	v22 =	vsub.f32 $0.0e+00, v11;
	v30 =	vpop (erf)  }
0x275: {  	(erf) = vpow2.f32 v27;
	v21 =	vmul.f32 $1.442695020e+00, v21;
	v27 =	vsub.f32 $0.0e+00, v9;
	v46 =	vpop (erf)  }
0x276: {  	v23 =	vmul.f32 $1.442695020e+00, v23;
	v28 =	vsub.f32 $0.0e+00, v8;
	v22 =	vmul.f32 $1.442695020e+00, v22;
	v31 =	vpop (erf)  }
0x277: {  	v5 =	vadd.f32 v5, v24;
	v24 =	vpop (erf);
	(erf) = vpow2.f32 v21;
	v21 =	vmul.f32 $1.442695020e+00, v27  }
0x278: {  	v49 =	vpop (erf);
	(erf) = vpow2.f32 v22;
	v22 =	vmul.f32 $1.442695020e+00, v28  }
0x279: {  	v27 =	vsub.f32 $0.0e+00, v5;
	v51 =	vpop (erf)  }
0x27a: {  	(erf) = vpow2.f32 v23;
	v23 =	vpop (erf)  }
0x27b: {  	v47 =	vld [tilespmem:s13+$0x2940];
	v28 =	vmul.f32 $1.442695020e+00, v27;
	(erf) = vpow2.f32 v21;
	v21 =	vpop (erf)  }
0x27c: {  	v48 =	vld [tilespmem:s13+$0x2950];
	v23 =	vadd.f32 $1.000000000e+00, v23;
	(erf) = vpow2.f32 v22;
	v22 =	vpop (erf)  }
0x27d: {  	v50 =	vld [tilespmem:s13+$0x2960];
	v55 =	vadd.f32 $1.000000000e+00, v21;
	(erf) = vpow2.f32 v28;
	v21 =	vmul.f32 v25, v20;
	v29 =	vpop (erf)  }
0x27e: {  	v52 =	vld [tilespmem:s13+$0x2970];
	v20 =	vadd.f32 $1.000000000e+00, v22;
	v22 =	vmul.f32 v26, v17;
	v25 =	vpop (erf);
	v17 =	vadd.f32 $1.000000000e+00, v29  }
0x27f: {  	v53 =	vld [tilespmem:s13+$0x2980];
	(erf) = vrcp.f32 v23;
	v23 =	vmul.f32 v30, v19;
	v26 =	vpop (erf);
	v25 =	vadd.f32 $1.000000000e+00, v25  }
0x280: {  	v54 =	vld [tilespmem:s13+$0x2990];
	v19 =	vmul.f32 v46, v18;
	(erf) = vrcp.f32 v55;
	v18 =	vadd.f32 $1.000000000e+00, v26  }
0x281: {  	v56 =	vld [tilespmem:s13+$0x6940];
	(erf) = vrcp.f32 v20  }
0x282: {  	v57 =	vld [tilespmem:s13+$0x6980];
	(erf) = vrcp.f32 v17;
	v17 =	vpop (erf)  }
0x283: {  	v59 =	vld [tilespmem:s13+$0x6990];
	v20 =	vmul.f32 v31, v16;
	(erf) = vrcp.f32 v25;
	v16 =	vadd.f32 $1.000000000e+00, v17;
	v25 =	vpop (erf)  }
0x284: {  	v40 =	vld [tilespmem:s13+$0x29E0];
	v24 =	vmul.f32 v24, v15;
	(erf) = vrcp.f32 v18;
	v18 =	vpop (erf)  }
0x285: {  	v17 =	vld [tilespmem:s13+$0x6950];
	v15 =	vadd.f32 $1.000000000e+00, v25;
	v25 =	vmul.f32 v49, v14;
	v14 =	vadd.f32 $1.000000000e+00, v18  }
0x286: {  	v31 =	vld [tilespmem:s13+$0x6960]  }
0x287: {  	v41 =	vld [tilespmem:s13+$0x29F0];
	(erf) = vrcp.f32 v16;
	v16 =	vpop (erf)  }
0x288: {  	v26 =	vmul.f32 v51, v13;
	v18 =	vld [tilespmem:s13+$0x6970];
	(erf) = vrcp.f32 v15;
	v16 =	vadd.f32 $1.000000000e+00, v16;
	v13 =	vpop (erf)  }
0x289: {  	v32 =	vld [tilespmem:s13+$0x69B0];
	(erf) = vrcp.f32 v14;
	v58 =	vadd.f32 $1.000000000e+00, v13;
	v13 =	vadd.f32 v56, v47;
	v14 =	vpop (erf)  }
0x28a: {  	v43 =	vld [tilespmem:s13+$0x69C0];
	v60 =	vadd.f32 $1.000000000e+00, v14;
	v14 =	vadd.f32 v17, v48  }
0x28b: {  	v44 =	vld [tilespmem:s13+$0x69D0];
	v15 =	vadd.f32 v31, v50;
	v35 =	vpop (erf);
	(erf) = vrcp.f32 v16  }
0x28c: {  	v27 =	vld [tilespmem:s13+$0x29A0];
	v17 =	vsub.f32 $0.0e+00, v13;
	v36 =	vpop (erf);
	(erf) = vrcp.f32 v58;
	v34 =	vsub.f32 $0.0e+00, v14  }
0x28d: {  	v31 =	vld [tilespmem:s13+$0x69A0];
	v16 =	vadd.f32 v18, v52;
	v33 =	vpop (erf);
	(erf) = vrcp.f32 v60  }
0x28e: {  	v28 =	vld [tilespmem:s13+$0x29B0];
	v62 =	vsub.f32 $0.0e+00, v15;
	v61 =	vmul.f32 $1.442695020e+00, v17;
	v17 =	vadd.f32 v57, v53;
	v37 =	vpop (erf)  }
0x28f: {  	v29 =	vld [tilespmem:s13+$0x29C0];
	v18 =	vadd.f32 v59, v54;
	v63 =	vsub.f32 $0.0e+00, v16;
	v49 =	vmul.f32 $1.442695020e+00, v34;
	v38 =	vpop (erf)  }
0x290: {  	v30 =	vld [tilespmem:s13+$0x29D0];
	v45 =	vmul.f32 $1.442695020e+00, v62;
	v47 =	vsub.f32 $0.0e+00, v17;
	v34 =	vpop (erf);
	(erf) = vpow2.f32 v61  }
0x291: {  	s17 =	simm.s32 $0x800;
	v42 =	vld [tilespmem:s13+$0x69E0];
	v48 =	vsub.f32 $0.0e+00, v18;
	v46 =	vmul.f32 $1.442695020e+00, v63;
	v39 =	vpop (erf);
	(erf) = vpow2.f32 v49  }
.LBB2_12:
0x292: {  	p0 =	sne.s32 s17, $0x7800;
	v47 =	vmul.f32 $1.442695020e+00, v47;
	v31 =	vadd.f32 v31, v27;
	v49 =	vld [tilespmem:s13+$0x69F0];
	v50 =	vpop (erf);
	(erf) = vpow2.f32 v45  }
0x293: {  	v45 =	vmul.f32 $1.442695020e+00, v48;
	v32 =	vadd.f32 v32, v28;
	v48 =	vpop (erf);
	(erf) = vpow2.f32 v46  }
0x294: {  	v46 =	vsub.f32 $0.0e+00, v31;
	v28 =	vadd.f32 v43, v29;
	v43 =	vpop (erf);
	(erf) = vpow2.f32 v47  }
0x295: {  	v47 =	vsub.f32 $0.0e+00, v32;
	v27 =	vadd.f32 v44, v30;
	v30 =	vpop (erf);
	(erf) = vpow2.f32 v45  }
0x296: {  	[tilespmem:s13+$0x6800] =	vst v21;
	v46 =	vmul.f32 $1.442695020e+00, v46;
	v45 =	vsub.f32 $0.0e+00, v28;
	v29 =	vadd.f32 v42, v40;
	v40 =	vpop (erf)  }
0x297: {  	[tilespmem:s13+$0x6810] =	vst v22;
	v47 =	vmul.f32 $1.442695020e+00, v47;
	v42 =	vsub.f32 $0.0e+00, v27;
	v21 =	vadd.f32 v49, v41  }
0x298: {  	[tilespmem:s13+$0x6820] =	vst v23;
	v23 =	vmul.f32 $1.442695020e+00, v45;
	v41 =	vsub.f32 $0.0e+00, v29;
	(erf) = vpow2.f32 v46  }
0x299: {  	[tilespmem:s13+$0x6830] =	vst v19;
	v19 =	vmul.f32 $1.442695020e+00, v42;
	v42 =	vsub.f32 $0.0e+00, v21;
	v44 =	vpop (erf);
	(erf) = vpow2.f32 v47  }
0x29a: {  	[tilespmem:s13+$0x6840] =	vst v20;
	v20 =	vmul.f32 $1.442695020e+00, v41;
	v22 =	vpop (erf);
	(erf) = vpow2.f32 v23  }
0x29b: {  	[tilespmem:s13+$0x6850] =	vst v24;
	v23 =	vmul.f32 $1.442695020e+00, v42;
	v24 =	vpop (erf);
	(erf) = vpow2.f32 v19  }
0x29c: {  	v6 =	vmul.f32 v35, v6;
	v35 =	vadd.f32 $1.000000000e+00, v44;
	[tilespmem:s13+$0x6860] =	vst v25;
	v25 =	vpop (erf);
	(erf) = vpow2.f32 v20  }
0x29d: {  	v7 =	vmul.f32 v36, v7;
	v20 =	vadd.f32 $1.000000000e+00, v22;
	[tilespmem:s13+$0x6870] =	vst v26;
	v22 =	vpop (erf);
	(erf) = vpow2.f32 v23  }
0x29e: {  	s18 =	sshra.s32 s17, $0x2;
	v4 =	vmul.f32 v33, v4;
	[tilespmem:s13+$0x6880] =	vst v6;
	v6 =	vadd.f32 $1.000000000e+00, v24;
	(erf) = vrcp.f32 v35;
	v19 =	vpop (erf)  }
0x29f: {  	v2 =	vmul.f32 v37, v2;
	v24 =	vadd.f32 $1.000000000e+00, v25;
	v23 =	vld [tilespmem:s18+$0x2800];
	[tilespmem:s13+$0x6890] =	vst v7;
	(erf) = vrcp.f32 v20  }
0x2a0: {  	v3 =	vmul.f32 v38, v3;
	v25 =	vadd.f32 $1.000000000e+00, v22;
	v20 =	vld [tilespmem:s18+$0x2810];
	[tilespmem:s13+$0x68A0] =	vst v4;
	(erf) = vrcp.f32 v6  }
0x2a1: {  	v1 =	vmul.f32 v34, v1;
	v19 =	vadd.f32 $1.000000000e+00, v19;
	v6 =	vld [tilespmem:s18+$0x2820];
	[tilespmem:s13+$0x68B0] =	vst v2;
	(erf) = vrcp.f32 v24;
	v7 =	vpop (erf)  }
0x2a2: {  	v22 =	vld [tilespmem:s18+$0x2830];
	[tilespmem:s13+$0x68C0] =	vst v3;
	v3 =	vmul.f32 v39, v12;
	v24 =	vadd.f32 $1.000000000e+00, v7;
	(erf) = vrcp.f32 v25;
	v4 =	vpop (erf)  }
0x2a3: {  	v12 =	vld [tilespmem:s18+$0x6800];
	[tilespmem:s13+$0x68D0] =	vst v1;
	v1 =	vmul.f32 v50, v11;
	v25 =	vadd.f32 $1.000000000e+00, v4;
	(erf) = vrcp.f32 v19;
	v2 =	vpop (erf)  }
0x2a4: {  	v11 =	vld [tilespmem:s18+$0x6810];
	[tilespmem:s13+$0x68E0] =	vst v3;
	v3 =	vmul.f32 v48, v10;
	v19 =	vadd.f32 $1.000000000e+00, v2;
	(erf) = vrcp.f32 v24;
	v7 =	vpop (erf)  }
0x2a5: {  	v10 =	vld [tilespmem:s18+$0x2840];
	[tilespmem:s13+$0x68F0] =	vst v1;
	v1 =	vmul.f32 v43, v9;
	v7 =	vadd.f32 $1.000000000e+00, v7;
	(erf) = vrcp.f32 v25;
	v4 =	vpop (erf)  }
0x2a6: {  	v9 =	vld [tilespmem:s18+$0x2850];
	[tilespmem:s13+$0x6900] =	vst v3;
	v3 =	vmul.f32 v30, v8;
	v4 =	vadd.f32 $1.000000000e+00, v4;
	(erf) = vrcp.f32 v19;
	v2 =	vpop (erf)  }
0x2a7: {  	v8 =	vld [tilespmem:s18+$0x6820];
	[tilespmem:s13+$0x6910] =	vst v1;
	v1 =	vmul.f32 v40, v5;
	v2 =	vadd.f32 $1.000000000e+00, v2;
	v5 =	vpop (erf);
	(erf) = vrcp.f32 v7  }
0x2a8: {  	v19 =	vadd.f32 v12, v23;
	v7 =	vld [tilespmem:s18+$0x6830];
	[tilespmem:s13+$0x6920] =	vst v3;
	v3 =	vmul.f32 v5, v13;
	v5 =	vpop (erf);
	(erf) = vrcp.f32 v4  }
0x2a9: {  	v13 =	vadd.f32 v11, v20;
	v4 =	vld [tilespmem:s18+$0x2860];
	[tilespmem:s13+$0x6930] =	vst v1;
	v1 =	vmul.f32 v5, v14;
	v5 =	vpop (erf);
	(erf) = vrcp.f32 v2  }
0x2aa: {  	v2 =	vsub.f32 $0.0e+00, v19;
	v11 =	vld [tilespmem:s18+$0x2870];
	[tilespmem:s13+$0x6940] =	vst v3;
	v3 =	vmul.f32 v5, v15;
	v5 =	vpop (erf)  }
0x2ab: {  	v12 =	vsub.f32 $0.0e+00, v13;
	v20 =	vld [tilespmem:s18+$0x6840];
	[tilespmem:s13+$0x6950] =	vst v1;
	v1 =	vmul.f32 v5, v16;
	v5 =	vpop (erf)  }
0x2ac: {  	v2 =	vmul.f32 $1.442695020e+00, v2;
	v14 =	vadd.f32 v8, v6;
	v6 =	vld [tilespmem:s18+$0x6850];
	[tilespmem:s13+$0x6960] =	vst v3;
	v16 =	vmul.f32 v5, v17;
	v5 =	vpop (erf)  }
0x2ad: {  	v8 =	vmul.f32 $1.442695020e+00, v12;
	v15 =	vadd.f32 v7, v22;
	v7 =	vld [tilespmem:s18+$0x6860];
	[tilespmem:s13+$0x6970] =	vst v1;
	v1 =	vmul.f32 v5, v18;
	v5 =	vpop (erf)  }
0x2ae: {  	v12 =	vsub.f32 $0.0e+00, v14;
	v22 =	vld [tilespmem:s18+$0x6870];
	(erf) = vpow2.f32 v2;
	[tilespmem:s13+$0x6980] =	vst v16;
	v2 =	vmul.f32 v5, v31;
	v3 =	vpop (erf)  }
0x2af: {  	v5 =	vsub.f32 $0.0e+00, v15;
	(erf) = vpow2.f32 v8;
	[tilespmem:s13+$0x6990] =	vst v1;
	v1 =	vmul.f32 v3, v32;
	v3 =	vpop (erf)  }
0x2b0: {  	v8 =	vmul.f32 $1.442695020e+00, v12;
	v16 =	vadd.f32 v20, v10;
	[tilespmem:s13+$0x69A0] =	vst v2;
	v2 =	vmul.f32 v3, v28;
	v3 =	vpop (erf)  }
0x2b1: {  	v5 =	vmul.f32 $1.442695020e+00, v5;
	v17 =	vadd.f32 v6, v9;
	[tilespmem:s13+$0x69B0] =	vst v1;
	v1 =	vmul.f32 v3, v27;
	v3 =	vpop (erf)  }
0x2b2: {  	v6 =	vsub.f32 $0.0e+00, v16;
	v18 =	vadd.f32 v7, v4;
	[tilespmem:s13+$0x69C0] =	vst v2;
	v2 =	vmul.f32 v3, v29;
	v3 =	vpop (erf)  }
0x2b3: {  	v4 =	vsub.f32 $0.0e+00, v17;
	v26 =	vadd.f32 v22, v11;
	v7 =	vld [tilespmem:s18+$0x2880];
	[tilespmem:s13+$0x69D0] =	vst v1;
	v1 =	vmul.f32 v3, v21  }
0x2b4: {  	v3 =	vmul.f32 $1.442695020e+00, v6;
	v6 =	vsub.f32 $0.0e+00, v18;
	v9 =	vld [tilespmem:s18+$0x2890];
	(erf) = vpow2.f32 v8;
	[tilespmem:s13+$0x69E0] =	vst v2  }
0x2b5: {  	v12 =	vmul.f32 $1.442695020e+00, v4;
	v11 =	vsub.f32 $0.0e+00, v26;
	v8 =	vld [tilespmem:s18+$0x28A0];
	(erf) = vpow2.f32 v5;
	[tilespmem:s13+$0x69F0] =	vst v1;
	s13 =	smov.u32 s18  }
0x2b6: {  	v1 =	vmul.f32 $1.442695020e+00, v6;
	v5 =	vld [tilespmem:s13+$0x28B0];
	(erf) = vpow2.f32 v3  }
0x2b7: {  	v3 =	vmul.f32 $1.442695020e+00, v11;
	v10 =	vld [tilespmem:s13+$0x28C0];
	v4 =	vpop (erf);
	(erf) = vpow2.f32 v12  }
0x2b8: {  	v11 =	vld [tilespmem:s13+$0x28D0];
	v2 =	vpop (erf);
	(erf) = vpow2.f32 v1  }
0x2b9: {  	v12 =	vld [tilespmem:s13+$0x28E0];
	(erf) = vpow2.f32 v3  }
0x2ba: {  	v20 =	vld [tilespmem:s13+$0x28F0]  }
0x2bb: {  	v21 =	vld [tilespmem:s13+$0x2900]  }
0x2bc: {  	v6 =	vadd.f32 $1.000000000e+00, v4;
	v22 =	vld [tilespmem:s13+$0x2910]  }
0x2bd: {  	v25 =	vadd.f32 $1.000000000e+00, v2;
	v3 =	vld [tilespmem:s13+$0x6880];
	v4 =	vpop (erf)  }
0x2be: {  	v27 =	vadd.f32 $1.000000000e+00, v4;
	v23 =	vld [tilespmem:s13+$0x6890];
	(erf) = vrcp.f32 v6;
	v1 =	vpop (erf)  }
0x2bf: {  	v6 =	vadd.f32 $1.000000000e+00, v1;
	v24 =	vld [tilespmem:s13+$0x68A0];
	(erf) = vrcp.f32 v25;
	v2 =	vpop (erf)  }
0x2c0: {  	v29 =	vadd.f32 $1.000000000e+00, v2;
	v25 =	vld [tilespmem:s13+$0x68B0];
	(erf) = vrcp.f32 v27;
	v4 =	vpop (erf)  }
0x2c1: {  	v4 =	vadd.f32 $1.000000000e+00, v4;
	v27 =	vld [tilespmem:s13+$0x68C0];
	(erf) = vrcp.f32 v6;
	v1 =	vpop (erf)  }
0x2c2: {  	v1 =	vadd.f32 $1.000000000e+00, v1;
	v6 =	vadd.f32 v3, v7;
	v28 =	vld [tilespmem:s13+$0x68D0];
	(erf) = vrcp.f32 v29;
	v2 =	vpop (erf)  }
0x2c3: {  	v3 =	vadd.f32 $1.000000000e+00, v2;
	v7 =	vadd.f32 v23, v9;
	v23 =	vld [tilespmem:s13+$0x2920];
	(erf) = vrcp.f32 v4  }
0x2c4: {  	v9 =	vsub.f32 $0.0e+00, v6;
	v4 =	vadd.f32 v24, v8;
	v24 =	vld [tilespmem:s13+$0x2930];
	(erf) = vrcp.f32 v1  }
0x2c5: {  	v1 =	vsub.f32 $0.0e+00, v7;
	v2 =	vadd.f32 v25, v5;
	v5 =	vld [tilespmem:s13+$0x68E0];
	(erf) = vrcp.f32 v3  }
0x2c6: {  	v8 =	vmul.f32 $1.442695020e+00, v9;
	v9 =	vsub.f32 $0.0e+00, v4;
	v3 =	vadd.f32 v27, v10;
	v10 =	vld [tilespmem:s13+$0x68F0]  }
0x2c7: {  	v25 =	vmul.f32 $1.442695020e+00, v1;
	v27 =	vsub.f32 $0.0e+00, v2;
	v1 =	vadd.f32 v28, v11;
	v28 =	vld [tilespmem:s13+$0x6900];
	v29 =	vpop (erf)  }
0x2c8: {  	v9 =	vmul.f32 $1.442695020e+00, v9;
	v11 =	vsub.f32 $0.0e+00, v3;
	v30 =	vld [tilespmem:s13+$0x6910];
	v31 =	vpop (erf);
	(erf) = vpow2.f32 v8  }
0x2c9: {  	v8 =	vmul.f32 $1.442695020e+00, v27;
	v27 =	vsub.f32 $0.0e+00, v1;
	v32 =	vld [tilespmem:s13+$0x6920];
	v33 =	vpop (erf);
	(erf) = vpow2.f32 v25  }
0x2ca: {  	v36 =	vmul.f32 $1.442695020e+00, v11;
	v12 =	vadd.f32 v5, v12;
	v5 =	vld [tilespmem:s13+$0x6930];
	v34 =	vpop (erf);
	(erf) = vpow2.f32 v9  }
0x2cb: {  	v27 =	vmul.f32 $1.442695020e+00, v27;
	v11 =	vadd.f32 v10, v20;
	v20 =	vpop (erf);
	(erf) = vpow2.f32 v8  }
0x2cc: {  	v8 =	vsub.f32 $0.0e+00, v12;
	v10 =	vadd.f32 v28, v21;
	v35 =	vpop (erf);
	(erf) = vpow2.f32 v36  }
0x2cd: {  	v21 =	vsub.f32 $0.0e+00, v11;
	v9 =	vadd.f32 v30, v22;
	v25 =	vpop (erf);
	(erf) = vpow2.f32 v27  }
0x2ce: {  	v22 =	vmul.f32 $1.442695020e+00, v8;
	v27 =	vsub.f32 $0.0e+00, v10;
	v8 =	vadd.f32 v32, v23;
	v32 =	vpop (erf)  }
0x2cf: {  	v21 =	vmul.f32 $1.442695020e+00, v21;
	v23 =	vsub.f32 $0.0e+00, v9;
	v5 =	vadd.f32 v5, v24;
	v36 =	vld [tilespmem:s13+$0x2940]  }
0x2d0: {  	v40 =	vmul.f32 $1.442695020e+00, v27;
	v30 =	vsub.f32 $0.0e+00, v8;
	v37 =	vld [tilespmem:s13+$0x2950];
	(erf) = vpow2.f32 v22  }
0x2d1: {  	v22 =	vmul.f32 $1.442695020e+00, v23;
	v23 =	vsub.f32 $0.0e+00, v5;
	v38 =	vld [tilespmem:s13+$0x2960];
	v28 =	vpop (erf);
	(erf) = vpow2.f32 v21  }
0x2d2: {  	v21 =	vmul.f32 $1.442695020e+00, v30;
	v39 =	vld [tilespmem:s13+$0x2970];
	v27 =	vpop (erf);
	(erf) = vpow2.f32 v40  }
0x2d3: {  	v23 =	vmul.f32 $1.442695020e+00, v23;
	v42 =	vld [tilespmem:s13+$0x2980];
	v24 =	vpop (erf);
	(erf) = vpow2.f32 v22  }
0x2d4: {  	v22 =	vadd.f32 $1.000000000e+00, v28;
	v43 =	vld [tilespmem:s13+$0x2990];
	v30 =	vpop (erf);
	(erf) = vpow2.f32 v21  }
0x2d5: {  	v40 =	vadd.f32 $1.000000000e+00, v27;
	v27 =	vld [tilespmem:s13+$0x29A0];
	v41 =	vpop (erf);
	(erf) = vpow2.f32 v23  }
0x2d6: {  	v21 =	vmul.f32 v29, v19;
	v19 =	vadd.f32 $1.000000000e+00, v24;
	v28 =	vld [tilespmem:s13+$0x29B0];
	(erf) = vrcp.f32 v22;
	v24 =	vpop (erf)  }
0x2d7: {  	v44 =	vadd.f32 $1.000000000e+00, v30;
	v22 =	vmul.f32 v31, v13;
	v29 =	vld [tilespmem:s13+$0x29C0];
	(erf) = vrcp.f32 v40  }
0x2d8: {  	v23 =	vmul.f32 v33, v14;
	v33 =	vadd.f32 $1.000000000e+00, v41;
	v30 =	vld [tilespmem:s13+$0x29D0];
	(erf) = vrcp.f32 v19  }
0x2d9: {  	v19 =	vmul.f32 v34, v15;
	v34 =	vadd.f32 $1.000000000e+00, v24;
	v31 =	vld [tilespmem:s13+$0x6940];
	(erf) = vrcp.f32 v44;
	v13 =	vpop (erf)  }
0x2da: {  	v20 =	vmul.f32 v20, v16;
	v40 =	vadd.f32 $1.000000000e+00, v13;
	v16 =	vld [tilespmem:s13+$0x6950];
	(erf) = vrcp.f32 v33;
	v14 =	vpop (erf)  }
0x2db: {  	v24 =	vmul.f32 v35, v17;
	v35 =	vadd.f32 $1.000000000e+00, v14;
	v17 =	vld [tilespmem:s13+$0x6960];
	(erf) = vrcp.f32 v34;
	v15 =	vpop (erf)  }
0x2dc: {  	v25 =	vmul.f32 v25, v18;
	v15 =	vadd.f32 $1.000000000e+00, v15;
	v18 =	vld [tilespmem:s13+$0x6970];
	(erf) = vrcp.f32 v40;
	v13 =	vpop (erf)  }
0x2dd: {  	v26 =	vmul.f32 v32, v26;
	v32 =	vadd.f32 $1.000000000e+00, v13;
	v34 =	vld [tilespmem:s13+$0x6980];
	(erf) = vrcp.f32 v35;
	v13 =	vpop (erf)  }
0x2de: {  	v46 =	vadd.f32 $1.000000000e+00, v13;
	v13 =	vadd.f32 v31, v36;
	v44 =	vld [tilespmem:s13+$0x6990];
	(erf) = vrcp.f32 v15;
	v14 =	vpop (erf)  }
0x2df: {  	v45 =	vadd.f32 $1.000000000e+00, v14;
	v14 =	vadd.f32 v16, v37;
	v40 =	vld [tilespmem:s13+$0x29E0];
	v35 =	vpop (erf);
	(erf) = vrcp.f32 v32  }
0x2e0: {  	v32 =	vsub.f32 $0.0e+00, v13;
	v15 =	vadd.f32 v17, v38;
	v41 =	vld [tilespmem:s13+$0x29F0];
	v36 =	vpop (erf);
	(erf) = vrcp.f32 v46  }
.Ltmp4:
0x2e1: {  	v46 =	vsub.f32 $0.0e+00, v14;
	v16 =	vadd.f32 v18, v39;
	v31 =	vld [tilespmem:s13+$0x69A0];
	v33 =	vpop (erf);
	(erf) = vrcp.f32 v45;
	(pc) =	sbr.rel @p0 .LBB2_12-.Ltmp4, $4  }
0x2e2: {  	v50 =	vmul.f32 $1.442695020e+00, v32;
	v45 =	vsub.f32 $0.0e+00, v15;
	v17 =	vadd.f32 v34, v42;
	v32 =	vld [tilespmem:s13+$0x69B0];
	v37 =	vpop (erf)  }
0x2e3: {  	v49 =	vmul.f32 $1.442695020e+00, v46;
	v42 =	vsub.f32 $0.0e+00, v16;
	v18 =	vadd.f32 v44, v43;
	v43 =	vld [tilespmem:s13+$0x69C0];
	v38 =	vpop (erf)  }
0x2e4: {  	v45 =	vmul.f32 $1.442695020e+00, v45;
	v47 =	vsub.f32 $0.0e+00, v17;
	v44 =	vld [tilespmem:s13+$0x69D0];
	v34 =	vpop (erf);
	(erf) = vpow2.f32 v50  }
0x2e5: {  	s17 =	sadd.s32 $0x800, s17;
	v46 =	vmul.f32 $1.442695020e+00, v42;
	v48 =	vsub.f32 $0.0e+00, v18;
	v42 =	vld [tilespmem:s13+$0x69E0];
	v39 =	vpop (erf);
	(erf) = vpow2.f32 v49  }
0x2e6: {  	v47 =	vmul.f32 $1.442695020e+00, v47;
	v27 =	vadd.f32 v31, v27;
	v51 =	vld [tilespmem:s13+$0x69F0]  }
0x2e7: {  	(erf) = vpow2.f32 v45;
	v52 =	vmul.f32 $1.442695020e+00, v48  }
0x2e8: {  	v28 =	vadd.f32 v32, v28;
	(erf) = vpow2.f32 v46;
	v53 =	vsub.f32 $0.0e+00, v27  }
0x2e9: {  	v29 =	vadd.f32 v43, v29;
	(erf) = vpow2.f32 v47;
	v30 =	vadd.f32 v44, v30;
	v44 =	vpop (erf)  }
0x2ea: {  	v54 =	vsub.f32 $0.0e+00, v28;
	(erf) = vpow2.f32 v52;
	v40 =	vadd.f32 v42, v40;
	v42 =	vpop (erf)  }
0x2eb: {  	v55 =	vmul.f32 $1.442695020e+00, v53;
	v56 =	vsub.f32 $0.0e+00, v29;
	v31 =	vadd.f32 v51, v41;
	v41 =	vpop (erf)  }
0x2ec: {  	v57 =	vmul.f32 $1.442695020e+00, v54;
	v58 =	vsub.f32 $0.0e+00, v30;
	v61 =	vpop (erf)  }
0x2ed: {  	v59 =	vmul.f32 $1.442695020e+00, v56;
	v60 =	vsub.f32 $0.0e+00, v40;
	(erf) = vpow2.f32 v55;
	v45 =	vpop (erf)  }
0x2ee: {  	v62 =	vmul.f32 $1.442695020e+00, v58;
	v63 =	vsub.f32 $0.0e+00, v31;
	(erf) = vpow2.f32 v57;
	v47 =	vpop (erf)  }
0x2ef: {  	[tilespmem:s13+$0x6800] =	vst v21;
	v46 =	vmul.f32 $1.442695020e+00, v60;
	(erf) = vpow2.f32 v59;
	v49 =	vpop (erf)  }
0x2f0: {  	[tilespmem:s13+$0x6810] =	vst v22;
	v48 =	vmul.f32 $1.442695020e+00, v63;
	(erf) = vpow2.f32 v62;
	v50 =	vpop (erf)  }
0x2f1: {  	[tilespmem:s13+$0x6820] =	vst v23;
	v23 =	vadd.f32 $1.000000000e+00, v47;
	(erf) = vpow2.f32 v46;
	v51 =	vpop (erf)  }
0x2f2: {  	[tilespmem:s13+$0x6830] =	vst v19;
	v2 =	vmul.f32 v37, v2;
	v19 =	vadd.f32 $1.000000000e+00, v49;
	(erf) = vpow2.f32 v48;
	v53 =	vpop (erf)  }
0x2f3: {  	[tilespmem:s13+$0x6840] =	vst v20;
	v52 =	vadd.f32 $1.000000000e+00, v50;
	(erf) = vrcp.f32 v23;
	v55 =	vpop (erf)  }
0x2f4: {  	[tilespmem:s13+$0x68B0] =	vst v2;
	v54 =	vadd.f32 $1.000000000e+00, v51;
	(erf) = vrcp.f32 v19;
	v2 =	vadd.f32 $1.000000000e+00, v55  }
0x2f5: {  	[tilespmem:s13+$0x6850] =	vst v24;
	v56 =	vadd.f32 $1.000000000e+00, v53;
	(erf) = vrcp.f32 v52  }
0x2f6: {  	[tilespmem:s13+$0x6860] =	vst v25;
	v6 =	vmul.f32 v35, v6;
	(erf) = vrcp.f32 v54;
	v57 =	vpop (erf)  }
0x2f7: {  	[tilespmem:s13+$0x6870] =	vst v26;
	v3 =	vmul.f32 v38, v3;
	(erf) = vrcp.f32 v56;
	v58 =	vpop (erf)  }
0x2f8: {  	v4 =	vmul.f32 v33, v4;
	[tilespmem:s13+$0x6880] =	vst v6;
	(erf) = vrcp.f32 v2;
	v2 =	vpop (erf)  }
0x2f9: {  	[tilespmem:s13+$0x68C0] =	vst v3;
	v3 =	vmul.f32 v39, v12;
	v6 =	vadd.f32 $1.000000000e+00, v57;
	v2 =	vadd.f32 $1.000000000e+00, v2  }
0x2fa: {  	v1 =	vmul.f32 v34, v1;
	[tilespmem:s13+$0x68A0] =	vst v4;
	v4 =	vadd.f32 $1.000000000e+00, v58  }
0x2fb: {  	[tilespmem:s13+$0x68E0] =	vst v3;
	v3 =	vmul.f32 v42, v10;
	(erf) = vrcp.f32 v6;
	v59 =	vpop (erf)  }
0x2fc: {  	[tilespmem:s13+$0x68D0] =	vst v1;
	v1 =	vmul.f32 v44, v11;
	(erf) = vrcp.f32 v4;
	v60 =	vpop (erf)  }
0x2fd: {  	[tilespmem:s13+$0x6900] =	vst v3;
	v3 =	vmul.f32 v61, v8;
	(erf) = vrcp.f32 v2;
	v2 =	vpop (erf)  }
0x2fe: {  	[tilespmem:s13+$0x68F0] =	vst v1;
	v1 =	vmul.f32 v41, v9;
	v6 =	vadd.f32 $1.000000000e+00, v59;
	v61 =	vpop (erf)  }
0x2ff: {  	v7 =	vmul.f32 v36, v7;
	[tilespmem:s13+$0x6920] =	vst v3;
	v4 =	vadd.f32 $1.000000000e+00, v60;
	v3 =	vmul.f32 v61, v13  }
0x300: {  	[tilespmem:s13+$0x6910] =	vst v1;
	v1 =	vmul.f32 v45, v5;
	(erf) = vrcp.f32 v6;
	v2 =	vadd.f32 $1.000000000e+00, v2  }
0x301: {  	[tilespmem:s13+$0x6890] =	vst v7;
	(erf) = vrcp.f32 v4;
	v62 =	vpop (erf)  }
0x302: {  	[tilespmem:s13+$0x6930] =	vst v1;
	v1 =	vmul.f32 v62, v14;
	v63 =	vpop (erf);
	(erf) = vrcp.f32 v2  }
0x303: {  	[tilespmem:s13+$0x6940] =	vst v3;
	v2 =	vmul.f32 v63, v15;
	v3 =	vpop (erf)  }
0x304: {  	[tilespmem:s13+$0x6950] =	vst v1;
	v1 =	vmul.f32 v3, v16;
	v3 =	vpop (erf)  }
0x305: {  	[tilespmem:s13+$0x6960] =	vst v2;
	v2 =	vmul.f32 v3, v17;
	v3 =	vpop (erf)  }
0x306: {  	[tilespmem:s13+$0x6970] =	vst v1;
	v1 =	vmul.f32 v3, v18;
	v3 =	vpop (erf)  }
0x307: {  	[tilespmem:s13+$0x6980] =	vst v2;
	v2 =	vmul.f32 v3, v27;
	v3 =	vpop (erf)  }
0x308: {  	[tilespmem:s13+$0x6990] =	vst v1;
	v1 =	vmul.f32 v3, v28;
	v3 =	vpop (erf)  }
0x309: {  	[tilespmem:s13+$0x69A0] =	vst v2;
	v2 =	vmul.f32 v3, v29;
	v3 =	vpop (erf)  }
0x30a: {  	[tilespmem:s13+$0x69B0] =	vst v1;
	v1 =	vmul.f32 v3, v30;
	v3 =	vpop (erf)  }
0x30b: {  	[tilespmem:s13+$0x69C0] =	vst v2;
	v2 =	vmul.f32 v3, v40;
	v3 =	vpop (erf)  }
0x30c: {  	[tilespmem:s13+$0x69D0] =	vst v1;
	v1 =	vmul.f32 v3, v31  }
0x30d: {  	p0 =	seq.s32 s10, $0x7;
	[tilespmem:s13+$0x69E0] =	vst v2  }
0x30e: {  	s17 =	simm.s32 @!p0 $0x40;
	s18 =	simm.s32 @!p0 $0x800;
	[tilespmem:s13+$0x69F0] =	vst v1;
	s13 =	sadd.s32 @!p0 $0x80, s11  }
0x30f: {  	[tilespmem:s18], [sflag:$0x1] =	stream.indirect.gather @!p0 [hbm4b:s5+s17], $0x80, s13, s17, $0xb8;
	[tilespmem:$0x1C400] =	vst v63  }
0x310: {  	s10 =	sadd.s32 $0x1, s10;
	s11 =	sadd.s32 @!p0 $0xC0, s11;
	s13 =	simm.s32 @!p0 $0x2800  }
0x311: {  	[tilespmem:s13], [sflag:$0x1] =	stream.indirect.gather @!p0 [hbm4b:s5+s17], $0x80, s11, s17, $0xb8;
	[tilespmem:$0x1C400] =	vst v63  }
0x312: {  	p0 =	sne.s32 s10, $0x8  }
.Ltmp5:
0x313: {  	_ = 	snop;
	(pc) =	sbr.rel @p0 .LBB2_5-.Ltmp5, $4  }
0x314: {  	[spmem:s2] =	stream.indirect.scatter.add.f32 [tilespmem:s24], [sflag:$0x4], $0x80, s12, s30, $0xb8;
	[tilespmem:$0x1C400] =	vst v63  }
0x315: {  	_ =	swait.ge [sflag:s20], $0x4000  }
0x316: {  	[sflag:s20] =	ssyncset.done $0x0  }
0x317: {  	[sflag:s20] =	ssyncadd.s32 $0xFFFFC000  }
0x318: {  	s0 =	sadd.s32 $0x1, s0  }
0x319: {  	p0 =	sne.s32 s0, $0xA  }
.Ltmp6:
0x31a: {  	_ = 	snop;
	(pc) =	sbr.rel @p0 .LBB2_4-.Ltmp6, $1  }
0x31b: {  	_ =	sdelay $0x3  }
0x31c: {  	s0 =	stileid.u32  }
0x31d: {  	[bflag:$0x0] =	sbarrier.arrive $0xFFFF;
	s0 =	sshll.u32 s0, $0x6  }
0x31e: {  	s3 =	sshrl.u32 s9, $0x3;
	s10 =	rddreg [dreg:$0x8];
	s0 =	sor.u32 $0x1C04, s0  }
0x31f: {  	[hbm:s10], [sflag:s0] =	dma.local [spmem:s3], $0x2780  }
0x320: {  	_ =	swait.ge [sflag:s20], $0x2780  }
0x321: {  	s4 =	sadd.s32 $0x1, s4;
	s18 =	rddreg [dreg:$0x9]  }
0x322: {  	p0 =	sne.s32 s4, s18  }
.Ltmp7:
0x323: {  	_ = 	snop;
	(pc) =	sbr.rel @p0 .LBB2_1-.Ltmp7, $3  }
0x324: {  	_ =	sdelay $0x1  }
0x325: {  	[sflag:s20] =	ssyncset.done $0x0  }
0x326: {  	[sflag:s20] =	ssyncadd.s32 $0xFFFFD880  }
0x327: {  	_ =	sfence.sel $0x180000  }
0x328: {  	[bflag:$0x0] =	sbarrier.arrive $0xFFFF  }
0x329: {  	_ =	strace $0x90000047  }
0x32a: {  	s0 =	stileid.u32;
	[bflag:$0x2] =	sbarrier.arrive $0xFFFF  }
0x32b: {  	p0 =	sne.s32 s0, $0x0;
	s0 =	rddreg [dreg:$0x3]  }
0x32c: {  	s0 =	sadd.s32 @!p0 $0x100000, s0  }
0x32d: {  	[sflag:s0] =	ssyncadd.tile.s32 @!p0 $0x1;
	_ =	shalt  }
.Lfunc_end2:
_tile_overlayer_lowered:
.L_overlay_start_2:
0x32e: {  	(tag) =	ssettag $0x2  }
0x32f: {  	s0 =	rddreg [dreg:$0x0];
	s2 =	stileid.u32  }
0x330: {  	s1 =	rddreg [dreg:$0x1];
	p0 =	sne.s32 s2, $0x0  }
0x331: {  	s3 =	rddreg [dreg:$0x2];
	[bflag:$0x3] =	sbarrier.arrive $0xFFFF;
	s2 =	simm.s32 @!p0 $0x1C04  }
0x332: {  	[timem:s3], [sflag:s2] =	dma.local @!p0 [hbm:s0], s1  }
0x333: {  	s0 =	simm.s32 @!p0 $0x4  }
0x334: {  	_ =	swait.ge @!p0 [sflag:s0], s1  }
0x335: {  	s1 =	ssub.s32 @!p0 $0x0, s1;
	[sflag:s0] =	ssyncset.done @!p0 $0x0  }
0x336: {  	[sflag:s0] =	ssyncadd.s32 @!p0 s1  }
0x337: {  	[bflag:$0x3] =	sbarrier.arrive $0xFFFF  }
0x338: {  	_ =	shalt  }

// kernel: kernel.7.cloned.1.call-start
scs
__scs_entry_jumppad:
0x0: {  	(pc) =	sbr.rel $0x88, $3  }
0x1: {  	(tag) =	ssettag $0x0;
	lr =	simm.s32 $0x1  }
0x2: {  	[smem:$0x3F93] =	sst lr;
	_ =	strace $0xD0000000  }
0x3: {  	_ = 	snop  }
0x4: {  	_ = 	snop  }
0x5: {  	_ = 	snop  }
0x6: {  	_ = 	snop  }
0x7: {  	_ = 	snop  }
__scs_overlays_trampoline_lowered:
0x8: {  	[smem:$0x3FA2] =	sst s0  }
0x9: {  	[smem:$0x3FA3] =	sst s1  }
0xa: {  	[smem:$0x3FA4] =	sst s2  }
0xb: {  	[smem:$0x3FA5] =	sst s3  }
0xc: {  	[smem:$0x3FA6] =	sst s4  }
0xd: {  	[smem:$0x3FA7] =	sst s5  }
0xe: {  	[smem:$0x3FA8] =	sst s6  }
0xf: {  	[smem:$0x3FA9] =	sst s7  }
0x10: {  	[smem:$0x3FAA] =	sst s8  }
0x11: {  	[smem:$0x3FAB] =	sst s9;
	s0 =	simm.s32 @!p0 $0x0  }
0x12: {  	s1 =	sld [smem:$0x3F91];
	s0 =	simm.s32 @p0 $0x1  }
0x13: {  	[smem:$0x3FAC] =	sst s0;
	s0 =	simm.s32 @!p1 $0x0  }
0x14: {  	s2 =	sld [smem:$0x3F90];
	s0 =	simm.s32 @p1 $0x1  }
0x15: {  	[smem:$0x3FAD] =	sst s0;
	s0 =	simm.s32 @!p2 $0x0  }
0x16: {  	s3 =	sld [smem:$0x3FDB];
	s0 =	simm.s32 @p2 $0x1  }
0x17: {  	s4 =	simm.s32 $0x1BF5;
	[smem:$0x3FAF] =	sst s0  }
0x18: {  	s0 =	sld [smem:$0x3F92];
	_ =	swait.ge [sflag:s4], $0x0  }
0x19: {  	s7 =	sld [smem:$0x3F93]  }
0x1a: {  	s8 =	sadd.s32 $0xFFFFE003, lr  }
0x1b: {  	s9 =	sadd.s32 $0xFFFFFEF7, lr;
	s5 =	simm.s32 $0xFFFFFFFF;
	p2 =	slt.u32 s8, $0xFFFFF086  }
0x1c: {  	p1 =	slt.u32 s9, $0xF7A;
	s5 =	simm.s32 @!p2 $0x0  }
0x1d: {  	s5 =	simm.s32 @p1 $0x1;
	p0 =	seq.s32 s7, s2  }
0x1e: {  	s7 =	smul.u32 @!p0 $0xF7A, s2;
	p2 =	seq.s32 @!p0 s5, $0x0  }
0x1f: {  	s9 =	smul.u32 $0xF7A, s1;
	s8 =	simm.s32 @!p0 $0x1BF5;
	p2 =	por !p2, p0  }
0x20: {  	[sflag:s8] =	ssyncset.s32 @!p0 $0xFFFFF086;
	s6 =	sadd.s32 @!p0 s3, s7;
	s7 =	simm.s32 @!p0 $0x108  }
0x21: {  	s3 =	sadd.s32 s3, s9;
	s6 =	sadd.s32 @!p0 $0x88, s6;
	s7 =	simm.s32 @p2 $0x1082  }
0x22: {  	[simem:s7], [sflag:s8] =	dma.local @!p0 [hbm:s6], $0xF7A  }
0x23: {  	s9 =	sor.u32 $0xD0000000, s2;
	s6 =	simm.s32 $0x108;
	_ =	swait.ge @!p0 [sflag:s8], $0x0  }
0x24: {  	s3 =	sadd.s32 $0x88, s3;
	s6 =	simm.s32 @!p1 $0x1082;
	[sflag:s4] =	ssyncset.s32 $0xFFFFF086  }
0x25: {  	[simem:s6], [sflag:s4] =	dma.local [hbm:s3], $0xF7A  }
0x26: {  	[smem:$0x3F93] =	sst s1;
	(tag) =	ssettag s2;
	_ =	strace s9  }
0x27: {  	s1 =	sld [smem:$0x3FA3]  }
0x28: {  	s2 =	sld [smem:$0x3FA4]  }
0x29: {  	s4 =	sld [smem:$0x3FA6]  }
0x2a: {  	p0 =	seq.s32 s5, $0x0;
	s5 =	sld [smem:$0x3FA7]  }
0x2b: {  	s6 =	sld [smem:$0x3FA8]  }
0x2c: {  	s7 =	sld [smem:$0x3FA9]  }
0x2d: {  	s3 =	simm.s32 $0x108;
	s8 =	sld [smem:$0x3FAA]  }
0x2e: {  	s3 =	simm.s32 @!p0 $0x1082;
	s9 =	sld [smem:$0x3FAB]  }
0x2f: {  	lr =	sadd.s32 s0, s3;
	s0 =	sld [smem:$0x3FA2]  }
0x30: {  	s3 =	sld [smem:$0x3FA5]  }
0x31: {  	[smem:$0x3FAE] =	sst s10  }
0x32: {  	s10 =	sld [smem:$0x3FAC];
	_ =	sdelay $0x3  }
0x33: {  	p0 =	seq.s32 s10, $0x1;
	s10 =	sld [smem:$0x3FAE];
	_ =	sdelay $0x3  }
0x34: {  	[smem:$0x3FAE] =	sst s10  }
0x35: {  	s10 =	sld [smem:$0x3FAD];
	_ =	sdelay $0x3  }
0x36: {  	p1 =	seq.s32 s10, $0x1;
	s10 =	sld [smem:$0x3FAE];
	_ =	sdelay $0x3  }
0x37: {  	[smem:$0x3FAE] =	sst s10  }
0x38: {  	s10 =	sld [smem:$0x3FAF]  }
0x39: {  	_ = 	snop;
	(pc) =	sbr.ind lr, $3  }
0x3a: {  	_ = 	snop  }
0x3b: {  	_ = 	snop  }
0x3c: {  	p2 =	seq.s32 s10, $0x1;
	s10 =	sld [smem:$0x3FAE]  }
0x3d: {  	_ =	shalt  }
0x3e: {  	_ =	shalt  }
0x3f: {  	_ =	shalt  }
0x40: {  	_ =	shalt  }
0x41: {  	_ =	shalt  }
0x42: {  	_ =	shalt  }
0x43: {  	_ =	shalt  }
0x44: {  	_ =	shalt  }
0x45: {  	_ =	shalt  }
0x46: {  	_ =	shalt  }
0x47: {  	_ =	shalt  }
0x48: {  	_ =	shalt  }
0x49: {  	_ =	shalt  }
0x4a: {  	_ =	shalt  }
0x4b: {  	_ =	shalt  }
0x4c: {  	_ =	shalt  }
0x4d: {  	_ =	shalt  }
0x4e: {  	_ =	shalt  }
0x4f: {  	_ =	shalt  }
0x50: {  	_ =	shalt  }
0x51: {  	_ =	shalt  }
0x52: {  	_ =	shalt  }
0x53: {  	_ =	shalt  }
0x54: {  	_ =	shalt  }
0x55: {  	_ =	shalt  }
0x56: {  	_ =	shalt  }
0x57: {  	_ =	shalt  }
0x58: {  	_ =	shalt  }
0x59: {  	_ =	shalt  }
0x5a: {  	_ =	shalt  }
0x5b: {  	_ =	shalt  }
0x5c: {  	_ =	shalt  }
0x5d: {  	_ =	shalt  }
0x5e: {  	_ =	shalt  }
0x5f: {  	_ =	shalt  }
0x60: {  	_ =	shalt  }
0x61: {  	_ =	shalt  }
0x62: {  	_ =	shalt  }
0x63: {  	_ =	shalt  }
0x64: {  	_ =	shalt  }
0x65: {  	_ =	shalt  }
0x66: {  	_ =	shalt  }
0x67: {  	_ =	shalt  }
0x68: {  	_ =	shalt  }
0x69: {  	_ =	shalt  }
0x6a: {  	_ =	shalt  }
0x6b: {  	_ =	shalt  }
0x6c: {  	_ =	shalt  }
0x6d: {  	_ =	shalt  }
0x6e: {  	_ =	shalt  }
0x6f: {  	_ =	shalt  }
0x70: {  	_ =	shalt  }
0x71: {  	_ =	shalt  }
0x72: {  	_ =	shalt  }
0x73: {  	_ =	shalt  }
0x74: {  	_ =	shalt  }
0x75: {  	_ =	shalt  }
0x76: {  	_ =	shalt  }
0x77: {  	_ =	shalt  }
0x78: {  	_ =	shalt  }
0x79: {  	_ =	shalt  }
0x7a: {  	_ =	shalt  }
0x7b: {  	_ =	shalt  }
0x7c: {  	_ =	shalt  }
0x7d: {  	_ =	shalt  }
0x7e: {  	_ =	shalt  }
0x7f: {  	_ =	shalt  }
0x80: {  	_ =	shalt  }
0x81: {  	_ =	shalt  }
0x82: {  	_ =	shalt  }
0x83: {  	_ =	shalt  }
0x84: {  	_ =	shalt  }
0x85: {  	_ =	shalt  }
0x86: {  	_ =	shalt  }
0x87: {  	_ =	shalt  }
.Lfunc_end0:
.L_simem_size_0:
called_computation_lowered:
.L_overlay_start_0:
0x88: {  	s2 =	sld [smem:$0x3FD9]  }
0x89: {  	s3 =	sld [smem:$0x3FFE];
	_ =	sdelay $0x1  }
0x8a: {  	s1 =	srdreg.scid  }
0x8b: {  	s0 =	sand.u32 $0x1, s1  }
0x8c: {  	s17 =	sshll.u32 s0, $0xA;
	s2 =	sadd.s32 s3, s2  }
0x8d: {  	s2 =	sadd.s32 s2, s17  }
0x8e: {  	[smem:$0x3FBA] =	sst s2  }
0x8f: {  	_ = 	snop  }
0x90: {  	(tm) =	ssettm $0x1  }
0x91: {  	s18 =	sld [smem:$0x3FFB];
	_ =	sdelay $0x3  }
0x92: {  	_ =	strace s18  }
0x93: {  	s2 =	sld [smem:$0x3FFC];
	_ =	sdelay $0x3  }
0x94: {  	_ =	strace s2  }
0x95: {  	s2 =	sld [smem:$0x3FFD];
	_ =	sdelay $0x3  }
0x96: {  	_ =	strace s2  }
0x97: {  	_ =	strace $0x8FFFFFFF  }
0x98: {  	s19 =	sld [smem:$0x3FDB];
	_ =	sdelay $0x1  }
0x99: {  	s20 =	simm.s32 $_scs_section_size  }
0x9a: {  	s4 =	simm.s32 $_size__tile_overlayer_lowered;
	s5 =	simm.s32 $_tile_overlayer_lowered  }
0x9b: {  	s6 =	simm.s32 $0x1BFF;
	s21 =	sshll.u32 s5, $0x1;
	s3 =	sadd.s32 s20, s19  }
0x9c: {  	s22 =	simm.s32 $0x0;
	s4 =	sshll.u32 s4, $0x1;
	s5 =	sadd.s32 s21, s3  }
0x9d: {  	[timem:s22], [sflag:s6] =	dma.local [hbm:s5], s4  }
0x9e: {  	_ =	swait.ge [sflag:s6], s4  }
0x9f: {  	s4 =	ssub.s32 $0x0, s4;
	[sflag:s6] =	ssyncset.done $0x0  }
0xa0: {  	[sflag:s6] =	ssyncadd.s32 s4;
	_ =	sdelay $0x1  }
0xa1: {  	s23 =	simm.s32 $0x1B8B  }
0xa2: {  	_ =	swait.ge [sflag:s23], $0x1  }
0xa3: {  	[sflag:s23] =	ssyncset.done $0x0  }
0xa4: {  	[sflag:s23] =	ssyncadd.s32 $0xFFFFFFFF  }
0xa5: {  	s4 =	sld [smem:$0x0]  }
0xa6: {  	s5 =	sand.u32 $0xFFFFFFFE, s1  }
0xa7: {  	p0 =	sne.s32 s1, s5  }
0xa8: {  	s5 =	sshll.u32 @p0 s5, $0xE  }
0xa9: {  	s5 =	sadd.s32 @p0 $0x11B8D, s5;
	s6 =	sshll.u32 @p0 s4, $0x11  }
0xaa: {  	s5 =	sor.u32 @p0 s6, s5  }
0xab: {  	[sflag:s5] =	ssyncadd.remote.s32 @p0 $0x1;
	_ =	sdelay $0x1  }
0xac: {  	s5 =	simm.s32 @p0 $0x1B8D  }
0xad: {  	_ =	swait.eq @p0 [sflag:s5], $0x1  }
0xae: {  	[sflag:s5] =	ssyncadd.s32 @p0 $0xFFFFFFFF  }
0xaf: {  	s6 =	sshll.u32 @!p0 s1, $0xE  }
0xb0: {  	s6 =	sor.u32 @!p0 $0x4000, s6;
	s5 =	simm.s32 @!p0 $0x1B8D  }
0xb1: {  	s4 =	sshll.u32 @!p0 s4, $0x11;
	s6 =	sadd.s32 @!p0 $0x11B8D, s6;
	_ =	swait.eq @!p0 [sflag:s5], $0x1  }
0xb2: {  	s4 =	sor.u32 @!p0 s4, s6;
	[sflag:s5] =	ssyncadd.s32 @!p0 $0xFFFFFFFF  }
0xb3: {  	s25 =	simm.s32 $0x1B8E;
	s24 =	sld [smem:$0x3FFE];
	[sflag:s4] =	ssyncadd.remote.s32 @!p0 $0x1  }
0xb4: {  	s26 =	simm.s32 $execute0_lowered;
	[smem:$0x3FD2] =	sst s25  }
0xb5: {  	s5 =	sshll.u32 s26, $0x1;
	_ =	strace $0x80000049;
	[dreg:$0x1] =	wrdreg $0xFFFFFFFF  }
0xb6: {  	s28 =	simm.s32 $_size_execute0_lowered;
	s3 =	sadd.s32 s3, s5;
	[dreg:$0x0] =	wrdreg $0x0  }
0xb7: {  	s5 =	sshll.u32 s28, $0x1;
	[dreg:$0x2] =	wrdreg s3  }
0xb8: {  	[dreg:$0x3] =	wrdreg s5  }
0xb9: {  	[dreg:$0x4] =	wrdreg $0xC0  }
0xba: {  	_ =	task [dreg:s22], $0x5FFFF  }
0xbb: {  	[dreg:$0x1] =	wrdreg $0xFFFFFFFF  }
0xbc: {  	[dreg:$0x0] =	wrdreg $0x60  }
0xbd: {  	[dreg:$0x2] =	wrdreg s24  }
0xbe: {  	[dreg:$0x3] =	wrdreg $0x44000  }
0xbf: {  	[dreg:$0x4] =	wrdreg $0x9  }
0xc0: {  	_ =	task.clear_ibuf [dreg:s22], $0x5FFFF;
	_ =	strace $0x90000049  }
0xc1: {  	s29 =	simm.s32 $0x9;
	_ =	strace $0x8000004B  }
0xc2: {  	_ =	swait.ge [sflag:s29], $0x1  }
0xc3: {  	[sflag:s29] =	ssyncadd.s32 $0xFFFFFFFF  }
0xc4: {  	_ =	strace $0x9000004B  }
0xc5: {  	_ =	sfence  }
0xc6: {  	s30 =	sld [smem:$0x0];
	_ =	sdelay $0x2  }
0xc7: {  	s31 =	sshll.u32 s1, $0xD;
	s1 =	sshrl.u32 s1, $0x2  }
0xc8: {  	s4 =	sand.u32 $0x4000, s31;
	s1 =	sadd.s32 s1, s30  }
0xc9: {  	s0 =	sor.u32 s4, s0;
	s1 =	sshll.u32 s1, $0x11  }
0xca: {  	s0 =	sor.u32 s1, s0  }
0xcb: {  	s0 =	sadd.s32 $0x8F2B, s0  }
0xcc: {  	[sflag:s0] =	ssyncadd.remote.s32 $0x1  }
0xcd: {  	_ =	sfence.sel $0xFFFF  }
0xce: {  	[dreg:$0x0] =	wrdreg $0xFFFFFFFF;
	(pc) =	sbr.abs _section_cstart, $3  }
0xcf: {  	[dreg:$0x1] =	wrdreg $0xFFFFFFFF  }
0xd0: {  	_ =	task.clear_ibuf [dreg:s22], $0x2FFFF;
	_ =	strace $0x9FFFFFFF  }
0xd1: {  	(tm) =	ssettm $0x7FFFFFFF  }
tec
execute0_lowered:
.L_overlay_start_1:
0x0: {  	(tag) =	ssettag $0x1  }
0x1: {  	s4 =	rddreg [dreg:$0x0]  }
0x2: {  	s0 =	srdreg.scid;
	s2 =	rddreg [dreg:$0x1]  }
0x3: {  	s1 =	rddreg [dreg:$0x2];
	s3 =	simm.s32 $0x0;
	s12 =	simm.s32 $0x400  }
0x4: {  	s13 =	simm.s32 $0x1;
	s14 =	simm.s32 $0x80;
	s5 =	sand.u32 $0x1, s0  }
0x5: {  	s15 =	simm.s32 $0x100;
	s0 =	stileid.u32;
	s6 =	smul.u32 $0x28000, s5  }
0x6: {  	s16 =	simm.s32 $0x180;
	s17 =	simm.s32 $0x200;
	s7 =	smul.u32 $0x2800, s0  }
0x7: {  	s18 =	simm.s32 $0x280;
	s19 =	simm.s32 $0x300;
	s8 =	smul.u32 $0x13C000, s5  }
0x8: {  	s20 =	simm.s32 $0x380;
	s23 =	simm.s32 $0x0;
	s26 =	smul.u32 $0x13C00, s0  }
0x9: {  	[smem:$0x7FF] =	sst s3;
	s9 =	smul.u32 $0x4F000, s0;
	s5 =	ssub.s32 $0x2, s5  }
0xa: {  	_ =	strace $0x8000004A;
	s21 =	sshll.u32 s0, $0x6;
	s31 =	sshrl.u32 s5, $0x1  }
0xb: {  	s21 =	sor.u32 $0x1C01, s21;
	s6 =	sadd.s32 s7, s6;
	s28 =	sadd.s32 s26, s8  }
0xc: {  	s29 =	sshrl.u32 s9, $0x2;
	s10 =	ssub.s32 s5, s31;
	s6 =	sshrl.u32 s6, $0x3  }
0xd: {  	s10 =	smax.u32 s10, $0x1;
	s11 =	sadd.s32 s6, s4;
	s6 =	sshrl.u32 s28, $0x3  }
0xe: {  	s30 =	sadd.s32 s6, s4;
	s4 =	sadd.s32 s29, s2;
	s11 =	sadd.s32 $0x54800, s11  }
0xf: {  	s5 =	sadd.s32 $0x4000, s4;
	s6 =	sadd.s32 $0x8000, s4;
	s7 =	sadd.s32 $0xC000, s4  }
0x10: {  	v0 =	vimm.f32 $0.0e+00;
	v1 =	vimm.f32 $1.000000000e+00;
	s8 =	sadd.s32 $0x10000, s4;
	s9 =	sadd.s32 $0xAD800, s30;
	s22 =	sshrl.u32 s4, $0x3  }
.LBB2_1:
0x11: {  	s24 =	simm.s32 $0x0;
	s25 =	simm.s32 $0x200  }
.LBB2_2:
0x12: {  	p0 =	sne.s32 s25, $0xFE00;
	[tilespmem:s24+$0x470] =	vst v0  }
0x13: {  	[tilespmem:s24+$0x400] =	vst v0  }
0x14: {  	[tilespmem:s24+$0x410] =	vst v0  }
.Ltmp0:
0x15: {  	[tilespmem:s24+$0x420] =	vst v0;
	(pc) =	sbr.rel @p0 .LBB2_2-.Ltmp0, $4  }
0x16: {  	[tilespmem:s24+$0x430] =	vst v0  }
0x17: {  	[tilespmem:s24+$0x440] =	vst v0  }
0x18: {  	[tilespmem:s24+$0x450] =	vst v0  }
0x19: {  	[tilespmem:s24+$0x460] =	vst v0;
	s24 =	sshra.s32 s25, $0x2;
	s25 =	sadd.s32 $0x200, s25  }
0x1a: {  	[tilespmem:s24+$0x470] =	vst v0  }
0x1b: {  	[tilespmem:s24+$0x400] =	vst v0  }
0x1c: {  	[tilespmem:s24+$0x410] =	vst v0  }
0x1d: {  	[tilespmem:s24+$0x420] =	vst v0  }
0x1e: {  	[tilespmem:s24+$0x430] =	vst v0  }
0x1f: {  	[tilespmem:s24+$0x440] =	vst v0  }
0x20: {  	[tilespmem:s24+$0x450] =	vst v0  }
0x21: {  	[tilespmem:s24+$0x460] =	vst v0  }
0x22: {  	[spmem:s4] =	stream.linear.scatter [tilespmem:s12], [sflag:$0x1], $0x4000, $0x38;
	[tilespmem:$0x18000] =	vst v63  }
0x23: {  	_ =	swait.ge [sflag:s13], $0x4000  }
0x24: {  	[sflag:s13] =	ssyncset.done $0x0  }
0x25: {  	[sflag:s13] =	ssyncadd.s32 $0xFFFFC000  }
0x26: {  	[spmem:s5] =	stream.linear.scatter [tilespmem:s12], [sflag:$0x1], $0x4000, $0x38;
	[tilespmem:$0x18000] =	vst v63  }
0x27: {  	_ =	swait.ge [sflag:s13], $0x4000  }
0x28: {  	[sflag:s13] =	ssyncset.done $0x0  }
0x29: {  	[sflag:s13] =	ssyncadd.s32 $0xFFFFC000  }
0x2a: {  	[spmem:s6] =	stream.linear.scatter [tilespmem:s12], [sflag:$0x1], $0x4000, $0x38;
	[tilespmem:$0x18000] =	vst v63  }
0x2b: {  	_ =	swait.ge [sflag:s13], $0x4000  }
0x2c: {  	[sflag:s13] =	ssyncset.done $0x0  }
0x2d: {  	[sflag:s13] =	ssyncadd.s32 $0xFFFFC000  }
0x2e: {  	[spmem:s7] =	stream.linear.scatter [tilespmem:s12], [sflag:$0x1], $0x4000, $0x38;
	[tilespmem:$0x18000] =	vst v63  }
0x2f: {  	_ =	swait.ge [sflag:s13], $0x4000  }
0x30: {  	[sflag:s13] =	ssyncset.done $0x0  }
0x31: {  	[sflag:s13] =	ssyncadd.s32 $0xFFFFC000  }
0x32: {  	[spmem:s8] =	stream.linear.scatter [tilespmem:s12], [sflag:$0x1], $0x3C00, $0x38;
	[tilespmem:$0x18000] =	vst v63  }
0x33: {  	_ =	swait.ge [sflag:s13], $0x3C00  }
0x34: {  	[sflag:s13] =	ssyncset.done $0x0  }
0x35: {  	s24 =	simm.s32 $0x200;
	s25 =	simm.s32 $0x0;
	[sflag:s13] =	ssyncadd.s32 $0xFFFFC400  }
.LBB2_4:
0x36: {  	p0 =	sne.s32 s24, $0xFE00;
	[tilespmem:s25+$0x400] =	vst v1;
	s25 =	smov.u32 s24;
	s24 =	sadd.s32 $0x200, s24  }
.Ltmp1:
0x37: {  	(pc) =	sbr.rel @p0 .LBB2_4-.Ltmp1, $2  }
0x38: {  	_ =	sdelay $0x2  }
0x39: {  	s25 =	sshra.s32 s25, $0x2  }
0x3a: {  	[tilespmem:s25+$0x400] =	vst v1  }
0x3b: {  	s24 =	sadd.s32 $0x0, s11;
	[bflag:$0x0] =	sbarrier.arrive $0xFFFF  }
0x3c: {  	[tilespmem:s3], [sflag:$0x1] =	stream.linear.gather [hbm4b:s24+s3], $0x400, $0x38;
	[tilespmem:$0x18000] =	vst v63  }
0x3d: {  	_ =	swait.ge [sflag:s13], $0x400  }
0x3e: {  	[sflag:s13] =	ssyncset.done $0x0  }
0x3f: {  	[sflag:s13] =	ssyncadd.s32 $0xFFFFFC00  }
0x40: {  	[spmem:s2] =	stream.indirect.scatter.add.f32 [tilespmem:s12], [sflag:$0x1], $0x80, s3, s14, $0xb8;
	[tilespmem:$0x18000] =	vst v63  }
0x41: {  	_ =	swait.ge [sflag:s13], $0x4000  }
0x42: {  	[sflag:s13] =	ssyncset.done $0x0  }
0x43: {  	[sflag:s13] =	ssyncadd.s32 $0xFFFFC000  }
0x44: {  	[spmem:s2] =	stream.indirect.scatter.add.f32 [tilespmem:s12], [sflag:$0x1], $0x80, s14, s14, $0xb8;
	[tilespmem:$0x18000] =	vst v63  }
0x45: {  	_ =	swait.ge [sflag:s13], $0x4000  }
0x46: {  	[sflag:s13] =	ssyncset.done $0x0  }
0x47: {  	[sflag:s13] =	ssyncadd.s32 $0xFFFFC000  }
0x48: {  	[spmem:s2] =	stream.indirect.scatter.add.f32 [tilespmem:s12], [sflag:$0x1], $0x80, s15, s14, $0xb8;
	[tilespmem:$0x18000] =	vst v63  }
0x49: {  	_ =	swait.ge [sflag:s13], $0x4000  }
0x4a: {  	[sflag:s13] =	ssyncset.done $0x0  }
0x4b: {  	[sflag:s13] =	ssyncadd.s32 $0xFFFFC000  }
0x4c: {  	[spmem:s2] =	stream.indirect.scatter.add.f32 [tilespmem:s12], [sflag:$0x1], $0x80, s16, s14, $0xb8;
	[tilespmem:$0x18000] =	vst v63  }
0x4d: {  	_ =	swait.ge [sflag:s13], $0x4000  }
0x4e: {  	[sflag:s13] =	ssyncset.done $0x0  }
0x4f: {  	[sflag:s13] =	ssyncadd.s32 $0xFFFFC000  }
0x50: {  	[spmem:s2] =	stream.indirect.scatter.add.f32 [tilespmem:s12], [sflag:$0x1], $0x80, s17, s14, $0xb8;
	[tilespmem:$0x18000] =	vst v63  }
0x51: {  	_ =	swait.ge [sflag:s13], $0x4000  }
0x52: {  	[sflag:s13] =	ssyncset.done $0x0  }
0x53: {  	[sflag:s13] =	ssyncadd.s32 $0xFFFFC000  }
0x54: {  	[spmem:s2] =	stream.indirect.scatter.add.f32 [tilespmem:s12], [sflag:$0x1], $0x80, s18, s14, $0xb8;
	[tilespmem:$0x18000] =	vst v63  }
0x55: {  	_ =	swait.ge [sflag:s13], $0x4000  }
0x56: {  	[sflag:s13] =	ssyncset.done $0x0  }
0x57: {  	[sflag:s13] =	ssyncadd.s32 $0xFFFFC000  }
0x58: {  	[spmem:s2] =	stream.indirect.scatter.add.f32 [tilespmem:s12], [sflag:$0x1], $0x80, s19, s14, $0xb8;
	[tilespmem:$0x18000] =	vst v63  }
0x59: {  	_ =	swait.ge [sflag:s13], $0x4000  }
0x5a: {  	[sflag:s13] =	ssyncset.done $0x0  }
0x5b: {  	[sflag:s13] =	ssyncadd.s32 $0xFFFFC000  }
0x5c: {  	[spmem:s2] =	stream.indirect.scatter.add.f32 [tilespmem:s12], [sflag:$0x1], $0x80, s20, s14, $0xb8;
	[tilespmem:$0x18000] =	vst v63  }
0x5d: {  	_ =	swait.ge [sflag:s13], $0x4000  }
0x5e: {  	s26 =	simm.s32 $0x100;
	s24 =	simm.s32 $0x80;
	[sflag:s13] =	ssyncset.done $0x0  }
.LBB2_6:
0x5f: {  	s28 =	sadd.s32 s24, s11  }
0x60: {  	[sflag:s13] =	ssyncadd.s32 $0xFFFFC000;
	s24 =	smov.u32 s26;
	s25 =	sadd.s32 $0x80, s26  }
0x61: {  	[tilespmem:s3], [sflag:$0x1] =	stream.linear.gather [hbm4b:s28+s3], $0x400, $0x38;
	[tilespmem:$0x18000] =	vst v63  }
0x62: {  	p0 =	sne.s32 s26, $0x480;
	_ =	swait.ge [sflag:s13], $0x400  }
0x63: {  	[sflag:s13] =	ssyncset.done $0x0  }
0x64: {  	[sflag:s13] =	ssyncadd.s32 $0xFFFFFC00  }
0x65: {  	[spmem:s2] =	stream.indirect.scatter.add.f32 [tilespmem:s12], [sflag:$0x1], $0x80, s3, s14, $0xb8;
	[tilespmem:$0x18000] =	vst v63  }
0x66: {  	_ =	swait.ge [sflag:s13], $0x4000  }
0x67: {  	[sflag:s13] =	ssyncset.done $0x0  }
0x68: {  	[sflag:s13] =	ssyncadd.s32 $0xFFFFC000  }
0x69: {  	[spmem:s2] =	stream.indirect.scatter.add.f32 [tilespmem:s12], [sflag:$0x1], $0x80, s14, s14, $0xb8;
	[tilespmem:$0x18000] =	vst v63  }
0x6a: {  	_ =	swait.ge [sflag:s13], $0x4000  }
0x6b: {  	[sflag:s13] =	ssyncset.done $0x0  }
0x6c: {  	[sflag:s13] =	ssyncadd.s32 $0xFFFFC000  }
0x6d: {  	[spmem:s2] =	stream.indirect.scatter.add.f32 [tilespmem:s12], [sflag:$0x1], $0x80, s15, s14, $0xb8;
	[tilespmem:$0x18000] =	vst v63  }
0x6e: {  	_ =	swait.ge [sflag:s13], $0x4000  }
0x6f: {  	[sflag:s13] =	ssyncset.done $0x0  }
0x70: {  	[sflag:s13] =	ssyncadd.s32 $0xFFFFC000  }
0x71: {  	[spmem:s2] =	stream.indirect.scatter.add.f32 [tilespmem:s12], [sflag:$0x1], $0x80, s16, s14, $0xb8;
	[tilespmem:$0x18000] =	vst v63  }
0x72: {  	_ =	swait.ge [sflag:s13], $0x4000  }
0x73: {  	[sflag:s13] =	ssyncset.done $0x0  }
0x74: {  	[sflag:s13] =	ssyncadd.s32 $0xFFFFC000  }
0x75: {  	[spmem:s2] =	stream.indirect.scatter.add.f32 [tilespmem:s12], [sflag:$0x1], $0x80, s17, s14, $0xb8;
	[tilespmem:$0x18000] =	vst v63  }
0x76: {  	_ =	swait.ge [sflag:s13], $0x4000  }
0x77: {  	[sflag:s13] =	ssyncset.done $0x0  }
0x78: {  	[sflag:s13] =	ssyncadd.s32 $0xFFFFC000  }
0x79: {  	[spmem:s2] =	stream.indirect.scatter.add.f32 [tilespmem:s12], [sflag:$0x1], $0x80, s18, s14, $0xb8;
	[tilespmem:$0x18000] =	vst v63  }
0x7a: {  	_ =	swait.ge [sflag:s13], $0x4000  }
0x7b: {  	[sflag:s13] =	ssyncset.done $0x0  }
0x7c: {  	[sflag:s13] =	ssyncadd.s32 $0xFFFFC000  }
0x7d: {  	[spmem:s2] =	stream.indirect.scatter.add.f32 [tilespmem:s12], [sflag:$0x1], $0x80, s19, s14, $0xb8;
	[tilespmem:$0x18000] =	vst v63  }
0x7e: {  	_ =	swait.ge [sflag:s13], $0x4000  }
.Ltmp2:
0x7f: {  	[sflag:s13] =	ssyncset.done $0x0;
	(pc) =	sbr.rel @p0 .LBB2_6-.Ltmp2, $4  }
0x80: {  	[sflag:s13] =	ssyncadd.s32 $0xFFFFC000  }
0x81: {  	[spmem:s2] =	stream.indirect.scatter.add.f32 [tilespmem:s12], [sflag:$0x1], $0x80, s20, s14, $0xb8;
	[tilespmem:$0x18000] =	vst v63  }
0x82: {  	_ =	swait.ge [sflag:s13], $0x4000  }
0x83: {  	s26 =	smov.u32 s25;
	[sflag:s13] =	ssyncset.done $0x0  }
0x84: {  	s24 =	sadd.s32 s24, s11;
	[sflag:s13] =	ssyncadd.s32 $0xFFFFC000  }
0x85: {  	[tilespmem:s3], [sflag:$0x1] =	stream.linear.gather [hbm4b:s24+s3], $0x400, $0x38;
	[tilespmem:$0x18000] =	vst v63  }
0x86: {  	_ =	swait.ge [sflag:s13], $0x400  }
0x87: {  	[sflag:s13] =	ssyncset.done $0x0  }
0x88: {  	[sflag:s13] =	ssyncadd.s32 $0xFFFFFC00  }
0x89: {  	[spmem:s2] =	stream.indirect.scatter.add.f32 [tilespmem:s12], [sflag:$0x1], $0x80, s3, s14, $0xb8;
	[tilespmem:$0x18000] =	vst v63  }
0x8a: {  	_ =	swait.ge [sflag:s13], $0x4000  }
0x8b: {  	[sflag:s13] =	ssyncset.done $0x0  }
0x8c: {  	[sflag:s13] =	ssyncadd.s32 $0xFFFFC000  }
0x8d: {  	[spmem:s2] =	stream.indirect.scatter.add.f32 [tilespmem:s12], [sflag:$0x1], $0x80, s14, s14, $0xb8;
	[tilespmem:$0x18000] =	vst v63  }
0x8e: {  	_ =	swait.ge [sflag:s13], $0x4000  }
0x8f: {  	[sflag:s13] =	ssyncset.done $0x0  }
0x90: {  	[sflag:s13] =	ssyncadd.s32 $0xFFFFC000  }
0x91: {  	[spmem:s2] =	stream.indirect.scatter.add.f32 [tilespmem:s12], [sflag:$0x1], $0x80, s15, s14, $0xb8;
	[tilespmem:$0x18000] =	vst v63  }
0x92: {  	_ =	swait.ge [sflag:s13], $0x4000  }
0x93: {  	[sflag:s13] =	ssyncset.done $0x0  }
0x94: {  	[sflag:s13] =	ssyncadd.s32 $0xFFFFC000  }
0x95: {  	[spmem:s2] =	stream.indirect.scatter.add.f32 [tilespmem:s12], [sflag:$0x1], $0x80, s16, s14, $0xb8;
	[tilespmem:$0x18000] =	vst v63  }
0x96: {  	_ =	swait.ge [sflag:s13], $0x4000  }
0x97: {  	[sflag:s13] =	ssyncset.done $0x0  }
0x98: {  	[sflag:s13] =	ssyncadd.s32 $0xFFFFC000  }
0x99: {  	[spmem:s2] =	stream.indirect.scatter.add.f32 [tilespmem:s12], [sflag:$0x1], $0x80, s17, s14, $0xb8;
	[tilespmem:$0x18000] =	vst v63  }
0x9a: {  	_ =	swait.ge [sflag:s13], $0x4000  }
0x9b: {  	[sflag:s13] =	ssyncset.done $0x0  }
0x9c: {  	[sflag:s13] =	ssyncadd.s32 $0xFFFFC000  }
0x9d: {  	[spmem:s2] =	stream.indirect.scatter.add.f32 [tilespmem:s12], [sflag:$0x1], $0x80, s18, s14, $0xb8;
	[tilespmem:$0x18000] =	vst v63  }
0x9e: {  	_ =	swait.ge [sflag:s13], $0x4000  }
0x9f: {  	[sflag:s13] =	ssyncset.done $0x0  }
0xa0: {  	[sflag:s13] =	ssyncadd.s32 $0xFFFFC000  }
0xa1: {  	[spmem:s2] =	stream.indirect.scatter.add.f32 [tilespmem:s12], [sflag:$0x1], $0x80, s19, s14, $0xb8;
	[tilespmem:$0x18000] =	vst v63  }
0xa2: {  	_ =	swait.ge [sflag:s13], $0x4000  }
0xa3: {  	[sflag:s13] =	ssyncset.done $0x0  }
0xa4: {  	[sflag:s13] =	ssyncadd.s32 $0xFFFFC000  }
0xa5: {  	[spmem:s2] =	stream.indirect.scatter.add.f32 [tilespmem:s12], [sflag:$0x1], $0x80, s20, s14, $0xb8;
	[tilespmem:$0x18000] =	vst v63  }
0xa6: {  	_ =	swait.ge [sflag:s13], $0x4000  }
0xa7: {  	s23 =	sadd.s32 $0x1, s23;
	[sflag:s13] =	ssyncset.done $0x0  }
0xa8: {  	p0 =	sne.s32 s23, s10;
	[sflag:s13] =	ssyncadd.s32 $0xFFFFC000  }
.Ltmp3:
0xa9: {  	[bflag:$0x0] =	sbarrier.arrive $0xFFFF;
	(pc) =	sbr.rel @p0 .LBB2_1-.Ltmp3, $4  }
0xaa: {  	[hbm:s9], [sflag:s21] =	dma.local [spmem:s22], $0x2780  }
0xab: {  	_ =	swait.ge [sflag:s13], $0x2780  }
0xac: {  	[sflag:s13] =	ssyncset.done $0x0  }
0xad: {  	[sflag:s13] =	ssyncadd.s32 $0xFFFFD880  }
0xae: {  	_ =	sfence.sel $0x180000  }
0xaf: {  	[bflag:$0x0] =	sbarrier.arrive $0xFFFF  }
0xb0: {  	p0 =	sne.s32 s0, $0x0;
	_ =	strace $0x9000004A  }
0xb1: {  	s0 =	sadd.s32 @!p0 $0x100000, s1;
	[bflag:$0x2] =	sbarrier.arrive $0xFFFF  }
0xb2: {  	[sflag:s0] =	ssyncadd.tile.s32 @!p0 $0x1;
	_ =	shalt  }
.Lfunc_end2:
_tile_overlayer_lowered:
.L_overlay_start_2:
0xb3: {  	(tag) =	ssettag $0x2  }
0xb4: {  	s0 =	rddreg [dreg:$0x0];
	s2 =	stileid.u32  }
0xb5: {  	s1 =	rddreg [dreg:$0x1];
	p0 =	sne.s32 s2, $0x0  }
0xb6: {  	s3 =	rddreg [dreg:$0x2];
	[bflag:$0x3] =	sbarrier.arrive $0xFFFF;
	s2 =	simm.s32 @!p0 $0x1C01  }
0xb7: {  	[timem:s3], [sflag:s2] =	dma.local @!p0 [hbm:s0], s1  }
0xb8: {  	s0 =	simm.s32 @!p0 $0x1  }
0xb9: {  	_ =	swait.ge @!p0 [sflag:s0], s1  }
0xba: {  	s1 =	ssub.s32 @!p0 $0x0, s1;
	[sflag:s0] =	ssyncset.done @!p0 $0x0  }
0xbb: {  	[sflag:s0] =	ssyncadd.s32 @!p0 s1  }
0xbc: {  	[bflag:$0x3] =	sbarrier.arrive $0xFFFF  }
0xbd: {  	_ =	shalt  }

</sc_bundles>
